<compile_context>
chip_gen: v7x
topology: tpu7x:2x2x1
jax: 0.10.2.dev20260603
libtpu: 0.0.44.dev20260713+nightly
codegen_flags: <defaults>
</compile_context>

<pallas_src>
import dataclasses
import functools

import jax
import jax.numpy as jnp
from jax import lax
from jax.experimental import pallas as pl
from jax.experimental.pallas import tpu as pltpu
from jax.experimental.pallas import tpu_sc as plsc

F32 = jnp.float32
_BLK = 1000
_NPAD = 10240
_EB = 80


def _leaky(v):
    return jnp.where(v > 0, v, 0.2 * v)



def _layer_pre(xb, Ws, Wd, Wl, asv, adv, bl, i, nsteps,
               xs_ref, hlin_ref, asrc_ref, adst_ref, m_ref, sm):
    xs = jnp.dot(xb, Ws, preferred_element_type=F32)
    xs_ref[...] = xs
    hlin_ref[...] = jnp.dot(xb, Wl, preferred_element_type=F32) + bl
    a_s = jnp.dot(xs, asv, preferred_element_type=F32)
    asrc_ref[...] = a_s
    wda = jnp.dot(Wd, adv, preferred_element_type=F32)
    a_d = jnp.dot(xb, wda, preferred_element_type=F32)
    adst_ref[...] = a_d
    bs = jnp.max(a_s)
    bd = jnp.max(a_d)

    @pl.when(i == 0)
    def _():
        sm[0] = bs
        sm[1] = bd

    @pl.when(i != 0)
    def _():
        sm[0] = jnp.maximum(sm[0], bs)
        sm[1] = jnp.maximum(sm[1], bd)

    @pl.when(i == nsteps - 1)
    def _():
        m_ref[...] = jnp.full((1, 128), _leaky(sm[0] + sm[1]), F32)


def _pre_body(x_ref, Ws_ref, Wd_ref, Wl_ref, asv_ref, adv_ref, bl_ref,
              xs_ref, hlin_ref, asrc_ref, adst_ref, m_ref, sm):
    i = pl.program_id(0)
    _layer_pre(x_ref[...], Ws_ref[...], Wd_ref[...], Wl_ref[...],
               asv_ref[...], adv_ref[...], bl_ref[...], i, pl.num_programs(0),
               xs_ref, hlin_ref, asrc_ref, adst_ref, m_ref, sm)


def _comb_body(acc_ref, dn_ref, hlin1_ref, b_ref,
               Ws_ref, Wd_ref, Wl_ref, asv_ref, adv_ref, bl_ref,
               xs_ref, hlin_ref, asrc_ref, adst_ref, m_ref, sm):
    i = pl.program_id(0)
    a = acc_ref[0] + acc_ref[1]
    den = jnp.sum(dn_ref[...], axis=1, keepdims=True)
    h = jnp.maximum(a / (den + 1e-16) + b_ref[...] + hlin1_ref[...], 0.0)
    _layer_pre(h, Ws_ref[...], Wd_ref[...], Wl_ref[...],
               asv_ref[...], adv_ref[...], bl_ref[...], i, pl.num_programs(0),
               xs_ref, hlin_ref, asrc_ref, adst_ref, m_ref, sm)


def _final_body(acc_ref, dn_ref, hlin_ref, b_ref, out_ref):
    a = acc_ref[0] + acc_ref[1]
    den = jnp.sum(dn_ref[...], axis=1, keepdims=True)
    out_ref[...] = a / (den + 1e-16) + b_ref[...] + hlin_ref[...]


def _w_spec():
    return pl.BlockSpec((128, 128), lambda i: (0, 0))


def _layer_out(n):
    out_shape = [jax.ShapeDtypeStruct((n, 128), F32),
                 jax.ShapeDtypeStruct((n, 128), F32),
                 jax.ShapeDtypeStruct((n, 1), F32),
                 jax.ShapeDtypeStruct((n, 1), F32),
                 jax.ShapeDtypeStruct((1, 128), F32)]
    out_specs = [pl.BlockSpec((_BLK, 128), lambda i: (i, 0)),
                 pl.BlockSpec((_BLK, 128), lambda i: (i, 0)),
                 pl.BlockSpec((_BLK, 1), lambda i: (i, 0)),
                 pl.BlockSpec((_BLK, 1), lambda i: (i, 0)),
                 pl.BlockSpec((1, 128), lambda i: (0, 0))]
    return out_shape, out_specs


def _precompute(x, Ws, Wd, a_s, a_d, Wl, bl):
    n = x.shape[0]
    out_shape, out_specs = _layer_out(n)
    return pl.pallas_call(
        _pre_body,
        grid=(n // _BLK,),
        in_specs=[pl.BlockSpec((_BLK, 128), lambda i: (i, 0)),
                  _w_spec(), _w_spec(), _w_spec(),
                  pl.BlockSpec((128, 1), lambda i: (0, 0)),
                  pl.BlockSpec((128, 1), lambda i: (0, 0)),
                  pl.BlockSpec((1, 128), lambda i: (0, 0))],
        out_specs=out_specs,
        out_shape=out_shape,
        scratch_shapes=[pltpu.SMEM((2,), F32)],
    )(x, Ws, Wd, Wl, a_s.reshape(128, 1), a_d.reshape(128, 1),
      bl.reshape(1, 128))


def _combine_pre(acc, dnt, hlin1, b, Ws, Wd, a_s, a_d, Wl, bl):
    n = hlin1.shape[0]
    out_shape, out_specs = _layer_out(n)
    return pl.pallas_call(
        _comb_body,
        grid=(n // _BLK,),
        in_specs=[pl.BlockSpec((2, _BLK, 128), lambda i: (0, i, 0)),
                  pl.BlockSpec((_BLK, 2), lambda i: (i, 0)),
                  pl.BlockSpec((_BLK, 128), lambda i: (i, 0)),
                  pl.BlockSpec((1, 128), lambda i: (0, 0)),
                  _w_spec(), _w_spec(), _w_spec(),
                  pl.BlockSpec((128, 1), lambda i: (0, 0)),
                  pl.BlockSpec((128, 1), lambda i: (0, 0)),
                  pl.BlockSpec((1, 128), lambda i: (0, 0))],
        out_specs=out_specs,
        out_shape=out_shape,
        scratch_shapes=[pltpu.SMEM((2,), F32)],
    )(acc, dnt, hlin1, b.reshape(1, 128), Ws, Wd, Wl,
      a_s.reshape(128, 1), a_d.reshape(128, 1), bl.reshape(1, 128))


def _final(acc, dnt, hlin, b):
    n = hlin.shape[0]
    return pl.pallas_call(
        _final_body,
        grid=(n // _BLK,),
        in_specs=[pl.BlockSpec((2, _BLK, 128), lambda i: (0, i, 0)),
                  pl.BlockSpec((_BLK, 2), lambda i: (i, 0)),
                  pl.BlockSpec((_BLK, 128), lambda i: (i, 0)),
                  pl.BlockSpec((1, 128), lambda i: (0, 0))],
        out_specs=pl.BlockSpec((_BLK, 128), lambda i: (i, 0)),
        out_shape=jax.ShapeDtypeStruct((n, 128), F32),
    )(acc, dnt, hlin, b.reshape(1, 128))



def _gat_sc(src, dst, xs, asrc, adst, m):
    n = xs.shape[0]
    e = src.shape[0]
    ep = e // 32
    eblk = 2000
    nblk = ep // eblk
    nchunk = eblk // _EB
    assert e % 32 == 0 and ep % eblk == 0 and eblk % _EB == 0
    rows_per_tile = _NPAD // 16

    mesh = plsc.VectorSubcoreMesh(core_axis_name="c", subcore_axis_name="s")

    acc_rows = n // 16

    def body(src_h, dst_h, xs_h, asrc_h, adst_h, m_h,
             acc_h, den_h,
             src_t, dst_t, m_t, zbuf,
             dstb0, dstb1, dstb2, dstb3, ea0, ea1, ea2, ea3,
             eb0, eb1, eb2, eb3, pbuf0, pbuf1, pbuf2, pbuf3,
             rows0, rows1, rows2, rows3,
             gsem0, gsem1, gsem2, gsem3, ssem0, ssem1, ssem2, ssem3,
             acc_s, den_s):
        cid = lax.axis_index("c")
        sid = lax.axis_index("s")
        wid = cid * 16 + sid
        base = wid * ep
        rows_b = (rows0, rows1, rows2, rows3)
        dstb_b = (dstb0, dstb1, dstb2, dstb3)
        ea_b = (ea0, ea1, ea2, ea3)
        eb_b = (eb0, eb1, eb2, eb3)
        pbuf_b = (pbuf0, pbuf1, pbuf2, pbuf3)
        gsem_b = (gsem0, gsem1, gsem2, gsem3)
        ssem_b = (ssem0, ssem1, ssem2, ssem3)
        pltpu.sync_copy(m_h.at[pl.ds(0, 16)], m_t)
        z16 = jnp.zeros((16,), F32)

        @pl.loop(0, _EB)
        def _(r):
            for k in range(8):
                rows0[r, pl.ds(k * 16, 16)] = z16

        @pl.loop(0, rows_per_tile, step=16)
        def _(i):
            zbuf[pl.ds(i, 16)] = z16

        off = sid * rows_per_tile
        for j in range(rows_per_tile // _EB):
            pltpu.sync_copy(rows0, acc_s.at[pl.ds(off + j * _EB, _EB)])
        pltpu.sync_copy(zbuf, den_s.at[pl.ds(off, rows_per_tile)])
        plsc.subcore_barrier()

        m_v = m_t[...]

        def stage_and_gather(c, b):
            cb = c * _EB
            for k in range(_EB // 16):
                dstb_b[b][pl.ds(k * 16, 16)] = dst_t[pl.ds(cb + k * 16, 16)]
            pltpu.async_copy(xs_h.at[pl.ds(cb, _EB)],
                             rows_b[b], gsem_b[b])
            if True:
                return
            pltpu.async_copy(asrc_h.at[src_t.at[pl.ds(cb, _EB)]],
                             ea_b[b], gsem_b[b])
            pltpu.async_copy(adst_h.at[dstb_b[b]], eb_b[b], gsem_b[b])

        def wait_gather(b):
            pltpu.make_async_copy(xs_h.at[pl.ds(0, _EB)],
                                  rows_b[b], gsem_b[b]).wait()
            if True:
                return
            pltpu.make_async_copy(asrc_h.at[src_t.at[pl.ds(0, _EB)]],
                                  ea_b[b], gsem_b[b]).wait()
            pltpu.make_async_copy(adst_h.at[dstb_b[b]], eb_b[b],
                                  gsem_b[b]).wait()

        def scale_and_scatter(b):
            wait_gather(b)
            for k in range(_EB // 16):
                ev = (ea_b[b][pl.ds(k * 16, 16)]
                      + eb_b[b][pl.ds(k * 16, 16)])
                ev = jnp.where(ev > 0, ev, ev * 0.2)
                pbuf_b[b][pl.ds(k * 16, 16)] = jnp.exp(ev - m_v)

            @pl.loop(0, 0, step=16)
            def _(r0):
                p16 = pbuf_b[b][pl.ds(r0, 16)]
                for j in range(16):
                    pv = lax.broadcast(p16[j], (16,))
                    for k in range(8):
                        rows_b[b][r0 + j, pl.ds(k * 16, 16)] = (
                            rows_b[b][r0 + j, pl.ds(k * 16, 16)] * pv)

            pltpu.async_copy(rows_b[b], acc_s.at[pl.ds(0, _EB)],
                             ssem_b[b])
            pltpu.async_copy(pbuf_b[b], den_s.at[dstb_b[b]], ssem_b[b],
                             add=True)

        def wait_scatter(b):
            pltpu.make_async_copy(rows_b[b], acc_s.at[dstb_b[b]],
                                  ssem_b[b]).wait()
            pltpu.make_async_copy(pbuf_b[b], den_s.at[dstb_b[b]],
                                  ssem_b[b]).wait()

        @pl.loop(0, nblk)
        def _(blk):
            bb = base + blk * eblk
            pltpu.sync_copy(src_h.at[pl.ds(bb, eblk)], src_t)
            pltpu.sync_copy(dst_h.at[pl.ds(bb, eblk)], dst_t)

            stage_and_gather(0, 0)
            stage_and_gather(1, 1)
            stage_and_gather(2, 2)
            scale_and_scatter(0)
            stage_and_gather(3, 3)
            scale_and_scatter(1)

            @pl.loop(0, (nchunk - 5) // 4)
            def _(t):
                for u in range(4):
                    cc = 4 * t + 2 + u
                    b = (2 + u) % 4
                    nb = (b + 2) % 4
                    wait_scatter(nb)
                    stage_and_gather(cc + 2, nb)
                    scale_and_scatter(b)

            b = (nchunk - 3) % 4
            wait_scatter((b + 2) % 4)
            stage_and_gather(nchunk - 1, (b + 2) % 4)
            scale_and_scatter(b)
            scale_and_scatter((b + 1) % 4)
            scale_and_scatter((b + 2) % 4)
            wait_scatter((b + 3) % 4)
            wait_scatter(b)
            wait_scatter((b + 1) % 4)
            wait_scatter((b + 2) % 4)

        plsc.subcore_barrier()
        for j in range(rows_per_tile // _EB):
            o = off + j * _EB
            pltpu.sync_copy(acc_s.at[pl.ds(o, _EB)],
                            acc_h.at[cid, pl.ds(o, _EB)])
        pltpu.sync_copy(den_s.at[pl.ds(off, rows_per_tile)],
                        den_h.at[cid, pl.ds(off, rows_per_tile)])

    cp = pltpu.CompilerParams()
    if "needs_layout_passes" in pltpu.CompilerParams.__dataclass_fields__:
        cp = dataclasses.replace(cp, needs_layout_passes=False)
    k = pl.kernel(
        body,
        out_type=[jax.ShapeDtypeStruct((2, _NPAD, 128), F32),
                  jax.ShapeDtypeStruct((2, _NPAD), F32)],
        mesh=mesh,
        compiler_params=cp,
        scratch_types=(
            [pltpu.VMEM((eblk,), jnp.int32),
             pltpu.VMEM((eblk,), jnp.int32),
             pltpu.VMEM((16,), F32),
             pltpu.VMEM((rows_per_tile,), F32)]
            + [pltpu.VMEM((_EB,), jnp.int32)] * 4
            + [pltpu.VMEM((_EB,), F32)] * 8
            + [pltpu.VMEM((_EB,), F32)] * 4
            + [pltpu.VMEM((_EB, 128), F32)] * 4
            + [pltpu.SemaphoreType.DMA] * 8
            + [pltpu.VMEM_SHARED((_NPAD, 128), F32),
               pltpu.VMEM_SHARED((_NPAD,), F32)]
        ),
    )
    return k(src, dst, xs, asrc, adst, m)



def kernel(x, edge_index, Ws1, Wd1, as1, ad1, b1, Wl1, bl1,
           Ws2, Wd2, as2, ad2, b2, Wl2, bl2):
    n = x.shape[0]
    src = edge_index[0]
    dst = edge_index[1]

    xs1, hlin1, asrc1, adst1, m1 = _precompute(x, Ws1, Wd1, as1, ad1, Wl1, bl1)
    acc1, den1 = _gat_sc(src, dst, xs1, asrc1.reshape(n), adst1.reshape(n),
                         m1.reshape(128))
    xs2, hlin2, asrc2, adst2, m2 = _combine_pre(
        acc1, den1.T, hlin1, b1, Ws2, Wd2, as2, ad2, Wl2, bl2)
    acc2, den2 = _gat_sc(src, dst, xs2, asrc2.reshape(n), adst2.reshape(n),
                         m2.reshape(128))
    return _final(acc2, den2.T, hlin2, b2)

# --- scband reference (transcript-rebuilt; emitter-appended) ---
"""Pipeline reference for scband-simple-gat-38637525795509 (READ-ONLY COPY).

The authoritative reference and input builder live on the scoring server;
editing this copy changes nothing except your own understanding.
"""

import jax, jax.numpy as jnp
import numpy as np

N = 10000
E = 320000
D = 128
H = 128
O = 128

def _glorot(key, shape):
    fan = shape[0]
    return jax.random.normal(key, shape, jnp.float32) / np.sqrt(fan)

def setup_inputs(seed: int = 0):
    key = jax.random.key(seed)
    ks = jax.random.split(key, 20)
    inp = {}
    inp['x'] = jax.random.normal(ks[0], (N, D), jnp.float32)
    inp['edge_index'] = jax.random.randint(ks[1], (2, E), 0, N, jnp.int32)
    inp['Ws1'] = _glorot(ks[2], (D, H))
    inp['Wd1'] = _glorot(ks[3], (D, H))
    inp['as1'] = _glorot(ks[4], (H,))
    inp['ad1'] = _glorot(ks[5], (H,))
    inp['b1'] = jnp.zeros((H,), jnp.float32)
    inp['Wl1'] = _glorot(ks[6], (D, H))
    inp['bl1'] = jnp.zeros((H,), jnp.float32)
    inp['Ws2'] = _glorot(ks[7], (H, O))
    inp['Wd2'] = _glorot(ks[8], (H, O))
    inp['as2'] = _glorot(ks[9], (O,))
    inp['ad2'] = _glorot(ks[10], (O,))
    inp['b2'] = jnp.zeros((O,), jnp.float32)
    inp['Wl2'] = _glorot(ks[11], (H, O))
    inp['bl2'] = jnp.zeros((O,), jnp.float32)
    return inp

def _gat(x, src, dst, Ws, Wd, a_s, a_d, b):
    # PyG GATConv, heads=1, add_self_loops=False, negative_slope=0.2
    xs = x @ Ws
    xd = x @ Wd
    alpha_src = xs @ a_s
    alpha_dst = xd @ a_d
    e = alpha_src[src] + alpha_dst[dst]
    e = jnp.where(e > 0, e, 0.2 * e)
    m = jax.ops.segment_max(e, dst, num_segments=N)
    m = jnp.where(jnp.isfinite(m), m, 0.0)
    ex = jnp.exp(e - m[dst])
    denom = jax.ops.segment_sum(ex, dst, num_segments=N)
    alpha = ex / (denom[dst] + 1e-16)
    out = jax.ops.segment_sum(xs[src] * alpha[:, None], dst, num_segments=N)
    return out + b

def reference(x, edge_index, Ws1, Wd1, as1, ad1, b1, Wl1, bl1, Ws2, Wd2, as2, ad2, b2, Wl2, bl2):
    src, dst = edge_index[0], edge_index[1]
    h = _gat(x, src, dst, Ws1, Wd1, as1, ad1, b1) + x @ Wl1 + bl1
    h = jax.nn.relu(h)
    out = _gat(h, src, dst, Ws2, Wd2, as2, ad2, b2) + h @ Wl2 + bl2
    return out

if __name__ == "__main__":
    import jax
    _d = setup_inputs()
    print(jax.jit(kernel)(*tuple(_d.values())))

</pallas_src>

<mosaic_0001>
#map = affine_map<(d0, d1) -> (0)>
#map1 = affine_map<(d0, d1) -> (0, 0)>
#map2 = affine_map<(d0, d1) -> (0, 0, 0)>
module attributes {stable_mosaic.version = 14 : i64} {
  func.func @body(%arg0: i32, %arg1: i32, %arg2: memref<320000xi32, #tpu.memory_space<hbm>>, %arg3: memref<320000xi32, #tpu.memory_space<hbm>>, %arg4: memref<10000x128xf32, #tpu.memory_space<hbm>>, %arg5: memref<10000xf32, #tpu.memory_space<hbm>>, %arg6: memref<10000xf32, #tpu.memory_space<hbm>>, %arg7: memref<128xf32, #tpu.memory_space<hbm>>, %arg8: memref<2x10240x128xf32, #tpu.memory_space<hbm>>, %arg9: memref<2x10240xf32, #tpu.memory_space<hbm>>, %arg10: memref<2000xi32, #tpu.memory_space<vmem>>, %arg11: memref<2000xi32, #tpu.memory_space<vmem>>, %arg12: memref<16xf32, #tpu.memory_space<vmem>>, %arg13: memref<640xf32, #tpu.memory_space<vmem>>, %arg14: memref<80xi32, #tpu.memory_space<vmem>>, %arg15: memref<80xi32, #tpu.memory_space<vmem>>, %arg16: memref<80xi32, #tpu.memory_space<vmem>>, %arg17: memref<80xi32, #tpu.memory_space<vmem>>, %arg18: memref<80xf32, #tpu.memory_space<vmem>>, %arg19: memref<80xf32, #tpu.memory_space<vmem>>, %arg20: memref<80xf32, #tpu.memory_space<vmem>>, %arg21: memref<80xf32, #tpu.memory_space<vmem>>, %arg22: memref<80xf32, #tpu.memory_space<vmem>>, %arg23: memref<80xf32, #tpu.memory_space<vmem>>, %arg24: memref<80xf32, #tpu.memory_space<vmem>>, %arg25: memref<80xf32, #tpu.memory_space<vmem>>, %arg26: memref<80xf32, #tpu.memory_space<vmem>>, %arg27: memref<80xf32, #tpu.memory_space<vmem>>, %arg28: memref<80xf32, #tpu.memory_space<vmem>>, %arg29: memref<80xf32, #tpu.memory_space<vmem>>, %arg30: memref<80x128xf32, #tpu.memory_space<vmem>>, %arg31: memref<80x128xf32, #tpu.memory_space<vmem>>, %arg32: memref<80x128xf32, #tpu.memory_space<vmem>>, %arg33: memref<80x128xf32, #tpu.memory_space<vmem>>, %arg34: memref<!tpu.dma_semaphore, #tpu.memory_space<semaphore_mem>>, %arg35: memref<!tpu.dma_semaphore, #tpu.memory_space<semaphore_mem>>, %arg36: memref<!tpu.dma_semaphore, #tpu.memory_space<semaphore_mem>>, %arg37: memref<!tpu.dma_semaphore, #tpu.memory_space<semaphore_mem>>, %arg38: memref<!tpu.dma_semaphore, #tpu.memory_space<semaphore_mem>>, %arg39: memref<!tpu.dma_semaphore, #tpu.memory_space<semaphore_mem>>, %arg40: memref<!tpu.dma_semaphore, #tpu.memory_space<semaphore_mem>>, %arg41: memref<!tpu.dma_semaphore, #tpu.memory_space<semaphore_mem>>, %arg42: memref<10240x128xf32, #tpu.memory_space<vmem_shared>>, %arg43: memref<10240xf32, #tpu.memory_space<vmem_shared>>) attributes {dimension_semantics = [#tpu.dimension_semantics<core_parallel>, #tpu.dimension_semantics<subcore_parallel>], iteration_bounds = array<i64: 2, 16>, scalar_prefetch = 0 : i64, scratch_operands = 34 : i64, tpu.core_type = #tpu.core_type<sc_vector_subcore>, window_params = [{transform_indices = #map}, {transform_indices = #map}, {transform_indices = #map1}, {transform_indices = #map}, {transform_indices = #map}, {transform_indices = #map}, {transform_indices = #map2}, {transform_indices = #map1}]} {
    %mul3A = arith.constant 16 : i32
    %mul3A_0 = arith.muli %arg0, %mul3A : i32
    %add3A = arith.addi %mul3A_0, %arg1 : i32
    %mul3A_1 = arith.constant 10000 : i32
    %mul3A_2 = arith.muli %add3A, %mul3A_1 : i32
    "tpu.region"() ({
      %run_scoped3A = tpu.sem_alloc : memref<!tpu.dma_semaphore, #tpu.memory_space<semaphore_mem>>
      %dma_start3A = arith.constant 0 : i32
      %dma_start3A_54 = tpu.memref_slice %arg7[%dma_start3A] : memref<128xf32, #tpu.memory_space<hbm>> -> memref<16xf32, #tpu.memory_space<hbm>>
      %dma_start3A_55 = arith.constant 0 : i32
      %dma_start3A_56 = tpu.memref_slice %arg7[%dma_start3A_55] : memref<128xf32, #tpu.memory_space<hbm>> -> memref<16xf32, #tpu.memory_space<hbm>>
      tpu.enqueue_dma source(%dma_start3A_56 : memref<16xf32, #tpu.memory_space<hbm>>) target(%arg12 : memref<16xf32, #tpu.memory_space<vmem>>) target_semaphore(%run_scoped3A : memref<!tpu.dma_semaphore, #tpu.memory_space<semaphore_mem>>)
      %dma_wait3A = arith.constant 0 : i32
      %dma_wait3A_57 = tpu.memref_slice %arg7[%dma_wait3A] : memref<128xf32, #tpu.memory_space<hbm>> -> memref<16xf32, #tpu.memory_space<hbm>>
      %dma_wait3A_58 = arith.constant 0 : i32
      %dma_wait3A_59 = tpu.memref_slice %arg7[%dma_wait3A_58] : memref<128xf32, #tpu.memory_space<hbm>> -> memref<16xf32, #tpu.memory_space<hbm>>
      tpu.wait_dma2 semaphore(%run_scoped3A : memref<!tpu.dma_semaphore, #tpu.memory_space<semaphore_mem>>) src(%dma_wait3A_59 : memref<16xf32, #tpu.memory_space<hbm>>) dst(%arg12 : memref<16xf32, #tpu.memory_space<vmem>>)
      tpu.yield
    }) : () -> ()
    %broadcast_in_dim3A = arith.constant 0.000000e+00 : f32
    %broadcast_in_dim3A_3 = vector.broadcast %broadcast_in_dim3A : f32 to vector<16xf32>
    %scan3A = arith.constant 0 : i32
    %scan3A_4 = arith.constant 80 : i32
    %scan3A_5 = arith.addi %scan3A, %scan3A_4 : i32
    %scan3A_6 = arith.constant 1 : i32
    scf.for %scan3A_54 = %scan3A to %scan3A_5 step %scan3A_6  : i32 {
      %mul3A_55 = arith.constant 1 : i32
      %mul3A_56 = arith.muli %scan3A_54, %mul3A_55 : i32
      %add3A_57 = arith.constant 0 : i32
      %add3A_58 = arith.addi %add3A_57, %mul3A_56 : i32
      %swap3A = arith.index_cast %add3A_58 : i32 to index
      %swap3A_59 = arith.constant 0 : index
      %swap3A_60 = tpu.vector_load %arg30[%swap3A, %swap3A_59] {strides = array<i32>} : memref<80x128xf32, #tpu.memory_space<vmem>>, vector<16xf32>,
      tpu.vector_store %arg30[%swap3A, %swap3A_59], %broadcast_in_dim3A_3 {strides = array<i32>} : memref<80x128xf32, #tpu.memory_space<vmem>>, vector<16xf32>,
      %swap3A_61 = arith.index_cast %add3A_58 : i32 to index
      %swap3A_62 = arith.constant 16 : index
      %swap3A_63 = tpu.vector_load %arg30[%swap3A_61, %swap3A_62] {strides = array<i32>} : memref<80x128xf32, #tpu.memory_space<vmem>>, vector<16xf32>,
      tpu.vector_store %arg30[%swap3A_61, %swap3A_62], %broadcast_in_dim3A_3 {strides = array<i32>} : memref<80x128xf32, #tpu.memory_space<vmem>>, vector<16xf32>,
      %swap3A_64 = arith.index_cast %add3A_58 : i32 to index
      %swap3A_65 = arith.constant 32 : index
      %swap3A_66 = tpu.vector_load %arg30[%swap3A_64, %swap3A_65] {strides = array<i32>} : memref<80x128xf32, #tpu.memory_space<vmem>>, vector<16xf32>,
      tpu.vector_store %arg30[%swap3A_64, %swap3A_65], %broadcast_in_dim3A_3 {strides = array<i32>} : memref<80x128xf32, #tpu.memory_space<vmem>>, vector<16xf32>,
      %swap3A_67 = arith.index_cast %add3A_58 : i32 to index
      %swap3A_68 = arith.constant 48 : index
      %swap3A_69 = tpu.vector_load %arg30[%swap3A_67, %swap3A_68] {strides = array<i32>} : memref<80x128xf32, #tpu.memory_space<vmem>>, vector<16xf32>,
      tpu.vector_store %arg30[%swap3A_67, %swap3A_68], %broadcast_in_dim3A_3 {strides = array<i32>} : memref<80x128xf32, #tpu.memory_space<vmem>>, vector<16xf32>,
      %swap3A_70 = arith.index_cast %add3A_58 : i32 to index
      %swap3A_71 = arith.constant 64 : index
      %swap3A_72 = tpu.vector_load %arg30[%swap3A_70, %swap3A_71] {strides = array<i32>} : memref<80x128xf32, #tpu.memory_space<vmem>>, vector<16xf32>,
      tpu.vector_store %arg30[%swap3A_70, %swap3A_71], %broadcast_in_dim3A_3 {strides = array<i32>} : memref<80x128xf32, #tpu.memory_space<vmem>>, vector<16xf32>,
      %swap3A_73 = arith.index_cast %add3A_58 : i32 to index
      %swap3A_74 = arith.constant 80 : index
      %swap3A_75 = tpu.vector_load %arg30[%swap3A_73, %swap3A_74] {strides = array<i32>} : memref<80x128xf32, #tpu.memory_space<vmem>>, vector<16xf32>,
      tpu.vector_store %arg30[%swap3A_73, %swap3A_74], %broadcast_in_dim3A_3 {strides = array<i32>} : memref<80x128xf32, #tpu.memory_space<vmem>>, vector<16xf32>,
      %swap3A_76 = arith.index_cast %add3A_58 : i32 to index
      %swap3A_77 = arith.constant 96 : index
      %swap3A_78 = tpu.vector_load %arg30[%swap3A_76, %swap3A_77] {strides = array<i32>} : memref<80x128xf32, #tpu.memory_space<vmem>>, vector<16xf32>,
      tpu.vector_store %arg30[%swap3A_76, %swap3A_77], %broadcast_in_dim3A_3 {strides = array<i32>} : memref<80x128xf32, #tpu.memory_space<vmem>>, vector<16xf32>,
      %swap3A_79 = arith.index_cast %add3A_58 : i32 to index
      %swap3A_80 = arith.constant 112 : index
      %swap3A_81 = tpu.vector_load %arg30[%swap3A_79, %swap3A_80] {strides = array<i32>} : memref<80x128xf32, #tpu.memory_space<vmem>>, vector<16xf32>,
      tpu.vector_store %arg30[%swap3A_79, %swap3A_80], %broadcast_in_dim3A_3 {strides = array<i32>} : memref<80x128xf32, #tpu.memory_space<vmem>>, vector<16xf32>,
    }
    %scan3A_7 = arith.constant 80 : i32
    %scan3A_8 = arith.constant 0 : i32
    %scan3A_9 = arith.constant 40 : i32
    %scan3A_10 = arith.addi %scan3A_8, %scan3A_9 : i32
    %scan3A_11 = arith.constant 1 : i32
    scf.for %scan3A_54 = %scan3A_8 to %scan3A_10 step %scan3A_11  : i32 {
      %mul3A_55 = arith.constant 16 : i32
      %mul3A_56 = arith.muli %scan3A_54, %mul3A_55 : i32
      %add3A_57 = arith.constant 0 : i32
      %add3A_58 = arith.addi %add3A_57, %mul3A_56 : i32
      %swap3A = arith.index_cast %add3A_58 : i32 to index
      %swap3A_59 = tpu.vector_load %arg13[%swap3A] {strides = array<i32>} : memref<640xf32, #tpu.memory_space<vmem>>, vector<16xf32>,
      tpu.vector_store %arg13[%swap3A], %broadcast_in_dim3A_3 {strides = array<i32>} : memref<640xf32, #tpu.memory_space<vmem>>, vector<16xf32>,
    }
    %scan3A_12 = arith.constant 40 : i32
    %mul3A_13 = arith.constant 640 : i32
    %mul3A_14 = arith.muli %arg1, %mul3A_13 : i32
    %add3A_15 = arith.constant 0 : i32
    %add3A_16 = arith.addi %mul3A_14, %add3A_15 : i32
    "tpu.region"() ({
      %run_scoped3A = tpu.sem_alloc : memref<!tpu.dma_semaphore, #tpu.memory_space<semaphore_mem>>
      %dma_start3A = arith.constant 0 : i32
      %dma_start3A_54 = tpu.memref_slice %arg42[%add3A_16, %dma_start3A] : memref<10240x128xf32, #tpu.memory_space<vmem_shared>> -> memref<80x128xf32, #tpu.memory_space<vmem_shared>>
      %dma_start3A_55 = arith.constant 0 : i32
      %dma_start3A_56 = tpu.memref_slice %arg42[%add3A_16, %dma_start3A_55] : memref<10240x128xf32, #tpu.memory_space<vmem_shared>> -> memref<80x128xf32, #tpu.memory_space<vmem_shared>>
      tpu.enqueue_dma source(%arg30 : memref<80x128xf32, #tpu.memory_space<vmem>>) target(%dma_start3A_56 : memref<80x128xf32, #tpu.memory_space<vmem_shared>>) target_semaphore(%run_scoped3A : memref<!tpu.dma_semaphore, #tpu.memory_space<semaphore_mem>>)
      %dma_wait3A = arith.constant 0 : i32
      %dma_wait3A_57 = tpu.memref_slice %arg42[%add3A_16, %dma_wait3A] : memref<10240x128xf32, #tpu.memory_space<vmem_shared>> -> memref<80x128xf32, #tpu.memory_space<vmem_shared>>
      %dma_wait3A_58 = arith.constant 0 : i32
      %dma_wait3A_59 = tpu.memref_slice %arg42[%add3A_16, %dma_wait3A_58] : memref<10240x128xf32, #tpu.memory_space<vmem_shared>> -> memref<80x128xf32, #tpu.memory_space<vmem_shared>>
      tpu.wait_dma2 semaphore(%run_scoped3A : memref<!tpu.dma_semaphore, #tpu.memory_space<semaphore_mem>>) src(%arg30 : memref<80x128xf32, #tpu.memory_space<vmem>>) dst(%dma_wait3A_59 : memref<80x128xf32, #tpu.memory_space<vmem_shared>>)
      tpu.yield
    }) : () -> ()
    %add3A_17 = arith.constant 80 : i32
    %add3A_18 = arith.addi %mul3A_14, %add3A_17 : i32
    "tpu.region"() ({
      %run_scoped3A = tpu.sem_alloc : memref<!tpu.dma_semaphore, #tpu.memory_space<semaphore_mem>>
      %dma_start3A = arith.constant 0 : i32
      %dma_start3A_54 = tpu.memref_slice %arg42[%add3A_18, %dma_start3A] : memref<10240x128xf32, #tpu.memory_space<vmem_shared>> -> memref<80x128xf32, #tpu.memory_space<vmem_shared>>
      %dma_start3A_55 = arith.constant 0 : i32
      %dma_start3A_56 = tpu.memref_slice %arg42[%add3A_18, %dma_start3A_55] : memref<10240x128xf32, #tpu.memory_space<vmem_shared>> -> memref<80x128xf32, #tpu.memory_space<vmem_shared>>
      tpu.enqueue_dma source(%arg30 : memref<80x128xf32, #tpu.memory_space<vmem>>) target(%dma_start3A_56 : memref<80x128xf32, #tpu.memory_space<vmem_shared>>) target_semaphore(%run_scoped3A : memref<!tpu.dma_semaphore, #tpu.memory_space<semaphore_mem>>)
      %dma_wait3A = arith.constant 0 : i32
      %dma_wait3A_57 = tpu.memref_slice %arg42[%add3A_18, %dma_wait3A] : memref<10240x128xf32, #tpu.memory_space<vmem_shared>> -> memref<80x128xf32, #tpu.memory_space<vmem_shared>>
      %dma_wait3A_58 = arith.constant 0 : i32
      %dma_wait3A_59 = tpu.memref_slice %arg42[%add3A_18, %dma_wait3A_58] : memref<10240x128xf32, #tpu.memory_space<vmem_shared>> -> memref<80x128xf32, #tpu.memory_space<vmem_shared>>
      tpu.wait_dma2 semaphore(%run_scoped3A : memref<!tpu.dma_semaphore, #tpu.memory_space<semaphore_mem>>) src(%arg30 : memref<80x128xf32, #tpu.memory_space<vmem>>) dst(%dma_wait3A_59 : memref<80x128xf32, #tpu.memory_space<vmem_shared>>)
      tpu.yield
    }) : () -> ()
    %add3A_19 = arith.constant 160 : i32
    %add3A_20 = arith.addi %mul3A_14, %add3A_19 : i32
    "tpu.region"() ({
      %run_scoped3A = tpu.sem_alloc : memref<!tpu.dma_semaphore, #tpu.memory_space<semaphore_mem>>
      %dma_start3A = arith.constant 0 : i32
      %dma_start3A_54 = tpu.memref_slice %arg42[%add3A_20, %dma_start3A] : memref<10240x128xf32, #tpu.memory_space<vmem_shared>> -> memref<80x128xf32, #tpu.memory_space<vmem_shared>>
      %dma_start3A_55 = arith.constant 0 : i32
      %dma_start3A_56 = tpu.memref_slice %arg42[%add3A_20, %dma_start3A_55] : memref<10240x128xf32, #tpu.memory_space<vmem_shared>> -> memref<80x128xf32, #tpu.memory_space<vmem_shared>>
      tpu.enqueue_dma source(%arg30 : memref<80x128xf32, #tpu.memory_space<vmem>>) target(%dma_start3A_56 : memref<80x128xf32, #tpu.memory_space<vmem_shared>>) target_semaphore(%run_scoped3A : memref<!tpu.dma_semaphore, #tpu.memory_space<semaphore_mem>>)
      %dma_wait3A = arith.constant 0 : i32
      %dma_wait3A_57 = tpu.memref_slice %arg42[%add3A_20, %dma_wait3A] : memref<10240x128xf32, #tpu.memory_space<vmem_shared>> -> memref<80x128xf32, #tpu.memory_space<vmem_shared>>
      %dma_wait3A_58 = arith.constant 0 : i32
      %dma_wait3A_59 = tpu.memref_slice %arg42[%add3A_20, %dma_wait3A_58] : memref<10240x128xf32, #tpu.memory_space<vmem_shared>> -> memref<80x128xf32, #tpu.memory_space<vmem_shared>>
      tpu.wait_dma2 semaphore(%run_scoped3A : memref<!tpu.dma_semaphore, #tpu.memory_space<semaphore_mem>>) src(%arg30 : memref<80x128xf32, #tpu.memory_space<vmem>>) dst(%dma_wait3A_59 : memref<80x128xf32, #tpu.memory_space<vmem_shared>>)
      tpu.yield
    }) : () -> ()
    %add3A_21 = arith.constant 240 : i32
    %add3A_22 = arith.addi %mul3A_14, %add3A_21 : i32
    "tpu.region"() ({
      %run_scoped3A = tpu.sem_alloc : memref<!tpu.dma_semaphore, #tpu.memory_space<semaphore_mem>>
      %dma_start3A = arith.constant 0 : i32
      %dma_start3A_54 = tpu.memref_slice %arg42[%add3A_22, %dma_start3A] : memref<10240x128xf32, #tpu.memory_space<vmem_shared>> -> memref<80x128xf32, #tpu.memory_space<vmem_shared>>
      %dma_start3A_55 = arith.constant 0 : i32
      %dma_start3A_56 = tpu.memref_slice %arg42[%add3A_22, %dma_start3A_55] : memref<10240x128xf32, #tpu.memory_space<vmem_shared>> -> memref<80x128xf32, #tpu.memory_space<vmem_shared>>
      tpu.enqueue_dma source(%arg30 : memref<80x128xf32, #tpu.memory_space<vmem>>) target(%dma_start3A_56 : memref<80x128xf32, #tpu.memory_space<vmem_shared>>) target_semaphore(%run_scoped3A : memref<!tpu.dma_semaphore, #tpu.memory_space<semaphore_mem>>)
      %dma_wait3A = arith.constant 0 : i32
      %dma_wait3A_57 = tpu.memref_slice %arg42[%add3A_22, %dma_wait3A] : memref<10240x128xf32, #tpu.memory_space<vmem_shared>> -> memref<80x128xf32, #tpu.memory_space<vmem_shared>>
      %dma_wait3A_58 = arith.constant 0 : i32
      %dma_wait3A_59 = tpu.memref_slice %arg42[%add3A_22, %dma_wait3A_58] : memref<10240x128xf32, #tpu.memory_space<vmem_shared>> -> memref<80x128xf32, #tpu.memory_space<vmem_shared>>
      tpu.wait_dma2 semaphore(%run_scoped3A : memref<!tpu.dma_semaphore, #tpu.memory_space<semaphore_mem>>) src(%arg30 : memref<80x128xf32, #tpu.memory_space<vmem>>) dst(%dma_wait3A_59 : memref<80x128xf32, #tpu.memory_space<vmem_shared>>)
      tpu.yield
    }) : () -> ()
    %add3A_23 = arith.constant 320 : i32
    %add3A_24 = arith.addi %mul3A_14, %add3A_23 : i32
    "tpu.region"() ({
      %run_scoped3A = tpu.sem_alloc : memref<!tpu.dma_semaphore, #tpu.memory_space<semaphore_mem>>
      %dma_start3A = arith.constant 0 : i32
      %dma_start3A_54 = tpu.memref_slice %arg42[%add3A_24, %dma_start3A] : memref<10240x128xf32, #tpu.memory_space<vmem_shared>> -> memref<80x128xf32, #tpu.memory_space<vmem_shared>>
      %dma_start3A_55 = arith.constant 0 : i32
      %dma_start3A_56 = tpu.memref_slice %arg42[%add3A_24, %dma_start3A_55] : memref<10240x128xf32, #tpu.memory_space<vmem_shared>> -> memref<80x128xf32, #tpu.memory_space<vmem_shared>>
      tpu.enqueue_dma source(%arg30 : memref<80x128xf32, #tpu.memory_space<vmem>>) target(%dma_start3A_56 : memref<80x128xf32, #tpu.memory_space<vmem_shared>>) target_semaphore(%run_scoped3A : memref<!tpu.dma_semaphore, #tpu.memory_space<semaphore_mem>>)
      %dma_wait3A = arith.constant 0 : i32
      %dma_wait3A_57 = tpu.memref_slice %arg42[%add3A_24, %dma_wait3A] : memref<10240x128xf32, #tpu.memory_space<vmem_shared>> -> memref<80x128xf32, #tpu.memory_space<vmem_shared>>
      %dma_wait3A_58 = arith.constant 0 : i32
      %dma_wait3A_59 = tpu.memref_slice %arg42[%add3A_24, %dma_wait3A_58] : memref<10240x128xf32, #tpu.memory_space<vmem_shared>> -> memref<80x128xf32, #tpu.memory_space<vmem_shared>>
      tpu.wait_dma2 semaphore(%run_scoped3A : memref<!tpu.dma_semaphore, #tpu.memory_space<semaphore_mem>>) src(%arg30 : memref<80x128xf32, #tpu.memory_space<vmem>>) dst(%dma_wait3A_59 : memref<80x128xf32, #tpu.memory_space<vmem_shared>>)
      tpu.yield
    }) : () -> ()
    %add3A_25 = arith.constant 400 : i32
    %add3A_26 = arith.addi %mul3A_14, %add3A_25 : i32
    "tpu.region"() ({
      %run_scoped3A = tpu.sem_alloc : memref<!tpu.dma_semaphore, #tpu.memory_space<semaphore_mem>>
      %dma_start3A = arith.constant 0 : i32
      %dma_start3A_54 = tpu.memref_slice %arg42[%add3A_26, %dma_start3A] : memref<10240x128xf32, #tpu.memory_space<vmem_shared>> -> memref<80x128xf32, #tpu.memory_space<vmem_shared>>
      %dma_start3A_55 = arith.constant 0 : i32
      %dma_start3A_56 = tpu.memref_slice %arg42[%add3A_26, %dma_start3A_55] : memref<10240x128xf32, #tpu.memory_space<vmem_shared>> -> memref<80x128xf32, #tpu.memory_space<vmem_shared>>
      tpu.enqueue_dma source(%arg30 : memref<80x128xf32, #tpu.memory_space<vmem>>) target(%dma_start3A_56 : memref<80x128xf32, #tpu.memory_space<vmem_shared>>) target_semaphore(%run_scoped3A : memref<!tpu.dma_semaphore, #tpu.memory_space<semaphore_mem>>)
      %dma_wait3A = arith.constant 0 : i32
      %dma_wait3A_57 = tpu.memref_slice %arg42[%add3A_26, %dma_wait3A] : memref<10240x128xf32, #tpu.memory_space<vmem_shared>> -> memref<80x128xf32, #tpu.memory_space<vmem_shared>>
      %dma_wait3A_58 = arith.constant 0 : i32
      %dma_wait3A_59 = tpu.memref_slice %arg42[%add3A_26, %dma_wait3A_58] : memref<10240x128xf32, #tpu.memory_space<vmem_shared>> -> memref<80x128xf32, #tpu.memory_space<vmem_shared>>
      tpu.wait_dma2 semaphore(%run_scoped3A : memref<!tpu.dma_semaphore, #tpu.memory_space<semaphore_mem>>) src(%arg30 : memref<80x128xf32, #tpu.memory_space<vmem>>) dst(%dma_wait3A_59 : memref<80x128xf32, #tpu.memory_space<vmem_shared>>)
      tpu.yield
    }) : () -> ()
    %add3A_27 = arith.constant 480 : i32
    %add3A_28 = arith.addi %mul3A_14, %add3A_27 : i32
    "tpu.region"() ({
      %run_scoped3A = tpu.sem_alloc : memref<!tpu.dma_semaphore, #tpu.memory_space<semaphore_mem>>
      %dma_start3A = arith.constant 0 : i32
      %dma_start3A_54 = tpu.memref_slice %arg42[%add3A_28, %dma_start3A] : memref<10240x128xf32, #tpu.memory_space<vmem_shared>> -> memref<80x128xf32, #tpu.memory_space<vmem_shared>>
      %dma_start3A_55 = arith.constant 0 : i32
      %dma_start3A_56 = tpu.memref_slice %arg42[%add3A_28, %dma_start3A_55] : memref<10240x128xf32, #tpu.memory_space<vmem_shared>> -> memref<80x128xf32, #tpu.memory_space<vmem_shared>>
      tpu.enqueue_dma source(%arg30 : memref<80x128xf32, #tpu.memory_space<vmem>>) target(%dma_start3A_56 : memref<80x128xf32, #tpu.memory_space<vmem_shared>>) target_semaphore(%run_scoped3A : memref<!tpu.dma_semaphore, #tpu.memory_space<semaphore_mem>>)
      %dma_wait3A = arith.constant 0 : i32
      %dma_wait3A_57 = tpu.memref_slice %arg42[%add3A_28, %dma_wait3A] : memref<10240x128xf32, #tpu.memory_space<vmem_shared>> -> memref<80x128xf32, #tpu.memory_space<vmem_shared>>
      %dma_wait3A_58 = arith.constant 0 : i32
      %dma_wait3A_59 = tpu.memref_slice %arg42[%add3A_28, %dma_wait3A_58] : memref<10240x128xf32, #tpu.memory_space<vmem_shared>> -> memref<80x128xf32, #tpu.memory_space<vmem_shared>>
      tpu.wait_dma2 semaphore(%run_scoped3A : memref<!tpu.dma_semaphore, #tpu.memory_space<semaphore_mem>>) src(%arg30 : memref<80x128xf32, #tpu.memory_space<vmem>>) dst(%dma_wait3A_59 : memref<80x128xf32, #tpu.memory_space<vmem_shared>>)
      tpu.yield
    }) : () -> ()
    %add3A_29 = arith.constant 560 : i32
    %add3A_30 = arith.addi %mul3A_14, %add3A_29 : i32
    "tpu.region"() ({
      %run_scoped3A = tpu.sem_alloc : memref<!tpu.dma_semaphore, #tpu.memory_space<semaphore_mem>>
      %dma_start3A = arith.constant 0 : i32
      %dma_start3A_54 = tpu.memref_slice %arg42[%add3A_30, %dma_start3A] : memref<10240x128xf32, #tpu.memory_space<vmem_shared>> -> memref<80x128xf32, #tpu.memory_space<vmem_shared>>
      %dma_start3A_55 = arith.constant 0 : i32
      %dma_start3A_56 = tpu.memref_slice %arg42[%add3A_30, %dma_start3A_55] : memref<10240x128xf32, #tpu.memory_space<vmem_shared>> -> memref<80x128xf32, #tpu.memory_space<vmem_shared>>
      tpu.enqueue_dma source(%arg30 : memref<80x128xf32, #tpu.memory_space<vmem>>) target(%dma_start3A_56 : memref<80x128xf32, #tpu.memory_space<vmem_shared>>) target_semaphore(%run_scoped3A : memref<!tpu.dma_semaphore, #tpu.memory_space<semaphore_mem>>)
      %dma_wait3A = arith.constant 0 : i32
      %dma_wait3A_57 = tpu.memref_slice %arg42[%add3A_30, %dma_wait3A] : memref<10240x128xf32, #tpu.memory_space<vmem_shared>> -> memref<80x128xf32, #tpu.memory_space<vmem_shared>>
      %dma_wait3A_58 = arith.constant 0 : i32
      %dma_wait3A_59 = tpu.memref_slice %arg42[%add3A_30, %dma_wait3A_58] : memref<10240x128xf32, #tpu.memory_space<vmem_shared>> -> memref<80x128xf32, #tpu.memory_space<vmem_shared>>
      tpu.wait_dma2 semaphore(%run_scoped3A : memref<!tpu.dma_semaphore, #tpu.memory_space<semaphore_mem>>) src(%arg30 : memref<80x128xf32, #tpu.memory_space<vmem>>) dst(%dma_wait3A_59 : memref<80x128xf32, #tpu.memory_space<vmem_shared>>)
      tpu.yield
    }) : () -> ()
    "tpu.region"() ({
      %run_scoped3A = tpu.sem_alloc : memref<!tpu.dma_semaphore, #tpu.memory_space<semaphore_mem>>
      %dma_start3A = tpu.memref_slice %arg43[%mul3A_14] : memref<10240xf32, #tpu.memory_space<vmem_shared>> -> memref<640xf32, #tpu.memory_space<vmem_shared>>
      %dma_start3A_54 = tpu.memref_slice %arg43[%mul3A_14] : memref<10240xf32, #tpu.memory_space<vmem_shared>> -> memref<640xf32, #tpu.memory_space<vmem_shared>>
      tpu.enqueue_dma source(%arg13 : memref<640xf32, #tpu.memory_space<vmem>>) target(%dma_start3A_54 : memref<640xf32, #tpu.memory_space<vmem_shared>>) target_semaphore(%run_scoped3A : memref<!tpu.dma_semaphore, #tpu.memory_space<semaphore_mem>>)
      %dma_wait3A = tpu.memref_slice %arg43[%mul3A_14] : memref<10240xf32, #tpu.memory_space<vmem_shared>> -> memref<640xf32, #tpu.memory_space<vmem_shared>>
      %dma_wait3A_55 = tpu.memref_slice %arg43[%mul3A_14] : memref<10240xf32, #tpu.memory_space<vmem_shared>> -> memref<640xf32, #tpu.memory_space<vmem_shared>>
      tpu.wait_dma2 semaphore(%run_scoped3A : memref<!tpu.dma_semaphore, #tpu.memory_space<semaphore_mem>>) src(%arg13 : memref<640xf32, #tpu.memory_space<vmem>>) dst(%dma_wait3A_55 : memref<640xf32, #tpu.memory_space<vmem_shared>>)
      tpu.yield
    }) : () -> ()
    %barrier3A = arith.constant 0 : index
    tpu.barrier barrier_id(%barrier3A)
    %get3A = arith.constant 0 : index
    %get3A_31 = tpu.vector_load %arg12[%get3A] {strides = array<i32>} : memref<16xf32, #tpu.memory_space<vmem>>, vector<16xf32>,
    %scan3A_32 = arith.constant 0 : i32
    %scan3A_33 = arith.constant 5 : i32
    %scan3A_34 = arith.addi %scan3A_32, %scan3A_33 : i32
    %scan3A_35 = arith.constant 1 : i32
    scf.for %scan3A_54 = %scan3A_32 to %scan3A_34 step %scan3A_35  : i32 {
      %mul3A_55 = arith.constant 1 : i32
      %mul3A_56 = arith.muli %scan3A_54, %mul3A_55 : i32
      %add3A_57 = arith.constant 0 : i32
      %add3A_58 = arith.addi %add3A_57, %mul3A_56 : i32
      %mul3A_59 = arith.constant 2000 : i32
      %mul3A_60 = arith.muli %add3A_58, %mul3A_59 : i32
      %add3A_61 = arith.addi %mul3A_2, %mul3A_60 : i32
      "tpu.region"() ({
        %run_scoped3A = tpu.sem_alloc : memref<!tpu.dma_semaphore, #tpu.memory_space<semaphore_mem>>
        %dma_start3A_705 = tpu.memref_slice %arg2[%add3A_61] : memref<320000xi32, #tpu.memory_space<hbm>> -> memref<2000xi32, #tpu.memory_space<hbm>>
        %dma_start3A_706 = tpu.memref_slice %arg2[%add3A_61] : memref<320000xi32, #tpu.memory_space<hbm>> -> memref<2000xi32, #tpu.memory_space<hbm>>
        tpu.enqueue_dma source(%dma_start3A_706 : memref<2000xi32, #tpu.memory_space<hbm>>) target(%arg10 : memref<2000xi32, #tpu.memory_space<vmem>>) target_semaphore(%run_scoped3A : memref<!tpu.dma_semaphore, #tpu.memory_space<semaphore_mem>>)
        %dma_wait3A_707 = tpu.memref_slice %arg2[%add3A_61] : memref<320000xi32, #tpu.memory_space<hbm>> -> memref<2000xi32, #tpu.memory_space<hbm>>
        %dma_wait3A_708 = tpu.memref_slice %arg2[%add3A_61] : memref<320000xi32, #tpu.memory_space<hbm>> -> memref<2000xi32, #tpu.memory_space<hbm>>
        tpu.wait_dma2 semaphore(%run_scoped3A : memref<!tpu.dma_semaphore, #tpu.memory_space<semaphore_mem>>) src(%dma_wait3A_708 : memref<2000xi32, #tpu.memory_space<hbm>>) dst(%arg10 : memref<2000xi32, #tpu.memory_space<vmem>>)
        tpu.yield
      }) : () -> ()
      "tpu.region"() ({
        %run_scoped3A = tpu.sem_alloc : memref<!tpu.dma_semaphore, #tpu.memory_space<semaphore_mem>>
        %dma_start3A_705 = tpu.memref_slice %arg3[%add3A_61] : memref<320000xi32, #tpu.memory_space<hbm>> -> memref<2000xi32, #tpu.memory_space<hbm>>
        %dma_start3A_706 = tpu.memref_slice %arg3[%add3A_61] : memref<320000xi32, #tpu.memory_space<hbm>> -> memref<2000xi32, #tpu.memory_space<hbm>>
        tpu.enqueue_dma source(%dma_start3A_706 : memref<2000xi32, #tpu.memory_space<hbm>>) target(%arg11 : memref<2000xi32, #tpu.memory_space<vmem>>) target_semaphore(%run_scoped3A : memref<!tpu.dma_semaphore, #tpu.memory_space<semaphore_mem>>)
        %dma_wait3A_707 = tpu.memref_slice %arg3[%add3A_61] : memref<320000xi32, #tpu.memory_space<hbm>> -> memref<2000xi32, #tpu.memory_space<hbm>>
        %dma_wait3A_708 = tpu.memref_slice %arg3[%add3A_61] : memref<320000xi32, #tpu.memory_space<hbm>> -> memref<2000xi32, #tpu.memory_space<hbm>>
        tpu.wait_dma2 semaphore(%run_scoped3A : memref<!tpu.dma_semaphore, #tpu.memory_space<semaphore_mem>>) src(%dma_wait3A_708 : memref<2000xi32, #tpu.memory_space<hbm>>) dst(%arg11 : memref<2000xi32, #tpu.memory_space<vmem>>)
        tpu.yield
      }) : () -> ()
      %get3A_62 = arith.constant 0 : index
      %get3A_63 = tpu.vector_load %arg11[%get3A_62] {strides = array<i32>} : memref<2000xi32, #tpu.memory_space<vmem>>, vector<16xi32>,
      %swap3A = arith.constant 0 : index
      %swap3A_64 = tpu.vector_load %arg14[%swap3A] {strides = array<i32>} : memref<80xi32, #tpu.memory_space<vmem>>, vector<16xi32>,
      tpu.vector_store %arg14[%swap3A], %get3A_63 {strides = array<i32>} : memref<80xi32, #tpu.memory_space<vmem>>, vector<16xi32>,
      %get3A_65 = arith.constant 16 : index
      %get3A_66 = tpu.vector_load %arg11[%get3A_65] {strides = array<i32>} : memref<2000xi32, #tpu.memory_space<vmem>>, vector<16xi32>,
      %swap3A_67 = arith.constant 16 : index
      %swap3A_68 = tpu.vector_load %arg14[%swap3A_67] {strides = array<i32>} : memref<80xi32, #tpu.memory_space<vmem>>, vector<16xi32>,
      tpu.vector_store %arg14[%swap3A_67], %get3A_66 {strides = array<i32>} : memref<80xi32, #tpu.memory_space<vmem>>, vector<16xi32>,
      %get3A_69 = arith.constant 32 : index
      %get3A_70 = tpu.vector_load %arg11[%get3A_69] {strides = array<i32>} : memref<2000xi32, #tpu.memory_space<vmem>>, vector<16xi32>,
      %swap3A_71 = arith.constant 32 : index
      %swap3A_72 = tpu.vector_load %arg14[%swap3A_71] {strides = array<i32>} : memref<80xi32, #tpu.memory_space<vmem>>, vector<16xi32>,
      tpu.vector_store %arg14[%swap3A_71], %get3A_70 {strides = array<i32>} : memref<80xi32, #tpu.memory_space<vmem>>, vector<16xi32>,
      %get3A_73 = arith.constant 48 : index
      %get3A_74 = tpu.vector_load %arg11[%get3A_73] {strides = array<i32>} : memref<2000xi32, #tpu.memory_space<vmem>>, vector<16xi32>,
      %swap3A_75 = arith.constant 48 : index
      %swap3A_76 = tpu.vector_load %arg14[%swap3A_75] {strides = array<i32>} : memref<80xi32, #tpu.memory_space<vmem>>, vector<16xi32>,
      tpu.vector_store %arg14[%swap3A_75], %get3A_74 {strides = array<i32>} : memref<80xi32, #tpu.memory_space<vmem>>, vector<16xi32>,
      %get3A_77 = arith.constant 64 : index
      %get3A_78 = tpu.vector_load %arg11[%get3A_77] {strides = array<i32>} : memref<2000xi32, #tpu.memory_space<vmem>>, vector<16xi32>,
      %swap3A_79 = arith.constant 64 : index
      %swap3A_80 = tpu.vector_load %arg14[%swap3A_79] {strides = array<i32>} : memref<80xi32, #tpu.memory_space<vmem>>, vector<16xi32>,
      tpu.vector_store %arg14[%swap3A_79], %get3A_78 {strides = array<i32>} : memref<80xi32, #tpu.memory_space<vmem>>, vector<16xi32>,
      %dma_start3A = arith.constant 0 : i32
      %dma_start3A_81 = arith.constant 0 : i32
      %dma_start3A_82 = tpu.memref_slice %arg4[%dma_start3A, %dma_start3A_81] : memref<10000x128xf32, #tpu.memory_space<hbm>> -> memref<80x128xf32, #tpu.memory_space<hbm>>
      %dma_start3A_83 = arith.constant 0 : i32
      %dma_start3A_84 = arith.constant 0 : i32
      %dma_start3A_85 = tpu.memref_slice %arg4[%dma_start3A_83, %dma_start3A_84] : memref<10000x128xf32, #tpu.memory_space<hbm>> -> memref<80x128xf32, #tpu.memory_space<hbm>>
      tpu.enqueue_dma source(%dma_start3A_85 : memref<80x128xf32, #tpu.memory_space<hbm>>) target(%arg30 : memref<80x128xf32, #tpu.memory_space<vmem>>) target_semaphore(%arg34 : memref<!tpu.dma_semaphore, #tpu.memory_space<semaphore_mem>>)
      %get3A_86 = arith.constant 80 : index
      %get3A_87 = tpu.vector_load %arg11[%get3A_86] {strides = array<i32>} : memref<2000xi32, #tpu.memory_space<vmem>>, vector<16xi32>,
      %swap3A_88 = arith.constant 0 : index
      %swap3A_89 = tpu.vector_load %arg15[%swap3A_88] {strides = array<i32>} : memref<80xi32, #tpu.memory_space<vmem>>, vector<16xi32>,
      tpu.vector_store %arg15[%swap3A_88], %get3A_87 {strides = array<i32>} : memref<80xi32, #tpu.memory_space<vmem>>, vector<16xi32>,
      %get3A_90 = arith.constant 96 : index
      %get3A_91 = tpu.vector_load %arg11[%get3A_90] {strides = array<i32>} : memref<2000xi32, #tpu.memory_space<vmem>>, vector<16xi32>,
      %swap3A_92 = arith.constant 16 : index
      %swap3A_93 = tpu.vector_load %arg15[%swap3A_92] {strides = array<i32>} : memref<80xi32, #tpu.memory_space<vmem>>, vector<16xi32>,
      tpu.vector_store %arg15[%swap3A_92], %get3A_91 {strides = array<i32>} : memref<80xi32, #tpu.memory_space<vmem>>, vector<16xi32>,
      %get3A_94 = arith.constant 112 : index
      %get3A_95 = tpu.vector_load %arg11[%get3A_94] {strides = array<i32>} : memref<2000xi32, #tpu.memory_space<vmem>>, vector<16xi32>,
      %swap3A_96 = arith.constant 32 : index
      %swap3A_97 = tpu.vector_load %arg15[%swap3A_96] {strides = array<i32>} : memref<80xi32, #tpu.memory_space<vmem>>, vector<16xi32>,
      tpu.vector_store %arg15[%swap3A_96], %get3A_95 {strides = array<i32>} : memref<80xi32, #tpu.memory_space<vmem>>, vector<16xi32>,
      %get3A_98 = arith.constant 128 : index
      %get3A_99 = tpu.vector_load %arg11[%get3A_98] {strides = array<i32>} : memref<2000xi32, #tpu.memory_space<vmem>>, vector<16xi32>,
      %swap3A_100 = arith.constant 48 : index
      %swap3A_101 = tpu.vector_load %arg15[%swap3A_100] {strides = array<i32>} : memref<80xi32, #tpu.memory_space<vmem>>, vector<16xi32>,
      tpu.vector_store %arg15[%swap3A_100], %get3A_99 {strides = array<i32>} : memref<80xi32, #tpu.memory_space<vmem>>, vector<16xi32>,
      %get3A_102 = arith.constant 144 : index
      %get3A_103 = tpu.vector_load %arg11[%get3A_102] {strides = array<i32>} : memref<2000xi32, #tpu.memory_space<vmem>>, vector<16xi32>,
      %swap3A_104 = arith.constant 64 : index
      %swap3A_105 = tpu.vector_load %arg15[%swap3A_104] {strides = array<i32>} : memref<80xi32, #tpu.memory_space<vmem>>, vector<16xi32>,
      tpu.vector_store %arg15[%swap3A_104], %get3A_103 {strides = array<i32>} : memref<80xi32, #tpu.memory_space<vmem>>, vector<16xi32>,
      %dma_start3A_106 = arith.constant 80 : i32
      %dma_start3A_107 = arith.constant 0 : i32
      %dma_start3A_108 = tpu.memref_slice %arg4[%dma_start3A_106, %dma_start3A_107] : memref<10000x128xf32, #tpu.memory_space<hbm>> -> memref<80x128xf32, #tpu.memory_space<hbm>>
      %dma_start3A_109 = arith.constant 80 : i32
      %dma_start3A_110 = arith.constant 0 : i32
      %dma_start3A_111 = tpu.memref_slice %arg4[%dma_start3A_109, %dma_start3A_110] : memref<10000x128xf32, #tpu.memory_space<hbm>> -> memref<80x128xf32, #tpu.memory_space<hbm>>
      tpu.enqueue_dma source(%dma_start3A_111 : memref<80x128xf32, #tpu.memory_space<hbm>>) target(%arg31 : memref<80x128xf32, #tpu.memory_space<vmem>>) target_semaphore(%arg35 : memref<!tpu.dma_semaphore, #tpu.memory_space<semaphore_mem>>)
      %get3A_112 = arith.constant 160 : index
      %get3A_113 = tpu.vector_load %arg11[%get3A_112] {strides = array<i32>} : memref<2000xi32, #tpu.memory_space<vmem>>, vector<16xi32>,
      %swap3A_114 = arith.constant 0 : index
      %swap3A_115 = tpu.vector_load %arg16[%swap3A_114] {strides = array<i32>} : memref<80xi32, #tpu.memory_space<vmem>>, vector<16xi32>,
      tpu.vector_store %arg16[%swap3A_114], %get3A_113 {strides = array<i32>} : memref<80xi32, #tpu.memory_space<vmem>>, vector<16xi32>,
      %get3A_116 = arith.constant 176 : index
      %get3A_117 = tpu.vector_load %arg11[%get3A_116] {strides = array<i32>} : memref<2000xi32, #tpu.memory_space<vmem>>, vector<16xi32>,
      %swap3A_118 = arith.constant 16 : index
      %swap3A_119 = tpu.vector_load %arg16[%swap3A_118] {strides = array<i32>} : memref<80xi32, #tpu.memory_space<vmem>>, vector<16xi32>,
      tpu.vector_store %arg16[%swap3A_118], %get3A_117 {strides = array<i32>} : memref<80xi32, #tpu.memory_space<vmem>>, vector<16xi32>,
      %get3A_120 = arith.constant 192 : index
      %get3A_121 = tpu.vector_load %arg11[%get3A_120] {strides = array<i32>} : memref<2000xi32, #tpu.memory_space<vmem>>, vector<16xi32>,
      %swap3A_122 = arith.constant 32 : index
      %swap3A_123 = tpu.vector_load %arg16[%swap3A_122] {strides = array<i32>} : memref<80xi32, #tpu.memory_space<vmem>>, vector<16xi32>,
      tpu.vector_store %arg16[%swap3A_122], %get3A_121 {strides = array<i32>} : memref<80xi32, #tpu.memory_space<vmem>>, vector<16xi32>,
      %get3A_124 = arith.constant 208 : index
      %get3A_125 = tpu.vector_load %arg11[%get3A_124] {strides = array<i32>} : memref<2000xi32, #tpu.memory_space<vmem>>, vector<16xi32>,
      %swap3A_126 = arith.constant 48 : index
      %swap3A_127 = tpu.vector_load %arg16[%swap3A_126] {strides = array<i32>} : memref<80xi32, #tpu.memory_space<vmem>>, vector<16xi32>,
      tpu.vector_store %arg16[%swap3A_126], %get3A_125 {strides = array<i32>} : memref<80xi32, #tpu.memory_space<vmem>>, vector<16xi32>,
      %get3A_128 = arith.constant 224 : index
      %get3A_129 = tpu.vector_load %arg11[%get3A_128] {strides = array<i32>} : memref<2000xi32, #tpu.memory_space<vmem>>, vector<16xi32>,
      %swap3A_130 = arith.constant 64 : index
      %swap3A_131 = tpu.vector_load %arg16[%swap3A_130] {strides = array<i32>} : memref<80xi32, #tpu.memory_space<vmem>>, vector<16xi32>,
      tpu.vector_store %arg16[%swap3A_130], %get3A_129 {strides = array<i32>} : memref<80xi32, #tpu.memory_space<vmem>>, vector<16xi32>,
      %dma_start3A_132 = arith.constant 160 : i32
      %dma_start3A_133 = arith.constant 0 : i32
      %dma_start3A_134 = tpu.memref_slice %arg4[%dma_start3A_132, %dma_start3A_133] : memref<10000x128xf32, #tpu.memory_space<hbm>> -> memref<80x128xf32, #tpu.memory_space<hbm>>
      %dma_start3A_135 = arith.constant 160 : i32
      %dma_start3A_136 = arith.constant 0 : i32
      %dma_start3A_137 = tpu.memref_slice %arg4[%dma_start3A_135, %dma_start3A_136] : memref<10000x128xf32, #tpu.memory_space<hbm>> -> memref<80x128xf32, #tpu.memory_space<hbm>>
      tpu.enqueue_dma source(%dma_start3A_137 : memref<80x128xf32, #tpu.memory_space<hbm>>) target(%arg32 : memref<80x128xf32, #tpu.memory_space<vmem>>) target_semaphore(%arg36 : memref<!tpu.dma_semaphore, #tpu.memory_space<semaphore_mem>>)
      %dma_wait3A = arith.constant 0 : i32
      %dma_wait3A_138 = arith.constant 0 : i32
      %dma_wait3A_139 = tpu.memref_slice %arg4[%dma_wait3A, %dma_wait3A_138] : memref<10000x128xf32, #tpu.memory_space<hbm>> -> memref<80x128xf32, #tpu.memory_space<hbm>>
      %dma_wait3A_140 = arith.constant 0 : i32
      %dma_wait3A_141 = arith.constant 0 : i32
      %dma_wait3A_142 = tpu.memref_slice %arg4[%dma_wait3A_140, %dma_wait3A_141] : memref<10000x128xf32, #tpu.memory_space<hbm>> -> memref<80x128xf32, #tpu.memory_space<hbm>>
      tpu.wait_dma2 semaphore(%arg34 : memref<!tpu.dma_semaphore, #tpu.memory_space<semaphore_mem>>) src(%dma_wait3A_142 : memref<80x128xf32, #tpu.memory_space<hbm>>) dst(%arg30 : memref<80x128xf32, #tpu.memory_space<vmem>>)
      %get3A_143 = arith.constant 0 : index
      %get3A_144 = tpu.vector_load %arg18[%get3A_143] {strides = array<i32>} : memref<80xf32, #tpu.memory_space<vmem>>, vector<16xf32>,
      %get3A_145 = arith.constant 0 : index
      %get3A_146 = tpu.vector_load %arg22[%get3A_145] {strides = array<i32>} : memref<80xf32, #tpu.memory_space<vmem>>, vector<16xf32>,
      %add3A_147 = arith.addf %get3A_144, %get3A_146 : vector<16xf32>
      %gt3A = arith.constant 0.000000e+00 : f32
      %gt3A_148 = vector.broadcast %gt3A : f32 to vector<16xf32>
      %gt3A_149 = arith.cmpf ogt, %add3A_147, %gt3A_148 : vector<16xf32>
      %mul3A_150 = arith.constant 2.000000e-01 : f32
      %mul3A_151 = vector.broadcast %mul3A_150 : f32 to vector<16xf32>
      %mul3A_152 = arith.mulf %add3A_147, %mul3A_151 : vector<16xf32>
      %select_n3A = arith.select %gt3A_149, %add3A_147, %mul3A_152 : vector<16xi1>, vector<16xf32>
      %sub3A = arith.subf %select_n3A, %get3A_31 : vector<16xf32>
      %exp3A = math.exp %sub3A : vector<16xf32>
      %swap3A_153 = arith.constant 0 : index
      %swap3A_154 = tpu.vector_load %arg26[%swap3A_153] {strides = array<i32>} : memref<80xf32, #tpu.memory_space<vmem>>, vector<16xf32>,
      tpu.vector_store %arg26[%swap3A_153], %exp3A {strides = array<i32>} : memref<80xf32, #tpu.memory_space<vmem>>, vector<16xf32>,
      %get3A_155 = arith.constant 16 : index
      %get3A_156 = tpu.vector_load %arg18[%get3A_155] {strides = array<i32>} : memref<80xf32, #tpu.memory_space<vmem>>, vector<16xf32>,
      %get3A_157 = arith.constant 16 : index
      %get3A_158 = tpu.vector_load %arg22[%get3A_157] {strides = array<i32>} : memref<80xf32, #tpu.memory_space<vmem>>, vector<16xf32>,
      %add3A_159 = arith.addf %get3A_156, %get3A_158 : vector<16xf32>
      %gt3A_160 = arith.constant 0.000000e+00 : f32
      %gt3A_161 = vector.broadcast %gt3A_160 : f32 to vector<16xf32>
      %gt3A_162 = arith.cmpf ogt, %add3A_159, %gt3A_161 : vector<16xf32>
      %mul3A_163 = arith.constant 2.000000e-01 : f32
      %mul3A_164 = vector.broadcast %mul3A_163 : f32 to vector<16xf32>
      %mul3A_165 = arith.mulf %add3A_159, %mul3A_164 : vector<16xf32>
      %select_n3A_166 = arith.select %gt3A_162, %add3A_159, %mul3A_165 : vector<16xi1>, vector<16xf32>
      %sub3A_167 = arith.subf %select_n3A_166, %get3A_31 : vector<16xf32>
      %exp3A_168 = math.exp %sub3A_167 : vector<16xf32>
      %swap3A_169 = arith.constant 16 : index
      %swap3A_170 = tpu.vector_load %arg26[%swap3A_169] {strides = array<i32>} : memref<80xf32, #tpu.memory_space<vmem>>, vector<16xf32>,
      tpu.vector_store %arg26[%swap3A_169], %exp3A_168 {strides = array<i32>} : memref<80xf32, #tpu.memory_space<vmem>>, vector<16xf32>,
      %get3A_171 = arith.constant 32 : index
      %get3A_172 = tpu.vector_load %arg18[%get3A_171] {strides = array<i32>} : memref<80xf32, #tpu.memory_space<vmem>>, vector<16xf32>,
      %get3A_173 = arith.constant 32 : index
      %get3A_174 = tpu.vector_load %arg22[%get3A_173] {strides = array<i32>} : memref<80xf32, #tpu.memory_space<vmem>>, vector<16xf32>,
      %add3A_175 = arith.addf %get3A_172, %get3A_174 : vector<16xf32>
      %gt3A_176 = arith.constant 0.000000e+00 : f32
      %gt3A_177 = vector.broadcast %gt3A_176 : f32 to vector<16xf32>
      %gt3A_178 = arith.cmpf ogt, %add3A_175, %gt3A_177 : vector<16xf32>
      %mul3A_179 = arith.constant 2.000000e-01 : f32
      %mul3A_180 = vector.broadcast %mul3A_179 : f32 to vector<16xf32>
      %mul3A_181 = arith.mulf %add3A_175, %mul3A_180 : vector<16xf32>
      %select_n3A_182 = arith.select %gt3A_178, %add3A_175, %mul3A_181 : vector<16xi1>, vector<16xf32>
      %sub3A_183 = arith.subf %select_n3A_182, %get3A_31 : vector<16xf32>
      %exp3A_184 = math.exp %sub3A_183 : vector<16xf32>
      %swap3A_185 = arith.constant 32 : index
      %swap3A_186 = tpu.vector_load %arg26[%swap3A_185] {strides = array<i32>} : memref<80xf32, #tpu.memory_space<vmem>>, vector<16xf32>,
      tpu.vector_store %arg26[%swap3A_185], %exp3A_184 {strides = array<i32>} : memref<80xf32, #tpu.memory_space<vmem>>, vector<16xf32>,
      %get3A_187 = arith.constant 48 : index
      %get3A_188 = tpu.vector_load %arg18[%get3A_187] {strides = array<i32>} : memref<80xf32, #tpu.memory_space<vmem>>, vector<16xf32>,
      %get3A_189 = arith.constant 48 : index
      %get3A_190 = tpu.vector_load %arg22[%get3A_189] {strides = array<i32>} : memref<80xf32, #tpu.memory_space<vmem>>, vector<16xf32>,
      %add3A_191 = arith.addf %get3A_188, %get3A_190 : vector<16xf32>
      %gt3A_192 = arith.constant 0.000000e+00 : f32
      %gt3A_193 = vector.broadcast %gt3A_192 : f32 to vector<16xf32>
      %gt3A_194 = arith.cmpf ogt, %add3A_191, %gt3A_193 : vector<16xf32>
      %mul3A_195 = arith.constant 2.000000e-01 : f32
      %mul3A_196 = vector.broadcast %mul3A_195 : f32 to vector<16xf32>
      %mul3A_197 = arith.mulf %add3A_191, %mul3A_196 : vector<16xf32>
      %select_n3A_198 = arith.select %gt3A_194, %add3A_191, %mul3A_197 : vector<16xi1>, vector<16xf32>
      %sub3A_199 = arith.subf %select_n3A_198, %get3A_31 : vector<16xf32>
      %exp3A_200 = math.exp %sub3A_199 : vector<16xf32>
      %swap3A_201 = arith.constant 48 : index
      %swap3A_202 = tpu.vector_load %arg26[%swap3A_201] {strides = array<i32>} : memref<80xf32, #tpu.memory_space<vmem>>, vector<16xf32>,
      tpu.vector_store %arg26[%swap3A_201], %exp3A_200 {strides = array<i32>} : memref<80xf32, #tpu.memory_space<vmem>>, vector<16xf32>,
      %get3A_203 = arith.constant 64 : index
      %get3A_204 = tpu.vector_load %arg18[%get3A_203] {strides = array<i32>} : memref<80xf32, #tpu.memory_space<vmem>>, vector<16xf32>,
      %get3A_205 = arith.constant 64 : index
      %get3A_206 = tpu.vector_load %arg22[%get3A_205] {strides = array<i32>} : memref<80xf32, #tpu.memory_space<vmem>>, vector<16xf32>,
      %add3A_207 = arith.addf %get3A_204, %get3A_206 : vector<16xf32>
      %gt3A_208 = arith.constant 0.000000e+00 : f32
      %gt3A_209 = vector.broadcast %gt3A_208 : f32 to vector<16xf32>
      %gt3A_210 = arith.cmpf ogt, %add3A_207, %gt3A_209 : vector<16xf32>
      %mul3A_211 = arith.constant 2.000000e-01 : f32
      %mul3A_212 = vector.broadcast %mul3A_211 : f32 to vector<16xf32>
      %mul3A_213 = arith.mulf %add3A_207, %mul3A_212 : vector<16xf32>
      %select_n3A_214 = arith.select %gt3A_210, %add3A_207, %mul3A_213 : vector<16xi1>, vector<16xf32>
      %sub3A_215 = arith.subf %select_n3A_214, %get3A_31 : vector<16xf32>
      %exp3A_216 = math.exp %sub3A_215 : vector<16xf32>
      %swap3A_217 = arith.constant 64 : index
      %swap3A_218 = tpu.vector_load %arg26[%swap3A_217] {strides = array<i32>} : memref<80xf32, #tpu.memory_space<vmem>>, vector<16xf32>,
      tpu.vector_store %arg26[%swap3A_217], %exp3A_216 {strides = array<i32>} : memref<80xf32, #tpu.memory_space<vmem>>, vector<16xf32>,
      %scan3A_219 = arith.constant 0 : i32
      %scan3A_220 = arith.constant 0 : i32
      %scan3A_221 = arith.addi %scan3A_219, %scan3A_220 : i32
      %scan3A_222 = arith.constant 0 : i32
      %dma_start3A_223 = arith.constant 0 : i32
      %dma_start3A_224 = arith.constant 0 : i32
      %dma_start3A_225 = tpu.memref_slice %arg42[%dma_start3A_223, %dma_start3A_224] : memref<10240x128xf32, #tpu.memory_space<vmem_shared>> -> memref<80x128xf32, #tpu.memory_space<vmem_shared>>
      %dma_start3A_226 = arith.constant 0 : i32
      %dma_start3A_227 = arith.constant 0 : i32
      %dma_start3A_228 = tpu.memref_slice %arg42[%dma_start3A_226, %dma_start3A_227] : memref<10240x128xf32, #tpu.memory_space<vmem_shared>> -> memref<80x128xf32, #tpu.memory_space<vmem_shared>>
      tpu.enqueue_dma source(%arg30 : memref<80x128xf32, #tpu.memory_space<vmem>>) target(%dma_start3A_228 : memref<80x128xf32, #tpu.memory_space<vmem_shared>>) target_semaphore(%arg38 : memref<!tpu.dma_semaphore, #tpu.memory_space<semaphore_mem>>)
      %dma_start3A_229 = arith.constant 0 : i32
      %dma_start3A_230 = tpu.memref_slice %arg43[%dma_start3A_229] : memref<10240xf32, #tpu.memory_space<vmem_shared>> -> memref<10240xf32, #tpu.memory_space<vmem_shared>>
      tpu.enqueue_indirect_dma source(%arg26 : memref<80xf32, #tpu.memory_space<vmem>>) target(%dma_start3A_230 : memref<10240xf32, #tpu.memory_space<vmem_shared>>) offsets(%arg14 : memref<80xi32, #tpu.memory_space<vmem>>) semaphore(%arg38 : memref<!tpu.dma_semaphore, #tpu.memory_space<semaphore_mem>>) {add = true}
      %get3A_231 = arith.constant 240 : index
      %get3A_232 = tpu.vector_load %arg11[%get3A_231] {strides = array<i32>} : memref<2000xi32, #tpu.memory_space<vmem>>, vector<16xi32>,
      %swap3A_233 = arith.constant 0 : index
      %swap3A_234 = tpu.vector_load %arg17[%swap3A_233] {strides = array<i32>} : memref<80xi32, #tpu.memory_space<vmem>>, vector<16xi32>,
      tpu.vector_store %arg17[%swap3A_233], %get3A_232 {strides = array<i32>} : memref<80xi32, #tpu.memory_space<vmem>>, vector<16xi32>,
      %get3A_235 = arith.constant 256 : index
      %get3A_236 = tpu.vector_load %arg11[%get3A_235] {strides = array<i32>} : memref<2000xi32, #tpu.memory_space<vmem>>, vector<16xi32>,
      %swap3A_237 = arith.constant 16 : index
      %swap3A_238 = tpu.vector_load %arg17[%swap3A_237] {strides = array<i32>} : memref<80xi32, #tpu.memory_space<vmem>>, vector<16xi32>,
      tpu.vector_store %arg17[%swap3A_237], %get3A_236 {strides = array<i32>} : memref<80xi32, #tpu.memory_space<vmem>>, vector<16xi32>,
      %get3A_239 = arith.constant 272 : index
      %get3A_240 = tpu.vector_load %arg11[%get3A_239] {strides = array<i32>} : memref<2000xi32, #tpu.memory_space<vmem>>, vector<16xi32>,
      %swap3A_241 = arith.constant 32 : index
      %swap3A_242 = tpu.vector_load %arg17[%swap3A_241] {strides = array<i32>} : memref<80xi32, #tpu.memory_space<vmem>>, vector<16xi32>,
      tpu.vector_store %arg17[%swap3A_241], %get3A_240 {strides = array<i32>} : memref<80xi32, #tpu.memory_space<vmem>>, vector<16xi32>,
      %get3A_243 = arith.constant 288 : index
      %get3A_244 = tpu.vector_load %arg11[%get3A_243] {strides = array<i32>} : memref<2000xi32, #tpu.memory_space<vmem>>, vector<16xi32>,
      %swap3A_245 = arith.constant 48 : index
      %swap3A_246 = tpu.vector_load %arg17[%swap3A_245] {strides = array<i32>} : memref<80xi32, #tpu.memory_space<vmem>>, vector<16xi32>,
      tpu.vector_store %arg17[%swap3A_245], %get3A_244 {strides = array<i32>} : memref<80xi32, #tpu.memory_space<vmem>>, vector<16xi32>,
      %get3A_247 = arith.constant 304 : index
      %get3A_248 = tpu.vector_load %arg11[%get3A_247] {strides = array<i32>} : memref<2000xi32, #tpu.memory_space<vmem>>, vector<16xi32>,
      %swap3A_249 = arith.constant 64 : index
      %swap3A_250 = tpu.vector_load %arg17[%swap3A_249] {strides = array<i32>} : memref<80xi32, #tpu.memory_space<vmem>>, vector<16xi32>,
      tpu.vector_store %arg17[%swap3A_249], %get3A_248 {strides = array<i32>} : memref<80xi32, #tpu.memory_space<vmem>>, vector<16xi32>,
      %dma_start3A_251 = arith.constant 240 : i32
      %dma_start3A_252 = arith.constant 0 : i32
      %dma_start3A_253 = tpu.memref_slice %arg4[%dma_start3A_251, %dma_start3A_252] : memref<10000x128xf32, #tpu.memory_space<hbm>> -> memref<80x128xf32, #tpu.memory_space<hbm>>
      %dma_start3A_254 = arith.constant 240 : i32
      %dma_start3A_255 = arith.constant 0 : i32
      %dma_start3A_256 = tpu.memref_slice %arg4[%dma_start3A_254, %dma_start3A_255] : memref<10000x128xf32, #tpu.memory_space<hbm>> -> memref<80x128xf32, #tpu.memory_space<hbm>>
      tpu.enqueue_dma source(%dma_start3A_256 : memref<80x128xf32, #tpu.memory_space<hbm>>) target(%arg33 : memref<80x128xf32, #tpu.memory_space<vmem>>) target_semaphore(%arg37 : memref<!tpu.dma_semaphore, #tpu.memory_space<semaphore_mem>>)
      %dma_wait3A_257 = arith.constant 0 : i32
      %dma_wait3A_258 = arith.constant 0 : i32
      %dma_wait3A_259 = tpu.memref_slice %arg4[%dma_wait3A_257, %dma_wait3A_258] : memref<10000x128xf32, #tpu.memory_space<hbm>> -> memref<80x128xf32, #tpu.memory_space<hbm>>
      %dma_wait3A_260 = arith.constant 0 : i32
      %dma_wait3A_261 = arith.constant 0 : i32
      %dma_wait3A_262 = tpu.memref_slice %arg4[%dma_wait3A_260, %dma_wait3A_261] : memref<10000x128xf32, #tpu.memory_space<hbm>> -> memref<80x128xf32, #tpu.memory_space<hbm>>
      tpu.wait_dma2 semaphore(%arg35 : memref<!tpu.dma_semaphore, #tpu.memory_space<semaphore_mem>>) src(%dma_wait3A_262 : memref<80x128xf32, #tpu.memory_space<hbm>>) dst(%arg31 : memref<80x128xf32, #tpu.memory_space<vmem>>)
      %get3A_263 = arith.constant 0 : index
      %get3A_264 = tpu.vector_load %arg19[%get3A_263] {strides = array<i32>} : memref<80xf32, #tpu.memory_space<vmem>>, vector<16xf32>,
      %get3A_265 = arith.constant 0 : index
      %get3A_266 = tpu.vector_load %arg23[%get3A_265] {strides = array<i32>} : memref<80xf32, #tpu.memory_space<vmem>>, vector<16xf32>,
      %add3A_267 = arith.addf %get3A_264, %get3A_266 : vector<16xf32>
      %gt3A_268 = arith.constant 0.000000e+00 : f32
      %gt3A_269 = vector.broadcast %gt3A_268 : f32 to vector<16xf32>
      %gt3A_270 = arith.cmpf ogt, %add3A_267, %gt3A_269 : vector<16xf32>
      %mul3A_271 = arith.constant 2.000000e-01 : f32
      %mul3A_272 = vector.broadcast %mul3A_271 : f32 to vector<16xf32>
      %mul3A_273 = arith.mulf %add3A_267, %mul3A_272 : vector<16xf32>
      %select_n3A_274 = arith.select %gt3A_270, %add3A_267, %mul3A_273 : vector<16xi1>, vector<16xf32>
      %sub3A_275 = arith.subf %select_n3A_274, %get3A_31 : vector<16xf32>
      %exp3A_276 = math.exp %sub3A_275 : vector<16xf32>
      %swap3A_277 = arith.constant 0 : index
      %swap3A_278 = tpu.vector_load %arg27[%swap3A_277] {strides = array<i32>} : memref<80xf32, #tpu.memory_space<vmem>>, vector<16xf32>,
      tpu.vector_store %arg27[%swap3A_277], %exp3A_276 {strides = array<i32>} : memref<80xf32, #tpu.memory_space<vmem>>, vector<16xf32>,
      %get3A_279 = arith.constant 16 : index
      %get3A_280 = tpu.vector_load %arg19[%get3A_279] {strides = array<i32>} : memref<80xf32, #tpu.memory_space<vmem>>, vector<16xf32>,
      %get3A_281 = arith.constant 16 : index
      %get3A_282 = tpu.vector_load %arg23[%get3A_281] {strides = array<i32>} : memref<80xf32, #tpu.memory_space<vmem>>, vector<16xf32>,
      %add3A_283 = arith.addf %get3A_280, %get3A_282 : vector<16xf32>
      %gt3A_284 = arith.constant 0.000000e+00 : f32
      %gt3A_285 = vector.broadcast %gt3A_284 : f32 to vector<16xf32>
      %gt3A_286 = arith.cmpf ogt, %add3A_283, %gt3A_285 : vector<16xf32>
      %mul3A_287 = arith.constant 2.000000e-01 : f32
      %mul3A_288 = vector.broadcast %mul3A_287 : f32 to vector<16xf32>
      %mul3A_289 = arith.mulf %add3A_283, %mul3A_288 : vector<16xf32>
      %select_n3A_290 = arith.select %gt3A_286, %add3A_283, %mul3A_289 : vector<16xi1>, vector<16xf32>
      %sub3A_291 = arith.subf %select_n3A_290, %get3A_31 : vector<16xf32>
      %exp3A_292 = math.exp %sub3A_291 : vector<16xf32>
      %swap3A_293 = arith.constant 16 : index
      %swap3A_294 = tpu.vector_load %arg27[%swap3A_293] {strides = array<i32>} : memref<80xf32, #tpu.memory_space<vmem>>, vector<16xf32>,
      tpu.vector_store %arg27[%swap3A_293], %exp3A_292 {strides = array<i32>} : memref<80xf32, #tpu.memory_space<vmem>>, vector<16xf32>,
      %get3A_295 = arith.constant 32 : index
      %get3A_296 = tpu.vector_load %arg19[%get3A_295] {strides = array<i32>} : memref<80xf32, #tpu.memory_space<vmem>>, vector<16xf32>,
      %get3A_297 = arith.constant 32 : index
      %get3A_298 = tpu.vector_load %arg23[%get3A_297] {strides = array<i32>} : memref<80xf32, #tpu.memory_space<vmem>>, vector<16xf32>,
      %add3A_299 = arith.addf %get3A_296, %get3A_298 : vector<16xf32>
      %gt3A_300 = arith.constant 0.000000e+00 : f32
      %gt3A_301 = vector.broadcast %gt3A_300 : f32 to vector<16xf32>
      %gt3A_302 = arith.cmpf ogt, %add3A_299, %gt3A_301 : vector<16xf32>
      %mul3A_303 = arith.constant 2.000000e-01 : f32
      %mul3A_304 = vector.broadcast %mul3A_303 : f32 to vector<16xf32>
      %mul3A_305 = arith.mulf %add3A_299, %mul3A_304 : vector<16xf32>
      %select_n3A_306 = arith.select %gt3A_302, %add3A_299, %mul3A_305 : vector<16xi1>, vector<16xf32>
      %sub3A_307 = arith.subf %select_n3A_306, %get3A_31 : vector<16xf32>
      %exp3A_308 = math.exp %sub3A_307 : vector<16xf32>
      %swap3A_309 = arith.constant 32 : index
      %swap3A_310 = tpu.vector_load %arg27[%swap3A_309] {strides = array<i32>} : memref<80xf32, #tpu.memory_space<vmem>>, vector<16xf32>,
      tpu.vector_store %arg27[%swap3A_309], %exp3A_308 {strides = array<i32>} : memref<80xf32, #tpu.memory_space<vmem>>, vector<16xf32>,
      %get3A_311 = arith.constant 48 : index
      %get3A_312 = tpu.vector_load %arg19[%get3A_311] {strides = array<i32>} : memref<80xf32, #tpu.memory_space<vmem>>, vector<16xf32>,
      %get3A_313 = arith.constant 48 : index
      %get3A_314 = tpu.vector_load %arg23[%get3A_313] {strides = array<i32>} : memref<80xf32, #tpu.memory_space<vmem>>, vector<16xf32>,
      %add3A_315 = arith.addf %get3A_312, %get3A_314 : vector<16xf32>
      %gt3A_316 = arith.constant 0.000000e+00 : f32
      %gt3A_317 = vector.broadcast %gt3A_316 : f32 to vector<16xf32>
      %gt3A_318 = arith.cmpf ogt, %add3A_315, %gt3A_317 : vector<16xf32>
      %mul3A_319 = arith.constant 2.000000e-01 : f32
      %mul3A_320 = vector.broadcast %mul3A_319 : f32 to vector<16xf32>
      %mul3A_321 = arith.mulf %add3A_315, %mul3A_320 : vector<16xf32>
      %select_n3A_322 = arith.select %gt3A_318, %add3A_315, %mul3A_321 : vector<16xi1>, vector<16xf32>
      %sub3A_323 = arith.subf %select_n3A_322, %get3A_31 : vector<16xf32>
      %exp3A_324 = math.exp %sub3A_323 : vector<16xf32>
      %swap3A_325 = arith.constant 48 : index
      %swap3A_326 = tpu.vector_load %arg27[%swap3A_325] {strides = array<i32>} : memref<80xf32, #tpu.memory_space<vmem>>, vector<16xf32>,
      tpu.vector_store %arg27[%swap3A_325], %exp3A_324 {strides = array<i32>} : memref<80xf32, #tpu.memory_space<vmem>>, vector<16xf32>,
      %get3A_327 = arith.constant 64 : index
      %get3A_328 = tpu.vector_load %arg19[%get3A_327] {strides = array<i32>} : memref<80xf32, #tpu.memory_space<vmem>>, vector<16xf32>,
      %get3A_329 = arith.constant 64 : index
      %get3A_330 = tpu.vector_load %arg23[%get3A_329] {strides = array<i32>} : memref<80xf32, #tpu.memory_space<vmem>>, vector<16xf32>,
      %add3A_331 = arith.addf %get3A_328, %get3A_330 : vector<16xf32>
      %gt3A_332 = arith.constant 0.000000e+00 : f32
      %gt3A_333 = vector.broadcast %gt3A_332 : f32 to vector<16xf32>
      %gt3A_334 = arith.cmpf ogt, %add3A_331, %gt3A_333 : vector<16xf32>
      %mul3A_335 = arith.constant 2.000000e-01 : f32
      %mul3A_336 = vector.broadcast %mul3A_335 : f32 to vector<16xf32>
      %mul3A_337 = arith.mulf %add3A_331, %mul3A_336 : vector<16xf32>
      %select_n3A_338 = arith.select %gt3A_334, %add3A_331, %mul3A_337 : vector<16xi1>, vector<16xf32>
      %sub3A_339 = arith.subf %select_n3A_338, %get3A_31 : vector<16xf32>
      %exp3A_340 = math.exp %sub3A_339 : vector<16xf32>
      %swap3A_341 = arith.constant 64 : index
      %swap3A_342 = tpu.vector_load %arg27[%swap3A_341] {strides = array<i32>} : memref<80xf32, #tpu.memory_space<vmem>>, vector<16xf32>,
      tpu.vector_store %arg27[%swap3A_341], %exp3A_340 {strides = array<i32>} : memref<80xf32, #tpu.memory_space<vmem>>, vector<16xf32>,
      %scan3A_343 = arith.constant 0 : i32
      %scan3A_344 = arith.constant 0 : i32
      %scan3A_345 = arith.addi %scan3A_343, %scan3A_344 : i32
      %scan3A_346 = arith.constant 0 : i32
      %dma_start3A_347 = arith.constant 0 : i32
      %dma_start3A_348 = arith.constant 0 : i32
      %dma_start3A_349 = tpu.memref_slice %arg42[%dma_start3A_347, %dma_start3A_348] : memref<10240x128xf32, #tpu.memory_space<vmem_shared>> -> memref<80x128xf32, #tpu.memory_space<vmem_shared>>
      %dma_start3A_350 = arith.constant 0 : i32
      %dma_start3A_351 = arith.constant 0 : i32
      %dma_start3A_352 = tpu.memref_slice %arg42[%dma_start3A_350, %dma_start3A_351] : memref<10240x128xf32, #tpu.memory_space<vmem_shared>> -> memref<80x128xf32, #tpu.memory_space<vmem_shared>>
      tpu.enqueue_dma source(%arg31 : memref<80x128xf32, #tpu.memory_space<vmem>>) target(%dma_start3A_352 : memref<80x128xf32, #tpu.memory_space<vmem_shared>>) target_semaphore(%arg39 : memref<!tpu.dma_semaphore, #tpu.memory_space<semaphore_mem>>)
      %dma_start3A_353 = arith.constant 0 : i32
      %dma_start3A_354 = tpu.memref_slice %arg43[%dma_start3A_353] : memref<10240xf32, #tpu.memory_space<vmem_shared>> -> memref<10240xf32, #tpu.memory_space<vmem_shared>>
      tpu.enqueue_indirect_dma source(%arg27 : memref<80xf32, #tpu.memory_space<vmem>>) target(%dma_start3A_354 : memref<10240xf32, #tpu.memory_space<vmem_shared>>) offsets(%arg15 : memref<80xi32, #tpu.memory_space<vmem>>) semaphore(%arg39 : memref<!tpu.dma_semaphore, #tpu.memory_space<semaphore_mem>>) {add = true}
      %scan3A_355 = arith.constant 0 : i32
      %scan3A_356 = arith.constant 5 : i32
      %scan3A_357 = arith.addi %scan3A_355, %scan3A_356 : i32
      %scan3A_358 = arith.constant 1 : i32
      scf.for %scan3A_705 = %scan3A_355 to %scan3A_357 step %scan3A_358  : i32 {
        %mul3A_706 = arith.constant 1 : i32
        %mul3A_707 = arith.muli %scan3A_705, %mul3A_706 : i32
        %add3A_708 = arith.constant 0 : i32
        %add3A_709 = arith.addi %add3A_708, %mul3A_707 : i32
        %mul3A_710 = arith.constant 4 : i32
        %mul3A_711 = arith.muli %mul3A_710, %add3A_709 : i32
        %add3A_712 = arith.constant 2 : i32
        %add3A_713 = arith.addi %mul3A_711, %add3A_712 : i32
        %add3A_714 = arith.constant 0 : i32
        %add3A_715 = arith.addi %add3A_713, %add3A_714 : i32
        %dma_wait3A_716 = arith.constant 0 : i32
        %dma_wait3A_717 = arith.constant 0 : i32
        %dma_wait3A_718 = tpu.memref_slice %arg42[%dma_wait3A_716, %dma_wait3A_717] : memref<10240x128xf32, #tpu.memory_space<vmem_shared>> -> memref<10240x128xf32, #tpu.memory_space<vmem_shared>>
        tpu.wait_indirect_dma semaphore(%arg38 : memref<!tpu.dma_semaphore, #tpu.memory_space<semaphore_mem>>) src(%arg30 : memref<80x128xf32, #tpu.memory_space<vmem>>) dst(%dma_wait3A_718 : memref<10240x128xf32, #tpu.memory_space<vmem_shared>>)
        %dma_wait3A_719 = arith.constant 0 : i32
        %dma_wait3A_720 = tpu.memref_slice %arg43[%dma_wait3A_719] : memref<10240xf32, #tpu.memory_space<vmem_shared>> -> memref<10240xf32, #tpu.memory_space<vmem_shared>>
        tpu.wait_indirect_dma semaphore(%arg38 : memref<!tpu.dma_semaphore, #tpu.memory_space<semaphore_mem>>) src(%arg26 : memref<80xf32, #tpu.memory_space<vmem>>) dst(%dma_wait3A_720 : memref<10240xf32, #tpu.memory_space<vmem_shared>>)
        %add3A_721 = arith.constant 2 : i32
        %add3A_722 = arith.addi %add3A_715, %add3A_721 : i32
        %mul3A_723 = arith.constant 80 : i32
        %mul3A_724 = arith.muli %add3A_722, %mul3A_723 : i32
        %add3A_725 = arith.constant 0 : i32
        %add3A_726 = arith.addi %mul3A_724, %add3A_725 : i32
        %get3A_727 = arith.index_cast %add3A_726 : i32 to index
        %get3A_728 = tpu.vector_load %arg11[%get3A_727] {strides = array<i32>} : memref<2000xi32, #tpu.memory_space<vmem>>, vector<16xi32>,
        %swap3A_729 = arith.constant 0 : index
        %swap3A_730 = tpu.vector_load %arg14[%swap3A_729] {strides = array<i32>} : memref<80xi32, #tpu.memory_space<vmem>>, vector<16xi32>,
        tpu.vector_store %arg14[%swap3A_729], %get3A_728 {strides = array<i32>} : memref<80xi32, #tpu.memory_space<vmem>>, vector<16xi32>,
        %add3A_731 = arith.constant 16 : i32
        %add3A_732 = arith.addi %mul3A_724, %add3A_731 : i32
        %get3A_733 = arith.index_cast %add3A_732 : i32 to index
        %get3A_734 = tpu.vector_load %arg11[%get3A_733] {strides = array<i32>} : memref<2000xi32, #tpu.memory_space<vmem>>, vector<16xi32>,
        %swap3A_735 = arith.constant 16 : index
        %swap3A_736 = tpu.vector_load %arg14[%swap3A_735] {strides = array<i32>} : memref<80xi32, #tpu.memory_space<vmem>>, vector<16xi32>,
        tpu.vector_store %arg14[%swap3A_735], %get3A_734 {strides = array<i32>} : memref<80xi32, #tpu.memory_space<vmem>>, vector<16xi32>,
        %add3A_737 = arith.constant 32 : i32
        %add3A_738 = arith.addi %mul3A_724, %add3A_737 : i32
        %get3A_739 = arith.index_cast %add3A_738 : i32 to index
        %get3A_740 = tpu.vector_load %arg11[%get3A_739] {strides = array<i32>} : memref<2000xi32, #tpu.memory_space<vmem>>, vector<16xi32>,
        %swap3A_741 = arith.constant 32 : index
        %swap3A_742 = tpu.vector_load %arg14[%swap3A_741] {strides = array<i32>} : memref<80xi32, #tpu.memory_space<vmem>>, vector<16xi32>,
        tpu.vector_store %arg14[%swap3A_741], %get3A_740 {strides = array<i32>} : memref<80xi32, #tpu.memory_space<vmem>>, vector<16xi32>,
        %add3A_743 = arith.constant 48 : i32
        %add3A_744 = arith.addi %mul3A_724, %add3A_743 : i32
        %get3A_745 = arith.index_cast %add3A_744 : i32 to index
        %get3A_746 = tpu.vector_load %arg11[%get3A_745] {strides = array<i32>} : memref<2000xi32, #tpu.memory_space<vmem>>, vector<16xi32>,
        %swap3A_747 = arith.constant 48 : index
        %swap3A_748 = tpu.vector_load %arg14[%swap3A_747] {strides = array<i32>} : memref<80xi32, #tpu.memory_space<vmem>>, vector<16xi32>,
        tpu.vector_store %arg14[%swap3A_747], %get3A_746 {strides = array<i32>} : memref<80xi32, #tpu.memory_space<vmem>>, vector<16xi32>,
        %add3A_749 = arith.constant 64 : i32
        %add3A_750 = arith.addi %mul3A_724, %add3A_749 : i32
        %get3A_751 = arith.index_cast %add3A_750 : i32 to index
        %get3A_752 = tpu.vector_load %arg11[%get3A_751] {strides = array<i32>} : memref<2000xi32, #tpu.memory_space<vmem>>, vector<16xi32>,
        %swap3A_753 = arith.constant 64 : index
        %swap3A_754 = tpu.vector_load %arg14[%swap3A_753] {strides = array<i32>} : memref<80xi32, #tpu.memory_space<vmem>>, vector<16xi32>,
        tpu.vector_store %arg14[%swap3A_753], %get3A_752 {strides = array<i32>} : memref<80xi32, #tpu.memory_space<vmem>>, vector<16xi32>,
        %dma_start3A_755 = arith.constant 0 : i32
        %dma_start3A_756 = tpu.memref_slice %arg4[%mul3A_724, %dma_start3A_755] : memref<10000x128xf32, #tpu.memory_space<hbm>> -> memref<80x128xf32, #tpu.memory_space<hbm>>
        %dma_start3A_757 = arith.constant 0 : i32
        %dma_start3A_758 = tpu.memref_slice %arg4[%mul3A_724, %dma_start3A_757] : memref<10000x128xf32, #tpu.memory_space<hbm>> -> memref<80x128xf32, #tpu.memory_space<hbm>>
        tpu.enqueue_dma source(%dma_start3A_758 : memref<80x128xf32, #tpu.memory_space<hbm>>) target(%arg30 : memref<80x128xf32, #tpu.memory_space<vmem>>) target_semaphore(%arg34 : memref<!tpu.dma_semaphore, #tpu.memory_space<semaphore_mem>>)
        %dma_wait3A_759 = arith.constant 0 : i32
        %dma_wait3A_760 = arith.constant 0 : i32
        %dma_wait3A_761 = tpu.memref_slice %arg4[%dma_wait3A_759, %dma_wait3A_760] : memref<10000x128xf32, #tpu.memory_space<hbm>> -> memref<80x128xf32, #tpu.memory_space<hbm>>
        %dma_wait3A_762 = arith.constant 0 : i32
        %dma_wait3A_763 = arith.constant 0 : i32
        %dma_wait3A_764 = tpu.memref_slice %arg4[%dma_wait3A_762, %dma_wait3A_763] : memref<10000x128xf32, #tpu.memory_space<hbm>> -> memref<80x128xf32, #tpu.memory_space<hbm>>
        tpu.wait_dma2 semaphore(%arg36 : memref<!tpu.dma_semaphore, #tpu.memory_space<semaphore_mem>>) src(%dma_wait3A_764 : memref<80x128xf32, #tpu.memory_space<hbm>>) dst(%arg32 : memref<80x128xf32, #tpu.memory_space<vmem>>)
        %get3A_765 = arith.constant 0 : index
        %get3A_766 = tpu.vector_load %arg20[%get3A_765] {strides = array<i32>} : memref<80xf32, #tpu.memory_space<vmem>>, vector<16xf32>,
        %get3A_767 = arith.constant 0 : index
        %get3A_768 = tpu.vector_load %arg24[%get3A_767] {strides = array<i32>} : memref<80xf32, #tpu.memory_space<vmem>>, vector<16xf32>,
        %add3A_769 = arith.addf %get3A_766, %get3A_768 : vector<16xf32>
        %gt3A_770 = arith.constant 0.000000e+00 : f32
        %gt3A_771 = vector.broadcast %gt3A_770 : f32 to vector<16xf32>
        %gt3A_772 = arith.cmpf ogt, %add3A_769, %gt3A_771 : vector<16xf32>
        %mul3A_773 = arith.constant 2.000000e-01 : f32
        %mul3A_774 = vector.broadcast %mul3A_773 : f32 to vector<16xf32>
        %mul3A_775 = arith.mulf %add3A_769, %mul3A_774 : vector<16xf32>
        %select_n3A_776 = arith.select %gt3A_772, %add3A_769, %mul3A_775 : vector<16xi1>, vector<16xf32>
        %sub3A_777 = arith.subf %select_n3A_776, %get3A_31 : vector<16xf32>
        %exp3A_778 = math.exp %sub3A_777 : vector<16xf32>
        %swap3A_779 = arith.constant 0 : index
        %swap3A_780 = tpu.vector_load %arg28[%swap3A_779] {strides = array<i32>} : memref<80xf32, #tpu.memory_space<vmem>>, vector<16xf32>,
        tpu.vector_store %arg28[%swap3A_779], %exp3A_778 {strides = array<i32>} : memref<80xf32, #tpu.memory_space<vmem>>, vector<16xf32>,
        %get3A_781 = arith.constant 16 : index
        %get3A_782 = tpu.vector_load %arg20[%get3A_781] {strides = array<i32>} : memref<80xf32, #tpu.memory_space<vmem>>, vector<16xf32>,
        %get3A_783 = arith.constant 16 : index
        %get3A_784 = tpu.vector_load %arg24[%get3A_783] {strides = array<i32>} : memref<80xf32, #tpu.memory_space<vmem>>, vector<16xf32>,
        %add3A_785 = arith.addf %get3A_782, %get3A_784 : vector<16xf32>
        %gt3A_786 = arith.constant 0.000000e+00 : f32
        %gt3A_787 = vector.broadcast %gt3A_786 : f32 to vector<16xf32>
        %gt3A_788 = arith.cmpf ogt, %add3A_785, %gt3A_787 : vector<16xf32>
        %mul3A_789 = arith.constant 2.000000e-01 : f32
        %mul3A_790 = vector.broadcast %mul3A_789 : f32 to vector<16xf32>
        %mul3A_791 = arith.mulf %add3A_785, %mul3A_790 : vector<16xf32>
        %select_n3A_792 = arith.select %gt3A_788, %add3A_785, %mul3A_791 : vector<16xi1>, vector<16xf32>
        %sub3A_793 = arith.subf %select_n3A_792, %get3A_31 : vector<16xf32>
        %exp3A_794 = math.exp %sub3A_793 : vector<16xf32>
        %swap3A_795 = arith.constant 16 : index
        %swap3A_796 = tpu.vector_load %arg28[%swap3A_795] {strides = array<i32>} : memref<80xf32, #tpu.memory_space<vmem>>, vector<16xf32>,
        tpu.vector_store %arg28[%swap3A_795], %exp3A_794 {strides = array<i32>} : memref<80xf32, #tpu.memory_space<vmem>>, vector<16xf32>,
        %get3A_797 = arith.constant 32 : index
        %get3A_798 = tpu.vector_load %arg20[%get3A_797] {strides = array<i32>} : memref<80xf32, #tpu.memory_space<vmem>>, vector<16xf32>,
        %get3A_799 = arith.constant 32 : index
        %get3A_800 = tpu.vector_load %arg24[%get3A_799] {strides = array<i32>} : memref<80xf32, #tpu.memory_space<vmem>>, vector<16xf32>,
        %add3A_801 = arith.addf %get3A_798, %get3A_800 : vector<16xf32>
        %gt3A_802 = arith.constant 0.000000e+00 : f32
        %gt3A_803 = vector.broadcast %gt3A_802 : f32 to vector<16xf32>
        %gt3A_804 = arith.cmpf ogt, %add3A_801, %gt3A_803 : vector<16xf32>
        %mul3A_805 = arith.constant 2.000000e-01 : f32
        %mul3A_806 = vector.broadcast %mul3A_805 : f32 to vector<16xf32>
        %mul3A_807 = arith.mulf %add3A_801, %mul3A_806 : vector<16xf32>
        %select_n3A_808 = arith.select %gt3A_804, %add3A_801, %mul3A_807 : vector<16xi1>, vector<16xf32>
        %sub3A_809 = arith.subf %select_n3A_808, %get3A_31 : vector<16xf32>
        %exp3A_810 = math.exp %sub3A_809 : vector<16xf32>
        %swap3A_811 = arith.constant 32 : index
        %swap3A_812 = tpu.vector_load %arg28[%swap3A_811] {strides = array<i32>} : memref<80xf32, #tpu.memory_space<vmem>>, vector<16xf32>,
        tpu.vector_store %arg28[%swap3A_811], %exp3A_810 {strides = array<i32>} : memref<80xf32, #tpu.memory_space<vmem>>, vector<16xf32>,
        %get3A_813 = arith.constant 48 : index
        %get3A_814 = tpu.vector_load %arg20[%get3A_813] {strides = array<i32>} : memref<80xf32, #tpu.memory_space<vmem>>, vector<16xf32>,
        %get3A_815 = arith.constant 48 : index
        %get3A_816 = tpu.vector_load %arg24[%get3A_815] {strides = array<i32>} : memref<80xf32, #tpu.memory_space<vmem>>, vector<16xf32>,
        %add3A_817 = arith.addf %get3A_814, %get3A_816 : vector<16xf32>
        %gt3A_818 = arith.constant 0.000000e+00 : f32
        %gt3A_819 = vector.broadcast %gt3A_818 : f32 to vector<16xf32>
        %gt3A_820 = arith.cmpf ogt, %add3A_817, %gt3A_819 : vector<16xf32>
        %mul3A_821 = arith.constant 2.000000e-01 : f32
        %mul3A_822 = vector.broadcast %mul3A_821 : f32 to vector<16xf32>
        %mul3A_823 = arith.mulf %add3A_817, %mul3A_822 : vector<16xf32>
        %select_n3A_824 = arith.select %gt3A_820, %add3A_817, %mul3A_823 : vector<16xi1>, vector<16xf32>
        %sub3A_825 = arith.subf %select_n3A_824, %get3A_31 : vector<16xf32>
        %exp3A_826 = math.exp %sub3A_825 : vector<16xf32>
        %swap3A_827 = arith.constant 48 : index
        %swap3A_828 = tpu.vector_load %arg28[%swap3A_827] {strides = array<i32>} : memref<80xf32, #tpu.memory_space<vmem>>, vector<16xf32>,
        tpu.vector_store %arg28[%swap3A_827], %exp3A_826 {strides = array<i32>} : memref<80xf32, #tpu.memory_space<vmem>>, vector<16xf32>,
        %get3A_829 = arith.constant 64 : index
        %get3A_830 = tpu.vector_load %arg20[%get3A_829] {strides = array<i32>} : memref<80xf32, #tpu.memory_space<vmem>>, vector<16xf32>,
        %get3A_831 = arith.constant 64 : index
        %get3A_832 = tpu.vector_load %arg24[%get3A_831] {strides = array<i32>} : memref<80xf32, #tpu.memory_space<vmem>>, vector<16xf32>,
        %add3A_833 = arith.addf %get3A_830, %get3A_832 : vector<16xf32>
        %gt3A_834 = arith.constant 0.000000e+00 : f32
        %gt3A_835 = vector.broadcast %gt3A_834 : f32 to vector<16xf32>
        %gt3A_836 = arith.cmpf ogt, %add3A_833, %gt3A_835 : vector<16xf32>
        %mul3A_837 = arith.constant 2.000000e-01 : f32
        %mul3A_838 = vector.broadcast %mul3A_837 : f32 to vector<16xf32>
        %mul3A_839 = arith.mulf %add3A_833, %mul3A_838 : vector<16xf32>
        %select_n3A_840 = arith.select %gt3A_836, %add3A_833, %mul3A_839 : vector<16xi1>, vector<16xf32>
        %sub3A_841 = arith.subf %select_n3A_840, %get3A_31 : vector<16xf32>
        %exp3A_842 = math.exp %sub3A_841 : vector<16xf32>
        %swap3A_843 = arith.constant 64 : index
        %swap3A_844 = tpu.vector_load %arg28[%swap3A_843] {strides = array<i32>} : memref<80xf32, #tpu.memory_space<vmem>>, vector<16xf32>,
        tpu.vector_store %arg28[%swap3A_843], %exp3A_842 {strides = array<i32>} : memref<80xf32, #tpu.memory_space<vmem>>, vector<16xf32>,
        %scan3A_845 = arith.constant 0 : i32
        %scan3A_846 = arith.constant 0 : i32
        %scan3A_847 = arith.addi %scan3A_845, %scan3A_846 : i32
        %scan3A_848 = arith.constant 0 : i32
        %dma_start3A_849 = arith.constant 0 : i32
        %dma_start3A_850 = arith.constant 0 : i32
        %dma_start3A_851 = tpu.memref_slice %arg42[%dma_start3A_849, %dma_start3A_850] : memref<10240x128xf32, #tpu.memory_space<vmem_shared>> -> memref<80x128xf32, #tpu.memory_space<vmem_shared>>
        %dma_start3A_852 = arith.constant 0 : i32
        %dma_start3A_853 = arith.constant 0 : i32
        %dma_start3A_854 = tpu.memref_slice %arg42[%dma_start3A_852, %dma_start3A_853] : memref<10240x128xf32, #tpu.memory_space<vmem_shared>> -> memref<80x128xf32, #tpu.memory_space<vmem_shared>>
        tpu.enqueue_dma source(%arg32 : memref<80x128xf32, #tpu.memory_space<vmem>>) target(%dma_start3A_854 : memref<80x128xf32, #tpu.memory_space<vmem_shared>>) target_semaphore(%arg40 : memref<!tpu.dma_semaphore, #tpu.memory_space<semaphore_mem>>)
        %dma_start3A_855 = arith.constant 0 : i32
        %dma_start3A_856 = tpu.memref_slice %arg43[%dma_start3A_855] : memref<10240xf32, #tpu.memory_space<vmem_shared>> -> memref<10240xf32, #tpu.memory_space<vmem_shared>>
        tpu.enqueue_indirect_dma source(%arg28 : memref<80xf32, #tpu.memory_space<vmem>>) target(%dma_start3A_856 : memref<10240xf32, #tpu.memory_space<vmem_shared>>) offsets(%arg16 : memref<80xi32, #tpu.memory_space<vmem>>) semaphore(%arg40 : memref<!tpu.dma_semaphore, #tpu.memory_space<semaphore_mem>>) {add = true}
        %mul3A_857 = arith.constant 4 : i32
        %mul3A_858 = arith.muli %mul3A_857, %add3A_709 : i32
        %add3A_859 = arith.constant 2 : i32
        %add3A_860 = arith.addi %mul3A_858, %add3A_859 : i32
        %add3A_861 = arith.constant 1 : i32
        %add3A_862 = arith.addi %add3A_860, %add3A_861 : i32
        %dma_wait3A_863 = arith.constant 0 : i32
        %dma_wait3A_864 = arith.constant 0 : i32
        %dma_wait3A_865 = tpu.memref_slice %arg42[%dma_wait3A_863, %dma_wait3A_864] : memref<10240x128xf32, #tpu.memory_space<vmem_shared>> -> memref<10240x128xf32, #tpu.memory_space<vmem_shared>>
        tpu.wait_indirect_dma semaphore(%arg39 : memref<!tpu.dma_semaphore, #tpu.memory_space<semaphore_mem>>) src(%arg31 : memref<80x128xf32, #tpu.memory_space<vmem>>) dst(%dma_wait3A_865 : memref<10240x128xf32, #tpu.memory_space<vmem_shared>>)
        %dma_wait3A_866 = arith.constant 0 : i32
        %dma_wait3A_867 = tpu.memref_slice %arg43[%dma_wait3A_866] : memref<10240xf32, #tpu.memory_space<vmem_shared>> -> memref<10240xf32, #tpu.memory_space<vmem_shared>>
        tpu.wait_indirect_dma semaphore(%arg39 : memref<!tpu.dma_semaphore, #tpu.memory_space<semaphore_mem>>) src(%arg27 : memref<80xf32, #tpu.memory_space<vmem>>) dst(%dma_wait3A_867 : memref<10240xf32, #tpu.memory_space<vmem_shared>>)
        %add3A_868 = arith.constant 2 : i32
        %add3A_869 = arith.addi %add3A_862, %add3A_868 : i32
        %mul3A_870 = arith.constant 80 : i32
        %mul3A_871 = arith.muli %add3A_869, %mul3A_870 : i32
        %add3A_872 = arith.constant 0 : i32
        %add3A_873 = arith.addi %mul3A_871, %add3A_872 : i32
        %get3A_874 = arith.index_cast %add3A_873 : i32 to index
        %get3A_875 = tpu.vector_load %arg11[%get3A_874] {strides = array<i32>} : memref<2000xi32, #tpu.memory_space<vmem>>, vector<16xi32>,
        %swap3A_876 = arith.constant 0 : index
        %swap3A_877 = tpu.vector_load %arg15[%swap3A_876] {strides = array<i32>} : memref<80xi32, #tpu.memory_space<vmem>>, vector<16xi32>,
        tpu.vector_store %arg15[%swap3A_876], %get3A_875 {strides = array<i32>} : memref<80xi32, #tpu.memory_space<vmem>>, vector<16xi32>,
        %add3A_878 = arith.constant 16 : i32
        %add3A_879 = arith.addi %mul3A_871, %add3A_878 : i32
        %get3A_880 = arith.index_cast %add3A_879 : i32 to index
        %get3A_881 = tpu.vector_load %arg11[%get3A_880] {strides = array<i32>} : memref<2000xi32, #tpu.memory_space<vmem>>, vector<16xi32>,
        %swap3A_882 = arith.constant 16 : index
        %swap3A_883 = tpu.vector_load %arg15[%swap3A_882] {strides = array<i32>} : memref<80xi32, #tpu.memory_space<vmem>>, vector<16xi32>,
        tpu.vector_store %arg15[%swap3A_882], %get3A_881 {strides = array<i32>} : memref<80xi32, #tpu.memory_space<vmem>>, vector<16xi32>,
        %add3A_884 = arith.constant 32 : i32
        %add3A_885 = arith.addi %mul3A_871, %add3A_884 : i32
        %get3A_886 = arith.index_cast %add3A_885 : i32 to index
        %get3A_887 = tpu.vector_load %arg11[%get3A_886] {strides = array<i32>} : memref<2000xi32, #tpu.memory_space<vmem>>, vector<16xi32>,
        %swap3A_888 = arith.constant 32 : index
        %swap3A_889 = tpu.vector_load %arg15[%swap3A_888] {strides = array<i32>} : memref<80xi32, #tpu.memory_space<vmem>>, vector<16xi32>,
        tpu.vector_store %arg15[%swap3A_888], %get3A_887 {strides = array<i32>} : memref<80xi32, #tpu.memory_space<vmem>>, vector<16xi32>,
        %add3A_890 = arith.constant 48 : i32
        %add3A_891 = arith.addi %mul3A_871, %add3A_890 : i32
        %get3A_892 = arith.index_cast %add3A_891 : i32 to index
        %get3A_893 = tpu.vector_load %arg11[%get3A_892] {strides = array<i32>} : memref<2000xi32, #tpu.memory_space<vmem>>, vector<16xi32>,
        %swap3A_894 = arith.constant 48 : index
        %swap3A_895 = tpu.vector_load %arg15[%swap3A_894] {strides = array<i32>} : memref<80xi32, #tpu.memory_space<vmem>>, vector<16xi32>,
        tpu.vector_store %arg15[%swap3A_894], %get3A_893 {strides = array<i32>} : memref<80xi32, #tpu.memory_space<vmem>>, vector<16xi32>,
        %add3A_896 = arith.constant 64 : i32
        %add3A_897 = arith.addi %mul3A_871, %add3A_896 : i32
        %get3A_898 = arith.index_cast %add3A_897 : i32 to index
        %get3A_899 = tpu.vector_load %arg11[%get3A_898] {strides = array<i32>} : memref<2000xi32, #tpu.memory_space<vmem>>, vector<16xi32>,
        %swap3A_900 = arith.constant 64 : index
        %swap3A_901 = tpu.vector_load %arg15[%swap3A_900] {strides = array<i32>} : memref<80xi32, #tpu.memory_space<vmem>>, vector<16xi32>,
        tpu.vector_store %arg15[%swap3A_900], %get3A_899 {strides = array<i32>} : memref<80xi32, #tpu.memory_space<vmem>>, vector<16xi32>,
        %dma_start3A_902 = arith.constant 0 : i32
        %dma_start3A_903 = tpu.memref_slice %arg4[%mul3A_871, %dma_start3A_902] : memref<10000x128xf32, #tpu.memory_space<hbm>> -> memref<80x128xf32, #tpu.memory_space<hbm>>
        %dma_start3A_904 = arith.constant 0 : i32
        %dma_start3A_905 = tpu.memref_slice %arg4[%mul3A_871, %dma_start3A_904] : memref<10000x128xf32, #tpu.memory_space<hbm>> -> memref<80x128xf32, #tpu.memory_space<hbm>>
        tpu.enqueue_dma source(%dma_start3A_905 : memref<80x128xf32, #tpu.memory_space<hbm>>) target(%arg31 : memref<80x128xf32, #tpu.memory_space<vmem>>) target_semaphore(%arg35 : memref<!tpu.dma_semaphore, #tpu.memory_space<semaphore_mem>>)
        %dma_wait3A_906 = arith.constant 0 : i32
        %dma_wait3A_907 = arith.constant 0 : i32
        %dma_wait3A_908 = tpu.memref_slice %arg4[%dma_wait3A_906, %dma_wait3A_907] : memref<10000x128xf32, #tpu.memory_space<hbm>> -> memref<80x128xf32, #tpu.memory_space<hbm>>
        %dma_wait3A_909 = arith.constant 0 : i32
        %dma_wait3A_910 = arith.constant 0 : i32
        %dma_wait3A_911 = tpu.memref_slice %arg4[%dma_wait3A_909, %dma_wait3A_910] : memref<10000x128xf32, #tpu.memory_space<hbm>> -> memref<80x128xf32, #tpu.memory_space<hbm>>
        tpu.wait_dma2 semaphore(%arg37 : memref<!tpu.dma_semaphore, #tpu.memory_space<semaphore_mem>>) src(%dma_wait3A_911 : memref<80x128xf32, #tpu.memory_space<hbm>>) dst(%arg33 : memref<80x128xf32, #tpu.memory_space<vmem>>)
        %get3A_912 = arith.constant 0 : index
        %get3A_913 = tpu.vector_load %arg21[%get3A_912] {strides = array<i32>} : memref<80xf32, #tpu.memory_space<vmem>>, vector<16xf32>,
        %get3A_914 = arith.constant 0 : index
        %get3A_915 = tpu.vector_load %arg25[%get3A_914] {strides = array<i32>} : memref<80xf32, #tpu.memory_space<vmem>>, vector<16xf32>,
        %add3A_916 = arith.addf %get3A_913, %get3A_915 : vector<16xf32>
        %gt3A_917 = arith.constant 0.000000e+00 : f32
        %gt3A_918 = vector.broadcast %gt3A_917 : f32 to vector<16xf32>
        %gt3A_919 = arith.cmpf ogt, %add3A_916, %gt3A_918 : vector<16xf32>
        %mul3A_920 = arith.constant 2.000000e-01 : f32
        %mul3A_921 = vector.broadcast %mul3A_920 : f32 to vector<16xf32>
        %mul3A_922 = arith.mulf %add3A_916, %mul3A_921 : vector<16xf32>
        %select_n3A_923 = arith.select %gt3A_919, %add3A_916, %mul3A_922 : vector<16xi1>, vector<16xf32>
        %sub3A_924 = arith.subf %select_n3A_923, %get3A_31 : vector<16xf32>
        %exp3A_925 = math.exp %sub3A_924 : vector<16xf32>
        %swap3A_926 = arith.constant 0 : index
        %swap3A_927 = tpu.vector_load %arg29[%swap3A_926] {strides = array<i32>} : memref<80xf32, #tpu.memory_space<vmem>>, vector<16xf32>,
        tpu.vector_store %arg29[%swap3A_926], %exp3A_925 {strides = array<i32>} : memref<80xf32, #tpu.memory_space<vmem>>, vector<16xf32>,
        %get3A_928 = arith.constant 16 : index
        %get3A_929 = tpu.vector_load %arg21[%get3A_928] {strides = array<i32>} : memref<80xf32, #tpu.memory_space<vmem>>, vector<16xf32>,
        %get3A_930 = arith.constant 16 : index
        %get3A_931 = tpu.vector_load %arg25[%get3A_930] {strides = array<i32>} : memref<80xf32, #tpu.memory_space<vmem>>, vector<16xf32>,
        %add3A_932 = arith.addf %get3A_929, %get3A_931 : vector<16xf32>
        %gt3A_933 = arith.constant 0.000000e+00 : f32
        %gt3A_934 = vector.broadcast %gt3A_933 : f32 to vector<16xf32>
        %gt3A_935 = arith.cmpf ogt, %add3A_932, %gt3A_934 : vector<16xf32>
        %mul3A_936 = arith.constant 2.000000e-01 : f32
        %mul3A_937 = vector.broadcast %mul3A_936 : f32 to vector<16xf32>
        %mul3A_938 = arith.mulf %add3A_932, %mul3A_937 : vector<16xf32>
        %select_n3A_939 = arith.select %gt3A_935, %add3A_932, %mul3A_938 : vector<16xi1>, vector<16xf32>
        %sub3A_940 = arith.subf %select_n3A_939, %get3A_31 : vector<16xf32>
        %exp3A_941 = math.exp %sub3A_940 : vector<16xf32>
        %swap3A_942 = arith.constant 16 : index
        %swap3A_943 = tpu.vector_load %arg29[%swap3A_942] {strides = array<i32>} : memref<80xf32, #tpu.memory_space<vmem>>, vector<16xf32>,
        tpu.vector_store %arg29[%swap3A_942], %exp3A_941 {strides = array<i32>} : memref<80xf32, #tpu.memory_space<vmem>>, vector<16xf32>,
        %get3A_944 = arith.constant 32 : index
        %get3A_945 = tpu.vector_load %arg21[%get3A_944] {strides = array<i32>} : memref<80xf32, #tpu.memory_space<vmem>>, vector<16xf32>,
        %get3A_946 = arith.constant 32 : index
        %get3A_947 = tpu.vector_load %arg25[%get3A_946] {strides = array<i32>} : memref<80xf32, #tpu.memory_space<vmem>>, vector<16xf32>,
        %add3A_948 = arith.addf %get3A_945, %get3A_947 : vector<16xf32>
        %gt3A_949 = arith.constant 0.000000e+00 : f32
        %gt3A_950 = vector.broadcast %gt3A_949 : f32 to vector<16xf32>
        %gt3A_951 = arith.cmpf ogt, %add3A_948, %gt3A_950 : vector<16xf32>
        %mul3A_952 = arith.constant 2.000000e-01 : f32
        %mul3A_953 = vector.broadcast %mul3A_952 : f32 to vector<16xf32>
        %mul3A_954 = arith.mulf %add3A_948, %mul3A_953 : vector<16xf32>
        %select_n3A_955 = arith.select %gt3A_951, %add3A_948, %mul3A_954 : vector<16xi1>, vector<16xf32>
        %sub3A_956 = arith.subf %select_n3A_955, %get3A_31 : vector<16xf32>
        %exp3A_957 = math.exp %sub3A_956 : vector<16xf32>
        %swap3A_958 = arith.constant 32 : index
        %swap3A_959 = tpu.vector_load %arg29[%swap3A_958] {strides = array<i32>} : memref<80xf32, #tpu.memory_space<vmem>>, vector<16xf32>,
        tpu.vector_store %arg29[%swap3A_958], %exp3A_957 {strides = array<i32>} : memref<80xf32, #tpu.memory_space<vmem>>, vector<16xf32>,
        %get3A_960 = arith.constant 48 : index
        %get3A_961 = tpu.vector_load %arg21[%get3A_960] {strides = array<i32>} : memref<80xf32, #tpu.memory_space<vmem>>, vector<16xf32>,
        %get3A_962 = arith.constant 48 : index
        %get3A_963 = tpu.vector_load %arg25[%get3A_962] {strides = array<i32>} : memref<80xf32, #tpu.memory_space<vmem>>, vector<16xf32>,
        %add3A_964 = arith.addf %get3A_961, %get3A_963 : vector<16xf32>
        %gt3A_965 = arith.constant 0.000000e+00 : f32
        %gt3A_966 = vector.broadcast %gt3A_965 : f32 to vector<16xf32>
        %gt3A_967 = arith.cmpf ogt, %add3A_964, %gt3A_966 : vector<16xf32>
        %mul3A_968 = arith.constant 2.000000e-01 : f32
        %mul3A_969 = vector.broadcast %mul3A_968 : f32 to vector<16xf32>
        %mul3A_970 = arith.mulf %add3A_964, %mul3A_969 : vector<16xf32>
        %select_n3A_971 = arith.select %gt3A_967, %add3A_964, %mul3A_970 : vector<16xi1>, vector<16xf32>
        %sub3A_972 = arith.subf %select_n3A_971, %get3A_31 : vector<16xf32>
        %exp3A_973 = math.exp %sub3A_972 : vector<16xf32>
        %swap3A_974 = arith.constant 48 : index
        %swap3A_975 = tpu.vector_load %arg29[%swap3A_974] {strides = array<i32>} : memref<80xf32, #tpu.memory_space<vmem>>, vector<16xf32>,
        tpu.vector_store %arg29[%swap3A_974], %exp3A_973 {strides = array<i32>} : memref<80xf32, #tpu.memory_space<vmem>>, vector<16xf32>,
        %get3A_976 = arith.constant 64 : index
        %get3A_977 = tpu.vector_load %arg21[%get3A_976] {strides = array<i32>} : memref<80xf32, #tpu.memory_space<vmem>>, vector<16xf32>,
        %get3A_978 = arith.constant 64 : index
        %get3A_979 = tpu.vector_load %arg25[%get3A_978] {strides = array<i32>} : memref<80xf32, #tpu.memory_space<vmem>>, vector<16xf32>,
        %add3A_980 = arith.addf %get3A_977, %get3A_979 : vector<16xf32>
        %gt3A_981 = arith.constant 0.000000e+00 : f32
        %gt3A_982 = vector.broadcast %gt3A_981 : f32 to vector<16xf32>
        %gt3A_983 = arith.cmpf ogt, %add3A_980, %gt3A_982 : vector<16xf32>
        %mul3A_984 = arith.constant 2.000000e-01 : f32
        %mul3A_985 = vector.broadcast %mul3A_984 : f32 to vector<16xf32>
        %mul3A_986 = arith.mulf %add3A_980, %mul3A_985 : vector<16xf32>
        %select_n3A_987 = arith.select %gt3A_983, %add3A_980, %mul3A_986 : vector<16xi1>, vector<16xf32>
        %sub3A_988 = arith.subf %select_n3A_987, %get3A_31 : vector<16xf32>
        %exp3A_989 = math.exp %sub3A_988 : vector<16xf32>
        %swap3A_990 = arith.constant 64 : index
        %swap3A_991 = tpu.vector_load %arg29[%swap3A_990] {strides = array<i32>} : memref<80xf32, #tpu.memory_space<vmem>>, vector<16xf32>,
        tpu.vector_store %arg29[%swap3A_990], %exp3A_989 {strides = array<i32>} : memref<80xf32, #tpu.memory_space<vmem>>, vector<16xf32>,
        %scan3A_992 = arith.constant 0 : i32
        %scan3A_993 = arith.constant 0 : i32
        %scan3A_994 = arith.addi %scan3A_992, %scan3A_993 : i32
        %scan3A_995 = arith.constant 0 : i32
        %dma_start3A_996 = arith.constant 0 : i32
        %dma_start3A_997 = arith.constant 0 : i32
        %dma_start3A_998 = tpu.memref_slice %arg42[%dma_start3A_996, %dma_start3A_997] : memref<10240x128xf32, #tpu.memory_space<vmem_shared>> -> memref<80x128xf32, #tpu.memory_space<vmem_shared>>
        %dma_start3A_999 = arith.constant 0 : i32
        %dma_start3A_1000 = arith.constant 0 : i32
        %dma_start3A_1001 = tpu.memref_slice %arg42[%dma_start3A_999, %dma_start3A_1000] : memref<10240x128xf32, #tpu.memory_space<vmem_shared>> -> memref<80x128xf32, #tpu.memory_space<vmem_shared>>
        tpu.enqueue_dma source(%arg33 : memref<80x128xf32, #tpu.memory_space<vmem>>) target(%dma_start3A_1001 : memref<80x128xf32, #tpu.memory_space<vmem_shared>>) target_semaphore(%arg41 : memref<!tpu.dma_semaphore, #tpu.memory_space<semaphore_mem>>)
        %dma_start3A_1002 = arith.constant 0 : i32
        %dma_start3A_1003 = tpu.memref_slice %arg43[%dma_start3A_1002] : memref<10240xf32, #tpu.memory_space<vmem_shared>> -> memref<10240xf32, #tpu.memory_space<vmem_shared>>
        tpu.enqueue_indirect_dma source(%arg29 : memref<80xf32, #tpu.memory_space<vmem>>) target(%dma_start3A_1003 : memref<10240xf32, #tpu.memory_space<vmem_shared>>) offsets(%arg17 : memref<80xi32, #tpu.memory_space<vmem>>) semaphore(%arg41 : memref<!tpu.dma_semaphore, #tpu.memory_space<semaphore_mem>>) {add = true}
        %mul3A_1004 = arith.constant 4 : i32
        %mul3A_1005 = arith.muli %mul3A_1004, %add3A_709 : i32
        %add3A_1006 = arith.constant 2 : i32
        %add3A_1007 = arith.addi %mul3A_1005, %add3A_1006 : i32
        %add3A_1008 = arith.constant 2 : i32
        %add3A_1009 = arith.addi %add3A_1007, %add3A_1008 : i32
        %dma_wait3A_1010 = arith.constant 0 : i32
        %dma_wait3A_1011 = arith.constant 0 : i32
        %dma_wait3A_1012 = tpu.memref_slice %arg42[%dma_wait3A_1010, %dma_wait3A_1011] : memref<10240x128xf32, #tpu.memory_space<vmem_shared>> -> memref<10240x128xf32, #tpu.memory_space<vmem_shared>>
        tpu.wait_indirect_dma semaphore(%arg40 : memref<!tpu.dma_semaphore, #tpu.memory_space<semaphore_mem>>) src(%arg32 : memref<80x128xf32, #tpu.memory_space<vmem>>) dst(%dma_wait3A_1012 : memref<10240x128xf32, #tpu.memory_space<vmem_shared>>)
        %dma_wait3A_1013 = arith.constant 0 : i32
        %dma_wait3A_1014 = tpu.memref_slice %arg43[%dma_wait3A_1013] : memref<10240xf32, #tpu.memory_space<vmem_shared>> -> memref<10240xf32, #tpu.memory_space<vmem_shared>>
        tpu.wait_indirect_dma semaphore(%arg40 : memref<!tpu.dma_semaphore, #tpu.memory_space<semaphore_mem>>) src(%arg28 : memref<80xf32, #tpu.memory_space<vmem>>) dst(%dma_wait3A_1014 : memref<10240xf32, #tpu.memory_space<vmem_shared>>)
        %add3A_1015 = arith.constant 2 : i32
        %add3A_1016 = arith.addi %add3A_1009, %add3A_1015 : i32
        %mul3A_1017 = arith.constant 80 : i32
        %mul3A_1018 = arith.muli %add3A_1016, %mul3A_1017 : i32
        %add3A_1019 = arith.constant 0 : i32
        %add3A_1020 = arith.addi %mul3A_1018, %add3A_1019 : i32
        %get3A_1021 = arith.index_cast %add3A_1020 : i32 to index
        %get3A_1022 = tpu.vector_load %arg11[%get3A_1021] {strides = array<i32>} : memref<2000xi32, #tpu.memory_space<vmem>>, vector<16xi32>,
        %swap3A_1023 = arith.constant 0 : index
        %swap3A_1024 = tpu.vector_load %arg16[%swap3A_1023] {strides = array<i32>} : memref<80xi32, #tpu.memory_space<vmem>>, vector<16xi32>,
        tpu.vector_store %arg16[%swap3A_1023], %get3A_1022 {strides = array<i32>} : memref<80xi32, #tpu.memory_space<vmem>>, vector<16xi32>,
        %add3A_1025 = arith.constant 16 : i32
        %add3A_1026 = arith.addi %mul3A_1018, %add3A_1025 : i32
        %get3A_1027 = arith.index_cast %add3A_1026 : i32 to index
        %get3A_1028 = tpu.vector_load %arg11[%get3A_1027] {strides = array<i32>} : memref<2000xi32, #tpu.memory_space<vmem>>, vector<16xi32>,
        %swap3A_1029 = arith.constant 16 : index
        %swap3A_1030 = tpu.vector_load %arg16[%swap3A_1029] {strides = array<i32>} : memref<80xi32, #tpu.memory_space<vmem>>, vector<16xi32>,
        tpu.vector_store %arg16[%swap3A_1029], %get3A_1028 {strides = array<i32>} : memref<80xi32, #tpu.memory_space<vmem>>, vector<16xi32>,
        %add3A_1031 = arith.constant 32 : i32
        %add3A_1032 = arith.addi %mul3A_1018, %add3A_1031 : i32
        %get3A_1033 = arith.index_cast %add3A_1032 : i32 to index
        %get3A_1034 = tpu.vector_load %arg11[%get3A_1033] {strides = array<i32>} : memref<2000xi32, #tpu.memory_space<vmem>>, vector<16xi32>,
        %swap3A_1035 = arith.constant 32 : index
        %swap3A_1036 = tpu.vector_load %arg16[%swap3A_1035] {strides = array<i32>} : memref<80xi32, #tpu.memory_space<vmem>>, vector<16xi32>,
        tpu.vector_store %arg16[%swap3A_1035], %get3A_1034 {strides = array<i32>} : memref<80xi32, #tpu.memory_space<vmem>>, vector<16xi32>,
        %add3A_1037 = arith.constant 48 : i32
        %add3A_1038 = arith.addi %mul3A_1018, %add3A_1037 : i32
        %get3A_1039 = arith.index_cast %add3A_1038 : i32 to index
        %get3A_1040 = tpu.vector_load %arg11[%get3A_1039] {strides = array<i32>} : memref<2000xi32, #tpu.memory_space<vmem>>, vector<16xi32>,
        %swap3A_1041 = arith.constant 48 : index
        %swap3A_1042 = tpu.vector_load %arg16[%swap3A_1041] {strides = array<i32>} : memref<80xi32, #tpu.memory_space<vmem>>, vector<16xi32>,
        tpu.vector_store %arg16[%swap3A_1041], %get3A_1040 {strides = array<i32>} : memref<80xi32, #tpu.memory_space<vmem>>, vector<16xi32>,
        %add3A_1043 = arith.constant 64 : i32
        %add3A_1044 = arith.addi %mul3A_1018, %add3A_1043 : i32
        %get3A_1045 = arith.index_cast %add3A_1044 : i32 to index
        %get3A_1046 = tpu.vector_load %arg11[%get3A_1045] {strides = array<i32>} : memref<2000xi32, #tpu.memory_space<vmem>>, vector<16xi32>,
        %swap3A_1047 = arith.constant 64 : index
        %swap3A_1048 = tpu.vector_load %arg16[%swap3A_1047] {strides = array<i32>} : memref<80xi32, #tpu.memory_space<vmem>>, vector<16xi32>,
        tpu.vector_store %arg16[%swap3A_1047], %get3A_1046 {strides = array<i32>} : memref<80xi32, #tpu.memory_space<vmem>>, vector<16xi32>,
        %dma_start3A_1049 = arith.constant 0 : i32
        %dma_start3A_1050 = tpu.memref_slice %arg4[%mul3A_1018, %dma_start3A_1049] : memref<10000x128xf32, #tpu.memory_space<hbm>> -> memref<80x128xf32, #tpu.memory_space<hbm>>
        %dma_start3A_1051 = arith.constant 0 : i32
        %dma_start3A_1052 = tpu.memref_slice %arg4[%mul3A_1018, %dma_start3A_1051] : memref<10000x128xf32, #tpu.memory_space<hbm>> -> memref<80x128xf32, #tpu.memory_space<hbm>>
        tpu.enqueue_dma source(%dma_start3A_1052 : memref<80x128xf32, #tpu.memory_space<hbm>>) target(%arg32 : memref<80x128xf32, #tpu.memory_space<vmem>>) target_semaphore(%arg36 : memref<!tpu.dma_semaphore, #tpu.memory_space<semaphore_mem>>)
        %dma_wait3A_1053 = arith.constant 0 : i32
        %dma_wait3A_1054 = arith.constant 0 : i32
        %dma_wait3A_1055 = tpu.memref_slice %arg4[%dma_wait3A_1053, %dma_wait3A_1054] : memref<10000x128xf32, #tpu.memory_space<hbm>> -> memref<80x128xf32, #tpu.memory_space<hbm>>
        %dma_wait3A_1056 = arith.constant 0 : i32
        %dma_wait3A_1057 = arith.constant 0 : i32
        %dma_wait3A_1058 = tpu.memref_slice %arg4[%dma_wait3A_1056, %dma_wait3A_1057] : memref<10000x128xf32, #tpu.memory_space<hbm>> -> memref<80x128xf32, #tpu.memory_space<hbm>>
        tpu.wait_dma2 semaphore(%arg34 : memref<!tpu.dma_semaphore, #tpu.memory_space<semaphore_mem>>) src(%dma_wait3A_1058 : memref<80x128xf32, #tpu.memory_space<hbm>>) dst(%arg30 : memref<80x128xf32, #tpu.memory_space<vmem>>)
        %get3A_1059 = arith.constant 0 : index
        %get3A_1060 = tpu.vector_load %arg18[%get3A_1059] {strides = array<i32>} : memref<80xf32, #tpu.memory_space<vmem>>, vector<16xf32>,
        %get3A_1061 = arith.constant 0 : index
        %get3A_1062 = tpu.vector_load %arg22[%get3A_1061] {strides = array<i32>} : memref<80xf32, #tpu.memory_space<vmem>>, vector<16xf32>,
        %add3A_1063 = arith.addf %get3A_1060, %get3A_1062 : vector<16xf32>
        %gt3A_1064 = arith.constant 0.000000e+00 : f32
        %gt3A_1065 = vector.broadcast %gt3A_1064 : f32 to vector<16xf32>
        %gt3A_1066 = arith.cmpf ogt, %add3A_1063, %gt3A_1065 : vector<16xf32>
        %mul3A_1067 = arith.constant 2.000000e-01 : f32
        %mul3A_1068 = vector.broadcast %mul3A_1067 : f32 to vector<16xf32>
        %mul3A_1069 = arith.mulf %add3A_1063, %mul3A_1068 : vector<16xf32>
        %select_n3A_1070 = arith.select %gt3A_1066, %add3A_1063, %mul3A_1069 : vector<16xi1>, vector<16xf32>
        %sub3A_1071 = arith.subf %select_n3A_1070, %get3A_31 : vector<16xf32>
        %exp3A_1072 = math.exp %sub3A_1071 : vector<16xf32>
        %swap3A_1073 = arith.constant 0 : index
        %swap3A_1074 = tpu.vector_load %arg26[%swap3A_1073] {strides = array<i32>} : memref<80xf32, #tpu.memory_space<vmem>>, vector<16xf32>,
        tpu.vector_store %arg26[%swap3A_1073], %exp3A_1072 {strides = array<i32>} : memref<80xf32, #tpu.memory_space<vmem>>, vector<16xf32>,
        %get3A_1075 = arith.constant 16 : index
        %get3A_1076 = tpu.vector_load %arg18[%get3A_1075] {strides = array<i32>} : memref<80xf32, #tpu.memory_space<vmem>>, vector<16xf32>,
        %get3A_1077 = arith.constant 16 : index
        %get3A_1078 = tpu.vector_load %arg22[%get3A_1077] {strides = array<i32>} : memref<80xf32, #tpu.memory_space<vmem>>, vector<16xf32>,
        %add3A_1079 = arith.addf %get3A_1076, %get3A_1078 : vector<16xf32>
        %gt3A_1080 = arith.constant 0.000000e+00 : f32
        %gt3A_1081 = vector.broadcast %gt3A_1080 : f32 to vector<16xf32>
        %gt3A_1082 = arith.cmpf ogt, %add3A_1079, %gt3A_1081 : vector<16xf32>
        %mul3A_1083 = arith.constant 2.000000e-01 : f32
        %mul3A_1084 = vector.broadcast %mul3A_1083 : f32 to vector<16xf32>
        %mul3A_1085 = arith.mulf %add3A_1079, %mul3A_1084 : vector<16xf32>
        %select_n3A_1086 = arith.select %gt3A_1082, %add3A_1079, %mul3A_1085 : vector<16xi1>, vector<16xf32>
        %sub3A_1087 = arith.subf %select_n3A_1086, %get3A_31 : vector<16xf32>
        %exp3A_1088 = math.exp %sub3A_1087 : vector<16xf32>
        %swap3A_1089 = arith.constant 16 : index
        %swap3A_1090 = tpu.vector_load %arg26[%swap3A_1089] {strides = array<i32>} : memref<80xf32, #tpu.memory_space<vmem>>, vector<16xf32>,
        tpu.vector_store %arg26[%swap3A_1089], %exp3A_1088 {strides = array<i32>} : memref<80xf32, #tpu.memory_space<vmem>>, vector<16xf32>,
        %get3A_1091 = arith.constant 32 : index
        %get3A_1092 = tpu.vector_load %arg18[%get3A_1091] {strides = array<i32>} : memref<80xf32, #tpu.memory_space<vmem>>, vector<16xf32>,
        %get3A_1093 = arith.constant 32 : index
        %get3A_1094 = tpu.vector_load %arg22[%get3A_1093] {strides = array<i32>} : memref<80xf32, #tpu.memory_space<vmem>>, vector<16xf32>,
        %add3A_1095 = arith.addf %get3A_1092, %get3A_1094 : vector<16xf32>
        %gt3A_1096 = arith.constant 0.000000e+00 : f32
        %gt3A_1097 = vector.broadcast %gt3A_1096 : f32 to vector<16xf32>
        %gt3A_1098 = arith.cmpf ogt, %add3A_1095, %gt3A_1097 : vector<16xf32>
        %mul3A_1099 = arith.constant 2.000000e-01 : f32
        %mul3A_1100 = vector.broadcast %mul3A_1099 : f32 to vector<16xf32>
        %mul3A_1101 = arith.mulf %add3A_1095, %mul3A_1100 : vector<16xf32>
        %select_n3A_1102 = arith.select %gt3A_1098, %add3A_1095, %mul3A_1101 : vector<16xi1>, vector<16xf32>
        %sub3A_1103 = arith.subf %select_n3A_1102, %get3A_31 : vector<16xf32>
        %exp3A_1104 = math.exp %sub3A_1103 : vector<16xf32>
        %swap3A_1105 = arith.constant 32 : index
        %swap3A_1106 = tpu.vector_load %arg26[%swap3A_1105] {strides = array<i32>} : memref<80xf32, #tpu.memory_space<vmem>>, vector<16xf32>,
        tpu.vector_store %arg26[%swap3A_1105], %exp3A_1104 {strides = array<i32>} : memref<80xf32, #tpu.memory_space<vmem>>, vector<16xf32>,
        %get3A_1107 = arith.constant 48 : index
        %get3A_1108 = tpu.vector_load %arg18[%get3A_1107] {strides = array<i32>} : memref<80xf32, #tpu.memory_space<vmem>>, vector<16xf32>,
        %get3A_1109 = arith.constant 48 : index
        %get3A_1110 = tpu.vector_load %arg22[%get3A_1109] {strides = array<i32>} : memref<80xf32, #tpu.memory_space<vmem>>, vector<16xf32>,
        %add3A_1111 = arith.addf %get3A_1108, %get3A_1110 : vector<16xf32>
        %gt3A_1112 = arith.constant 0.000000e+00 : f32
        %gt3A_1113 = vector.broadcast %gt3A_1112 : f32 to vector<16xf32>
        %gt3A_1114 = arith.cmpf ogt, %add3A_1111, %gt3A_1113 : vector<16xf32>
        %mul3A_1115 = arith.constant 2.000000e-01 : f32
        %mul3A_1116 = vector.broadcast %mul3A_1115 : f32 to vector<16xf32>
        %mul3A_1117 = arith.mulf %add3A_1111, %mul3A_1116 : vector<16xf32>
        %select_n3A_1118 = arith.select %gt3A_1114, %add3A_1111, %mul3A_1117 : vector<16xi1>, vector<16xf32>
        %sub3A_1119 = arith.subf %select_n3A_1118, %get3A_31 : vector<16xf32>
        %exp3A_1120 = math.exp %sub3A_1119 : vector<16xf32>
        %swap3A_1121 = arith.constant 48 : index
        %swap3A_1122 = tpu.vector_load %arg26[%swap3A_1121] {strides = array<i32>} : memref<80xf32, #tpu.memory_space<vmem>>, vector<16xf32>,
        tpu.vector_store %arg26[%swap3A_1121], %exp3A_1120 {strides = array<i32>} : memref<80xf32, #tpu.memory_space<vmem>>, vector<16xf32>,
        %get3A_1123 = arith.constant 64 : index
        %get3A_1124 = tpu.vector_load %arg18[%get3A_1123] {strides = array<i32>} : memref<80xf32, #tpu.memory_space<vmem>>, vector<16xf32>,
        %get3A_1125 = arith.constant 64 : index
        %get3A_1126 = tpu.vector_load %arg22[%get3A_1125] {strides = array<i32>} : memref<80xf32, #tpu.memory_space<vmem>>, vector<16xf32>,
        %add3A_1127 = arith.addf %get3A_1124, %get3A_1126 : vector<16xf32>
        %gt3A_1128 = arith.constant 0.000000e+00 : f32
        %gt3A_1129 = vector.broadcast %gt3A_1128 : f32 to vector<16xf32>
        %gt3A_1130 = arith.cmpf ogt, %add3A_1127, %gt3A_1129 : vector<16xf32>
        %mul3A_1131 = arith.constant 2.000000e-01 : f32
        %mul3A_1132 = vector.broadcast %mul3A_1131 : f32 to vector<16xf32>
        %mul3A_1133 = arith.mulf %add3A_1127, %mul3A_1132 : vector<16xf32>
        %select_n3A_1134 = arith.select %gt3A_1130, %add3A_1127, %mul3A_1133 : vector<16xi1>, vector<16xf32>
        %sub3A_1135 = arith.subf %select_n3A_1134, %get3A_31 : vector<16xf32>
        %exp3A_1136 = math.exp %sub3A_1135 : vector<16xf32>
        %swap3A_1137 = arith.constant 64 : index
        %swap3A_1138 = tpu.vector_load %arg26[%swap3A_1137] {strides = array<i32>} : memref<80xf32, #tpu.memory_space<vmem>>, vector<16xf32>,
        tpu.vector_store %arg26[%swap3A_1137], %exp3A_1136 {strides = array<i32>} : memref<80xf32, #tpu.memory_space<vmem>>, vector<16xf32>,
        %scan3A_1139 = arith.constant 0 : i32
        %scan3A_1140 = arith.constant 0 : i32
        %scan3A_1141 = arith.addi %scan3A_1139, %scan3A_1140 : i32
        %scan3A_1142 = arith.constant 0 : i32
        %dma_start3A_1143 = arith.constant 0 : i32
        %dma_start3A_1144 = arith.constant 0 : i32
        %dma_start3A_1145 = tpu.memref_slice %arg42[%dma_start3A_1143, %dma_start3A_1144] : memref<10240x128xf32, #tpu.memory_space<vmem_shared>> -> memref<80x128xf32, #tpu.memory_space<vmem_shared>>
        %dma_start3A_1146 = arith.constant 0 : i32
        %dma_start3A_1147 = arith.constant 0 : i32
        %dma_start3A_1148 = tpu.memref_slice %arg42[%dma_start3A_1146, %dma_start3A_1147] : memref<10240x128xf32, #tpu.memory_space<vmem_shared>> -> memref<80x128xf32, #tpu.memory_space<vmem_shared>>
        tpu.enqueue_dma source(%arg30 : memref<80x128xf32, #tpu.memory_space<vmem>>) target(%dma_start3A_1148 : memref<80x128xf32, #tpu.memory_space<vmem_shared>>) target_semaphore(%arg38 : memref<!tpu.dma_semaphore, #tpu.memory_space<semaphore_mem>>)
        %dma_start3A_1149 = arith.constant 0 : i32
        %dma_start3A_1150 = tpu.memref_slice %arg43[%dma_start3A_1149] : memref<10240xf32, #tpu.memory_space<vmem_shared>> -> memref<10240xf32, #tpu.memory_space<vmem_shared>>
        tpu.enqueue_indirect_dma source(%arg26 : memref<80xf32, #tpu.memory_space<vmem>>) target(%dma_start3A_1150 : memref<10240xf32, #tpu.memory_space<vmem_shared>>) offsets(%arg14 : memref<80xi32, #tpu.memory_space<vmem>>) semaphore(%arg38 : memref<!tpu.dma_semaphore, #tpu.memory_space<semaphore_mem>>) {add = true}
        %mul3A_1151 = arith.constant 4 : i32
        %mul3A_1152 = arith.muli %mul3A_1151, %add3A_709 : i32
        %add3A_1153 = arith.constant 2 : i32
        %add3A_1154 = arith.addi %mul3A_1152, %add3A_1153 : i32
        %add3A_1155 = arith.constant 3 : i32
        %add3A_1156 = arith.addi %add3A_1154, %add3A_1155 : i32
        %dma_wait3A_1157 = arith.constant 0 : i32
        %dma_wait3A_1158 = arith.constant 0 : i32
        %dma_wait3A_1159 = tpu.memref_slice %arg42[%dma_wait3A_1157, %dma_wait3A_1158] : memref<10240x128xf32, #tpu.memory_space<vmem_shared>> -> memref<10240x128xf32, #tpu.memory_space<vmem_shared>>
        tpu.wait_indirect_dma semaphore(%arg41 : memref<!tpu.dma_semaphore, #tpu.memory_space<semaphore_mem>>) src(%arg33 : memref<80x128xf32, #tpu.memory_space<vmem>>) dst(%dma_wait3A_1159 : memref<10240x128xf32, #tpu.memory_space<vmem_shared>>)
        %dma_wait3A_1160 = arith.constant 0 : i32
        %dma_wait3A_1161 = tpu.memref_slice %arg43[%dma_wait3A_1160] : memref<10240xf32, #tpu.memory_space<vmem_shared>> -> memref<10240xf32, #tpu.memory_space<vmem_shared>>
        tpu.wait_indirect_dma semaphore(%arg41 : memref<!tpu.dma_semaphore, #tpu.memory_space<semaphore_mem>>) src(%arg29 : memref<80xf32, #tpu.memory_space<vmem>>) dst(%dma_wait3A_1161 : memref<10240xf32, #tpu.memory_space<vmem_shared>>)
        %add3A_1162 = arith.constant 2 : i32
        %add3A_1163 = arith.addi %add3A_1156, %add3A_1162 : i32
        %mul3A_1164 = arith.constant 80 : i32
        %mul3A_1165 = arith.muli %add3A_1163, %mul3A_1164 : i32
        %add3A_1166 = arith.constant 0 : i32
        %add3A_1167 = arith.addi %mul3A_1165, %add3A_1166 : i32
        %get3A_1168 = arith.index_cast %add3A_1167 : i32 to index
        %get3A_1169 = tpu.vector_load %arg11[%get3A_1168] {strides = array<i32>} : memref<2000xi32, #tpu.memory_space<vmem>>, vector<16xi32>,
        %swap3A_1170 = arith.constant 0 : index
        %swap3A_1171 = tpu.vector_load %arg17[%swap3A_1170] {strides = array<i32>} : memref<80xi32, #tpu.memory_space<vmem>>, vector<16xi32>,
        tpu.vector_store %arg17[%swap3A_1170], %get3A_1169 {strides = array<i32>} : memref<80xi32, #tpu.memory_space<vmem>>, vector<16xi32>,
        %add3A_1172 = arith.constant 16 : i32
        %add3A_1173 = arith.addi %mul3A_1165, %add3A_1172 : i32
        %get3A_1174 = arith.index_cast %add3A_1173 : i32 to index
        %get3A_1175 = tpu.vector_load %arg11[%get3A_1174] {strides = array<i32>} : memref<2000xi32, #tpu.memory_space<vmem>>, vector<16xi32>,
        %swap3A_1176 = arith.constant 16 : index
        %swap3A_1177 = tpu.vector_load %arg17[%swap3A_1176] {strides = array<i32>} : memref<80xi32, #tpu.memory_space<vmem>>, vector<16xi32>,
        tpu.vector_store %arg17[%swap3A_1176], %get3A_1175 {strides = array<i32>} : memref<80xi32, #tpu.memory_space<vmem>>, vector<16xi32>,
        %add3A_1178 = arith.constant 32 : i32
        %add3A_1179 = arith.addi %mul3A_1165, %add3A_1178 : i32
        %get3A_1180 = arith.index_cast %add3A_1179 : i32 to index
        %get3A_1181 = tpu.vector_load %arg11[%get3A_1180] {strides = array<i32>} : memref<2000xi32, #tpu.memory_space<vmem>>, vector<16xi32>,
        %swap3A_1182 = arith.constant 32 : index
        %swap3A_1183 = tpu.vector_load %arg17[%swap3A_1182] {strides = array<i32>} : memref<80xi32, #tpu.memory_space<vmem>>, vector<16xi32>,
        tpu.vector_store %arg17[%swap3A_1182], %get3A_1181 {strides = array<i32>} : memref<80xi32, #tpu.memory_space<vmem>>, vector<16xi32>,
        %add3A_1184 = arith.constant 48 : i32
        %add3A_1185 = arith.addi %mul3A_1165, %add3A_1184 : i32
        %get3A_1186 = arith.index_cast %add3A_1185 : i32 to index
        %get3A_1187 = tpu.vector_load %arg11[%get3A_1186] {strides = array<i32>} : memref<2000xi32, #tpu.memory_space<vmem>>, vector<16xi32>,
        %swap3A_1188 = arith.constant 48 : index
        %swap3A_1189 = tpu.vector_load %arg17[%swap3A_1188] {strides = array<i32>} : memref<80xi32, #tpu.memory_space<vmem>>, vector<16xi32>,
        tpu.vector_store %arg17[%swap3A_1188], %get3A_1187 {strides = array<i32>} : memref<80xi32, #tpu.memory_space<vmem>>, vector<16xi32>,
        %add3A_1190 = arith.constant 64 : i32
        %add3A_1191 = arith.addi %mul3A_1165, %add3A_1190 : i32
        %get3A_1192 = arith.index_cast %add3A_1191 : i32 to index
        %get3A_1193 = tpu.vector_load %arg11[%get3A_1192] {strides = array<i32>} : memref<2000xi32, #tpu.memory_space<vmem>>, vector<16xi32>,
        %swap3A_1194 = arith.constant 64 : index
        %swap3A_1195 = tpu.vector_load %arg17[%swap3A_1194] {strides = array<i32>} : memref<80xi32, #tpu.memory_space<vmem>>, vector<16xi32>,
        tpu.vector_store %arg17[%swap3A_1194], %get3A_1193 {strides = array<i32>} : memref<80xi32, #tpu.memory_space<vmem>>, vector<16xi32>,
        %dma_start3A_1196 = arith.constant 0 : i32
        %dma_start3A_1197 = tpu.memref_slice %arg4[%mul3A_1165, %dma_start3A_1196] : memref<10000x128xf32, #tpu.memory_space<hbm>> -> memref<80x128xf32, #tpu.memory_space<hbm>>
        %dma_start3A_1198 = arith.constant 0 : i32
        %dma_start3A_1199 = tpu.memref_slice %arg4[%mul3A_1165, %dma_start3A_1198] : memref<10000x128xf32, #tpu.memory_space<hbm>> -> memref<80x128xf32, #tpu.memory_space<hbm>>
        tpu.enqueue_dma source(%dma_start3A_1199 : memref<80x128xf32, #tpu.memory_space<hbm>>) target(%arg33 : memref<80x128xf32, #tpu.memory_space<vmem>>) target_semaphore(%arg37 : memref<!tpu.dma_semaphore, #tpu.memory_space<semaphore_mem>>)
        %dma_wait3A_1200 = arith.constant 0 : i32
        %dma_wait3A_1201 = arith.constant 0 : i32
        %dma_wait3A_1202 = tpu.memref_slice %arg4[%dma_wait3A_1200, %dma_wait3A_1201] : memref<10000x128xf32, #tpu.memory_space<hbm>> -> memref<80x128xf32, #tpu.memory_space<hbm>>
        %dma_wait3A_1203 = arith.constant 0 : i32
        %dma_wait3A_1204 = arith.constant 0 : i32
        %dma_wait3A_1205 = tpu.memref_slice %arg4[%dma_wait3A_1203, %dma_wait3A_1204] : memref<10000x128xf32, #tpu.memory_space<hbm>> -> memref<80x128xf32, #tpu.memory_space<hbm>>
        tpu.wait_dma2 semaphore(%arg35 : memref<!tpu.dma_semaphore, #tpu.memory_space<semaphore_mem>>) src(%dma_wait3A_1205 : memref<80x128xf32, #tpu.memory_space<hbm>>) dst(%arg31 : memref<80x128xf32, #tpu.memory_space<vmem>>)
        %get3A_1206 = arith.constant 0 : index
        %get3A_1207 = tpu.vector_load %arg19[%get3A_1206] {strides = array<i32>} : memref<80xf32, #tpu.memory_space<vmem>>, vector<16xf32>,
        %get3A_1208 = arith.constant 0 : index
        %get3A_1209 = tpu.vector_load %arg23[%get3A_1208] {strides = array<i32>} : memref<80xf32, #tpu.memory_space<vmem>>, vector<16xf32>,
        %add3A_1210 = arith.addf %get3A_1207, %get3A_1209 : vector<16xf32>
        %gt3A_1211 = arith.constant 0.000000e+00 : f32
        %gt3A_1212 = vector.broadcast %gt3A_1211 : f32 to vector<16xf32>
        %gt3A_1213 = arith.cmpf ogt, %add3A_1210, %gt3A_1212 : vector<16xf32>
        %mul3A_1214 = arith.constant 2.000000e-01 : f32
        %mul3A_1215 = vector.broadcast %mul3A_1214 : f32 to vector<16xf32>
        %mul3A_1216 = arith.mulf %add3A_1210, %mul3A_1215 : vector<16xf32>
        %select_n3A_1217 = arith.select %gt3A_1213, %add3A_1210, %mul3A_1216 : vector<16xi1>, vector<16xf32>
        %sub3A_1218 = arith.subf %select_n3A_1217, %get3A_31 : vector<16xf32>
        %exp3A_1219 = math.exp %sub3A_1218 : vector<16xf32>
        %swap3A_1220 = arith.constant 0 : index
        %swap3A_1221 = tpu.vector_load %arg27[%swap3A_1220] {strides = array<i32>} : memref<80xf32, #tpu.memory_space<vmem>>, vector<16xf32>,
        tpu.vector_store %arg27[%swap3A_1220], %exp3A_1219 {strides = array<i32>} : memref<80xf32, #tpu.memory_space<vmem>>, vector<16xf32>,
        %get3A_1222 = arith.constant 16 : index
        %get3A_1223 = tpu.vector_load %arg19[%get3A_1222] {strides = array<i32>} : memref<80xf32, #tpu.memory_space<vmem>>, vector<16xf32>,
        %get3A_1224 = arith.constant 16 : index
        %get3A_1225 = tpu.vector_load %arg23[%get3A_1224] {strides = array<i32>} : memref<80xf32, #tpu.memory_space<vmem>>, vector<16xf32>,
        %add3A_1226 = arith.addf %get3A_1223, %get3A_1225 : vector<16xf32>
        %gt3A_1227 = arith.constant 0.000000e+00 : f32
        %gt3A_1228 = vector.broadcast %gt3A_1227 : f32 to vector<16xf32>
        %gt3A_1229 = arith.cmpf ogt, %add3A_1226, %gt3A_1228 : vector<16xf32>
        %mul3A_1230 = arith.constant 2.000000e-01 : f32
        %mul3A_1231 = vector.broadcast %mul3A_1230 : f32 to vector<16xf32>
        %mul3A_1232 = arith.mulf %add3A_1226, %mul3A_1231 : vector<16xf32>
        %select_n3A_1233 = arith.select %gt3A_1229, %add3A_1226, %mul3A_1232 : vector<16xi1>, vector<16xf32>
        %sub3A_1234 = arith.subf %select_n3A_1233, %get3A_31 : vector<16xf32>
        %exp3A_1235 = math.exp %sub3A_1234 : vector<16xf32>
        %swap3A_1236 = arith.constant 16 : index
        %swap3A_1237 = tpu.vector_load %arg27[%swap3A_1236] {strides = array<i32>} : memref<80xf32, #tpu.memory_space<vmem>>, vector<16xf32>,
        tpu.vector_store %arg27[%swap3A_1236], %exp3A_1235 {strides = array<i32>} : memref<80xf32, #tpu.memory_space<vmem>>, vector<16xf32>,
        %get3A_1238 = arith.constant 32 : index
        %get3A_1239 = tpu.vector_load %arg19[%get3A_1238] {strides = array<i32>} : memref<80xf32, #tpu.memory_space<vmem>>, vector<16xf32>,
        %get3A_1240 = arith.constant 32 : index
        %get3A_1241 = tpu.vector_load %arg23[%get3A_1240] {strides = array<i32>} : memref<80xf32, #tpu.memory_space<vmem>>, vector<16xf32>,
        %add3A_1242 = arith.addf %get3A_1239, %get3A_1241 : vector<16xf32>
        %gt3A_1243 = arith.constant 0.000000e+00 : f32
        %gt3A_1244 = vector.broadcast %gt3A_1243 : f32 to vector<16xf32>
        %gt3A_1245 = arith.cmpf ogt, %add3A_1242, %gt3A_1244 : vector<16xf32>
        %mul3A_1246 = arith.constant 2.000000e-01 : f32
        %mul3A_1247 = vector.broadcast %mul3A_1246 : f32 to vector<16xf32>
        %mul3A_1248 = arith.mulf %add3A_1242, %mul3A_1247 : vector<16xf32>
        %select_n3A_1249 = arith.select %gt3A_1245, %add3A_1242, %mul3A_1248 : vector<16xi1>, vector<16xf32>
        %sub3A_1250 = arith.subf %select_n3A_1249, %get3A_31 : vector<16xf32>
        %exp3A_1251 = math.exp %sub3A_1250 : vector<16xf32>
        %swap3A_1252 = arith.constant 32 : index
        %swap3A_1253 = tpu.vector_load %arg27[%swap3A_1252] {strides = array<i32>} : memref<80xf32, #tpu.memory_space<vmem>>, vector<16xf32>,
        tpu.vector_store %arg27[%swap3A_1252], %exp3A_1251 {strides = array<i32>} : memref<80xf32, #tpu.memory_space<vmem>>, vector<16xf32>,
        %get3A_1254 = arith.constant 48 : index
        %get3A_1255 = tpu.vector_load %arg19[%get3A_1254] {strides = array<i32>} : memref<80xf32, #tpu.memory_space<vmem>>, vector<16xf32>,
        %get3A_1256 = arith.constant 48 : index
        %get3A_1257 = tpu.vector_load %arg23[%get3A_1256] {strides = array<i32>} : memref<80xf32, #tpu.memory_space<vmem>>, vector<16xf32>,
        %add3A_1258 = arith.addf %get3A_1255, %get3A_1257 : vector<16xf32>
        %gt3A_1259 = arith.constant 0.000000e+00 : f32
        %gt3A_1260 = vector.broadcast %gt3A_1259 : f32 to vector<16xf32>
        %gt3A_1261 = arith.cmpf ogt, %add3A_1258, %gt3A_1260 : vector<16xf32>
        %mul3A_1262 = arith.constant 2.000000e-01 : f32
        %mul3A_1263 = vector.broadcast %mul3A_1262 : f32 to vector<16xf32>
        %mul3A_1264 = arith.mulf %add3A_1258, %mul3A_1263 : vector<16xf32>
        %select_n3A_1265 = arith.select %gt3A_1261, %add3A_1258, %mul3A_1264 : vector<16xi1>, vector<16xf32>
        %sub3A_1266 = arith.subf %select_n3A_1265, %get3A_31 : vector<16xf32>
        %exp3A_1267 = math.exp %sub3A_1266 : vector<16xf32>
        %swap3A_1268 = arith.constant 48 : index
        %swap3A_1269 = tpu.vector_load %arg27[%swap3A_1268] {strides = array<i32>} : memref<80xf32, #tpu.memory_space<vmem>>, vector<16xf32>,
        tpu.vector_store %arg27[%swap3A_1268], %exp3A_1267 {strides = array<i32>} : memref<80xf32, #tpu.memory_space<vmem>>, vector<16xf32>,
        %get3A_1270 = arith.constant 64 : index
        %get3A_1271 = tpu.vector_load %arg19[%get3A_1270] {strides = array<i32>} : memref<80xf32, #tpu.memory_space<vmem>>, vector<16xf32>,
        %get3A_1272 = arith.constant 64 : index
        %get3A_1273 = tpu.vector_load %arg23[%get3A_1272] {strides = array<i32>} : memref<80xf32, #tpu.memory_space<vmem>>, vector<16xf32>,
        %add3A_1274 = arith.addf %get3A_1271, %get3A_1273 : vector<16xf32>
        %gt3A_1275 = arith.constant 0.000000e+00 : f32
        %gt3A_1276 = vector.broadcast %gt3A_1275 : f32 to vector<16xf32>
        %gt3A_1277 = arith.cmpf ogt, %add3A_1274, %gt3A_1276 : vector<16xf32>
        %mul3A_1278 = arith.constant 2.000000e-01 : f32
        %mul3A_1279 = vector.broadcast %mul3A_1278 : f32 to vector<16xf32>
        %mul3A_1280 = arith.mulf %add3A_1274, %mul3A_1279 : vector<16xf32>
        %select_n3A_1281 = arith.select %gt3A_1277, %add3A_1274, %mul3A_1280 : vector<16xi1>, vector<16xf32>
        %sub3A_1282 = arith.subf %select_n3A_1281, %get3A_31 : vector<16xf32>
        %exp3A_1283 = math.exp %sub3A_1282 : vector<16xf32>
        %swap3A_1284 = arith.constant 64 : index
        %swap3A_1285 = tpu.vector_load %arg27[%swap3A_1284] {strides = array<i32>} : memref<80xf32, #tpu.memory_space<vmem>>, vector<16xf32>,
        tpu.vector_store %arg27[%swap3A_1284], %exp3A_1283 {strides = array<i32>} : memref<80xf32, #tpu.memory_space<vmem>>, vector<16xf32>,
        %scan3A_1286 = arith.constant 0 : i32
        %scan3A_1287 = arith.constant 0 : i32
        %scan3A_1288 = arith.addi %scan3A_1286, %scan3A_1287 : i32
        %scan3A_1289 = arith.constant 0 : i32
        %dma_start3A_1290 = arith.constant 0 : i32
        %dma_start3A_1291 = arith.constant 0 : i32
        %dma_start3A_1292 = tpu.memref_slice %arg42[%dma_start3A_1290, %dma_start3A_1291] : memref<10240x128xf32, #tpu.memory_space<vmem_shared>> -> memref<80x128xf32, #tpu.memory_space<vmem_shared>>
        %dma_start3A_1293 = arith.constant 0 : i32
        %dma_start3A_1294 = arith.constant 0 : i32
        %dma_start3A_1295 = tpu.memref_slice %arg42[%dma_start3A_1293, %dma_start3A_1294] : memref<10240x128xf32, #tpu.memory_space<vmem_shared>> -> memref<80x128xf32, #tpu.memory_space<vmem_shared>>
        tpu.enqueue_dma source(%arg31 : memref<80x128xf32, #tpu.memory_space<vmem>>) target(%dma_start3A_1295 : memref<80x128xf32, #tpu.memory_space<vmem_shared>>) target_semaphore(%arg39 : memref<!tpu.dma_semaphore, #tpu.memory_space<semaphore_mem>>)
        %dma_start3A_1296 = arith.constant 0 : i32
        %dma_start3A_1297 = tpu.memref_slice %arg43[%dma_start3A_1296] : memref<10240xf32, #tpu.memory_space<vmem_shared>> -> memref<10240xf32, #tpu.memory_space<vmem_shared>>
        tpu.enqueue_indirect_dma source(%arg27 : memref<80xf32, #tpu.memory_space<vmem>>) target(%dma_start3A_1297 : memref<10240xf32, #tpu.memory_space<vmem_shared>>) offsets(%arg15 : memref<80xi32, #tpu.memory_space<vmem>>) semaphore(%arg39 : memref<!tpu.dma_semaphore, #tpu.memory_space<semaphore_mem>>) {add = true}
      }
      %scan3A_359 = arith.constant 5 : i32
      %dma_wait3A_360 = arith.constant 0 : i32
      %dma_wait3A_361 = arith.constant 0 : i32
      %dma_wait3A_362 = tpu.memref_slice %arg42[%dma_wait3A_360, %dma_wait3A_361] : memref<10240x128xf32, #tpu.memory_space<vmem_shared>> -> memref<10240x128xf32, #tpu.memory_space<vmem_shared>>
      tpu.wait_indirect_dma semaphore(%arg38 : memref<!tpu.dma_semaphore, #tpu.memory_space<semaphore_mem>>) src(%arg30 : memref<80x128xf32, #tpu.memory_space<vmem>>) dst(%dma_wait3A_362 : memref<10240x128xf32, #tpu.memory_space<vmem_shared>>)
      %dma_wait3A_363 = arith.constant 0 : i32
      %dma_wait3A_364 = tpu.memref_slice %arg43[%dma_wait3A_363] : memref<10240xf32, #tpu.memory_space<vmem_shared>> -> memref<10240xf32, #tpu.memory_space<vmem_shared>>
      tpu.wait_indirect_dma semaphore(%arg38 : memref<!tpu.dma_semaphore, #tpu.memory_space<semaphore_mem>>) src(%arg26 : memref<80xf32, #tpu.memory_space<vmem>>) dst(%dma_wait3A_364 : memref<10240xf32, #tpu.memory_space<vmem_shared>>)
      %get3A_365 = arith.constant 1920 : index
      %get3A_366 = tpu.vector_load %arg11[%get3A_365] {strides = array<i32>} : memref<2000xi32, #tpu.memory_space<vmem>>, vector<16xi32>,
      %swap3A_367 = arith.constant 0 : index
      %swap3A_368 = tpu.vector_load %arg14[%swap3A_367] {strides = array<i32>} : memref<80xi32, #tpu.memory_space<vmem>>, vector<16xi32>,
      tpu.vector_store %arg14[%swap3A_367], %get3A_366 {strides = array<i32>} : memref<80xi32, #tpu.memory_space<vmem>>, vector<16xi32>,
      %get3A_369 = arith.constant 1936 : index
      %get3A_370 = tpu.vector_load %arg11[%get3A_369] {strides = array<i32>} : memref<2000xi32, #tpu.memory_space<vmem>>, vector<16xi32>,
      %swap3A_371 = arith.constant 16 : index
      %swap3A_372 = tpu.vector_load %arg14[%swap3A_371] {strides = array<i32>} : memref<80xi32, #tpu.memory_space<vmem>>, vector<16xi32>,
      tpu.vector_store %arg14[%swap3A_371], %get3A_370 {strides = array<i32>} : memref<80xi32, #tpu.memory_space<vmem>>, vector<16xi32>,
      %get3A_373 = arith.constant 1952 : index
      %get3A_374 = tpu.vector_load %arg11[%get3A_373] {strides = array<i32>} : memref<2000xi32, #tpu.memory_space<vmem>>, vector<16xi32>,
      %swap3A_375 = arith.constant 32 : index
      %swap3A_376 = tpu.vector_load %arg14[%swap3A_375] {strides = array<i32>} : memref<80xi32, #tpu.memory_space<vmem>>, vector<16xi32>,
      tpu.vector_store %arg14[%swap3A_375], %get3A_374 {strides = array<i32>} : memref<80xi32, #tpu.memory_space<vmem>>, vector<16xi32>,
      %get3A_377 = arith.constant 1968 : index
      %get3A_378 = tpu.vector_load %arg11[%get3A_377] {strides = array<i32>} : memref<2000xi32, #tpu.memory_space<vmem>>, vector<16xi32>,
      %swap3A_379 = arith.constant 48 : index
      %swap3A_380 = tpu.vector_load %arg14[%swap3A_379] {strides = array<i32>} : memref<80xi32, #tpu.memory_space<vmem>>, vector<16xi32>,
      tpu.vector_store %arg14[%swap3A_379], %get3A_378 {strides = array<i32>} : memref<80xi32, #tpu.memory_space<vmem>>, vector<16xi32>,
      %get3A_381 = arith.constant 1984 : index
      %get3A_382 = tpu.vector_load %arg11[%get3A_381] {strides = array<i32>} : memref<2000xi32, #tpu.memory_space<vmem>>, vector<16xi32>,
      %swap3A_383 = arith.constant 64 : index
      %swap3A_384 = tpu.vector_load %arg14[%swap3A_383] {strides = array<i32>} : memref<80xi32, #tpu.memory_space<vmem>>, vector<16xi32>,
      tpu.vector_store %arg14[%swap3A_383], %get3A_382 {strides = array<i32>} : memref<80xi32, #tpu.memory_space<vmem>>, vector<16xi32>,
      %dma_start3A_385 = arith.constant 1920 : i32
      %dma_start3A_386 = arith.constant 0 : i32
      %dma_start3A_387 = tpu.memref_slice %arg4[%dma_start3A_385, %dma_start3A_386] : memref<10000x128xf32, #tpu.memory_space<hbm>> -> memref<80x128xf32, #tpu.memory_space<hbm>>
      %dma_start3A_388 = arith.constant 1920 : i32
      %dma_start3A_389 = arith.constant 0 : i32
      %dma_start3A_390 = tpu.memref_slice %arg4[%dma_start3A_388, %dma_start3A_389] : memref<10000x128xf32, #tpu.memory_space<hbm>> -> memref<80x128xf32, #tpu.memory_space<hbm>>
      tpu.enqueue_dma source(%dma_start3A_390 : memref<80x128xf32, #tpu.memory_space<hbm>>) target(%arg30 : memref<80x128xf32, #tpu.memory_space<vmem>>) target_semaphore(%arg34 : memref<!tpu.dma_semaphore, #tpu.memory_space<semaphore_mem>>)
      %dma_wait3A_391 = arith.constant 0 : i32
      %dma_wait3A_392 = arith.constant 0 : i32
      %dma_wait3A_393 = tpu.memref_slice %arg4[%dma_wait3A_391, %dma_wait3A_392] : memref<10000x128xf32, #tpu.memory_space<hbm>> -> memref<80x128xf32, #tpu.memory_space<hbm>>
      %dma_wait3A_394 = arith.constant 0 : i32
      %dma_wait3A_395 = arith.constant 0 : i32
      %dma_wait3A_396 = tpu.memref_slice %arg4[%dma_wait3A_394, %dma_wait3A_395] : memref<10000x128xf32, #tpu.memory_space<hbm>> -> memref<80x128xf32, #tpu.memory_space<hbm>>
      tpu.wait_dma2 semaphore(%arg36 : memref<!tpu.dma_semaphore, #tpu.memory_space<semaphore_mem>>) src(%dma_wait3A_396 : memref<80x128xf32, #tpu.memory_space<hbm>>) dst(%arg32 : memref<80x128xf32, #tpu.memory_space<vmem>>)
      %get3A_397 = arith.constant 0 : index
      %get3A_398 = tpu.vector_load %arg20[%get3A_397] {strides = array<i32>} : memref<80xf32, #tpu.memory_space<vmem>>, vector<16xf32>,
      %get3A_399 = arith.constant 0 : index
      %get3A_400 = tpu.vector_load %arg24[%get3A_399] {strides = array<i32>} : memref<80xf32, #tpu.memory_space<vmem>>, vector<16xf32>,
      %add3A_401 = arith.addf %get3A_398, %get3A_400 : vector<16xf32>
      %gt3A_402 = arith.constant 0.000000e+00 : f32
      %gt3A_403 = vector.broadcast %gt3A_402 : f32 to vector<16xf32>
      %gt3A_404 = arith.cmpf ogt, %add3A_401, %gt3A_403 : vector<16xf32>
      %mul3A_405 = arith.constant 2.000000e-01 : f32
      %mul3A_406 = vector.broadcast %mul3A_405 : f32 to vector<16xf32>
      %mul3A_407 = arith.mulf %add3A_401, %mul3A_406 : vector<16xf32>
      %select_n3A_408 = arith.select %gt3A_404, %add3A_401, %mul3A_407 : vector<16xi1>, vector<16xf32>
      %sub3A_409 = arith.subf %select_n3A_408, %get3A_31 : vector<16xf32>
      %exp3A_410 = math.exp %sub3A_409 : vector<16xf32>
      %swap3A_411 = arith.constant 0 : index
      %swap3A_412 = tpu.vector_load %arg28[%swap3A_411] {strides = array<i32>} : memref<80xf32, #tpu.memory_space<vmem>>, vector<16xf32>,
      tpu.vector_store %arg28[%swap3A_411], %exp3A_410 {strides = array<i32>} : memref<80xf32, #tpu.memory_space<vmem>>, vector<16xf32>,
      %get3A_413 = arith.constant 16 : index
      %get3A_414 = tpu.vector_load %arg20[%get3A_413] {strides = array<i32>} : memref<80xf32, #tpu.memory_space<vmem>>, vector<16xf32>,
      %get3A_415 = arith.constant 16 : index
      %get3A_416 = tpu.vector_load %arg24[%get3A_415] {strides = array<i32>} : memref<80xf32, #tpu.memory_space<vmem>>, vector<16xf32>,
      %add3A_417 = arith.addf %get3A_414, %get3A_416 : vector<16xf32>
      %gt3A_418 = arith.constant 0.000000e+00 : f32
      %gt3A_419 = vector.broadcast %gt3A_418 : f32 to vector<16xf32>
      %gt3A_420 = arith.cmpf ogt, %add3A_417, %gt3A_419 : vector<16xf32>
      %mul3A_421 = arith.constant 2.000000e-01 : f32
      %mul3A_422 = vector.broadcast %mul3A_421 : f32 to vector<16xf32>
      %mul3A_423 = arith.mulf %add3A_417, %mul3A_422 : vector<16xf32>
      %select_n3A_424 = arith.select %gt3A_420, %add3A_417, %mul3A_423 : vector<16xi1>, vector<16xf32>
      %sub3A_425 = arith.subf %select_n3A_424, %get3A_31 : vector<16xf32>
      %exp3A_426 = math.exp %sub3A_425 : vector<16xf32>
      %swap3A_427 = arith.constant 16 : index
      %swap3A_428 = tpu.vector_load %arg28[%swap3A_427] {strides = array<i32>} : memref<80xf32, #tpu.memory_space<vmem>>, vector<16xf32>,
      tpu.vector_store %arg28[%swap3A_427], %exp3A_426 {strides = array<i32>} : memref<80xf32, #tpu.memory_space<vmem>>, vector<16xf32>,
      %get3A_429 = arith.constant 32 : index
      %get3A_430 = tpu.vector_load %arg20[%get3A_429] {strides = array<i32>} : memref<80xf32, #tpu.memory_space<vmem>>, vector<16xf32>,
      %get3A_431 = arith.constant 32 : index
      %get3A_432 = tpu.vector_load %arg24[%get3A_431] {strides = array<i32>} : memref<80xf32, #tpu.memory_space<vmem>>, vector<16xf32>,
      %add3A_433 = arith.addf %get3A_430, %get3A_432 : vector<16xf32>
      %gt3A_434 = arith.constant 0.000000e+00 : f32
      %gt3A_435 = vector.broadcast %gt3A_434 : f32 to vector<16xf32>
      %gt3A_436 = arith.cmpf ogt, %add3A_433, %gt3A_435 : vector<16xf32>
      %mul3A_437 = arith.constant 2.000000e-01 : f32
      %mul3A_438 = vector.broadcast %mul3A_437 : f32 to vector<16xf32>
      %mul3A_439 = arith.mulf %add3A_433, %mul3A_438 : vector<16xf32>
      %select_n3A_440 = arith.select %gt3A_436, %add3A_433, %mul3A_439 : vector<16xi1>, vector<16xf32>
      %sub3A_441 = arith.subf %select_n3A_440, %get3A_31 : vector<16xf32>
      %exp3A_442 = math.exp %sub3A_441 : vector<16xf32>
      %swap3A_443 = arith.constant 32 : index
      %swap3A_444 = tpu.vector_load %arg28[%swap3A_443] {strides = array<i32>} : memref<80xf32, #tpu.memory_space<vmem>>, vector<16xf32>,
      tpu.vector_store %arg28[%swap3A_443], %exp3A_442 {strides = array<i32>} : memref<80xf32, #tpu.memory_space<vmem>>, vector<16xf32>,
      %get3A_445 = arith.constant 48 : index
      %get3A_446 = tpu.vector_load %arg20[%get3A_445] {strides = array<i32>} : memref<80xf32, #tpu.memory_space<vmem>>, vector<16xf32>,
      %get3A_447 = arith.constant 48 : index
      %get3A_448 = tpu.vector_load %arg24[%get3A_447] {strides = array<i32>} : memref<80xf32, #tpu.memory_space<vmem>>, vector<16xf32>,
      %add3A_449 = arith.addf %get3A_446, %get3A_448 : vector<16xf32>
      %gt3A_450 = arith.constant 0.000000e+00 : f32
      %gt3A_451 = vector.broadcast %gt3A_450 : f32 to vector<16xf32>
      %gt3A_452 = arith.cmpf ogt, %add3A_449, %gt3A_451 : vector<16xf32>
      %mul3A_453 = arith.constant 2.000000e-01 : f32
      %mul3A_454 = vector.broadcast %mul3A_453 : f32 to vector<16xf32>
      %mul3A_455 = arith.mulf %add3A_449, %mul3A_454 : vector<16xf32>
      %select_n3A_456 = arith.select %gt3A_452, %add3A_449, %mul3A_455 : vector<16xi1>, vector<16xf32>
      %sub3A_457 = arith.subf %select_n3A_456, %get3A_31 : vector<16xf32>
      %exp3A_458 = math.exp %sub3A_457 : vector<16xf32>
      %swap3A_459 = arith.constant 48 : index
      %swap3A_460 = tpu.vector_load %arg28[%swap3A_459] {strides = array<i32>} : memref<80xf32, #tpu.memory_space<vmem>>, vector<16xf32>,
      tpu.vector_store %arg28[%swap3A_459], %exp3A_458 {strides = array<i32>} : memref<80xf32, #tpu.memory_space<vmem>>, vector<16xf32>,
      %get3A_461 = arith.constant 64 : index
      %get3A_462 = tpu.vector_load %arg20[%get3A_461] {strides = array<i32>} : memref<80xf32, #tpu.memory_space<vmem>>, vector<16xf32>,
      %get3A_463 = arith.constant 64 : index
      %get3A_464 = tpu.vector_load %arg24[%get3A_463] {strides = array<i32>} : memref<80xf32, #tpu.memory_space<vmem>>, vector<16xf32>,
      %add3A_465 = arith.addf %get3A_462, %get3A_464 : vector<16xf32>
      %gt3A_466 = arith.constant 0.000000e+00 : f32
      %gt3A_467 = vector.broadcast %gt3A_466 : f32 to vector<16xf32>
      %gt3A_468 = arith.cmpf ogt, %add3A_465, %gt3A_467 : vector<16xf32>
      %mul3A_469 = arith.constant 2.000000e-01 : f32
      %mul3A_470 = vector.broadcast %mul3A_469 : f32 to vector<16xf32>
      %mul3A_471 = arith.mulf %add3A_465, %mul3A_470 : vector<16xf32>
      %select_n3A_472 = arith.select %gt3A_468, %add3A_465, %mul3A_471 : vector<16xi1>, vector<16xf32>
      %sub3A_473 = arith.subf %select_n3A_472, %get3A_31 : vector<16xf32>
      %exp3A_474 = math.exp %sub3A_473 : vector<16xf32>
      %swap3A_475 = arith.constant 64 : index
      %swap3A_476 = tpu.vector_load %arg28[%swap3A_475] {strides = array<i32>} : memref<80xf32, #tpu.memory_space<vmem>>, vector<16xf32>,
      tpu.vector_store %arg28[%swap3A_475], %exp3A_474 {strides = array<i32>} : memref<80xf32, #tpu.memory_space<vmem>>, vector<16xf32>,
      %scan3A_477 = arith.constant 0 : i32
      %scan3A_478 = arith.constant 0 : i32
      %scan3A_479 = arith.addi %scan3A_477, %scan3A_478 : i32
      %scan3A_480 = arith.constant 0 : i32
      %dma_start3A_481 = arith.constant 0 : i32
      %dma_start3A_482 = arith.constant 0 : i32
      %dma_start3A_483 = tpu.memref_slice %arg42[%dma_start3A_481, %dma_start3A_482] : memref<10240x128xf32, #tpu.memory_space<vmem_shared>> -> memref<80x128xf32, #tpu.memory_space<vmem_shared>>
      %dma_start3A_484 = arith.constant 0 : i32
      %dma_start3A_485 = arith.constant 0 : i32
      %dma_start3A_486 = tpu.memref_slice %arg42[%dma_start3A_484, %dma_start3A_485] : memref<10240x128xf32, #tpu.memory_space<vmem_shared>> -> memref<80x128xf32, #tpu.memory_space<vmem_shared>>
      tpu.enqueue_dma source(%arg32 : memref<80x128xf32, #tpu.memory_space<vmem>>) target(%dma_start3A_486 : memref<80x128xf32, #tpu.memory_space<vmem_shared>>) target_semaphore(%arg40 : memref<!tpu.dma_semaphore, #tpu.memory_space<semaphore_mem>>)
      %dma_start3A_487 = arith.constant 0 : i32
      %dma_start3A_488 = tpu.memref_slice %arg43[%dma_start3A_487] : memref<10240xf32, #tpu.memory_space<vmem_shared>> -> memref<10240xf32, #tpu.memory_space<vmem_shared>>
      tpu.enqueue_indirect_dma source(%arg28 : memref<80xf32, #tpu.memory_space<vmem>>) target(%dma_start3A_488 : memref<10240xf32, #tpu.memory_space<vmem_shared>>) offsets(%arg16 : memref<80xi32, #tpu.memory_space<vmem>>) semaphore(%arg40 : memref<!tpu.dma_semaphore, #tpu.memory_space<semaphore_mem>>) {add = true}
      %dma_wait3A_489 = arith.constant 0 : i32
      %dma_wait3A_490 = arith.constant 0 : i32
      %dma_wait3A_491 = tpu.memref_slice %arg4[%dma_wait3A_489, %dma_wait3A_490] : memref<10000x128xf32, #tpu.memory_space<hbm>> -> memref<80x128xf32, #tpu.memory_space<hbm>>
      %dma_wait3A_492 = arith.constant 0 : i32
      %dma_wait3A_493 = arith.constant 0 : i32
      %dma_wait3A_494 = tpu.memref_slice %arg4[%dma_wait3A_492, %dma_wait3A_493] : memref<10000x128xf32, #tpu.memory_space<hbm>> -> memref<80x128xf32, #tpu.memory_space<hbm>>
      tpu.wait_dma2 semaphore(%arg37 : memref<!tpu.dma_semaphore, #tpu.memory_space<semaphore_mem>>) src(%dma_wait3A_494 : memref<80x128xf32, #tpu.memory_space<hbm>>) dst(%arg33 : memref<80x128xf32, #tpu.memory_space<vmem>>)
      %get3A_495 = arith.constant 0 : index
      %get3A_496 = tpu.vector_load %arg21[%get3A_495] {strides = array<i32>} : memref<80xf32, #tpu.memory_space<vmem>>, vector<16xf32>,
      %get3A_497 = arith.constant 0 : index
      %get3A_498 = tpu.vector_load %arg25[%get3A_497] {strides = array<i32>} : memref<80xf32, #tpu.memory_space<vmem>>, vector<16xf32>,
      %add3A_499 = arith.addf %get3A_496, %get3A_498 : vector<16xf32>
      %gt3A_500 = arith.constant 0.000000e+00 : f32
      %gt3A_501 = vector.broadcast %gt3A_500 : f32 to vector<16xf32>
      %gt3A_502 = arith.cmpf ogt, %add3A_499, %gt3A_501 : vector<16xf32>
      %mul3A_503 = arith.constant 2.000000e-01 : f32
      %mul3A_504 = vector.broadcast %mul3A_503 : f32 to vector<16xf32>
      %mul3A_505 = arith.mulf %add3A_499, %mul3A_504 : vector<16xf32>
      %select_n3A_506 = arith.select %gt3A_502, %add3A_499, %mul3A_505 : vector<16xi1>, vector<16xf32>
      %sub3A_507 = arith.subf %select_n3A_506, %get3A_31 : vector<16xf32>
      %exp3A_508 = math.exp %sub3A_507 : vector<16xf32>
      %swap3A_509 = arith.constant 0 : index
      %swap3A_510 = tpu.vector_load %arg29[%swap3A_509] {strides = array<i32>} : memref<80xf32, #tpu.memory_space<vmem>>, vector<16xf32>,
      tpu.vector_store %arg29[%swap3A_509], %exp3A_508 {strides = array<i32>} : memref<80xf32, #tpu.memory_space<vmem>>, vector<16xf32>,
      %get3A_511 = arith.constant 16 : index
      %get3A_512 = tpu.vector_load %arg21[%get3A_511] {strides = array<i32>} : memref<80xf32, #tpu.memory_space<vmem>>, vector<16xf32>,
      %get3A_513 = arith.constant 16 : index
      %get3A_514 = tpu.vector_load %arg25[%get3A_513] {strides = array<i32>} : memref<80xf32, #tpu.memory_space<vmem>>, vector<16xf32>,
      %add3A_515 = arith.addf %get3A_512, %get3A_514 : vector<16xf32>
      %gt3A_516 = arith.constant 0.000000e+00 : f32
      %gt3A_517 = vector.broadcast %gt3A_516 : f32 to vector<16xf32>
      %gt3A_518 = arith.cmpf ogt, %add3A_515, %gt3A_517 : vector<16xf32>
      %mul3A_519 = arith.constant 2.000000e-01 : f32
      %mul3A_520 = vector.broadcast %mul3A_519 : f32 to vector<16xf32>
      %mul3A_521 = arith.mulf %add3A_515, %mul3A_520 : vector<16xf32>
      %select_n3A_522 = arith.select %gt3A_518, %add3A_515, %mul3A_521 : vector<16xi1>, vector<16xf32>
      %sub3A_523 = arith.subf %select_n3A_522, %get3A_31 : vector<16xf32>
      %exp3A_524 = math.exp %sub3A_523 : vector<16xf32>
      %swap3A_525 = arith.constant 16 : index
      %swap3A_526 = tpu.vector_load %arg29[%swap3A_525] {strides = array<i32>} : memref<80xf32, #tpu.memory_space<vmem>>, vector<16xf32>,
      tpu.vector_store %arg29[%swap3A_525], %exp3A_524 {strides = array<i32>} : memref<80xf32, #tpu.memory_space<vmem>>, vector<16xf32>,
      %get3A_527 = arith.constant 32 : index
      %get3A_528 = tpu.vector_load %arg21[%get3A_527] {strides = array<i32>} : memref<80xf32, #tpu.memory_space<vmem>>, vector<16xf32>,
      %get3A_529 = arith.constant 32 : index
      %get3A_530 = tpu.vector_load %arg25[%get3A_529] {strides = array<i32>} : memref<80xf32, #tpu.memory_space<vmem>>, vector<16xf32>,
      %add3A_531 = arith.addf %get3A_528, %get3A_530 : vector<16xf32>
      %gt3A_532 = arith.constant 0.000000e+00 : f32
      %gt3A_533 = vector.broadcast %gt3A_532 : f32 to vector<16xf32>
      %gt3A_534 = arith.cmpf ogt, %add3A_531, %gt3A_533 : vector<16xf32>
      %mul3A_535 = arith.constant 2.000000e-01 : f32
      %mul3A_536 = vector.broadcast %mul3A_535 : f32 to vector<16xf32>
      %mul3A_537 = arith.mulf %add3A_531, %mul3A_536 : vector<16xf32>
      %select_n3A_538 = arith.select %gt3A_534, %add3A_531, %mul3A_537 : vector<16xi1>, vector<16xf32>
      %sub3A_539 = arith.subf %select_n3A_538, %get3A_31 : vector<16xf32>
      %exp3A_540 = math.exp %sub3A_539 : vector<16xf32>
      %swap3A_541 = arith.constant 32 : index
      %swap3A_542 = tpu.vector_load %arg29[%swap3A_541] {strides = array<i32>} : memref<80xf32, #tpu.memory_space<vmem>>, vector<16xf32>,
      tpu.vector_store %arg29[%swap3A_541], %exp3A_540 {strides = array<i32>} : memref<80xf32, #tpu.memory_space<vmem>>, vector<16xf32>,
      %get3A_543 = arith.constant 48 : index
      %get3A_544 = tpu.vector_load %arg21[%get3A_543] {strides = array<i32>} : memref<80xf32, #tpu.memory_space<vmem>>, vector<16xf32>,
      %get3A_545 = arith.constant 48 : index
      %get3A_546 = tpu.vector_load %arg25[%get3A_545] {strides = array<i32>} : memref<80xf32, #tpu.memory_space<vmem>>, vector<16xf32>,
      %add3A_547 = arith.addf %get3A_544, %get3A_546 : vector<16xf32>
      %gt3A_548 = arith.constant 0.000000e+00 : f32
      %gt3A_549 = vector.broadcast %gt3A_548 : f32 to vector<16xf32>
      %gt3A_550 = arith.cmpf ogt, %add3A_547, %gt3A_549 : vector<16xf32>
      %mul3A_551 = arith.constant 2.000000e-01 : f32
      %mul3A_552 = vector.broadcast %mul3A_551 : f32 to vector<16xf32>
      %mul3A_553 = arith.mulf %add3A_547, %mul3A_552 : vector<16xf32>
      %select_n3A_554 = arith.select %gt3A_550, %add3A_547, %mul3A_553 : vector<16xi1>, vector<16xf32>
      %sub3A_555 = arith.subf %select_n3A_554, %get3A_31 : vector<16xf32>
      %exp3A_556 = math.exp %sub3A_555 : vector<16xf32>
      %swap3A_557 = arith.constant 48 : index
      %swap3A_558 = tpu.vector_load %arg29[%swap3A_557] {strides = array<i32>} : memref<80xf32, #tpu.memory_space<vmem>>, vector<16xf32>,
      tpu.vector_store %arg29[%swap3A_557], %exp3A_556 {strides = array<i32>} : memref<80xf32, #tpu.memory_space<vmem>>, vector<16xf32>,
      %get3A_559 = arith.constant 64 : index
      %get3A_560 = tpu.vector_load %arg21[%get3A_559] {strides = array<i32>} : memref<80xf32, #tpu.memory_space<vmem>>, vector<16xf32>,
      %get3A_561 = arith.constant 64 : index
      %get3A_562 = tpu.vector_load %arg25[%get3A_561] {strides = array<i32>} : memref<80xf32, #tpu.memory_space<vmem>>, vector<16xf32>,
      %add3A_563 = arith.addf %get3A_560, %get3A_562 : vector<16xf32>
      %gt3A_564 = arith.constant 0.000000e+00 : f32
      %gt3A_565 = vector.broadcast %gt3A_564 : f32 to vector<16xf32>
      %gt3A_566 = arith.cmpf ogt, %add3A_563, %gt3A_565 : vector<16xf32>
      %mul3A_567 = arith.constant 2.000000e-01 : f32
      %mul3A_568 = vector.broadcast %mul3A_567 : f32 to vector<16xf32>
      %mul3A_569 = arith.mulf %add3A_563, %mul3A_568 : vector<16xf32>
      %select_n3A_570 = arith.select %gt3A_566, %add3A_563, %mul3A_569 : vector<16xi1>, vector<16xf32>
      %sub3A_571 = arith.subf %select_n3A_570, %get3A_31 : vector<16xf32>
      %exp3A_572 = math.exp %sub3A_571 : vector<16xf32>
      %swap3A_573 = arith.constant 64 : index
      %swap3A_574 = tpu.vector_load %arg29[%swap3A_573] {strides = array<i32>} : memref<80xf32, #tpu.memory_space<vmem>>, vector<16xf32>,
      tpu.vector_store %arg29[%swap3A_573], %exp3A_572 {strides = array<i32>} : memref<80xf32, #tpu.memory_space<vmem>>, vector<16xf32>,
      %scan3A_575 = arith.constant 0 : i32
      %scan3A_576 = arith.constant 0 : i32
      %scan3A_577 = arith.addi %scan3A_575, %scan3A_576 : i32
      %scan3A_578 = arith.constant 0 : i32
      %dma_start3A_579 = arith.constant 0 : i32
      %dma_start3A_580 = arith.constant 0 : i32
      %dma_start3A_581 = tpu.memref_slice %arg42[%dma_start3A_579, %dma_start3A_580] : memref<10240x128xf32, #tpu.memory_space<vmem_shared>> -> memref<80x128xf32, #tpu.memory_space<vmem_shared>>
      %dma_start3A_582 = arith.constant 0 : i32
      %dma_start3A_583 = arith.constant 0 : i32
      %dma_start3A_584 = tpu.memref_slice %arg42[%dma_start3A_582, %dma_start3A_583] : memref<10240x128xf32, #tpu.memory_space<vmem_shared>> -> memref<80x128xf32, #tpu.memory_space<vmem_shared>>
      tpu.enqueue_dma source(%arg33 : memref<80x128xf32, #tpu.memory_space<vmem>>) target(%dma_start3A_584 : memref<80x128xf32, #tpu.memory_space<vmem_shared>>) target_semaphore(%arg41 : memref<!tpu.dma_semaphore, #tpu.memory_space<semaphore_mem>>)
      %dma_start3A_585 = arith.constant 0 : i32
      %dma_start3A_586 = tpu.memref_slice %arg43[%dma_start3A_585] : memref<10240xf32, #tpu.memory_space<vmem_shared>> -> memref<10240xf32, #tpu.memory_space<vmem_shared>>
      tpu.enqueue_indirect_dma source(%arg29 : memref<80xf32, #tpu.memory_space<vmem>>) target(%dma_start3A_586 : memref<10240xf32, #tpu.memory_space<vmem_shared>>) offsets(%arg17 : memref<80xi32, #tpu.memory_space<vmem>>) semaphore(%arg41 : memref<!tpu.dma_semaphore, #tpu.memory_space<semaphore_mem>>) {add = true}
      %dma_wait3A_587 = arith.constant 0 : i32
      %dma_wait3A_588 = arith.constant 0 : i32
      %dma_wait3A_589 = tpu.memref_slice %arg4[%dma_wait3A_587, %dma_wait3A_588] : memref<10000x128xf32, #tpu.memory_space<hbm>> -> memref<80x128xf32, #tpu.memory_space<hbm>>
      %dma_wait3A_590 = arith.constant 0 : i32
      %dma_wait3A_591 = arith.constant 0 : i32
      %dma_wait3A_592 = tpu.memref_slice %arg4[%dma_wait3A_590, %dma_wait3A_591] : memref<10000x128xf32, #tpu.memory_space<hbm>> -> memref<80x128xf32, #tpu.memory_space<hbm>>
      tpu.wait_dma2 semaphore(%arg34 : memref<!tpu.dma_semaphore, #tpu.memory_space<semaphore_mem>>) src(%dma_wait3A_592 : memref<80x128xf32, #tpu.memory_space<hbm>>) dst(%arg30 : memref<80x128xf32, #tpu.memory_space<vmem>>)
      %get3A_593 = arith.constant 0 : index
      %get3A_594 = tpu.vector_load %arg18[%get3A_593] {strides = array<i32>} : memref<80xf32, #tpu.memory_space<vmem>>, vector<16xf32>,
      %get3A_595 = arith.constant 0 : index
      %get3A_596 = tpu.vector_load %arg22[%get3A_595] {strides = array<i32>} : memref<80xf32, #tpu.memory_space<vmem>>, vector<16xf32>,
      %add3A_597 = arith.addf %get3A_594, %get3A_596 : vector<16xf32>
      %gt3A_598 = arith.constant 0.000000e+00 : f32
      %gt3A_599 = vector.broadcast %gt3A_598 : f32 to vector<16xf32>
      %gt3A_600 = arith.cmpf ogt, %add3A_597, %gt3A_599 : vector<16xf32>
      %mul3A_601 = arith.constant 2.000000e-01 : f32
      %mul3A_602 = vector.broadcast %mul3A_601 : f32 to vector<16xf32>
      %mul3A_603 = arith.mulf %add3A_597, %mul3A_602 : vector<16xf32>
      %select_n3A_604 = arith.select %gt3A_600, %add3A_597, %mul3A_603 : vector<16xi1>, vector<16xf32>
      %sub3A_605 = arith.subf %select_n3A_604, %get3A_31 : vector<16xf32>
      %exp3A_606 = math.exp %sub3A_605 : vector<16xf32>
      %swap3A_607 = arith.constant 0 : index
      %swap3A_608 = tpu.vector_load %arg26[%swap3A_607] {strides = array<i32>} : memref<80xf32, #tpu.memory_space<vmem>>, vector<16xf32>,
      tpu.vector_store %arg26[%swap3A_607], %exp3A_606 {strides = array<i32>} : memref<80xf32, #tpu.memory_space<vmem>>, vector<16xf32>,
      %get3A_609 = arith.constant 16 : index
      %get3A_610 = tpu.vector_load %arg18[%get3A_609] {strides = array<i32>} : memref<80xf32, #tpu.memory_space<vmem>>, vector<16xf32>,
      %get3A_611 = arith.constant 16 : index
      %get3A_612 = tpu.vector_load %arg22[%get3A_611] {strides = array<i32>} : memref<80xf32, #tpu.memory_space<vmem>>, vector<16xf32>,
      %add3A_613 = arith.addf %get3A_610, %get3A_612 : vector<16xf32>
      %gt3A_614 = arith.constant 0.000000e+00 : f32
      %gt3A_615 = vector.broadcast %gt3A_614 : f32 to vector<16xf32>
      %gt3A_616 = arith.cmpf ogt, %add3A_613, %gt3A_615 : vector<16xf32>
      %mul3A_617 = arith.constant 2.000000e-01 : f32
      %mul3A_618 = vector.broadcast %mul3A_617 : f32 to vector<16xf32>
      %mul3A_619 = arith.mulf %add3A_613, %mul3A_618 : vector<16xf32>
      %select_n3A_620 = arith.select %gt3A_616, %add3A_613, %mul3A_619 : vector<16xi1>, vector<16xf32>
      %sub3A_621 = arith.subf %select_n3A_620, %get3A_31 : vector<16xf32>
      %exp3A_622 = math.exp %sub3A_621 : vector<16xf32>
      %swap3A_623 = arith.constant 16 : index
      %swap3A_624 = tpu.vector_load %arg26[%swap3A_623] {strides = array<i32>} : memref<80xf32, #tpu.memory_space<vmem>>, vector<16xf32>,
      tpu.vector_store %arg26[%swap3A_623], %exp3A_622 {strides = array<i32>} : memref<80xf32, #tpu.memory_space<vmem>>, vector<16xf32>,
      %get3A_625 = arith.constant 32 : index
      %get3A_626 = tpu.vector_load %arg18[%get3A_625] {strides = array<i32>} : memref<80xf32, #tpu.memory_space<vmem>>, vector<16xf32>,
      %get3A_627 = arith.constant 32 : index
      %get3A_628 = tpu.vector_load %arg22[%get3A_627] {strides = array<i32>} : memref<80xf32, #tpu.memory_space<vmem>>, vector<16xf32>,
      %add3A_629 = arith.addf %get3A_626, %get3A_628 : vector<16xf32>
      %gt3A_630 = arith.constant 0.000000e+00 : f32
      %gt3A_631 = vector.broadcast %gt3A_630 : f32 to vector<16xf32>
      %gt3A_632 = arith.cmpf ogt, %add3A_629, %gt3A_631 : vector<16xf32>
      %mul3A_633 = arith.constant 2.000000e-01 : f32
      %mul3A_634 = vector.broadcast %mul3A_633 : f32 to vector<16xf32>
      %mul3A_635 = arith.mulf %add3A_629, %mul3A_634 : vector<16xf32>
      %select_n3A_636 = arith.select %gt3A_632, %add3A_629, %mul3A_635 : vector<16xi1>, vector<16xf32>
      %sub3A_637 = arith.subf %select_n3A_636, %get3A_31 : vector<16xf32>
      %exp3A_638 = math.exp %sub3A_637 : vector<16xf32>
      %swap3A_639 = arith.constant 32 : index
      %swap3A_640 = tpu.vector_load %arg26[%swap3A_639] {strides = array<i32>} : memref<80xf32, #tpu.memory_space<vmem>>, vector<16xf32>,
      tpu.vector_store %arg26[%swap3A_639], %exp3A_638 {strides = array<i32>} : memref<80xf32, #tpu.memory_space<vmem>>, vector<16xf32>,
      %get3A_641 = arith.constant 48 : index
      %get3A_642 = tpu.vector_load %arg18[%get3A_641] {strides = array<i32>} : memref<80xf32, #tpu.memory_space<vmem>>, vector<16xf32>,
      %get3A_643 = arith.constant 48 : index
      %get3A_644 = tpu.vector_load %arg22[%get3A_643] {strides = array<i32>} : memref<80xf32, #tpu.memory_space<vmem>>, vector<16xf32>,
      %add3A_645 = arith.addf %get3A_642, %get3A_644 : vector<16xf32>
      %gt3A_646 = arith.constant 0.000000e+00 : f32
      %gt3A_647 = vector.broadcast %gt3A_646 : f32 to vector<16xf32>
      %gt3A_648 = arith.cmpf ogt, %add3A_645, %gt3A_647 : vector<16xf32>
      %mul3A_649 = arith.constant 2.000000e-01 : f32
      %mul3A_650 = vector.broadcast %mul3A_649 : f32 to vector<16xf32>
      %mul3A_651 = arith.mulf %add3A_645, %mul3A_650 : vector<16xf32>
      %select_n3A_652 = arith.select %gt3A_648, %add3A_645, %mul3A_651 : vector<16xi1>, vector<16xf32>
      %sub3A_653 = arith.subf %select_n3A_652, %get3A_31 : vector<16xf32>
      %exp3A_654 = math.exp %sub3A_653 : vector<16xf32>
      %swap3A_655 = arith.constant 48 : index
      %swap3A_656 = tpu.vector_load %arg26[%swap3A_655] {strides = array<i32>} : memref<80xf32, #tpu.memory_space<vmem>>, vector<16xf32>,
      tpu.vector_store %arg26[%swap3A_655], %exp3A_654 {strides = array<i32>} : memref<80xf32, #tpu.memory_space<vmem>>, vector<16xf32>,
      %get3A_657 = arith.constant 64 : index
      %get3A_658 = tpu.vector_load %arg18[%get3A_657] {strides = array<i32>} : memref<80xf32, #tpu.memory_space<vmem>>, vector<16xf32>,
      %get3A_659 = arith.constant 64 : index
      %get3A_660 = tpu.vector_load %arg22[%get3A_659] {strides = array<i32>} : memref<80xf32, #tpu.memory_space<vmem>>, vector<16xf32>,
      %add3A_661 = arith.addf %get3A_658, %get3A_660 : vector<16xf32>
      %gt3A_662 = arith.constant 0.000000e+00 : f32
      %gt3A_663 = vector.broadcast %gt3A_662 : f32 to vector<16xf32>
      %gt3A_664 = arith.cmpf ogt, %add3A_661, %gt3A_663 : vector<16xf32>
      %mul3A_665 = arith.constant 2.000000e-01 : f32
      %mul3A_666 = vector.broadcast %mul3A_665 : f32 to vector<16xf32>
      %mul3A_667 = arith.mulf %add3A_661, %mul3A_666 : vector<16xf32>
      %select_n3A_668 = arith.select %gt3A_664, %add3A_661, %mul3A_667 : vector<16xi1>, vector<16xf32>
      %sub3A_669 = arith.subf %select_n3A_668, %get3A_31 : vector<16xf32>
      %exp3A_670 = math.exp %sub3A_669 : vector<16xf32>
      %swap3A_671 = arith.constant 64 : index
      %swap3A_672 = tpu.vector_load %arg26[%swap3A_671] {strides = array<i32>} : memref<80xf32, #tpu.memory_space<vmem>>, vector<16xf32>,
      tpu.vector_store %arg26[%swap3A_671], %exp3A_670 {strides = array<i32>} : memref<80xf32, #tpu.memory_space<vmem>>, vector<16xf32>,
      %scan3A_673 = arith.constant 0 : i32
      %scan3A_674 = arith.constant 0 : i32
      %scan3A_675 = arith.addi %scan3A_673, %scan3A_674 : i32
      %scan3A_676 = arith.constant 0 : i32
      %dma_start3A_677 = arith.constant 0 : i32
      %dma_start3A_678 = arith.constant 0 : i32
      %dma_start3A_679 = tpu.memref_slice %arg42[%dma_start3A_677, %dma_start3A_678] : memref<10240x128xf32, #tpu.memory_space<vmem_shared>> -> memref<80x128xf32, #tpu.memory_space<vmem_shared>>
      %dma_start3A_680 = arith.constant 0 : i32
      %dma_start3A_681 = arith.constant 0 : i32
      %dma_start3A_682 = tpu.memref_slice %arg42[%dma_start3A_680, %dma_start3A_681] : memref<10240x128xf32, #tpu.memory_space<vmem_shared>> -> memref<80x128xf32, #tpu.memory_space<vmem_shared>>
      tpu.enqueue_dma source(%arg30 : memref<80x128xf32, #tpu.memory_space<vmem>>) target(%dma_start3A_682 : memref<80x128xf32, #tpu.memory_space<vmem_shared>>) target_semaphore(%arg38 : memref<!tpu.dma_semaphore, #tpu.memory_space<semaphore_mem>>)
      %dma_start3A_683 = arith.constant 0 : i32
      %dma_start3A_684 = tpu.memref_slice %arg43[%dma_start3A_683] : memref<10240xf32, #tpu.memory_space<vmem_shared>> -> memref<10240xf32, #tpu.memory_space<vmem_shared>>
      tpu.enqueue_indirect_dma source(%arg26 : memref<80xf32, #tpu.memory_space<vmem>>) target(%dma_start3A_684 : memref<10240xf32, #tpu.memory_space<vmem_shared>>) offsets(%arg14 : memref<80xi32, #tpu.memory_space<vmem>>) semaphore(%arg38 : memref<!tpu.dma_semaphore, #tpu.memory_space<semaphore_mem>>) {add = true}
      %dma_wait3A_685 = arith.constant 0 : i32
      %dma_wait3A_686 = arith.constant 0 : i32
      %dma_wait3A_687 = tpu.memref_slice %arg42[%dma_wait3A_685, %dma_wait3A_686] : memref<10240x128xf32, #tpu.memory_space<vmem_shared>> -> memref<10240x128xf32, #tpu.memory_space<vmem_shared>>
      tpu.wait_indirect_dma semaphore(%arg39 : memref<!tpu.dma_semaphore, #tpu.memory_space<semaphore_mem>>) src(%arg31 : memref<80x128xf32, #tpu.memory_space<vmem>>) dst(%dma_wait3A_687 : memref<10240x128xf32, #tpu.memory_space<vmem_shared>>)
      %dma_wait3A_688 = arith.constant 0 : i32
      %dma_wait3A_689 = tpu.memref_slice %arg43[%dma_wait3A_688] : memref<10240xf32, #tpu.memory_space<vmem_shared>> -> memref<10240xf32, #tpu.memory_space<vmem_shared>>
      tpu.wait_indirect_dma semaphore(%arg39 : memref<!tpu.dma_semaphore, #tpu.memory_space<semaphore_mem>>) src(%arg27 : memref<80xf32, #tpu.memory_space<vmem>>) dst(%dma_wait3A_689 : memref<10240xf32, #tpu.memory_space<vmem_shared>>)
      %dma_wait3A_690 = arith.constant 0 : i32
      %dma_wait3A_691 = arith.constant 0 : i32
      %dma_wait3A_692 = tpu.memref_slice %arg42[%dma_wait3A_690, %dma_wait3A_691] : memref<10240x128xf32, #tpu.memory_space<vmem_shared>> -> memref<10240x128xf32, #tpu.memory_space<vmem_shared>>
      tpu.wait_indirect_dma semaphore(%arg40 : memref<!tpu.dma_semaphore, #tpu.memory_space<semaphore_mem>>) src(%arg32 : memref<80x128xf32, #tpu.memory_space<vmem>>) dst(%dma_wait3A_692 : memref<10240x128xf32, #tpu.memory_space<vmem_shared>>)
      %dma_wait3A_693 = arith.constant 0 : i32
      %dma_wait3A_694 = tpu.memref_slice %arg43[%dma_wait3A_693] : memref<10240xf32, #tpu.memory_space<vmem_shared>> -> memref<10240xf32, #tpu.memory_space<vmem_shared>>
      tpu.wait_indirect_dma semaphore(%arg40 : memref<!tpu.dma_semaphore, #tpu.memory_space<semaphore_mem>>) src(%arg28 : memref<80xf32, #tpu.memory_space<vmem>>) dst(%dma_wait3A_694 : memref<10240xf32, #tpu.memory_space<vmem_shared>>)
      %dma_wait3A_695 = arith.constant 0 : i32
      %dma_wait3A_696 = arith.constant 0 : i32
      %dma_wait3A_697 = tpu.memref_slice %arg42[%dma_wait3A_695, %dma_wait3A_696] : memref<10240x128xf32, #tpu.memory_space<vmem_shared>> -> memref<10240x128xf32, #tpu.memory_space<vmem_shared>>
      tpu.wait_indirect_dma semaphore(%arg41 : memref<!tpu.dma_semaphore, #tpu.memory_space<semaphore_mem>>) src(%arg33 : memref<80x128xf32, #tpu.memory_space<vmem>>) dst(%dma_wait3A_697 : memref<10240x128xf32, #tpu.memory_space<vmem_shared>>)
      %dma_wait3A_698 = arith.constant 0 : i32
      %dma_wait3A_699 = tpu.memref_slice %arg43[%dma_wait3A_698] : memref<10240xf32, #tpu.memory_space<vmem_shared>> -> memref<10240xf32, #tpu.memory_space<vmem_shared>>
      tpu.wait_indirect_dma semaphore(%arg41 : memref<!tpu.dma_semaphore, #tpu.memory_space<semaphore_mem>>) src(%arg29 : memref<80xf32, #tpu.memory_space<vmem>>) dst(%dma_wait3A_699 : memref<10240xf32, #tpu.memory_space<vmem_shared>>)
      %dma_wait3A_700 = arith.constant 0 : i32
      %dma_wait3A_701 = arith.constant 0 : i32
      %dma_wait3A_702 = tpu.memref_slice %arg42[%dma_wait3A_700, %dma_wait3A_701] : memref<10240x128xf32, #tpu.memory_space<vmem_shared>> -> memref<10240x128xf32, #tpu.memory_space<vmem_shared>>
      tpu.wait_indirect_dma semaphore(%arg38 : memref<!tpu.dma_semaphore, #tpu.memory_space<semaphore_mem>>) src(%arg30 : memref<80x128xf32, #tpu.memory_space<vmem>>) dst(%dma_wait3A_702 : memref<10240x128xf32, #tpu.memory_space<vmem_shared>>)
      %dma_wait3A_703 = arith.constant 0 : i32
      %dma_wait3A_704 = tpu.memref_slice %arg43[%dma_wait3A_703] : memref<10240xf32, #tpu.memory_space<vmem_shared>> -> memref<10240xf32, #tpu.memory_space<vmem_shared>>
      tpu.wait_indirect_dma semaphore(%arg38 : memref<!tpu.dma_semaphore, #tpu.memory_space<semaphore_mem>>) src(%arg26 : memref<80xf32, #tpu.memory_space<vmem>>) dst(%dma_wait3A_704 : memref<10240xf32, #tpu.memory_space<vmem_shared>>)
    }
    %scan3A_36 = arith.constant 5 : i32
    %barrier3A_37 = arith.constant 0 : index
    tpu.barrier barrier_id(%barrier3A_37)
    %add3A_38 = arith.constant 0 : i32
    %add3A_39 = arith.addi %mul3A_14, %add3A_38 : i32
    "tpu.region"() ({
      %run_scoped3A = tpu.sem_alloc : memref<!tpu.dma_semaphore, #tpu.memory_space<semaphore_mem>>
      %dma_start3A = arith.constant 0 : i32
      %dma_start3A_54 = tpu.memref_slice %arg8[%arg0, %add3A_39, %dma_start3A] : memref<2x10240x128xf32, #tpu.memory_space<hbm>> -> memref<1x80x128xf32, #tpu.memory_space<hbm>>
      %dma_start3A_55 = tpu.memref_squeeze %dma_start3A_54 : memref<1x80x128xf32, #tpu.memory_space<hbm>> -> memref<80x128xf32, #tpu.memory_space<hbm>>
      %dma_start3A_56 = arith.constant 0 : i32
      %dma_start3A_57 = tpu.memref_slice %arg42[%add3A_39, %dma_start3A_56] : memref<10240x128xf32, #tpu.memory_space<vmem_shared>> -> memref<80x128xf32, #tpu.memory_space<vmem_shared>>
      tpu.enqueue_dma source(%dma_start3A_57 : memref<80x128xf32, #tpu.memory_space<vmem_shared>>) target(%dma_start3A_55 : memref<80x128xf32, #tpu.memory_space<hbm>>) target_semaphore(%run_scoped3A : memref<!tpu.dma_semaphore, #tpu.memory_space<semaphore_mem>>)
      %dma_wait3A = arith.constant 0 : i32
      %dma_wait3A_58 = tpu.memref_slice %arg8[%arg0, %add3A_39, %dma_wait3A] : memref<2x10240x128xf32, #tpu.memory_space<hbm>> -> memref<1x80x128xf32, #tpu.memory_space<hbm>>
      %dma_wait3A_59 = tpu.memref_squeeze %dma_wait3A_58 : memref<1x80x128xf32, #tpu.memory_space<hbm>> -> memref<80x128xf32, #tpu.memory_space<hbm>>
      %dma_wait3A_60 = arith.constant 0 : i32
      %dma_wait3A_61 = tpu.memref_slice %arg42[%add3A_39, %dma_wait3A_60] : memref<10240x128xf32, #tpu.memory_space<vmem_shared>> -> memref<80x128xf32, #tpu.memory_space<vmem_shared>>
      tpu.wait_dma2 semaphore(%run_scoped3A : memref<!tpu.dma_semaphore, #tpu.memory_space<semaphore_mem>>) src(%dma_wait3A_61 : memref<80x128xf32, #tpu.memory_space<vmem_shared>>) dst(%dma_wait3A_59 : memref<80x128xf32, #tpu.memory_space<hbm>>)
      tpu.yield
    }) : () -> ()
    %add3A_40 = arith.constant 80 : i32
    %add3A_41 = arith.addi %mul3A_14, %add3A_40 : i32
    "tpu.region"() ({
      %run_scoped3A = tpu.sem_alloc : memref<!tpu.dma_semaphore, #tpu.memory_space<semaphore_mem>>
      %dma_start3A = arith.constant 0 : i32
      %dma_start3A_54 = tpu.memref_slice %arg8[%arg0, %add3A_41, %dma_start3A] : memref<2x10240x128xf32, #tpu.memory_space<hbm>> -> memref<1x80x128xf32, #tpu.memory_space<hbm>>
      %dma_start3A_55 = tpu.memref_squeeze %dma_start3A_54 : memref<1x80x128xf32, #tpu.memory_space<hbm>> -> memref<80x128xf32, #tpu.memory_space<hbm>>
      %dma_start3A_56 = arith.constant 0 : i32
      %dma_start3A_57 = tpu.memref_slice %arg42[%add3A_41, %dma_start3A_56] : memref<10240x128xf32, #tpu.memory_space<vmem_shared>> -> memref<80x128xf32, #tpu.memory_space<vmem_shared>>
      tpu.enqueue_dma source(%dma_start3A_57 : memref<80x128xf32, #tpu.memory_space<vmem_shared>>) target(%dma_start3A_55 : memref<80x128xf32, #tpu.memory_space<hbm>>) target_semaphore(%run_scoped3A : memref<!tpu.dma_semaphore, #tpu.memory_space<semaphore_mem>>)
      %dma_wait3A = arith.constant 0 : i32
      %dma_wait3A_58 = tpu.memref_slice %arg8[%arg0, %add3A_41, %dma_wait3A] : memref<2x10240x128xf32, #tpu.memory_space<hbm>> -> memref<1x80x128xf32, #tpu.memory_space<hbm>>
      %dma_wait3A_59 = tpu.memref_squeeze %dma_wait3A_58 : memref<1x80x128xf32, #tpu.memory_space<hbm>> -> memref<80x128xf32, #tpu.memory_space<hbm>>
      %dma_wait3A_60 = arith.constant 0 : i32
      %dma_wait3A_61 = tpu.memref_slice %arg42[%add3A_41, %dma_wait3A_60] : memref<10240x128xf32, #tpu.memory_space<vmem_shared>> -> memref<80x128xf32, #tpu.memory_space<vmem_shared>>
      tpu.wait_dma2 semaphore(%run_scoped3A : memref<!tpu.dma_semaphore, #tpu.memory_space<semaphore_mem>>) src(%dma_wait3A_61 : memref<80x128xf32, #tpu.memory_space<vmem_shared>>) dst(%dma_wait3A_59 : memref<80x128xf32, #tpu.memory_space<hbm>>)
      tpu.yield
    }) : () -> ()
    %add3A_42 = arith.constant 160 : i32
    %add3A_43 = arith.addi %mul3A_14, %add3A_42 : i32
    "tpu.region"() ({
      %run_scoped3A = tpu.sem_alloc : memref<!tpu.dma_semaphore, #tpu.memory_space<semaphore_mem>>
      %dma_start3A = arith.constant 0 : i32
      %dma_start3A_54 = tpu.memref_slice %arg8[%arg0, %add3A_43, %dma_start3A] : memref<2x10240x128xf32, #tpu.memory_space<hbm>> -> memref<1x80x128xf32, #tpu.memory_space<hbm>>
      %dma_start3A_55 = tpu.memref_squeeze %dma_start3A_54 : memref<1x80x128xf32, #tpu.memory_space<hbm>> -> memref<80x128xf32, #tpu.memory_space<hbm>>
      %dma_start3A_56 = arith.constant 0 : i32
      %dma_start3A_57 = tpu.memref_slice %arg42[%add3A_43, %dma_start3A_56] : memref<10240x128xf32, #tpu.memory_space<vmem_shared>> -> memref<80x128xf32, #tpu.memory_space<vmem_shared>>
      tpu.enqueue_dma source(%dma_start3A_57 : memref<80x128xf32, #tpu.memory_space<vmem_shared>>) target(%dma_start3A_55 : memref<80x128xf32, #tpu.memory_space<hbm>>) target_semaphore(%run_scoped3A : memref<!tpu.dma_semaphore, #tpu.memory_space<semaphore_mem>>)
      %dma_wait3A = arith.constant 0 : i32
      %dma_wait3A_58 = tpu.memref_slice %arg8[%arg0, %add3A_43, %dma_wait3A] : memref<2x10240x128xf32, #tpu.memory_space<hbm>> -> memref<1x80x128xf32, #tpu.memory_space<hbm>>
      %dma_wait3A_59 = tpu.memref_squeeze %dma_wait3A_58 : memref<1x80x128xf32, #tpu.memory_space<hbm>> -> memref<80x128xf32, #tpu.memory_space<hbm>>
      %dma_wait3A_60 = arith.constant 0 : i32
      %dma_wait3A_61 = tpu.memref_slice %arg42[%add3A_43, %dma_wait3A_60] : memref<10240x128xf32, #tpu.memory_space<vmem_shared>> -> memref<80x128xf32, #tpu.memory_space<vmem_shared>>
      tpu.wait_dma2 semaphore(%run_scoped3A : memref<!tpu.dma_semaphore, #tpu.memory_space<semaphore_mem>>) src(%dma_wait3A_61 : memref<80x128xf32, #tpu.memory_space<vmem_shared>>) dst(%dma_wait3A_59 : memref<80x128xf32, #tpu.memory_space<hbm>>)
      tpu.yield
    }) : () -> ()
    %add3A_44 = arith.constant 240 : i32
    %add3A_45 = arith.addi %mul3A_14, %add3A_44 : i32
    "tpu.region"() ({
      %run_scoped3A = tpu.sem_alloc : memref<!tpu.dma_semaphore, #tpu.memory_space<semaphore_mem>>
      %dma_start3A = arith.constant 0 : i32
      %dma_start3A_54 = tpu.memref_slice %arg8[%arg0, %add3A_45, %dma_start3A] : memref<2x10240x128xf32, #tpu.memory_space<hbm>> -> memref<1x80x128xf32, #tpu.memory_space<hbm>>
      %dma_start3A_55 = tpu.memref_squeeze %dma_start3A_54 : memref<1x80x128xf32, #tpu.memory_space<hbm>> -> memref<80x128xf32, #tpu.memory_space<hbm>>
      %dma_start3A_56 = arith.constant 0 : i32
      %dma_start3A_57 = tpu.memref_slice %arg42[%add3A_45, %dma_start3A_56] : memref<10240x128xf32, #tpu.memory_space<vmem_shared>> -> memref<80x128xf32, #tpu.memory_space<vmem_shared>>
      tpu.enqueue_dma source(%dma_start3A_57 : memref<80x128xf32, #tpu.memory_space<vmem_shared>>) target(%dma_start3A_55 : memref<80x128xf32, #tpu.memory_space<hbm>>) target_semaphore(%run_scoped3A : memref<!tpu.dma_semaphore, #tpu.memory_space<semaphore_mem>>)
      %dma_wait3A = arith.constant 0 : i32
      %dma_wait3A_58 = tpu.memref_slice %arg8[%arg0, %add3A_45, %dma_wait3A] : memref<2x10240x128xf32, #tpu.memory_space<hbm>> -> memref<1x80x128xf32, #tpu.memory_space<hbm>>
      %dma_wait3A_59 = tpu.memref_squeeze %dma_wait3A_58 : memref<1x80x128xf32, #tpu.memory_space<hbm>> -> memref<80x128xf32, #tpu.memory_space<hbm>>
      %dma_wait3A_60 = arith.constant 0 : i32
      %dma_wait3A_61 = tpu.memref_slice %arg42[%add3A_45, %dma_wait3A_60] : memref<10240x128xf32, #tpu.memory_space<vmem_shared>> -> memref<80x128xf32, #tpu.memory_space<vmem_shared>>
      tpu.wait_dma2 semaphore(%run_scoped3A : memref<!tpu.dma_semaphore, #tpu.memory_space<semaphore_mem>>) src(%dma_wait3A_61 : memref<80x128xf32, #tpu.memory_space<vmem_shared>>) dst(%dma_wait3A_59 : memref<80x128xf32, #tpu.memory_space<hbm>>)
      tpu.yield
    }) : () -> ()
    %add3A_46 = arith.constant 320 : i32
    %add3A_47 = arith.addi %mul3A_14, %add3A_46 : i32
    "tpu.region"() ({
      %run_scoped3A = tpu.sem_alloc : memref<!tpu.dma_semaphore, #tpu.memory_space<semaphore_mem>>
      %dma_start3A = arith.constant 0 : i32
      %dma_start3A_54 = tpu.memref_slice %arg8[%arg0, %add3A_47, %dma_start3A] : memref<2x10240x128xf32, #tpu.memory_space<hbm>> -> memref<1x80x128xf32, #tpu.memory_space<hbm>>
      %dma_start3A_55 = tpu.memref_squeeze %dma_start3A_54 : memref<1x80x128xf32, #tpu.memory_space<hbm>> -> memref<80x128xf32, #tpu.memory_space<hbm>>
      %dma_start3A_56 = arith.constant 0 : i32
      %dma_start3A_57 = tpu.memref_slice %arg42[%add3A_47, %dma_start3A_56] : memref<10240x128xf32, #tpu.memory_space<vmem_shared>> -> memref<80x128xf32, #tpu.memory_space<vmem_shared>>
      tpu.enqueue_dma source(%dma_start3A_57 : memref<80x128xf32, #tpu.memory_space<vmem_shared>>) target(%dma_start3A_55 : memref<80x128xf32, #tpu.memory_space<hbm>>) target_semaphore(%run_scoped3A : memref<!tpu.dma_semaphore, #tpu.memory_space<semaphore_mem>>)
      %dma_wait3A = arith.constant 0 : i32
      %dma_wait3A_58 = tpu.memref_slice %arg8[%arg0, %add3A_47, %dma_wait3A] : memref<2x10240x128xf32, #tpu.memory_space<hbm>> -> memref<1x80x128xf32, #tpu.memory_space<hbm>>
      %dma_wait3A_59 = tpu.memref_squeeze %dma_wait3A_58 : memref<1x80x128xf32, #tpu.memory_space<hbm>> -> memref<80x128xf32, #tpu.memory_space<hbm>>
      %dma_wait3A_60 = arith.constant 0 : i32
      %dma_wait3A_61 = tpu.memref_slice %arg42[%add3A_47, %dma_wait3A_60] : memref<10240x128xf32, #tpu.memory_space<vmem_shared>> -> memref<80x128xf32, #tpu.memory_space<vmem_shared>>
      tpu.wait_dma2 semaphore(%run_scoped3A : memref<!tpu.dma_semaphore, #tpu.memory_space<semaphore_mem>>) src(%dma_wait3A_61 : memref<80x128xf32, #tpu.memory_space<vmem_shared>>) dst(%dma_wait3A_59 : memref<80x128xf32, #tpu.memory_space<hbm>>)
      tpu.yield
    }) : () -> ()
    %add3A_48 = arith.constant 400 : i32
    %add3A_49 = arith.addi %mul3A_14, %add3A_48 : i32
    "tpu.region"() ({
      %run_scoped3A = tpu.sem_alloc : memref<!tpu.dma_semaphore, #tpu.memory_space<semaphore_mem>>
      %dma_start3A = arith.constant 0 : i32
      %dma_start3A_54 = tpu.memref_slice %arg8[%arg0, %add3A_49, %dma_start3A] : memref<2x10240x128xf32, #tpu.memory_space<hbm>> -> memref<1x80x128xf32, #tpu.memory_space<hbm>>
      %dma_start3A_55 = tpu.memref_squeeze %dma_start3A_54 : memref<1x80x128xf32, #tpu.memory_space<hbm>> -> memref<80x128xf32, #tpu.memory_space<hbm>>
      %dma_start3A_56 = arith.constant 0 : i32
      %dma_start3A_57 = tpu.memref_slice %arg42[%add3A_49, %dma_start3A_56] : memref<10240x128xf32, #tpu.memory_space<vmem_shared>> -> memref<80x128xf32, #tpu.memory_space<vmem_shared>>
      tpu.enqueue_dma source(%dma_start3A_57 : memref<80x128xf32, #tpu.memory_space<vmem_shared>>) target(%dma_start3A_55 : memref<80x128xf32, #tpu.memory_space<hbm>>) target_semaphore(%run_scoped3A : memref<!tpu.dma_semaphore, #tpu.memory_space<semaphore_mem>>)
      %dma_wait3A = arith.constant 0 : i32
      %dma_wait3A_58 = tpu.memref_slice %arg8[%arg0, %add3A_49, %dma_wait3A] : memref<2x10240x128xf32, #tpu.memory_space<hbm>> -> memref<1x80x128xf32, #tpu.memory_space<hbm>>
      %dma_wait3A_59 = tpu.memref_squeeze %dma_wait3A_58 : memref<1x80x128xf32, #tpu.memory_space<hbm>> -> memref<80x128xf32, #tpu.memory_space<hbm>>
      %dma_wait3A_60 = arith.constant 0 : i32
      %dma_wait3A_61 = tpu.memref_slice %arg42[%add3A_49, %dma_wait3A_60] : memref<10240x128xf32, #tpu.memory_space<vmem_shared>> -> memref<80x128xf32, #tpu.memory_space<vmem_shared>>
      tpu.wait_dma2 semaphore(%run_scoped3A : memref<!tpu.dma_semaphore, #tpu.memory_space<semaphore_mem>>) src(%dma_wait3A_61 : memref<80x128xf32, #tpu.memory_space<vmem_shared>>) dst(%dma_wait3A_59 : memref<80x128xf32, #tpu.memory_space<hbm>>)
      tpu.yield
    }) : () -> ()
    %add3A_50 = arith.constant 480 : i32
    %add3A_51 = arith.addi %mul3A_14, %add3A_50 : i32
    "tpu.region"() ({
      %run_scoped3A = tpu.sem_alloc : memref<!tpu.dma_semaphore, #tpu.memory_space<semaphore_mem>>
      %dma_start3A = arith.constant 0 : i32
      %dma_start3A_54 = tpu.memref_slice %arg8[%arg0, %add3A_51, %dma_start3A] : memref<2x10240x128xf32, #tpu.memory_space<hbm>> -> memref<1x80x128xf32, #tpu.memory_space<hbm>>
      %dma_start3A_55 = tpu.memref_squeeze %dma_start3A_54 : memref<1x80x128xf32, #tpu.memory_space<hbm>> -> memref<80x128xf32, #tpu.memory_space<hbm>>
      %dma_start3A_56 = arith.constant 0 : i32
      %dma_start3A_57 = tpu.memref_slice %arg42[%add3A_51, %dma_start3A_56] : memref<10240x128xf32, #tpu.memory_space<vmem_shared>> -> memref<80x128xf32, #tpu.memory_space<vmem_shared>>
      tpu.enqueue_dma source(%dma_start3A_57 : memref<80x128xf32, #tpu.memory_space<vmem_shared>>) target(%dma_start3A_55 : memref<80x128xf32, #tpu.memory_space<hbm>>) target_semaphore(%run_scoped3A : memref<!tpu.dma_semaphore, #tpu.memory_space<semaphore_mem>>)
      %dma_wait3A = arith.constant 0 : i32
      %dma_wait3A_58 = tpu.memref_slice %arg8[%arg0, %add3A_51, %dma_wait3A] : memref<2x10240x128xf32, #tpu.memory_space<hbm>> -> memref<1x80x128xf32, #tpu.memory_space<hbm>>
      %dma_wait3A_59 = tpu.memref_squeeze %dma_wait3A_58 : memref<1x80x128xf32, #tpu.memory_space<hbm>> -> memref<80x128xf32, #tpu.memory_space<hbm>>
      %dma_wait3A_60 = arith.constant 0 : i32
      %dma_wait3A_61 = tpu.memref_slice %arg42[%add3A_51, %dma_wait3A_60] : memref<10240x128xf32, #tpu.memory_space<vmem_shared>> -> memref<80x128xf32, #tpu.memory_space<vmem_shared>>
      tpu.wait_dma2 semaphore(%run_scoped3A : memref<!tpu.dma_semaphore, #tpu.memory_space<semaphore_mem>>) src(%dma_wait3A_61 : memref<80x128xf32, #tpu.memory_space<vmem_shared>>) dst(%dma_wait3A_59 : memref<80x128xf32, #tpu.memory_space<hbm>>)
      tpu.yield
    }) : () -> ()
    %add3A_52 = arith.constant 560 : i32
    %add3A_53 = arith.addi %mul3A_14, %add3A_52 : i32
    "tpu.region"() ({
      %run_scoped3A = tpu.sem_alloc : memref<!tpu.dma_semaphore, #tpu.memory_space<semaphore_mem>>
      %dma_start3A = arith.constant 0 : i32
      %dma_start3A_54 = tpu.memref_slice %arg8[%arg0, %add3A_53, %dma_start3A] : memref<2x10240x128xf32, #tpu.memory_space<hbm>> -> memref<1x80x128xf32, #tpu.memory_space<hbm>>
      %dma_start3A_55 = tpu.memref_squeeze %dma_start3A_54 : memref<1x80x128xf32, #tpu.memory_space<hbm>> -> memref<80x128xf32, #tpu.memory_space<hbm>>
      %dma_start3A_56 = arith.constant 0 : i32
      %dma_start3A_57 = tpu.memref_slice %arg42[%add3A_53, %dma_start3A_56] : memref<10240x128xf32, #tpu.memory_space<vmem_shared>> -> memref<80x128xf32, #tpu.memory_space<vmem_shared>>
      tpu.enqueue_dma source(%dma_start3A_57 : memref<80x128xf32, #tpu.memory_space<vmem_shared>>) target(%dma_start3A_55 : memref<80x128xf32, #tpu.memory_space<hbm>>) target_semaphore(%run_scoped3A : memref<!tpu.dma_semaphore, #tpu.memory_space<semaphore_mem>>)
      %dma_wait3A = arith.constant 0 : i32
      %dma_wait3A_58 = tpu.memref_slice %arg8[%arg0, %add3A_53, %dma_wait3A] : memref<2x10240x128xf32, #tpu.memory_space<hbm>> -> memref<1x80x128xf32, #tpu.memory_space<hbm>>
      %dma_wait3A_59 = tpu.memref_squeeze %dma_wait3A_58 : memref<1x80x128xf32, #tpu.memory_space<hbm>> -> memref<80x128xf32, #tpu.memory_space<hbm>>
      %dma_wait3A_60 = arith.constant 0 : i32
      %dma_wait3A_61 = tpu.memref_slice %arg42[%add3A_53, %dma_wait3A_60] : memref<10240x128xf32, #tpu.memory_space<vmem_shared>> -> memref<80x128xf32, #tpu.memory_space<vmem_shared>>
      tpu.wait_dma2 semaphore(%run_scoped3A : memref<!tpu.dma_semaphore, #tpu.memory_space<semaphore_mem>>) src(%dma_wait3A_61 : memref<80x128xf32, #tpu.memory_space<vmem_shared>>) dst(%dma_wait3A_59 : memref<80x128xf32, #tpu.memory_space<hbm>>)
      tpu.yield
    }) : () -> ()
    "tpu.region"() ({
      %run_scoped3A = tpu.sem_alloc : memref<!tpu.dma_semaphore, #tpu.memory_space<semaphore_mem>>
      %dma_start3A = tpu.memref_slice %arg9[%arg0, %mul3A_14] : memref<2x10240xf32, #tpu.memory_space<hbm>> -> memref<1x640xf32, #tpu.memory_space<hbm>>
      %dma_start3A_54 = tpu.memref_squeeze %dma_start3A : memref<1x640xf32, #tpu.memory_space<hbm>> -> memref<640xf32, #tpu.memory_space<hbm>>
      %dma_start3A_55 = tpu.memref_slice %arg43[%mul3A_14] : memref<10240xf32, #tpu.memory_space<vmem_shared>> -> memref<640xf32, #tpu.memory_space<vmem_shared>>
      tpu.enqueue_dma source(%dma_start3A_55 : memref<640xf32, #tpu.memory_space<vmem_shared>>) target(%dma_start3A_54 : memref<640xf32, #tpu.memory_space<hbm>>) target_semaphore(%run_scoped3A : memref<!tpu.dma_semaphore, #tpu.memory_space<semaphore_mem>>)
      %dma_wait3A = tpu.memref_slice %arg9[%arg0, %mul3A_14] : memref<2x10240xf32, #tpu.memory_space<hbm>> -> memref<1x640xf32, #tpu.memory_space<hbm>>
      %dma_wait3A_56 = tpu.memref_squeeze %dma_wait3A : memref<1x640xf32, #tpu.memory_space<hbm>> -> memref<640xf32, #tpu.memory_space<hbm>>
      %dma_wait3A_57 = tpu.memref_slice %arg43[%mul3A_14] : memref<10240xf32, #tpu.memory_space<vmem_shared>> -> memref<640xf32, #tpu.memory_space<vmem_shared>>
      tpu.wait_dma2 semaphore(%run_scoped3A : memref<!tpu.dma_semaphore, #tpu.memory_space<semaphore_mem>>) src(%dma_wait3A_57 : memref<640xf32, #tpu.memory_space<vmem_shared>>) dst(%dma_wait3A_56 : memref<640xf32, #tpu.memory_space<hbm>>)
      tpu.yield
    }) : () -> ()
    return
  }
}

#map = affine_map<(d0, d1) -> (0)>
#map1 = affine_map<(d0, d1) -> (0, 0)>
#map2 = affine_map<(d0, d1) -> (0, 0, 0)>
module attributes {stable_mosaic.version = 14 : i64} {
  func.func @body(%arg0: i32, %arg1: i32, %arg2: memref<320000xi32, #tpu.memory_space<hbm>>, %arg3: memref<320000xi32, #tpu.memory_space<hbm>>, %arg4: memref<10000x128xf32, #tpu.memory_space<hbm>>, %arg5: memref<10000xf32, #tpu.memory_space<hbm>>, %arg6: memref<10000xf32, #tpu.memory_space<hbm>>, %arg7: memref<128xf32, #tpu.memory_space<hbm>>, %arg8: memref<2x10240x128xf32, #tpu.memory_space<hbm>>, %arg9: memref<2x10240xf32, #tpu.memory_space<hbm>>, %arg10: memref<2000xi32, #tpu.memory_space<vmem>>, %arg11: memref<2000xi32, #tpu.memory_space<vmem>>, %arg12: memref<16xf32, #tpu.memory_space<vmem>>, %arg13: memref<640xf32, #tpu.memory_space<vmem>>, %arg14: memref<80xi32, #tpu.memory_space<vmem>>, %arg15: memref<80xi32, #tpu.memory_space<vmem>>, %arg16: memref<80xi32, #tpu.memory_space<vmem>>, %arg17: memref<80xi32, #tpu.memory_space<vmem>>, %arg18: memref<80xf32, #tpu.memory_space<vmem>>, %arg19: memref<80xf32, #tpu.memory_space<vmem>>, %arg20: memref<80xf32, #tpu.memory_space<vmem>>, %arg21: memref<80xf32, #tpu.memory_space<vmem>>, %arg22: memref<80xf32, #tpu.memory_space<vmem>>, %arg23: memref<80xf32, #tpu.memory_space<vmem>>, %arg24: memref<80xf32, #tpu.memory_space<vmem>>, %arg25: memref<80xf32, #tpu.memory_space<vmem>>, %arg26: memref<80xf32, #tpu.memory_space<vmem>>, %arg27: memref<80xf32, #tpu.memory_space<vmem>>, %arg28: memref<80xf32, #tpu.memory_space<vmem>>, %arg29: memref<80xf32, #tpu.memory_space<vmem>>, %arg30: memref<80x128xf32, #tpu.memory_space<vmem>>, %arg31: memref<80x128xf32, #tpu.memory_space<vmem>>, %arg32: memref<80x128xf32, #tpu.memory_space<vmem>>, %arg33: memref<80x128xf32, #tpu.memory_space<vmem>>, %arg34: memref<!tpu.dma_semaphore, #tpu.memory_space<semaphore_mem>>, %arg35: memref<!tpu.dma_semaphore, #tpu.memory_space<semaphore_mem>>, %arg36: memref<!tpu.dma_semaphore, #tpu.memory_space<semaphore_mem>>, %arg37: memref<!tpu.dma_semaphore, #tpu.memory_space<semaphore_mem>>, %arg38: memref<!tpu.dma_semaphore, #tpu.memory_space<semaphore_mem>>, %arg39: memref<!tpu.dma_semaphore, #tpu.memory_space<semaphore_mem>>, %arg40: memref<!tpu.dma_semaphore, #tpu.memory_space<semaphore_mem>>, %arg41: memref<!tpu.dma_semaphore, #tpu.memory_space<semaphore_mem>>, %arg42: memref<10240x128xf32, #tpu.memory_space<vmem_shared>>, %arg43: memref<10240xf32, #tpu.memory_space<vmem_shared>>) attributes {dimension_semantics = [#tpu.dimension_semantics<core_parallel>, #tpu.dimension_semantics<subcore_parallel>], iteration_bounds = array<i64: 2, 16>, scalar_prefetch = 0 : i64, scratch_operands = 34 : i64, tpu.core_type = #tpu.core_type<sc_vector_subcore>, window_params = [{transform_indices = #map}, {transform_indices = #map}, {transform_indices = #map1}, {transform_indices = #map}, {transform_indices = #map}, {transform_indices = #map}, {transform_indices = #map2}, {transform_indices = #map1}]} {
    %mul3A = arith.constant 16 : i32
    %mul3A_0 = arith.muli %arg0, %mul3A : i32
    %add3A = arith.addi %mul3A_0, %arg1 : i32
    %mul3A_1 = arith.constant 10000 : i32
    %mul3A_2 = arith.muli %add3A, %mul3A_1 : i32
    "tpu.region"() ({
      %run_scoped3A = tpu.sem_alloc : memref<!tpu.dma_semaphore, #tpu.memory_space<semaphore_mem>>
      %dma_start3A = arith.constant 0 : i32
      %dma_start3A_54 = tpu.memref_slice %arg7[%dma_start3A] : memref<128xf32, #tpu.memory_space<hbm>> -> memref<16xf32, #tpu.memory_space<hbm>>
      %dma_start3A_55 = arith.constant 0 : i32
      %dma_start3A_56 = tpu.memref_slice %arg7[%dma_start3A_55] : memref<128xf32, #tpu.memory_space<hbm>> -> memref<16xf32, #tpu.memory_space<hbm>>
      tpu.enqueue_dma source(%dma_start3A_56 : memref<16xf32, #tpu.memory_space<hbm>>) target(%arg12 : memref<16xf32, #tpu.memory_space<vmem>>) target_semaphore(%run_scoped3A : memref<!tpu.dma_semaphore, #tpu.memory_space<semaphore_mem>>)
      %dma_wait3A = arith.constant 0 : i32
      %dma_wait3A_57 = tpu.memref_slice %arg7[%dma_wait3A] : memref<128xf32, #tpu.memory_space<hbm>> -> memref<16xf32, #tpu.memory_space<hbm>>
      %dma_wait3A_58 = arith.constant 0 : i32
      %dma_wait3A_59 = tpu.memref_slice %arg7[%dma_wait3A_58] : memref<128xf32, #tpu.memory_space<hbm>> -> memref<16xf32, #tpu.memory_space<hbm>>
      tpu.wait_dma2 semaphore(%run_scoped3A : memref<!tpu.dma_semaphore, #tpu.memory_space<semaphore_mem>>) src(%dma_wait3A_59 : memref<16xf32, #tpu.memory_space<hbm>>) dst(%arg12 : memref<16xf32, #tpu.memory_space<vmem>>)
      tpu.yield
    }) : () -> ()
    %broadcast_in_dim3A = arith.constant 0.000000e+00 : f32
    %broadcast_in_dim3A_3 = vector.broadcast %broadcast_in_dim3A : f32 to vector<16xf32>
    %scan3A = arith.constant 0 : i32
    %scan3A_4 = arith.constant 80 : i32
    %scan3A_5 = arith.addi %scan3A, %scan3A_4 : i32
    %scan3A_6 = arith.constant 1 : i32
    scf.for %scan3A_54 = %scan3A to %scan3A_5 step %scan3A_6  : i32 {
      %mul3A_55 = arith.constant 1 : i32
      %mul3A_56 = arith.muli %scan3A_54, %mul3A_55 : i32
      %add3A_57 = arith.constant 0 : i32
      %add3A_58 = arith.addi %add3A_57, %mul3A_56 : i32
      %swap3A = arith.index_cast %add3A_58 : i32 to index
      %swap3A_59 = arith.constant 0 : index
      %swap3A_60 = tpu.vector_load %arg30[%swap3A, %swap3A_59] {strides = array<i32>} : memref<80x128xf32, #tpu.memory_space<vmem>>, vector<16xf32>,
      tpu.vector_store %arg30[%swap3A, %swap3A_59], %broadcast_in_dim3A_3 {strides = array<i32>} : memref<80x128xf32, #tpu.memory_space<vmem>>, vector<16xf32>,
      %swap3A_61 = arith.index_cast %add3A_58 : i32 to index
      %swap3A_62 = arith.constant 16 : index
      %swap3A_63 = tpu.vector_load %arg30[%swap3A_61, %swap3A_62] {strides = array<i32>} : memref<80x128xf32, #tpu.memory_space<vmem>>, vector<16xf32>,
      tpu.vector_store %arg30[%swap3A_61, %swap3A_62], %broadcast_in_dim3A_3 {strides = array<i32>} : memref<80x128xf32, #tpu.memory_space<vmem>>, vector<16xf32>,
      %swap3A_64 = arith.index_cast %add3A_58 : i32 to index
      %swap3A_65 = arith.constant 32 : index
      %swap3A_66 = tpu.vector_load %arg30[%swap3A_64, %swap3A_65] {strides = array<i32>} : memref<80x128xf32, #tpu.memory_space<vmem>>, vector<16xf32>,
      tpu.vector_store %arg30[%swap3A_64, %swap3A_65], %broadcast_in_dim3A_3 {strides = array<i32>} : memref<80x128xf32, #tpu.memory_space<vmem>>, vector<16xf32>,
      %swap3A_67 = arith.index_cast %add3A_58 : i32 to index
      %swap3A_68 = arith.constant 48 : index
      %swap3A_69 = tpu.vector_load %arg30[%swap3A_67, %swap3A_68] {strides = array<i32>} : memref<80x128xf32, #tpu.memory_space<vmem>>, vector<16xf32>,
      tpu.vector_store %arg30[%swap3A_67, %swap3A_68], %broadcast_in_dim3A_3 {strides = array<i32>} : memref<80x128xf32, #tpu.memory_space<vmem>>, vector<16xf32>,
      %swap3A_70 = arith.index_cast %add3A_58 : i32 to index
      %swap3A_71 = arith.constant 64 : index
      %swap3A_72 = tpu.vector_load %arg30[%swap3A_70, %swap3A_71] {strides = array<i32>} : memref<80x128xf32, #tpu.memory_space<vmem>>, vector<16xf32>,
      tpu.vector_store %arg30[%swap3A_70, %swap3A_71], %broadcast_in_dim3A_3 {strides = array<i32>} : memref<80x128xf32, #tpu.memory_space<vmem>>, vector<16xf32>,
      %swap3A_73 = arith.index_cast %add3A_58 : i32 to index
      %swap3A_74 = arith.constant 80 : index
      %swap3A_75 = tpu.vector_load %arg30[%swap3A_73, %swap3A_74] {strides = array<i32>} : memref<80x128xf32, #tpu.memory_space<vmem>>, vector<16xf32>,
      tpu.vector_store %arg30[%swap3A_73, %swap3A_74], %broadcast_in_dim3A_3 {strides = array<i32>} : memref<80x128xf32, #tpu.memory_space<vmem>>, vector<16xf32>,
      %swap3A_76 = arith.index_cast %add3A_58 : i32 to index
      %swap3A_77 = arith.constant 96 : index
      %swap3A_78 = tpu.vector_load %arg30[%swap3A_76, %swap3A_77] {strides = array<i32>} : memref<80x128xf32, #tpu.memory_space<vmem>>, vector<16xf32>,
      tpu.vector_store %arg30[%swap3A_76, %swap3A_77], %broadcast_in_dim3A_3 {strides = array<i32>} : memref<80x128xf32, #tpu.memory_space<vmem>>, vector<16xf32>,
      %swap3A_79 = arith.index_cast %add3A_58 : i32 to index
      %swap3A_80 = arith.constant 112 : index
      %swap3A_81 = tpu.vector_load %arg30[%swap3A_79, %swap3A_80] {strides = array<i32>} : memref<80x128xf32, #tpu.memory_space<vmem>>, vector<16xf32>,
      tpu.vector_store %arg30[%swap3A_79, %swap3A_80], %broadcast_in_dim3A_3 {strides = array<i32>} : memref<80x128xf32, #tpu.memory_space<vmem>>, vector<16xf32>,
    }
    %scan3A_7 = arith.constant 80 : i32
    %scan3A_8 = arith.constant 0 : i32
    %scan3A_9 = arith.constant 40 : i32
    %scan3A_10 = arith.addi %scan3A_8, %scan3A_9 : i32
    %scan3A_11 = arith.constant 1 : i32
    scf.for %scan3A_54 = %scan3A_8 to %scan3A_10 step %scan3A_11  : i32 {
      %mul3A_55 = arith.constant 16 : i32
      %mul3A_56 = arith.muli %scan3A_54, %mul3A_55 : i32
      %add3A_57 = arith.constant 0 : i32
      %add3A_58 = arith.addi %add3A_57, %mul3A_56 : i32
      %swap3A = arith.index_cast %add3A_58 : i32 to index
      %swap3A_59 = tpu.vector_load %arg13[%swap3A] {strides = array<i32>} : memref<640xf32, #tpu.memory_space<vmem>>, vector<16xf32>,
      tpu.vector_store %arg13[%swap3A], %broadcast_in_dim3A_3 {strides = array<i32>} : memref<640xf32, #tpu.memory_space<vmem>>, vector<16xf32>,
    }
    %scan3A_12 = arith.constant 40 : i32
    %mul3A_13 = arith.constant 640 : i32
    %mul3A_14 = arith.muli %arg1, %mul3A_13 : i32
    %add3A_15 = arith.constant 0 : i32
    %add3A_16 = arith.addi %mul3A_14, %add3A_15 : i32
    "tpu.region"() ({
      %run_scoped3A = tpu.sem_alloc : memref<!tpu.dma_semaphore, #tpu.memory_space<semaphore_mem>>
      %dma_start3A = arith.constant 0 : i32
      %dma_start3A_54 = tpu.memref_slice %arg42[%add3A_16, %dma_start3A] : memref<10240x128xf32, #tpu.memory_space<vmem_shared>> -> memref<80x128xf32, #tpu.memory_space<vmem_shared>>
      %dma_start3A_55 = arith.constant 0 : i32
      %dma_start3A_56 = tpu.memref_slice %arg42[%add3A_16, %dma_start3A_55] : memref<10240x128xf32, #tpu.memory_space<vmem_shared>> -> memref<80x128xf32, #tpu.memory_space<vmem_shared>>
      tpu.enqueue_dma source(%arg30 : memref<80x128xf32, #tpu.memory_space<vmem>>) target(%dma_start3A_56 : memref<80x128xf32, #tpu.memory_space<vmem_shared>>) target_semaphore(%run_scoped3A : memref<!tpu.dma_semaphore, #tpu.memory_space<semaphore_mem>>)
      %dma_wait3A = arith.constant 0 : i32
      %dma_wait3A_57 = tpu.memref_slice %arg42[%add3A_16, %dma_wait3A] : memref<10240x128xf32, #tpu.memory_space<vmem_shared>> -> memref<80x128xf32, #tpu.memory_space<vmem_shared>>
      %dma_wait3A_58 = arith.constant 0 : i32
      %dma_wait3A_59 = tpu.memref_slice %arg42[%add3A_16, %dma_wait3A_58] : memref<10240x128xf32, #tpu.memory_space<vmem_shared>> -> memref<80x128xf32, #tpu.memory_space<vmem_shared>>
      tpu.wait_dma2 semaphore(%run_scoped3A : memref<!tpu.dma_semaphore, #tpu.memory_space<semaphore_mem>>) src(%arg30 : memref<80x128xf32, #tpu.memory_space<vmem>>) dst(%dma_wait3A_59 : memref<80x128xf32, #tpu.memory_space<vmem_shared>>)
      tpu.yield
    }) : () -> ()
    %add3A_17 = arith.constant 80 : i32
    %add3A_18 = arith.addi %mul3A_14, %add3A_17 : i32
    "tpu.region"() ({
      %run_scoped3A = tpu.sem_alloc : memref<!tpu.dma_semaphore, #tpu.memory_space<semaphore_mem>>
      %dma_start3A = arith.constant 0 : i32
      %dma_start3A_54 = tpu.memref_slice %arg42[%add3A_18, %dma_start3A] : memref<10240x128xf32, #tpu.memory_space<vmem_shared>> -> memref<80x128xf32, #tpu.memory_space<vmem_shared>>
      %dma_start3A_55 = arith.constant 0 : i32
      %dma_start3A_56 = tpu.memref_slice %arg42[%add3A_18, %dma_start3A_55] : memref<10240x128xf32, #tpu.memory_space<vmem_shared>> -> memref<80x128xf32, #tpu.memory_space<vmem_shared>>
      tpu.enqueue_dma source(%arg30 : memref<80x128xf32, #tpu.memory_space<vmem>>) target(%dma_start3A_56 : memref<80x128xf32, #tpu.memory_space<vmem_shared>>) target_semaphore(%run_scoped3A : memref<!tpu.dma_semaphore, #tpu.memory_space<semaphore_mem>>)
      %dma_wait3A = arith.constant 0 : i32
      %dma_wait3A_57 = tpu.memref_slice %arg42[%add3A_18, %dma_wait3A] : memref<10240x128xf32, #tpu.memory_space<vmem_shared>> -> memref<80x128xf32, #tpu.memory_space<vmem_shared>>
      %dma_wait3A_58 = arith.constant 0 : i32
      %dma_wait3A_59 = tpu.memref_slice %arg42[%add3A_18, %dma_wait3A_58] : memref<10240x128xf32, #tpu.memory_space<vmem_shared>> -> memref<80x128xf32, #tpu.memory_space<vmem_shared>>
      tpu.wait_dma2 semaphore(%run_scoped3A : memref<!tpu.dma_semaphore, #tpu.memory_space<semaphore_mem>>) src(%arg30 : memref<80x128xf32, #tpu.memory_space<vmem>>) dst(%dma_wait3A_59 : memref<80x128xf32, #tpu.memory_space<vmem_shared>>)
      tpu.yield
    }) : () -> ()
    %add3A_19 = arith.constant 160 : i32
    %add3A_20 = arith.addi %mul3A_14, %add3A_19 : i32
    "tpu.region"() ({
      %run_scoped3A = tpu.sem_alloc : memref<!tpu.dma_semaphore, #tpu.memory_space<semaphore_mem>>
      %dma_start3A = arith.constant 0 : i32
      %dma_start3A_54 = tpu.memref_slice %arg42[%add3A_20, %dma_start3A] : memref<10240x128xf32, #tpu.memory_space<vmem_shared>> -> memref<80x128xf32, #tpu.memory_space<vmem_shared>>
      %dma_start3A_55 = arith.constant 0 : i32
      %dma_start3A_56 = tpu.memref_slice %arg42[%add3A_20, %dma_start3A_55] : memref<10240x128xf32, #tpu.memory_space<vmem_shared>> -> memref<80x128xf32, #tpu.memory_space<vmem_shared>>
      tpu.enqueue_dma source(%arg30 : memref<80x128xf32, #tpu.memory_space<vmem>>) target(%dma_start3A_56 : memref<80x128xf32, #tpu.memory_space<vmem_shared>>) target_semaphore(%run_scoped3A : memref<!tpu.dma_semaphore, #tpu.memory_space<semaphore_mem>>)
      %dma_wait3A = arith.constant 0 : i32
      %dma_wait3A_57 = tpu.memref_slice %arg42[%add3A_20, %dma_wait3A] : memref<10240x128xf32, #tpu.memory_space<vmem_shared>> -> memref<80x128xf32, #tpu.memory_space<vmem_shared>>
      %dma_wait3A_58 = arith.constant 0 : i32
      %dma_wait3A_59 = tpu.memref_slice %arg42[%add3A_20, %dma_wait3A_58] : memref<10240x128xf32, #tpu.memory_space<vmem_shared>> -> memref<80x128xf32, #tpu.memory_space<vmem_shared>>
      tpu.wait_dma2 semaphore(%run_scoped3A : memref<!tpu.dma_semaphore, #tpu.memory_space<semaphore_mem>>) src(%arg30 : memref<80x128xf32, #tpu.memory_space<vmem>>) dst(%dma_wait3A_59 : memref<80x128xf32, #tpu.memory_space<vmem_shared>>)
      tpu.yield
    }) : () -> ()
    %add3A_21 = arith.constant 240 : i32
    %add3A_22 = arith.addi %mul3A_14, %add3A_21 : i32
    "tpu.region"() ({
      %run_scoped3A = tpu.sem_alloc : memref<!tpu.dma_semaphore, #tpu.memory_space<semaphore_mem>>
      %dma_start3A = arith.constant 0 : i32
      %dma_start3A_54 = tpu.memref_slice %arg42[%add3A_22, %dma_start3A] : memref<10240x128xf32, #tpu.memory_space<vmem_shared>> -> memref<80x128xf32, #tpu.memory_space<vmem_shared>>
      %dma_start3A_55 = arith.constant 0 : i32
      %dma_start3A_56 = tpu.memref_slice %arg42[%add3A_22, %dma_start3A_55] : memref<10240x128xf32, #tpu.memory_space<vmem_shared>> -> memref<80x128xf32, #tpu.memory_space<vmem_shared>>
      tpu.enqueue_dma source(%arg30 : memref<80x128xf32, #tpu.memory_space<vmem>>) target(%dma_start3A_56 : memref<80x128xf32, #tpu.memory_space<vmem_shared>>) target_semaphore(%run_scoped3A : memref<!tpu.dma_semaphore, #tpu.memory_space<semaphore_mem>>)
      %dma_wait3A = arith.constant 0 : i32
      %dma_wait3A_57 = tpu.memref_slice %arg42[%add3A_22, %dma_wait3A] : memref<10240x128xf32, #tpu.memory_space<vmem_shared>> -> memref<80x128xf32, #tpu.memory_space<vmem_shared>>
      %dma_wait3A_58 = arith.constant 0 : i32
      %dma_wait3A_59 = tpu.memref_slice %arg42[%add3A_22, %dma_wait3A_58] : memref<10240x128xf32, #tpu.memory_space<vmem_shared>> -> memref<80x128xf32, #tpu.memory_space<vmem_shared>>
      tpu.wait_dma2 semaphore(%run_scoped3A : memref<!tpu.dma_semaphore, #tpu.memory_space<semaphore_mem>>) src(%arg30 : memref<80x128xf32, #tpu.memory_space<vmem>>) dst(%dma_wait3A_59 : memref<80x128xf32, #tpu.memory_space<vmem_shared>>)
      tpu.yield
    }) : () -> ()
    %add3A_23 = arith.constant 320 : i32
    %add3A_24 = arith.addi %mul3A_14, %add3A_23 : i32
    "tpu.region"() ({
      %run_scoped3A = tpu.sem_alloc : memref<!tpu.dma_semaphore, #tpu.memory_space<semaphore_mem>>
      %dma_start3A = arith.constant 0 : i32
      %dma_start3A_54 = tpu.memref_slice %arg42[%add3A_24, %dma_start3A] : memref<10240x128xf32, #tpu.memory_space<vmem_shared>> -> memref<80x128xf32, #tpu.memory_space<vmem_shared>>
      %dma_start3A_55 = arith.constant 0 : i32
      %dma_start3A_56 = tpu.memref_slice %arg42[%add3A_24, %dma_start3A_55] : memref<10240x128xf32, #tpu.memory_space<vmem_shared>> -> memref<80x128xf32, #tpu.memory_space<vmem_shared>>
      tpu.enqueue_dma source(%arg30 : memref<80x128xf32, #tpu.memory_space<vmem>>) target(%dma_start3A_56 : memref<80x128xf32, #tpu.memory_space<vmem_shared>>) target_semaphore(%run_scoped3A : memref<!tpu.dma_semaphore, #tpu.memory_space<semaphore_mem>>)
      %dma_wait3A = arith.constant 0 : i32
      %dma_wait3A_57 = tpu.memref_slice %arg42[%add3A_24, %dma_wait3A] : memref<10240x128xf32, #tpu.memory_space<vmem_shared>> -> memref<80x128xf32, #tpu.memory_space<vmem_shared>>
      %dma_wait3A_58 = arith.constant 0 : i32
      %dma_wait3A_59 = tpu.memref_slice %arg42[%add3A_24, %dma_wait3A_58] : memref<10240x128xf32, #tpu.memory_space<vmem_shared>> -> memref<80x128xf32, #tpu.memory_space<vmem_shared>>
      tpu.wait_dma2 semaphore(%run_scoped3A : memref<!tpu.dma_semaphore, #tpu.memory_space<semaphore_mem>>) src(%arg30 : memref<80x128xf32, #tpu.memory_space<vmem>>) dst(%dma_wait3A_59 : memref<80x128xf32, #tpu.memory_space<vmem_shared>>)
      tpu.yield
    }) : () -> ()
    %add3A_25 = arith.constant 400 : i32
    %add3A_26 = arith.addi %mul3A_14, %add3A_25 : i32
    "tpu.region"() ({
      %run_scoped3A = tpu.sem_alloc : memref<!tpu.dma_semaphore, #tpu.memory_space<semaphore_mem>>
      %dma_start3A = arith.constant 0 : i32
      %dma_start3A_54 = tpu.memref_slice %arg42[%add3A_26, %dma_start3A] : memref<10240x128xf32, #tpu.memory_space<vmem_shared>> -> memref<80x128xf32, #tpu.memory_space<vmem_shared>>
      %dma_start3A_55 = arith.constant 0 : i32
      %dma_start3A_56 = tpu.memref_slice %arg42[%add3A_26, %dma_start3A_55] : memref<10240x128xf32, #tpu.memory_space<vmem_shared>> -> memref<80x128xf32, #tpu.memory_space<vmem_shared>>
      tpu.enqueue_dma source(%arg30 : memref<80x128xf32, #tpu.memory_space<vmem>>) target(%dma_start3A_56 : memref<80x128xf32, #tpu.memory_space<vmem_shared>>) target_semaphore(%run_scoped3A : memref<!tpu.dma_semaphore, #tpu.memory_space<semaphore_mem>>)
      %dma_wait3A = arith.constant 0 : i32
      %dma_wait3A_57 = tpu.memref_slice %arg42[%add3A_26, %dma_wait3A] : memref<10240x128xf32, #tpu.memory_space<vmem_shared>> -> memref<80x128xf32, #tpu.memory_space<vmem_shared>>
      %dma_wait3A_58 = arith.constant 0 : i32
      %dma_wait3A_59 = tpu.memref_slice %arg42[%add3A_26, %dma_wait3A_58] : memref<10240x128xf32, #tpu.memory_space<vmem_shared>> -> memref<80x128xf32, #tpu.memory_space<vmem_shared>>
      tpu.wait_dma2 semaphore(%run_scoped3A : memref<!tpu.dma_semaphore, #tpu.memory_space<semaphore_mem>>) src(%arg30 : memref<80x128xf32, #tpu.memory_space<vmem>>) dst(%dma_wait3A_59 : memref<80x128xf32, #tpu.memory_space<vmem_shared>>)
      tpu.yield
    }) : () -> ()
    %add3A_27 = arith.constant 480 : i32
    %add3A_28 = arith.addi %mul3A_14, %add3A_27 : i32
    "tpu.region"() ({
      %run_scoped3A = tpu.sem_alloc : memref<!tpu.dma_semaphore, #tpu.memory_space<semaphore_mem>>
      %dma_start3A = arith.constant 0 : i32
      %dma_start3A_54 = tpu.memref_slice %arg42[%add3A_28, %dma_start3A] : memref<10240x128xf32, #tpu.memory_space<vmem_shared>> -> memref<80x128xf32, #tpu.memory_space<vmem_shared>>
      %dma_start3A_55 = arith.constant 0 : i32
      %dma_start3A_56 = tpu.memref_slice %arg42[%add3A_28, %dma_start3A_55] : memref<10240x128xf32, #tpu.memory_space<vmem_shared>> -> memref<80x128xf32, #tpu.memory_space<vmem_shared>>
      tpu.enqueue_dma source(%arg30 : memref<80x128xf32, #tpu.memory_space<vmem>>) target(%dma_start3A_56 : memref<80x128xf32, #tpu.memory_space<vmem_shared>>) target_semaphore(%run_scoped3A : memref<!tpu.dma_semaphore, #tpu.memory_space<semaphore_mem>>)
      %dma_wait3A = arith.constant 0 : i32
      %dma_wait3A_57 = tpu.memref_slice %arg42[%add3A_28, %dma_wait3A] : memref<10240x128xf32, #tpu.memory_space<vmem_shared>> -> memref<80x128xf32, #tpu.memory_space<vmem_shared>>
      %dma_wait3A_58 = arith.constant 0 : i32
      %dma_wait3A_59 = tpu.memref_slice %arg42[%add3A_28, %dma_wait3A_58] : memref<10240x128xf32, #tpu.memory_space<vmem_shared>> -> memref<80x128xf32, #tpu.memory_space<vmem_shared>>
      tpu.wait_dma2 semaphore(%run_scoped3A : memref<!tpu.dma_semaphore, #tpu.memory_space<semaphore_mem>>) src(%arg30 : memref<80x128xf32, #tpu.memory_space<vmem>>) dst(%dma_wait3A_59 : memref<80x128xf32, #tpu.memory_space<vmem_shared>>)
      tpu.yield
    }) : () -> ()
    %add3A_29 = arith.constant 560 : i32
    %add3A_30 = arith.addi %mul3A_14, %add3A_29 : i32
    "tpu.region"() ({
      %run_scoped3A = tpu.sem_alloc : memref<!tpu.dma_semaphore, #tpu.memory_space<semaphore_mem>>
      %dma_start3A = arith.constant 0 : i32
      %dma_start3A_54 = tpu.memref_slice %arg42[%add3A_30, %dma_start3A] : memref<10240x128xf32, #tpu.memory_space<vmem_shared>> -> memref<80x128xf32, #tpu.memory_space<vmem_shared>>
      %dma_start3A_55 = arith.constant 0 : i32
      %dma_start3A_56 = tpu.memref_slice %arg42[%add3A_30, %dma_start3A_55] : memref<10240x128xf32, #tpu.memory_space<vmem_shared>> -> memref<80x128xf32, #tpu.memory_space<vmem_shared>>
      tpu.enqueue_dma source(%arg30 : memref<80x128xf32, #tpu.memory_space<vmem>>) target(%dma_start3A_56 : memref<80x128xf32, #tpu.memory_space<vmem_shared>>) target_semaphore(%run_scoped3A : memref<!tpu.dma_semaphore, #tpu.memory_space<semaphore_mem>>)
      %dma_wait3A = arith.constant 0 : i32
      %dma_wait3A_57 = tpu.memref_slice %arg42[%add3A_30, %dma_wait3A] : memref<10240x128xf32, #tpu.memory_space<vmem_shared>> -> memref<80x128xf32, #tpu.memory_space<vmem_shared>>
      %dma_wait3A_58 = arith.constant 0 : i32
      %dma_wait3A_59 = tpu.memref_slice %arg42[%add3A_30, %dma_wait3A_58] : memref<10240x128xf32, #tpu.memory_space<vmem_shared>> -> memref<80x128xf32, #tpu.memory_space<vmem_shared>>
      tpu.wait_dma2 semaphore(%run_scoped3A : memref<!tpu.dma_semaphore, #tpu.memory_space<semaphore_mem>>) src(%arg30 : memref<80x128xf32, #tpu.memory_space<vmem>>) dst(%dma_wait3A_59 : memref<80x128xf32, #tpu.memory_space<vmem_shared>>)
      tpu.yield
    }) : () -> ()
    "tpu.region"() ({
      %run_scoped3A = tpu.sem_alloc : memref<!tpu.dma_semaphore, #tpu.memory_space<semaphore_mem>>
      %dma_start3A = tpu.memref_slice %arg43[%mul3A_14] : memref<10240xf32, #tpu.memory_space<vmem_shared>> -> memref<640xf32, #tpu.memory_space<vmem_shared>>
      %dma_start3A_54 = tpu.memref_slice %arg43[%mul3A_14] : memref<10240xf32, #tpu.memory_space<vmem_shared>> -> memref<640xf32, #tpu.memory_space<vmem_shared>>
      tpu.enqueue_dma source(%arg13 : memref<640xf32, #tpu.memory_space<vmem>>) target(%dma_start3A_54 : memref<640xf32, #tpu.memory_space<vmem_shared>>) target_semaphore(%run_scoped3A : memref<!tpu.dma_semaphore, #tpu.memory_space<semaphore_mem>>)
      %dma_wait3A = tpu.memref_slice %arg43[%mul3A_14] : memref<10240xf32, #tpu.memory_space<vmem_shared>> -> memref<640xf32, #tpu.memory_space<vmem_shared>>
      %dma_wait3A_55 = tpu.memref_slice %arg43[%mul3A_14] : memref<10240xf32, #tpu.memory_space<vmem_shared>> -> memref<640xf32, #tpu.memory_space<vmem_shared>>
      tpu.wait_dma2 semaphore(%run_scoped3A : memref<!tpu.dma_semaphore, #tpu.memory_space<semaphore_mem>>) src(%arg13 : memref<640xf32, #tpu.memory_space<vmem>>) dst(%dma_wait3A_55 : memref<640xf32, #tpu.memory_space<vmem_shared>>)
      tpu.yield
    }) : () -> ()
    %barrier3A = arith.constant 0 : index
    tpu.barrier barrier_id(%barrier3A)
    %get3A = arith.constant 0 : index
    %get3A_31 = tpu.vector_load %arg12[%get3A] {strides = array<i32>} : memref<16xf32, #tpu.memory_space<vmem>>, vector<16xf32>,
    %scan3A_32 = arith.constant 0 : i32
    %scan3A_33 = arith.constant 5 : i32
    %scan3A_34 = arith.addi %scan3A_32, %scan3A_33 : i32
    %scan3A_35 = arith.constant 1 : i32
    scf.for %scan3A_54 = %scan3A_32 to %scan3A_34 step %scan3A_35  : i32 {
      %mul3A_55 = arith.constant 1 : i32
      %mul3A_56 = arith.muli %scan3A_54, %mul3A_55 : i32
      %add3A_57 = arith.constant 0 : i32
      %add3A_58 = arith.addi %add3A_57, %mul3A_56 : i32
      %mul3A_59 = arith.constant 2000 : i32
      %mul3A_60 = arith.muli %add3A_58, %mul3A_59 : i32
      %add3A_61 = arith.addi %mul3A_2, %mul3A_60 : i32
      "tpu.region"() ({
        %run_scoped3A = tpu.sem_alloc : memref<!tpu.dma_semaphore, #tpu.memory_space<semaphore_mem>>
        %dma_start3A_705 = tpu.memref_slice %arg2[%add3A_61] : memref<320000xi32, #tpu.memory_space<hbm>> -> memref<2000xi32, #tpu.memory_space<hbm>>
        %dma_start3A_706 = tpu.memref_slice %arg2[%add3A_61] : memref<320000xi32, #tpu.memory_space<hbm>> -> memref<2000xi32, #tpu.memory_space<hbm>>
        tpu.enqueue_dma source(%dma_start3A_706 : memref<2000xi32, #tpu.memory_space<hbm>>) target(%arg10 : memref<2000xi32, #tpu.memory_space<vmem>>) target_semaphore(%run_scoped3A : memref<!tpu.dma_semaphore, #tpu.memory_space<semaphore_mem>>)
        %dma_wait3A_707 = tpu.memref_slice %arg2[%add3A_61] : memref<320000xi32, #tpu.memory_space<hbm>> -> memref<2000xi32, #tpu.memory_space<hbm>>
        %dma_wait3A_708 = tpu.memref_slice %arg2[%add3A_61] : memref<320000xi32, #tpu.memory_space<hbm>> -> memref<2000xi32, #tpu.memory_space<hbm>>
        tpu.wait_dma2 semaphore(%run_scoped3A : memref<!tpu.dma_semaphore, #tpu.memory_space<semaphore_mem>>) src(%dma_wait3A_708 : memref<2000xi32, #tpu.memory_space<hbm>>) dst(%arg10 : memref<2000xi32, #tpu.memory_space<vmem>>)
        tpu.yield
      }) : () -> ()
      "tpu.region"() ({
        %run_scoped3A = tpu.sem_alloc : memref<!tpu.dma_semaphore, #tpu.memory_space<semaphore_mem>>
        %dma_start3A_705 = tpu.memref_slice %arg3[%add3A_61] : memref<320000xi32, #tpu.memory_space<hbm>> -> memref<2000xi32, #tpu.memory_space<hbm>>
        %dma_start3A_706 = tpu.memref_slice %arg3[%add3A_61] : memref<320000xi32, #tpu.memory_space<hbm>> -> memref<2000xi32, #tpu.memory_space<hbm>>
        tpu.enqueue_dma source(%dma_start3A_706 : memref<2000xi32, #tpu.memory_space<hbm>>) target(%arg11 : memref<2000xi32, #tpu.memory_space<vmem>>) target_semaphore(%run_scoped3A : memref<!tpu.dma_semaphore, #tpu.memory_space<semaphore_mem>>)
        %dma_wait3A_707 = tpu.memref_slice %arg3[%add3A_61] : memref<320000xi32, #tpu.memory_space<hbm>> -> memref<2000xi32, #tpu.memory_space<hbm>>
        %dma_wait3A_708 = tpu.memref_slice %arg3[%add3A_61] : memref<320000xi32, #tpu.memory_space<hbm>> -> memref<2000xi32, #tpu.memory_space<hbm>>
        tpu.wait_dma2 semaphore(%run_scoped3A : memref<!tpu.dma_semaphore, #tpu.memory_space<semaphore_mem>>) src(%dma_wait3A_708 : memref<2000xi32, #tpu.memory_space<hbm>>) dst(%arg11 : memref<2000xi32, #tpu.memory_space<vmem>>)
        tpu.yield
      }) : () -> ()
      %get3A_62 = arith.constant 0 : index
      %get3A_63 = tpu.vector_load %arg11[%get3A_62] {strides = array<i32>} : memref<2000xi32, #tpu.memory_space<vmem>>, vector<16xi32>,
      %swap3A = arith.constant 0 : index
      %swap3A_64 = tpu.vector_load %arg14[%swap3A] {strides = array<i32>} : memref<80xi32, #tpu.memory_space<vmem>>, vector<16xi32>,
      tpu.vector_store %arg14[%swap3A], %get3A_63 {strides = array<i32>} : memref<80xi32, #tpu.memory_space<vmem>>, vector<16xi32>,
      %get3A_65 = arith.constant 16 : index
      %get3A_66 = tpu.vector_load %arg11[%get3A_65] {strides = array<i32>} : memref<2000xi32, #tpu.memory_space<vmem>>, vector<16xi32>,
      %swap3A_67 = arith.constant 16 : index
      %swap3A_68 = tpu.vector_load %arg14[%swap3A_67] {strides = array<i32>} : memref<80xi32, #tpu.memory_space<vmem>>, vector<16xi32>,
      tpu.vector_store %arg14[%swap3A_67], %get3A_66 {strides = array<i32>} : memref<80xi32, #tpu.memory_space<vmem>>, vector<16xi32>,
      %get3A_69 = arith.constant 32 : index
      %get3A_70 = tpu.vector_load %arg11[%get3A_69] {strides = array<i32>} : memref<2000xi32, #tpu.memory_space<vmem>>, vector<16xi32>,
      %swap3A_71 = arith.constant 32 : index
      %swap3A_72 = tpu.vector_load %arg14[%swap3A_71] {strides = array<i32>} : memref<80xi32, #tpu.memory_space<vmem>>, vector<16xi32>,
      tpu.vector_store %arg14[%swap3A_71], %get3A_70 {strides = array<i32>} : memref<80xi32, #tpu.memory_space<vmem>>, vector<16xi32>,
      %get3A_73 = arith.constant 48 : index
      %get3A_74 = tpu.vector_load %arg11[%get3A_73] {strides = array<i32>} : memref<2000xi32, #tpu.memory_space<vmem>>, vector<16xi32>,
      %swap3A_75 = arith.constant 48 : index
      %swap3A_76 = tpu.vector_load %arg14[%swap3A_75] {strides = array<i32>} : memref<80xi32, #tpu.memory_space<vmem>>, vector<16xi32>,
      tpu.vector_store %arg14[%swap3A_75], %get3A_74 {strides = array<i32>} : memref<80xi32, #tpu.memory_space<vmem>>, vector<16xi32>,
      %get3A_77 = arith.constant 64 : index
      %get3A_78 = tpu.vector_load %arg11[%get3A_77] {strides = array<i32>} : memref<2000xi32, #tpu.memory_space<vmem>>, vector<16xi32>,
      %swap3A_79 = arith.constant 64 : index
      %swap3A_80 = tpu.vector_load %arg14[%swap3A_79] {strides = array<i32>} : memref<80xi32, #tpu.memory_space<vmem>>, vector<16xi32>,
      tpu.vector_store %arg14[%swap3A_79], %get3A_78 {strides = array<i32>} : memref<80xi32, #tpu.memory_space<vmem>>, vector<16xi32>,
      %dma_start3A = arith.constant 0 : i32
      %dma_start3A_81 = arith.constant 0 : i32
      %dma_start3A_82 = tpu.memref_slice %arg4[%dma_start3A, %dma_start3A_81] : memref<10000x128xf32, #tpu.memory_space<hbm>> -> memref<80x128xf32, #tpu.memory_space<hbm>>
      %dma_start3A_83 = arith.constant 0 : i32
      %dma_start3A_84 = arith.constant 0 : i32
      %dma_start3A_85 = tpu.memref_slice %arg4[%dma_start3A_83, %dma_start3A_84] : memref<10000x128xf32, #tpu.memory_space<hbm>> -> memref<80x128xf32, #tpu.memory_space<hbm>>
      tpu.enqueue_dma source(%dma_start3A_85 : memref<80x128xf32, #tpu.memory_space<hbm>>) target(%arg30 : memref<80x128xf32, #tpu.memory_space<vmem>>) target_semaphore(%arg34 : memref<!tpu.dma_semaphore, #tpu.memory_space<semaphore_mem>>)
      %get3A_86 = arith.constant 80 : index
      %get3A_87 = tpu.vector_load %arg11[%get3A_86] {strides = array<i32>} : memref<2000xi32, #tpu.memory_space<vmem>>, vector<16xi32>,
      %swap3A_88 = arith.constant 0 : index
      %swap3A_89 = tpu.vector_load %arg15[%swap3A_88] {strides = array<i32>} : memref<80xi32, #tpu.memory_space<vmem>>, vector<16xi32>,
      tpu.vector_store %arg15[%swap3A_88], %get3A_87 {strides = array<i32>} : memref<80xi32, #tpu.memory_space<vmem>>, vector<16xi32>,
      %get3A_90 = arith.constant 96 : index
      %get3A_91 = tpu.vector_load %arg11[%get3A_90] {strides = array<i32>} : memref<2000xi32, #tpu.memory_space<vmem>>, vector<16xi32>,
      %swap3A_92 = arith.constant 16 : index
      %swap3A_93 = tpu.vector_load %arg15[%swap3A_92] {strides = array<i32>} : memref<80xi32, #tpu.memory_space<vmem>>, vector<16xi32>,
      tpu.vector_store %arg15[%swap3A_92], %get3A_91 {strides = array<i32>} : memref<80xi32, #tpu.memory_space<vmem>>, vector<16xi32>,
      %get3A_94 = arith.constant 112 : index
      %get3A_95 = tpu.vector_load %arg11[%get3A_94] {strides = array<i32>} : memref<2000xi32, #tpu.memory_space<vmem>>, vector<16xi32>,
      %swap3A_96 = arith.constant 32 : index
      %swap3A_97 = tpu.vector_load %arg15[%swap3A_96] {strides = array<i32>} : memref<80xi32, #tpu.memory_space<vmem>>, vector<16xi32>,
      tpu.vector_store %arg15[%swap3A_96], %get3A_95 {strides = array<i32>} : memref<80xi32, #tpu.memory_space<vmem>>, vector<16xi32>,
      %get3A_98 = arith.constant 128 : index
      %get3A_99 = tpu.vector_load %arg11[%get3A_98] {strides = array<i32>} : memref<2000xi32, #tpu.memory_space<vmem>>, vector<16xi32>,
      %swap3A_100 = arith.constant 48 : index
      %swap3A_101 = tpu.vector_load %arg15[%swap3A_100] {strides = array<i32>} : memref<80xi32, #tpu.memory_space<vmem>>, vector<16xi32>,
      tpu.vector_store %arg15[%swap3A_100], %get3A_99 {strides = array<i32>} : memref<80xi32, #tpu.memory_space<vmem>>, vector<16xi32>,
      %get3A_102 = arith.constant 144 : index
      %get3A_103 = tpu.vector_load %arg11[%get3A_102] {strides = array<i32>} : memref<2000xi32, #tpu.memory_space<vmem>>, vector<16xi32>,
      %swap3A_104 = arith.constant 64 : index
      %swap3A_105 = tpu.vector_load %arg15[%swap3A_104] {strides = array<i32>} : memref<80xi32, #tpu.memory_space<vmem>>, vector<16xi32>,
      tpu.vector_store %arg15[%swap3A_104], %get3A_103 {strides = array<i32>} : memref<80xi32, #tpu.memory_space<vmem>>, vector<16xi32>,
      %dma_start3A_106 = arith.constant 80 : i32
      %dma_start3A_107 = arith.constant 0 : i32
      %dma_start3A_108 = tpu.memref_slice %arg4[%dma_start3A_106, %dma_start3A_107] : memref<10000x128xf32, #tpu.memory_space<hbm>> -> memref<80x128xf32, #tpu.memory_space<hbm>>
      %dma_start3A_109 = arith.constant 80 : i32
      %dma_start3A_110 = arith.constant 0 : i32
      %dma_start3A_111 = tpu.memref_slice %arg4[%dma_start3A_109, %dma_start3A_110] : memref<10000x128xf32, #tpu.memory_space<hbm>> -> memref<80x128xf32, #tpu.memory_space<hbm>>
      tpu.enqueue_dma source(%dma_start3A_111 : memref<80x128xf32, #tpu.memory_space<hbm>>) target(%arg31 : memref<80x128xf32, #tpu.memory_space<vmem>>) target_semaphore(%arg35 : memref<!tpu.dma_semaphore, #tpu.memory_space<semaphore_mem>>)
      %get3A_112 = arith.constant 160 : index
      %get3A_113 = tpu.vector_load %arg11[%get3A_112] {strides = array<i32>} : memref<2000xi32, #tpu.memory_space<vmem>>, vector<16xi32>,
      %swap3A_114 = arith.constant 0 : index
      %swap3A_115 = tpu.vector_load %arg16[%swap3A_114] {strides = array<i32>} : memref<80xi32, #tpu.memory_space<vmem>>, vector<16xi32>,
      tpu.vector_store %arg16[%swap3A_114], %get3A_113 {strides = array<i32>} : memref<80xi32, #tpu.memory_space<vmem>>, vector<16xi32>,
      %get3A_116 = arith.constant 176 : index
      %get3A_117 = tpu.vector_load %arg11[%get3A_116] {strides = array<i32>} : memref<2000xi32, #tpu.memory_space<vmem>>, vector<16xi32>,
      %swap3A_118 = arith.constant 16 : index
      %swap3A_119 = tpu.vector_load %arg16[%swap3A_118] {strides = array<i32>} : memref<80xi32, #tpu.memory_space<vmem>>, vector<16xi32>,
      tpu.vector_store %arg16[%swap3A_118], %get3A_117 {strides = array<i32>} : memref<80xi32, #tpu.memory_space<vmem>>, vector<16xi32>,
      %get3A_120 = arith.constant 192 : index
      %get3A_121 = tpu.vector_load %arg11[%get3A_120] {strides = array<i32>} : memref<2000xi32, #tpu.memory_space<vmem>>, vector<16xi32>,
      %swap3A_122 = arith.constant 32 : index
      %swap3A_123 = tpu.vector_load %arg16[%swap3A_122] {strides = array<i32>} : memref<80xi32, #tpu.memory_space<vmem>>, vector<16xi32>,
      tpu.vector_store %arg16[%swap3A_122], %get3A_121 {strides = array<i32>} : memref<80xi32, #tpu.memory_space<vmem>>, vector<16xi32>,
      %get3A_124 = arith.constant 208 : index
      %get3A_125 = tpu.vector_load %arg11[%get3A_124] {strides = array<i32>} : memref<2000xi32, #tpu.memory_space<vmem>>, vector<16xi32>,
      %swap3A_126 = arith.constant 48 : index
      %swap3A_127 = tpu.vector_load %arg16[%swap3A_126] {strides = array<i32>} : memref<80xi32, #tpu.memory_space<vmem>>, vector<16xi32>,
      tpu.vector_store %arg16[%swap3A_126], %get3A_125 {strides = array<i32>} : memref<80xi32, #tpu.memory_space<vmem>>, vector<16xi32>,
      %get3A_128 = arith.constant 224 : index
      %get3A_129 = tpu.vector_load %arg11[%get3A_128] {strides = array<i32>} : memref<2000xi32, #tpu.memory_space<vmem>>, vector<16xi32>,
      %swap3A_130 = arith.constant 64 : index
      %swap3A_131 = tpu.vector_load %arg16[%swap3A_130] {strides = array<i32>} : memref<80xi32, #tpu.memory_space<vmem>>, vector<16xi32>,
      tpu.vector_store %arg16[%swap3A_130], %get3A_129 {strides = array<i32>} : memref<80xi32, #tpu.memory_space<vmem>>, vector<16xi32>,
      %dma_start3A_132 = arith.constant 160 : i32
      %dma_start3A_133 = arith.constant 0 : i32
      %dma_start3A_134 = tpu.memref_slice %arg4[%dma_start3A_132, %dma_start3A_133] : memref<10000x128xf32, #tpu.memory_space<hbm>> -> memref<80x128xf32, #tpu.memory_space<hbm>>
      %dma_start3A_135 = arith.constant 160 : i32
      %dma_start3A_136 = arith.constant 0 : i32
      %dma_start3A_137 = tpu.memref_slice %arg4[%dma_start3A_135, %dma_start3A_136] : memref<10000x128xf32, #tpu.memory_space<hbm>> -> memref<80x128xf32, #tpu.memory_space<hbm>>
      tpu.enqueue_dma source(%dma_start3A_137 : memref<80x128xf32, #tpu.memory_space<hbm>>) target(%arg32 : memref<80x128xf32, #tpu.memory_space<vmem>>) target_semaphore(%arg36 : memref<!tpu.dma_semaphore, #tpu.memory_space<semaphore_mem>>)
      %dma_wait3A = arith.constant 0 : i32
      %dma_wait3A_138 = arith.constant 0 : i32
      %dma_wait3A_139 = tpu.memref_slice %arg4[%dma_wait3A, %dma_wait3A_138] : memref<10000x128xf32, #tpu.memory_space<hbm>> -> memref<80x128xf32, #tpu.memory_space<hbm>>
      %dma_wait3A_140 = arith.constant 0 : i32
      %dma_wait3A_141 = arith.constant 0 : i32
      %dma_wait3A_142 = tpu.memref_slice %arg4[%dma_wait3A_140, %dma_wait3A_141] : memref<10000x128xf32, #tpu.memory_space<hbm>> -> memref<80x128xf32, #tpu.memory_space<hbm>>
      tpu.wait_dma2 semaphore(%arg34 : memref<!tpu.dma_semaphore, #tpu.memory_space<semaphore_mem>>) src(%dma_wait3A_142 : memref<80x128xf32, #tpu.memory_space<hbm>>) dst(%arg30 : memref<80x128xf32, #tpu.memory_space<vmem>>)
      %get3A_143 = arith.constant 0 : index
      %get3A_144 = tpu.vector_load %arg18[%get3A_143] {strides = array<i32>} : memref<80xf32, #tpu.memory_space<vmem>>, vector<16xf32>,
      %get3A_145 = arith.constant 0 : index
      %get3A_146 = tpu.vector_load %arg22[%get3A_145] {strides = array<i32>} : memref<80xf32, #tpu.memory_space<vmem>>, vector<16xf32>,
      %add3A_147 = arith.addf %get3A_144, %get3A_146 : vector<16xf32>
      %gt3A = arith.constant 0.000000e+00 : f32
      %gt3A_148 = vector.broadcast %gt3A : f32 to vector<16xf32>
      %gt3A_149 = arith.cmpf ogt, %add3A_147, %gt3A_148 : vector<16xf32>
      %mul3A_150 = arith.constant 2.000000e-01 : f32
      %mul3A_151 = vector.broadcast %mul3A_150 : f32 to vector<16xf32>
      %mul3A_152 = arith.mulf %add3A_147, %mul3A_151 : vector<16xf32>
      %select_n3A = arith.select %gt3A_149, %add3A_147, %mul3A_152 : vector<16xi1>, vector<16xf32>
      %sub3A = arith.subf %select_n3A, %get3A_31 : vector<16xf32>
      %exp3A = math.exp %sub3A : vector<16xf32>
      %swap3A_153 = arith.constant 0 : index
      %swap3A_154 = tpu.vector_load %arg26[%swap3A_153] {strides = array<i32>} : memref<80xf32, #tpu.memory_space<vmem>>, vector<16xf32>,
      tpu.vector_store %arg26[%swap3A_153], %exp3A {strides = array<i32>} : memref<80xf32, #tpu.memory_space<vmem>>, vector<16xf32>,
      %get3A_155 = arith.constant 16 : index
      %get3A_156 = tpu.vector_load %arg18[%get3A_155] {strides = array<i32>} : memref<80xf32, #tpu.memory_space<vmem>>, vector<16xf32>,
      %get3A_157 = arith.constant 16 : index
      %get3A_158 = tpu.vector_load %arg22[%get3A_157] {strides = array<i32>} : memref<80xf32, #tpu.memory_space<vmem>>, vector<16xf32>,
      %add3A_159 = arith.addf %get3A_156, %get3A_158 : vector<16xf32>
      %gt3A_160 = arith.constant 0.000000e+00 : f32
      %gt3A_161 = vector.broadcast %gt3A_160 : f32 to vector<16xf32>
      %gt3A_162 = arith.cmpf ogt, %add3A_159, %gt3A_161 : vector<16xf32>
      %mul3A_163 = arith.constant 2.000000e-01 : f32
      %mul3A_164 = vector.broadcast %mul3A_163 : f32 to vector<16xf32>
      %mul3A_165 = arith.mulf %add3A_159, %mul3A_164 : vector<16xf32>
      %select_n3A_166 = arith.select %gt3A_162, %add3A_159, %mul3A_165 : vector<16xi1>, vector<16xf32>
      %sub3A_167 = arith.subf %select_n3A_166, %get3A_31 : vector<16xf32>
      %exp3A_168 = math.exp %sub3A_167 : vector<16xf32>
      %swap3A_169 = arith.constant 16 : index
      %swap3A_170 = tpu.vector_load %arg26[%swap3A_169] {strides = array<i32>} : memref<80xf32, #tpu.memory_space<vmem>>, vector<16xf32>,
      tpu.vector_store %arg26[%swap3A_169], %exp3A_168 {strides = array<i32>} : memref<80xf32, #tpu.memory_space<vmem>>, vector<16xf32>,
      %get3A_171 = arith.constant 32 : index
      %get3A_172 = tpu.vector_load %arg18[%get3A_171] {strides = array<i32>} : memref<80xf32, #tpu.memory_space<vmem>>, vector<16xf32>,
      %get3A_173 = arith.constant 32 : index
      %get3A_174 = tpu.vector_load %arg22[%get3A_173] {strides = array<i32>} : memref<80xf32, #tpu.memory_space<vmem>>, vector<16xf32>,
      %add3A_175 = arith.addf %get3A_172, %get3A_174 : vector<16xf32>
      %gt3A_176 = arith.constant 0.000000e+00 : f32
      %gt3A_177 = vector.broadcast %gt3A_176 : f32 to vector<16xf32>
      %gt3A_178 = arith.cmpf ogt, %add3A_175, %gt3A_177 : vector<16xf32>
      %mul3A_179 = arith.constant 2.000000e-01 : f32
      %mul3A_180 = vector.broadcast %mul3A_179 : f32 to vector<16xf32>
      %mul3A_181 = arith.mulf %add3A_175, %mul3A_180 : vector<16xf32>
      %select_n3A_182 = arith.select %gt3A_178, %add3A_175, %mul3A_181 : vector<16xi1>, vector<16xf32>
      %sub3A_183 = arith.subf %select_n3A_182, %get3A_31 : vector<16xf32>
      %exp3A_184 = math.exp %sub3A_183 : vector<16xf32>
      %swap3A_185 = arith.constant 32 : index
      %swap3A_186 = tpu.vector_load %arg26[%swap3A_185] {strides = array<i32>} : memref<80xf32, #tpu.memory_space<vmem>>, vector<16xf32>,
      tpu.vector_store %arg26[%swap3A_185], %exp3A_184 {strides = array<i32>} : memref<80xf32, #tpu.memory_space<vmem>>, vector<16xf32>,
      %get3A_187 = arith.constant 48 : index
      %get3A_188 = tpu.vector_load %arg18[%get3A_187] {strides = array<i32>} : memref<80xf32, #tpu.memory_space<vmem>>, vector<16xf32>,
      %get3A_189 = arith.constant 48 : index
      %get3A_190 = tpu.vector_load %arg22[%get3A_189] {strides = array<i32>} : memref<80xf32, #tpu.memory_space<vmem>>, vector<16xf32>,
      %add3A_191 = arith.addf %get3A_188, %get3A_190 : vector<16xf32>
      %gt3A_192 = arith.constant 0.000000e+00 : f32
      %gt3A_193 = vector.broadcast %gt3A_192 : f32 to vector<16xf32>
      %gt3A_194 = arith.cmpf ogt, %add3A_191, %gt3A_193 : vector<16xf32>
      %mul3A_195 = arith.constant 2.000000e-01 : f32
      %mul3A_196 = vector.broadcast %mul3A_195 : f32 to vector<16xf32>
      %mul3A_197 = arith.mulf %add3A_191, %mul3A_196 : vector<16xf32>
      %select_n3A_198 = arith.select %gt3A_194, %add3A_191, %mul3A_197 : vector<16xi1>, vector<16xf32>
      %sub3A_199 = arith.subf %select_n3A_198, %get3A_31 : vector<16xf32>
      %exp3A_200 = math.exp %sub3A_199 : vector<16xf32>
      %swap3A_201 = arith.constant 48 : index
      %swap3A_202 = tpu.vector_load %arg26[%swap3A_201] {strides = array<i32>} : memref<80xf32, #tpu.memory_space<vmem>>, vector<16xf32>,
      tpu.vector_store %arg26[%swap3A_201], %exp3A_200 {strides = array<i32>} : memref<80xf32, #tpu.memory_space<vmem>>, vector<16xf32>,
      %get3A_203 = arith.constant 64 : index
      %get3A_204 = tpu.vector_load %arg18[%get3A_203] {strides = array<i32>} : memref<80xf32, #tpu.memory_space<vmem>>, vector<16xf32>,
      %get3A_205 = arith.constant 64 : index
      %get3A_206 = tpu.vector_load %arg22[%get3A_205] {strides = array<i32>} : memref<80xf32, #tpu.memory_space<vmem>>, vector<16xf32>,
      %add3A_207 = arith.addf %get3A_204, %get3A_206 : vector<16xf32>
      %gt3A_208 = arith.constant 0.000000e+00 : f32
      %gt3A_209 = vector.broadcast %gt3A_208 : f32 to vector<16xf32>
      %gt3A_210 = arith.cmpf ogt, %add3A_207, %gt3A_209 : vector<16xf32>
      %mul3A_211 = arith.constant 2.000000e-01 : f32
      %mul3A_212 = vector.broadcast %mul3A_211 : f32 to vector<16xf32>
      %mul3A_213 = arith.mulf %add3A_207, %mul3A_212 : vector<16xf32>
      %select_n3A_214 = arith.select %gt3A_210, %add3A_207, %mul3A_213 : vector<16xi1>, vector<16xf32>
      %sub3A_215 = arith.subf %select_n3A_214, %get3A_31 : vector<16xf32>
      %exp3A_216 = math.exp %sub3A_215 : vector<16xf32>
      %swap3A_217 = arith.constant 64 : index
      %swap3A_218 = tpu.vector_load %arg26[%swap3A_217] {strides = array<i32>} : memref<80xf32, #tpu.memory_space<vmem>>, vector<16xf32>,
      tpu.vector_store %arg26[%swap3A_217], %exp3A_216 {strides = array<i32>} : memref<80xf32, #tpu.memory_space<vmem>>, vector<16xf32>,
      %scan3A_219 = arith.constant 0 : i32
      %scan3A_220 = arith.constant 0 : i32
      %scan3A_221 = arith.addi %scan3A_219, %scan3A_220 : i32
      %scan3A_222 = arith.constant 0 : i32
      %dma_start3A_223 = arith.constant 0 : i32
      %dma_start3A_224 = arith.constant 0 : i32
      %dma_start3A_225 = tpu.memref_slice %arg42[%dma_start3A_223, %dma_start3A_224] : memref<10240x128xf32, #tpu.memory_space<vmem_shared>> -> memref<80x128xf32, #tpu.memory_space<vmem_shared>>
      %dma_start3A_226 = arith.constant 0 : i32
      %dma_start3A_227 = arith.constant 0 : i32
      %dma_start3A_228 = tpu.memref_slice %arg42[%dma_start3A_226, %dma_start3A_227] : memref<10240x128xf32, #tpu.memory_space<vmem_shared>> -> memref<80x128xf32, #tpu.memory_space<vmem_shared>>
      tpu.enqueue_dma source(%arg30 : memref<80x128xf32, #tpu.memory_space<vmem>>) target(%dma_start3A_228 : memref<80x128xf32, #tpu.memory_space<vmem_shared>>) target_semaphore(%arg38 : memref<!tpu.dma_semaphore, #tpu.memory_space<semaphore_mem>>)
      %dma_start3A_229 = arith.constant 0 : i32
      %dma_start3A_230 = tpu.memref_slice %arg43[%dma_start3A_229] : memref<10240xf32, #tpu.memory_space<vmem_shared>> -> memref<10240xf32, #tpu.memory_space<vmem_shared>>
      tpu.enqueue_indirect_dma source(%arg26 : memref<80xf32, #tpu.memory_space<vmem>>) target(%dma_start3A_230 : memref<10240xf32, #tpu.memory_space<vmem_shared>>) offsets(%arg14 : memref<80xi32, #tpu.memory_space<vmem>>) semaphore(%arg38 : memref<!tpu.dma_semaphore, #tpu.memory_space<semaphore_mem>>) {add = true}
      %get3A_231 = arith.constant 240 : index
      %get3A_232 = tpu.vector_load %arg11[%get3A_231] {strides = array<i32>} : memref<2000xi32, #tpu.memory_space<vmem>>, vector<16xi32>,
      %swap3A_233 = arith.constant 0 : index
      %swap3A_234 = tpu.vector_load %arg17[%swap3A_233] {strides = array<i32>} : memref<80xi32, #tpu.memory_space<vmem>>, vector<16xi32>,
      tpu.vector_store %arg17[%swap3A_233], %get3A_232 {strides = array<i32>} : memref<80xi32, #tpu.memory_space<vmem>>, vector<16xi32>,
      %get3A_235 = arith.constant 256 : index
      %get3A_236 = tpu.vector_load %arg11[%get3A_235] {strides = array<i32>} : memref<2000xi32, #tpu.memory_space<vmem>>, vector<16xi32>,
      %swap3A_237 = arith.constant 16 : index
      %swap3A_238 = tpu.vector_load %arg17[%swap3A_237] {strides = array<i32>} : memref<80xi32, #tpu.memory_space<vmem>>, vector<16xi32>,
      tpu.vector_store %arg17[%swap3A_237], %get3A_236 {strides = array<i32>} : memref<80xi32, #tpu.memory_space<vmem>>, vector<16xi32>,
      %get3A_239 = arith.constant 272 : index
      %get3A_240 = tpu.vector_load %arg11[%get3A_239] {strides = array<i32>} : memref<2000xi32, #tpu.memory_space<vmem>>, vector<16xi32>,
      %swap3A_241 = arith.constant 32 : index
      %swap3A_242 = tpu.vector_load %arg17[%swap3A_241] {strides = array<i32>} : memref<80xi32, #tpu.memory_space<vmem>>, vector<16xi32>,
      tpu.vector_store %arg17[%swap3A_241], %get3A_240 {strides = array<i32>} : memref<80xi32, #tpu.memory_space<vmem>>, vector<16xi32>,
      %get3A_243 = arith.constant 288 : index
      %get3A_244 = tpu.vector_load %arg11[%get3A_243] {strides = array<i32>} : memref<2000xi32, #tpu.memory_space<vmem>>, vector<16xi32>,
      %swap3A_245 = arith.constant 48 : index
      %swap3A_246 = tpu.vector_load %arg17[%swap3A_245] {strides = array<i32>} : memref<80xi32, #tpu.memory_space<vmem>>, vector<16xi32>,
      tpu.vector_store %arg17[%swap3A_245], %get3A_244 {strides = array<i32>} : memref<80xi32, #tpu.memory_space<vmem>>, vector<16xi32>,
      %get3A_247 = arith.constant 304 : index
      %get3A_248 = tpu.vector_load %arg11[%get3A_247] {strides = array<i32>} : memref<2000xi32, #tpu.memory_space<vmem>>, vector<16xi32>,
      %swap3A_249 = arith.constant 64 : index
      %swap3A_250 = tpu.vector_load %arg17[%swap3A_249] {strides = array<i32>} : memref<80xi32, #tpu.memory_space<vmem>>, vector<16xi32>,
      tpu.vector_store %arg17[%swap3A_249], %get3A_248 {strides = array<i32>} : memref<80xi32, #tpu.memory_space<vmem>>, vector<16xi32>,
      %dma_start3A_251 = arith.constant 240 : i32
      %dma_start3A_252 = arith.constant 0 : i32
      %dma_start3A_253 = tpu.memref_slice %arg4[%dma_start3A_251, %dma_start3A_252] : memref<10000x128xf32, #tpu.memory_space<hbm>> -> memref<80x128xf32, #tpu.memory_space<hbm>>
      %dma_start3A_254 = arith.constant 240 : i32
      %dma_start3A_255 = arith.constant 0 : i32
      %dma_start3A_256 = tpu.memref_slice %arg4[%dma_start3A_254, %dma_start3A_255] : memref<10000x128xf32, #tpu.memory_space<hbm>> -> memref<80x128xf32, #tpu.memory_space<hbm>>
      tpu.enqueue_dma source(%dma_start3A_256 : memref<80x128xf32, #tpu.memory_space<hbm>>) target(%arg33 : memref<80x128xf32, #tpu.memory_space<vmem>>) target_semaphore(%arg37 : memref<!tpu.dma_semaphore, #tpu.memory_space<semaphore_mem>>)
      %dma_wait3A_257 = arith.constant 0 : i32
      %dma_wait3A_258 = arith.constant 0 : i32
      %dma_wait3A_259 = tpu.memref_slice %arg4[%dma_wait3A_257, %dma_wait3A_258] : memref<10000x128xf32, #tpu.memory_space<hbm>> -> memref<80x128xf32, #tpu.memory_space<hbm>>
      %dma_wait3A_260 = arith.constant 0 : i32
      %dma_wait3A_261 = arith.constant 0 : i32
      %dma_wait3A_262 = tpu.memref_slice %arg4[%dma_wait3A_260, %dma_wait3A_261] : memref<10000x128xf32, #tpu.memory_space<hbm>> -> memref<80x128xf32, #tpu.memory_space<hbm>>
      tpu.wait_dma2 semaphore(%arg35 : memref<!tpu.dma_semaphore, #tpu.memory_space<semaphore_mem>>) src(%dma_wait3A_262 : memref<80x128xf32, #tpu.memory_space<hbm>>) dst(%arg31 : memref<80x128xf32, #tpu.memory_space<vmem>>)
      %get3A_263 = arith.constant 0 : index
      %get3A_264 = tpu.vector_load %arg19[%get3A_263] {strides = array<i32>} : memref<80xf32, #tpu.memory_space<vmem>>, vector<16xf32>,
      %get3A_265 = arith.constant 0 : index
      %get3A_266 = tpu.vector_load %arg23[%get3A_265] {strides = array<i32>} : memref<80xf32, #tpu.memory_space<vmem>>, vector<16xf32>,
      %add3A_267 = arith.addf %get3A_264, %get3A_266 : vector<16xf32>
      %gt3A_268 = arith.constant 0.000000e+00 : f32
      %gt3A_269 = vector.broadcast %gt3A_268 : f32 to vector<16xf32>
      %gt3A_270 = arith.cmpf ogt, %add3A_267, %gt3A_269 : vector<16xf32>
      %mul3A_271 = arith.constant 2.000000e-01 : f32
      %mul3A_272 = vector.broadcast %mul3A_271 : f32 to vector<16xf32>
      %mul3A_273 = arith.mulf %add3A_267, %mul3A_272 : vector<16xf32>
      %select_n3A_274 = arith.select %gt3A_270, %add3A_267, %mul3A_273 : vector<16xi1>, vector<16xf32>
      %sub3A_275 = arith.subf %select_n3A_274, %get3A_31 : vector<16xf32>
      %exp3A_276 = math.exp %sub3A_275 : vector<16xf32>
      %swap3A_277 = arith.constant 0 : index
      %swap3A_278 = tpu.vector_load %arg27[%swap3A_277] {strides = array<i32>} : memref<80xf32, #tpu.memory_space<vmem>>, vector<16xf32>,
      tpu.vector_store %arg27[%swap3A_277], %exp3A_276 {strides = array<i32>} : memref<80xf32, #tpu.memory_space<vmem>>, vector<16xf32>,
      %get3A_279 = arith.constant 16 : index
      %get3A_280 = tpu.vector_load %arg19[%get3A_279] {strides = array<i32>} : memref<80xf32, #tpu.memory_space<vmem>>, vector<16xf32>,
      %get3A_281 = arith.constant 16 : index
      %get3A_282 = tpu.vector_load %arg23[%get3A_281] {strides = array<i32>} : memref<80xf32, #tpu.memory_space<vmem>>, vector<16xf32>,
      %add3A_283 = arith.addf %get3A_280, %get3A_282 : vector<16xf32>
      %gt3A_284 = arith.constant 0.000000e+00 : f32
      %gt3A_285 = vector.broadcast %gt3A_284 : f32 to vector<16xf32>
      %gt3A_286 = arith.cmpf ogt, %add3A_283, %gt3A_285 : vector<16xf32>
      %mul3A_287 = arith.constant 2.000000e-01 : f32
      %mul3A_288 = vector.broadcast %mul3A_287 : f32 to vector<16xf32>
      %mul3A_289 = arith.mulf %add3A_283, %mul3A_288 : vector<16xf32>
      %select_n3A_290 = arith.select %gt3A_286, %add3A_283, %mul3A_289 : vector<16xi1>, vector<16xf32>
      %sub3A_291 = arith.subf %select_n3A_290, %get3A_31 : vector<16xf32>
      %exp3A_292 = math.exp %sub3A_291 : vector<16xf32>
      %swap3A_293 = arith.constant 16 : index
      %swap3A_294 = tpu.vector_load %arg27[%swap3A_293] {strides = array<i32>} : memref<80xf32, #tpu.memory_space<vmem>>, vector<16xf32>,
      tpu.vector_store %arg27[%swap3A_293], %exp3A_292 {strides = array<i32>} : memref<80xf32, #tpu.memory_space<vmem>>, vector<16xf32>,
      %get3A_295 = arith.constant 32 : index
      %get3A_296 = tpu.vector_load %arg19[%get3A_295] {strides = array<i32>} : memref<80xf32, #tpu.memory_space<vmem>>, vector<16xf32>,
      %get3A_297 = arith.constant 32 : index
      %get3A_298 = tpu.vector_load %arg23[%get3A_297] {strides = array<i32>} : memref<80xf32, #tpu.memory_space<vmem>>, vector<16xf32>,
      %add3A_299 = arith.addf %get3A_296, %get3A_298 : vector<16xf32>
      %gt3A_300 = arith.constant 0.000000e+00 : f32
      %gt3A_301 = vector.broadcast %gt3A_300 : f32 to vector<16xf32>
      %gt3A_302 = arith.cmpf ogt, %add3A_299, %gt3A_301 : vector<16xf32>
      %mul3A_303 = arith.constant 2.000000e-01 : f32
      %mul3A_304 = vector.broadcast %mul3A_303 : f32 to vector<16xf32>
      %mul3A_305 = arith.mulf %add3A_299, %mul3A_304 : vector<16xf32>
      %select_n3A_306 = arith.select %gt3A_302, %add3A_299, %mul3A_305 : vector<16xi1>, vector<16xf32>
      %sub3A_307 = arith.subf %select_n3A_306, %get3A_31 : vector<16xf32>
      %exp3A_308 = math.exp %sub3A_307 : vector<16xf32>
      %swap3A_309 = arith.constant 32 : index
      %swap3A_310 = tpu.vector_load %arg27[%swap3A_309] {strides = array<i32>} : memref<80xf32, #tpu.memory_space<vmem>>, vector<16xf32>,
      tpu.vector_store %arg27[%swap3A_309], %exp3A_308 {strides = array<i32>} : memref<80xf32, #tpu.memory_space<vmem>>, vector<16xf32>,
      %get3A_311 = arith.constant 48 : index
      %get3A_312 = tpu.vector_load %arg19[%get3A_311] {strides = array<i32>} : memref<80xf32, #tpu.memory_space<vmem>>, vector<16xf32>,
      %get3A_313 = arith.constant 48 : index
      %get3A_314 = tpu.vector_load %arg23[%get3A_313] {strides = array<i32>} : memref<80xf32, #tpu.memory_space<vmem>>, vector<16xf32>,
      %add3A_315 = arith.addf %get3A_312, %get3A_314 : vector<16xf32>
      %gt3A_316 = arith.constant 0.000000e+00 : f32
      %gt3A_317 = vector.broadcast %gt3A_316 : f32 to vector<16xf32>
      %gt3A_318 = arith.cmpf ogt, %add3A_315, %gt3A_317 : vector<16xf32>
      %mul3A_319 = arith.constant 2.000000e-01 : f32
      %mul3A_320 = vector.broadcast %mul3A_319 : f32 to vector<16xf32>
      %mul3A_321 = arith.mulf %add3A_315, %mul3A_320 : vector<16xf32>
      %select_n3A_322 = arith.select %gt3A_318, %add3A_315, %mul3A_321 : vector<16xi1>, vector<16xf32>
      %sub3A_323 = arith.subf %select_n3A_322, %get3A_31 : vector<16xf32>
      %exp3A_324 = math.exp %sub3A_323 : vector<16xf32>
      %swap3A_325 = arith.constant 48 : index
      %swap3A_326 = tpu.vector_load %arg27[%swap3A_325] {strides = array<i32>} : memref<80xf32, #tpu.memory_space<vmem>>, vector<16xf32>,
      tpu.vector_store %arg27[%swap3A_325], %exp3A_324 {strides = array<i32>} : memref<80xf32, #tpu.memory_space<vmem>>, vector<16xf32>,
      %get3A_327 = arith.constant 64 : index
      %get3A_328 = tpu.vector_load %arg19[%get3A_327] {strides = array<i32>} : memref<80xf32, #tpu.memory_space<vmem>>, vector<16xf32>,
      %get3A_329 = arith.constant 64 : index
      %get3A_330 = tpu.vector_load %arg23[%get3A_329] {strides = array<i32>} : memref<80xf32, #tpu.memory_space<vmem>>, vector<16xf32>,
      %add3A_331 = arith.addf %get3A_328, %get3A_330 : vector<16xf32>
      %gt3A_332 = arith.constant 0.000000e+00 : f32
      %gt3A_333 = vector.broadcast %gt3A_332 : f32 to vector<16xf32>
      %gt3A_334 = arith.cmpf ogt, %add3A_331, %gt3A_333 : vector<16xf32>
      %mul3A_335 = arith.constant 2.000000e-01 : f32
      %mul3A_336 = vector.broadcast %mul3A_335 : f32 to vector<16xf32>
      %mul3A_337 = arith.mulf %add3A_331, %mul3A_336 : vector<16xf32>
      %select_n3A_338 = arith.select %gt3A_334, %add3A_331, %mul3A_337 : vector<16xi1>, vector<16xf32>
      %sub3A_339 = arith.subf %select_n3A_338, %get3A_31 : vector<16xf32>
      %exp3A_340 = math.exp %sub3A_339 : vector<16xf32>
      %swap3A_341 = arith.constant 64 : index
      %swap3A_342 = tpu.vector_load %arg27[%swap3A_341] {strides = array<i32>} : memref<80xf32, #tpu.memory_space<vmem>>, vector<16xf32>,
      tpu.vector_store %arg27[%swap3A_341], %exp3A_340 {strides = array<i32>} : memref<80xf32, #tpu.memory_space<vmem>>, vector<16xf32>,
      %scan3A_343 = arith.constant 0 : i32
      %scan3A_344 = arith.constant 0 : i32
      %scan3A_345 = arith.addi %scan3A_343, %scan3A_344 : i32
      %scan3A_346 = arith.constant 0 : i32
      %dma_start3A_347 = arith.constant 0 : i32
      %dma_start3A_348 = arith.constant 0 : i32
      %dma_start3A_349 = tpu.memref_slice %arg42[%dma_start3A_347, %dma_start3A_348] : memref<10240x128xf32, #tpu.memory_space<vmem_shared>> -> memref<80x128xf32, #tpu.memory_space<vmem_shared>>
      %dma_start3A_350 = arith.constant 0 : i32
      %dma_start3A_351 = arith.constant 0 : i32
      %dma_start3A_352 = tpu.memref_slice %arg42[%dma_start3A_350, %dma_start3A_351] : memref<10240x128xf32, #tpu.memory_space<vmem_shared>> -> memref<80x128xf32, #tpu.memory_space<vmem_shared>>
      tpu.enqueue_dma source(%arg31 : memref<80x128xf32, #tpu.memory_space<vmem>>) target(%dma_start3A_352 : memref<80x128xf32, #tpu.memory_space<vmem_shared>>) target_semaphore(%arg39 : memref<!tpu.dma_semaphore, #tpu.memory_space<semaphore_mem>>)
      %dma_start3A_353 = arith.constant 0 : i32
      %dma_start3A_354 = tpu.memref_slice %arg43[%dma_start3A_353] : memref<10240xf32, #tpu.memory_space<vmem_shared>> -> memref<10240xf32, #tpu.memory_space<vmem_shared>>
      tpu.enqueue_indirect_dma source(%arg27 : memref<80xf32, #tpu.memory_space<vmem>>) target(%dma_start3A_354 : memref<10240xf32, #tpu.memory_space<vmem_shared>>) offsets(%arg15 : memref<80xi32, #tpu.memory_space<vmem>>) semaphore(%arg39 : memref<!tpu.dma_semaphore, #tpu.memory_space<semaphore_mem>>) {add = true}
      %scan3A_355 = arith.constant 0 : i32
      %scan3A_356 = arith.constant 5 : i32
      %scan3A_357 = arith.addi %scan3A_355, %scan3A_356 : i32
      %scan3A_358 = arith.constant 1 : i32
      scf.for %scan3A_705 = %scan3A_355 to %scan3A_357 step %scan3A_358  : i32 {
        %mul3A_706 = arith.constant 1 : i32
        %mul3A_707 = arith.muli %scan3A_705, %mul3A_706 : i32
        %add3A_708 = arith.constant 0 : i32
        %add3A_709 = arith.addi %add3A_708, %mul3A_707 : i32
        %mul3A_710 = arith.constant 4 : i32
        %mul3A_711 = arith.muli %mul3A_710, %add3A_709 : i32
        %add3A_712 = arith.constant 2 : i32
        %add3A_713 = arith.addi %mul3A_711, %add3A_712 : i32
        %add3A_714 = arith.constant 0 : i32
        %add3A_715 = arith.addi %add3A_713, %add3A_714 : i32
        %dma_wait3A_716 = arith.constant 0 : i32
        %dma_wait3A_717 = arith.constant 0 : i32
        %dma_wait3A_718 = tpu.memref_slice %arg42[%dma_wait3A_716, %dma_wait3A_717] : memref<10240x128xf32, #tpu.memory_space<vmem_shared>> -> memref<10240x128xf32, #tpu.memory_space<vmem_shared>>
        tpu.wait_indirect_dma semaphore(%arg38 : memref<!tpu.dma_semaphore, #tpu.memory_space<semaphore_mem>>) src(%arg30 : memref<80x128xf32, #tpu.memory_space<vmem>>) dst(%dma_wait3A_718 : memref<10240x128xf32, #tpu.memory_space<vmem_shared>>)
        %dma_wait3A_719 = arith.constant 0 : i32
        %dma_wait3A_720 = tpu.memref_slice %arg43[%dma_wait3A_719] : memref<10240xf32, #tpu.memory_space<vmem_shared>> -> memref<10240xf32, #tpu.memory_space<vmem_shared>>
        tpu.wait_indirect_dma semaphore(%arg38 : memref<!tpu.dma_semaphore, #tpu.memory_space<semaphore_mem>>) src(%arg26 : memref<80xf32, #tpu.memory_space<vmem>>) dst(%dma_wait3A_720 : memref<10240xf32, #tpu.memory_space<vmem_shared>>)
        %add3A_721 = arith.constant 2 : i32
        %add3A_722 = arith.addi %add3A_715, %add3A_721 : i32
        %mul3A_723 = arith.constant 80 : i32
        %mul3A_724 = arith.muli %add3A_722, %mul3A_723 : i32
        %add3A_725 = arith.constant 0 : i32
        %add3A_726 = arith.addi %mul3A_724, %add3A_725 : i32
        %get3A_727 = arith.index_cast %add3A_726 : i32 to index
        %get3A_728 = tpu.vector_load %arg11[%get3A_727] {strides = array<i32>} : memref<2000xi32, #tpu.memory_space<vmem>>, vector<16xi32>,
        %swap3A_729 = arith.constant 0 : index
        %swap3A_730 = tpu.vector_load %arg14[%swap3A_729] {strides = array<i32>} : memref<80xi32, #tpu.memory_space<vmem>>, vector<16xi32>,
        tpu.vector_store %arg14[%swap3A_729], %get3A_728 {strides = array<i32>} : memref<80xi32, #tpu.memory_space<vmem>>, vector<16xi32>,
        %add3A_731 = arith.constant 16 : i32
        %add3A_732 = arith.addi %mul3A_724, %add3A_731 : i32
        %get3A_733 = arith.index_cast %add3A_732 : i32 to index
        %get3A_734 = tpu.vector_load %arg11[%get3A_733] {strides = array<i32>} : memref<2000xi32, #tpu.memory_space<vmem>>, vector<16xi32>,
        %swap3A_735 = arith.constant 16 : index
        %swap3A_736 = tpu.vector_load %arg14[%swap3A_735] {strides = array<i32>} : memref<80xi32, #tpu.memory_space<vmem>>, vector<16xi32>,
        tpu.vector_store %arg14[%swap3A_735], %get3A_734 {strides = array<i32>} : memref<80xi32, #tpu.memory_space<vmem>>, vector<16xi32>,
        %add3A_737 = arith.constant 32 : i32
        %add3A_738 = arith.addi %mul3A_724, %add3A_737 : i32
        %get3A_739 = arith.index_cast %add3A_738 : i32 to index
        %get3A_740 = tpu.vector_load %arg11[%get3A_739] {strides = array<i32>} : memref<2000xi32, #tpu.memory_space<vmem>>, vector<16xi32>,
        %swap3A_741 = arith.constant 32 : index
        %swap3A_742 = tpu.vector_load %arg14[%swap3A_741] {strides = array<i32>} : memref<80xi32, #tpu.memory_space<vmem>>, vector<16xi32>,
        tpu.vector_store %arg14[%swap3A_741], %get3A_740 {strides = array<i32>} : memref<80xi32, #tpu.memory_space<vmem>>, vector<16xi32>,
        %add3A_743 = arith.constant 48 : i32
        %add3A_744 = arith.addi %mul3A_724, %add3A_743 : i32
        %get3A_745 = arith.index_cast %add3A_744 : i32 to index
        %get3A_746 = tpu.vector_load %arg11[%get3A_745] {strides = array<i32>} : memref<2000xi32, #tpu.memory_space<vmem>>, vector<16xi32>,
        %swap3A_747 = arith.constant 48 : index
        %swap3A_748 = tpu.vector_load %arg14[%swap3A_747] {strides = array<i32>} : memref<80xi32, #tpu.memory_space<vmem>>, vector<16xi32>,
        tpu.vector_store %arg14[%swap3A_747], %get3A_746 {strides = array<i32>} : memref<80xi32, #tpu.memory_space<vmem>>, vector<16xi32>,
        %add3A_749 = arith.constant 64 : i32
        %add3A_750 = arith.addi %mul3A_724, %add3A_749 : i32
        %get3A_751 = arith.index_cast %add3A_750 : i32 to index
        %get3A_752 = tpu.vector_load %arg11[%get3A_751] {strides = array<i32>} : memref<2000xi32, #tpu.memory_space<vmem>>, vector<16xi32>,
        %swap3A_753 = arith.constant 64 : index
        %swap3A_754 = tpu.vector_load %arg14[%swap3A_753] {strides = array<i32>} : memref<80xi32, #tpu.memory_space<vmem>>, vector<16xi32>,
        tpu.vector_store %arg14[%swap3A_753], %get3A_752 {strides = array<i32>} : memref<80xi32, #tpu.memory_space<vmem>>, vector<16xi32>,
        %dma_start3A_755 = arith.constant 0 : i32
        %dma_start3A_756 = tpu.memref_slice %arg4[%mul3A_724, %dma_start3A_755] : memref<10000x128xf32, #tpu.memory_space<hbm>> -> memref<80x128xf32, #tpu.memory_space<hbm>>
        %dma_start3A_757 = arith.constant 0 : i32
        %dma_start3A_758 = tpu.memref_slice %arg4[%mul3A_724, %dma_start3A_757] : memref<10000x128xf32, #tpu.memory_space<hbm>> -> memref<80x128xf32, #tpu.memory_space<hbm>>
        tpu.enqueue_dma source(%dma_start3A_758 : memref<80x128xf32, #tpu.memory_space<hbm>>) target(%arg30 : memref<80x128xf32, #tpu.memory_space<vmem>>) target_semaphore(%arg34 : memref<!tpu.dma_semaphore, #tpu.memory_space<semaphore_mem>>)
        %dma_wait3A_759 = arith.constant 0 : i32
        %dma_wait3A_760 = arith.constant 0 : i32
        %dma_wait3A_761 = tpu.memref_slice %arg4[%dma_wait3A_759, %dma_wait3A_760] : memref<10000x128xf32, #tpu.memory_space<hbm>> -> memref<80x128xf32, #tpu.memory_space<hbm>>
        %dma_wait3A_762 = arith.constant 0 : i32
        %dma_wait3A_763 = arith.constant 0 : i32
        %dma_wait3A_764 = tpu.memref_slice %arg4[%dma_wait3A_762, %dma_wait3A_763] : memref<10000x128xf32, #tpu.memory_space<hbm>> -> memref<80x128xf32, #tpu.memory_space<hbm>>
        tpu.wait_dma2 semaphore(%arg36 : memref<!tpu.dma_semaphore, #tpu.memory_space<semaphore_mem>>) src(%dma_wait3A_764 : memref<80x128xf32, #tpu.memory_space<hbm>>) dst(%arg32 : memref<80x128xf32, #tpu.memory_space<vmem>>)
        %get3A_765 = arith.constant 0 : index
        %get3A_766 = tpu.vector_load %arg20[%get3A_765] {strides = array<i32>} : memref<80xf32, #tpu.memory_space<vmem>>, vector<16xf32>,
        %get3A_767 = arith.constant 0 : index
        %get3A_768 = tpu.vector_load %arg24[%get3A_767] {strides = array<i32>} : memref<80xf32, #tpu.memory_space<vmem>>, vector<16xf32>,
        %add3A_769 = arith.addf %get3A_766, %get3A_768 : vector<16xf32>
        %gt3A_770 = arith.constant 0.000000e+00 : f32
        %gt3A_771 = vector.broadcast %gt3A_770 : f32 to vector<16xf32>
        %gt3A_772 = arith.cmpf ogt, %add3A_769, %gt3A_771 : vector<16xf32>
        %mul3A_773 = arith.constant 2.000000e-01 : f32
        %mul3A_774 = vector.broadcast %mul3A_773 : f32 to vector<16xf32>
        %mul3A_775 = arith.mulf %add3A_769, %mul3A_774 : vector<16xf32>
        %select_n3A_776 = arith.select %gt3A_772, %add3A_769, %mul3A_775 : vector<16xi1>, vector<16xf32>
        %sub3A_777 = arith.subf %select_n3A_776, %get3A_31 : vector<16xf32>
        %exp3A_778 = math.exp %sub3A_777 : vector<16xf32>
        %swap3A_779 = arith.constant 0 : index
        %swap3A_780 = tpu.vector_load %arg28[%swap3A_779] {strides = array<i32>} : memref<80xf32, #tpu.memory_space<vmem>>, vector<16xf32>,
        tpu.vector_store %arg28[%swap3A_779], %exp3A_778 {strides = array<i32>} : memref<80xf32, #tpu.memory_space<vmem>>, vector<16xf32>,
        %get3A_781 = arith.constant 16 : index
        %get3A_782 = tpu.vector_load %arg20[%get3A_781] {strides = array<i32>} : memref<80xf32, #tpu.memory_space<vmem>>, vector<16xf32>,
        %get3A_783 = arith.constant 16 : index
        %get3A_784 = tpu.vector_load %arg24[%get3A_783] {strides = array<i32>} : memref<80xf32, #tpu.memory_space<vmem>>, vector<16xf32>,
        %add3A_785 = arith.addf %get3A_782, %get3A_784 : vector<16xf32>
        %gt3A_786 = arith.constant 0.000000e+00 : f32
        %gt3A_787 = vector.broadcast %gt3A_786 : f32 to vector<16xf32>
        %gt3A_788 = arith.cmpf ogt, %add3A_785, %gt3A_787 : vector<16xf32>
        %mul3A_789 = arith.constant 2.000000e-01 : f32
        %mul3A_790 = vector.broadcast %mul3A_789 : f32 to vector<16xf32>
        %mul3A_791 = arith.mulf %add3A_785, %mul3A_790 : vector<16xf32>
        %select_n3A_792 = arith.select %gt3A_788, %add3A_785, %mul3A_791 : vector<16xi1>, vector<16xf32>
        %sub3A_793 = arith.subf %select_n3A_792, %get3A_31 : vector<16xf32>
        %exp3A_794 = math.exp %sub3A_793 : vector<16xf32>
        %swap3A_795 = arith.constant 16 : index
        %swap3A_796 = tpu.vector_load %arg28[%swap3A_795] {strides = array<i32>} : memref<80xf32, #tpu.memory_space<vmem>>, vector<16xf32>,
        tpu.vector_store %arg28[%swap3A_795], %exp3A_794 {strides = array<i32>} : memref<80xf32, #tpu.memory_space<vmem>>, vector<16xf32>,
        %get3A_797 = arith.constant 32 : index
        %get3A_798 = tpu.vector_load %arg20[%get3A_797] {strides = array<i32>} : memref<80xf32, #tpu.memory_space<vmem>>, vector<16xf32>,
        %get3A_799 = arith.constant 32 : index
        %get3A_800 = tpu.vector_load %arg24[%get3A_799] {strides = array<i32>} : memref<80xf32, #tpu.memory_space<vmem>>, vector<16xf32>,
        %add3A_801 = arith.addf %get3A_798, %get3A_800 : vector<16xf32>
        %gt3A_802 = arith.constant 0.000000e+00 : f32
        %gt3A_803 = vector.broadcast %gt3A_802 : f32 to vector<16xf32>
        %gt3A_804 = arith.cmpf ogt, %add3A_801, %gt3A_803 : vector<16xf32>
        %mul3A_805 = arith.constant 2.000000e-01 : f32
        %mul3A_806 = vector.broadcast %mul3A_805 : f32 to vector<16xf32>
        %mul3A_807 = arith.mulf %add3A_801, %mul3A_806 : vector<16xf32>
        %select_n3A_808 = arith.select %gt3A_804, %add3A_801, %mul3A_807 : vector<16xi1>, vector<16xf32>
        %sub3A_809 = arith.subf %select_n3A_808, %get3A_31 : vector<16xf32>
        %exp3A_810 = math.exp %sub3A_809 : vector<16xf32>
        %swap3A_811 = arith.constant 32 : index
        %swap3A_812 = tpu.vector_load %arg28[%swap3A_811] {strides = array<i32>} : memref<80xf32, #tpu.memory_space<vmem>>, vector<16xf32>,
        tpu.vector_store %arg28[%swap3A_811], %exp3A_810 {strides = array<i32>} : memref<80xf32, #tpu.memory_space<vmem>>, vector<16xf32>,
        %get3A_813 = arith.constant 48 : index
        %get3A_814 = tpu.vector_load %arg20[%get3A_813] {strides = array<i32>} : memref<80xf32, #tpu.memory_space<vmem>>, vector<16xf32>,
        %get3A_815 = arith.constant 48 : index
        %get3A_816 = tpu.vector_load %arg24[%get3A_815] {strides = array<i32>} : memref<80xf32, #tpu.memory_space<vmem>>, vector<16xf32>,
        %add3A_817 = arith.addf %get3A_814, %get3A_816 : vector<16xf32>
        %gt3A_818 = arith.constant 0.000000e+00 : f32
        %gt3A_819 = vector.broadcast %gt3A_818 : f32 to vector<16xf32>
        %gt3A_820 = arith.cmpf ogt, %add3A_817, %gt3A_819 : vector<16xf32>
        %mul3A_821 = arith.constant 2.000000e-01 : f32
        %mul3A_822 = vector.broadcast %mul3A_821 : f32 to vector<16xf32>
        %mul3A_823 = arith.mulf %add3A_817, %mul3A_822 : vector<16xf32>
        %select_n3A_824 = arith.select %gt3A_820, %add3A_817, %mul3A_823 : vector<16xi1>, vector<16xf32>
        %sub3A_825 = arith.subf %select_n3A_824, %get3A_31 : vector<16xf32>
        %exp3A_826 = math.exp %sub3A_825 : vector<16xf32>
        %swap3A_827 = arith.constant 48 : index
        %swap3A_828 = tpu.vector_load %arg28[%swap3A_827] {strides = array<i32>} : memref<80xf32, #tpu.memory_space<vmem>>, vector<16xf32>,
        tpu.vector_store %arg28[%swap3A_827], %exp3A_826 {strides = array<i32>} : memref<80xf32, #tpu.memory_space<vmem>>, vector<16xf32>,
        %get3A_829 = arith.constant 64 : index
        %get3A_830 = tpu.vector_load %arg20[%get3A_829] {strides = array<i32>} : memref<80xf32, #tpu.memory_space<vmem>>, vector<16xf32>,
        %get3A_831 = arith.constant 64 : index
        %get3A_832 = tpu.vector_load %arg24[%get3A_831] {strides = array<i32>} : memref<80xf32, #tpu.memory_space<vmem>>, vector<16xf32>,
        %add3A_833 = arith.addf %get3A_830, %get3A_832 : vector<16xf32>
        %gt3A_834 = arith.constant 0.000000e+00 : f32
        %gt3A_835 = vector.broadcast %gt3A_834 : f32 to vector<16xf32>
        %gt3A_836 = arith.cmpf ogt, %add3A_833, %gt3A_835 : vector<16xf32>
        %mul3A_837 = arith.constant 2.000000e-01 : f32
        %mul3A_838 = vector.broadcast %mul3A_837 : f32 to vector<16xf32>
        %mul3A_839 = arith.mulf %add3A_833, %mul3A_838 : vector<16xf32>
        %select_n3A_840 = arith.select %gt3A_836, %add3A_833, %mul3A_839 : vector<16xi1>, vector<16xf32>
        %sub3A_841 = arith.subf %select_n3A_840, %get3A_31 : vector<16xf32>
        %exp3A_842 = math.exp %sub3A_841 : vector<16xf32>
        %swap3A_843 = arith.constant 64 : index
        %swap3A_844 = tpu.vector_load %arg28[%swap3A_843] {strides = array<i32>} : memref<80xf32, #tpu.memory_space<vmem>>, vector<16xf32>,
        tpu.vector_store %arg28[%swap3A_843], %exp3A_842 {strides = array<i32>} : memref<80xf32, #tpu.memory_space<vmem>>, vector<16xf32>,
        %scan3A_845 = arith.constant 0 : i32
        %scan3A_846 = arith.constant 0 : i32
        %scan3A_847 = arith.addi %scan3A_845, %scan3A_846 : i32
        %scan3A_848 = arith.constant 0 : i32
        %dma_start3A_849 = arith.constant 0 : i32
        %dma_start3A_850 = arith.constant 0 : i32
        %dma_start3A_851 = tpu.memref_slice %arg42[%dma_start3A_849, %dma_start3A_850] : memref<10240x128xf32, #tpu.memory_space<vmem_shared>> -> memref<80x128xf32, #tpu.memory_space<vmem_shared>>
        %dma_start3A_852 = arith.constant 0 : i32
        %dma_start3A_853 = arith.constant 0 : i32
        %dma_start3A_854 = tpu.memref_slice %arg42[%dma_start3A_852, %dma_start3A_853] : memref<10240x128xf32, #tpu.memory_space<vmem_shared>> -> memref<80x128xf32, #tpu.memory_space<vmem_shared>>
        tpu.enqueue_dma source(%arg32 : memref<80x128xf32, #tpu.memory_space<vmem>>) target(%dma_start3A_854 : memref<80x128xf32, #tpu.memory_space<vmem_shared>>) target_semaphore(%arg40 : memref<!tpu.dma_semaphore, #tpu.memory_space<semaphore_mem>>)
        %dma_start3A_855 = arith.constant 0 : i32
        %dma_start3A_856 = tpu.memref_slice %arg43[%dma_start3A_855] : memref<10240xf32, #tpu.memory_space<vmem_shared>> -> memref<10240xf32, #tpu.memory_space<vmem_shared>>
        tpu.enqueue_indirect_dma source(%arg28 : memref<80xf32, #tpu.memory_space<vmem>>) target(%dma_start3A_856 : memref<10240xf32, #tpu.memory_space<vmem_shared>>) offsets(%arg16 : memref<80xi32, #tpu.memory_space<vmem>>) semaphore(%arg40 : memref<!tpu.dma_semaphore, #tpu.memory_space<semaphore_mem>>) {add = true}
        %mul3A_857 = arith.constant 4 : i32
        %mul3A_858 = arith.muli %mul3A_857, %add3A_709 : i32
        %add3A_859 = arith.constant 2 : i32
        %add3A_860 = arith.addi %mul3A_858, %add3A_859 : i32
        %add3A_861 = arith.constant 1 : i32
        %add3A_862 = arith.addi %add3A_860, %add3A_861 : i32
        %dma_wait3A_863 = arith.constant 0 : i32
        %dma_wait3A_864 = arith.constant 0 : i32
        %dma_wait3A_865 = tpu.memref_slice %arg42[%dma_wait3A_863, %dma_wait3A_864] : memref<10240x128xf32, #tpu.memory_space<vmem_shared>> -> memref<10240x128xf32, #tpu.memory_space<vmem_shared>>
        tpu.wait_indirect_dma semaphore(%arg39 : memref<!tpu.dma_semaphore, #tpu.memory_space<semaphore_mem>>) src(%arg31 : memref<80x128xf32, #tpu.memory_space<vmem>>) dst(%dma_wait3A_865 : memref<10240x128xf32, #tpu.memory_space<vmem_shared>>)
        %dma_wait3A_866 = arith.constant 0 : i32
        %dma_wait3A_867 = tpu.memref_slice %arg43[%dma_wait3A_866] : memref<10240xf32, #tpu.memory_space<vmem_shared>> -> memref<10240xf32, #tpu.memory_space<vmem_shared>>
        tpu.wait_indirect_dma semaphore(%arg39 : memref<!tpu.dma_semaphore, #tpu.memory_space<semaphore_mem>>) src(%arg27 : memref<80xf32, #tpu.memory_space<vmem>>) dst(%dma_wait3A_867 : memref<10240xf32, #tpu.memory_space<vmem_shared>>)
        %add3A_868 = arith.constant 2 : i32
        %add3A_869 = arith.addi %add3A_862, %add3A_868 : i32
        %mul3A_870 = arith.constant 80 : i32
        %mul3A_871 = arith.muli %add3A_869, %mul3A_870 : i32
        %add3A_872 = arith.constant 0 : i32
        %add3A_873 = arith.addi %mul3A_871, %add3A_872 : i32
        %get3A_874 = arith.index_cast %add3A_873 : i32 to index
        %get3A_875 = tpu.vector_load %arg11[%get3A_874] {strides = array<i32>} : memref<2000xi32, #tpu.memory_space<vmem>>, vector<16xi32>,
        %swap3A_876 = arith.constant 0 : index
        %swap3A_877 = tpu.vector_load %arg15[%swap3A_876] {strides = array<i32>} : memref<80xi32, #tpu.memory_space<vmem>>, vector<16xi32>,
        tpu.vector_store %arg15[%swap3A_876], %get3A_875 {strides = array<i32>} : memref<80xi32, #tpu.memory_space<vmem>>, vector<16xi32>,
        %add3A_878 = arith.constant 16 : i32
        %add3A_879 = arith.addi %mul3A_871, %add3A_878 : i32
        %get3A_880 = arith.index_cast %add3A_879 : i32 to index
        %get3A_881 = tpu.vector_load %arg11[%get3A_880] {strides = array<i32>} : memref<2000xi32, #tpu.memory_space<vmem>>, vector<16xi32>,
        %swap3A_882 = arith.constant 16 : index
        %swap3A_883 = tpu.vector_load %arg15[%swap3A_882] {strides = array<i32>} : memref<80xi32, #tpu.memory_space<vmem>>, vector<16xi32>,
        tpu.vector_store %arg15[%swap3A_882], %get3A_881 {strides = array<i32>} : memref<80xi32, #tpu.memory_space<vmem>>, vector<16xi32>,
        %add3A_884 = arith.constant 32 : i32
        %add3A_885 = arith.addi %mul3A_871, %add3A_884 : i32
        %get3A_886 = arith.index_cast %add3A_885 : i32 to index
        %get3A_887 = tpu.vector_load %arg11[%get3A_886] {strides = array<i32>} : memref<2000xi32, #tpu.memory_space<vmem>>, vector<16xi32>,
        %swap3A_888 = arith.constant 32 : index
        %swap3A_889 = tpu.vector_load %arg15[%swap3A_888] {strides = array<i32>} : memref<80xi32, #tpu.memory_space<vmem>>, vector<16xi32>,
        tpu.vector_store %arg15[%swap3A_888], %get3A_887 {strides = array<i32>} : memref<80xi32, #tpu.memory_space<vmem>>, vector<16xi32>,
        %add3A_890 = arith.constant 48 : i32
        %add3A_891 = arith.addi %mul3A_871, %add3A_890 : i32
        %get3A_892 = arith.index_cast %add3A_891 : i32 to index
        %get3A_893 = tpu.vector_load %arg11[%get3A_892] {strides = array<i32>} : memref<2000xi32, #tpu.memory_space<vmem>>, vector<16xi32>,
        %swap3A_894 = arith.constant 48 : index
        %swap3A_895 = tpu.vector_load %arg15[%swap3A_894] {strides = array<i32>} : memref<80xi32, #tpu.memory_space<vmem>>, vector<16xi32>,
        tpu.vector_store %arg15[%swap3A_894], %get3A_893 {strides = array<i32>} : memref<80xi32, #tpu.memory_space<vmem>>, vector<16xi32>,
        %add3A_896 = arith.constant 64 : i32
        %add3A_897 = arith.addi %mul3A_871, %add3A_896 : i32
        %get3A_898 = arith.index_cast %add3A_897 : i32 to index
        %get3A_899 = tpu.vector_load %arg11[%get3A_898] {strides = array<i32>} : memref<2000xi32, #tpu.memory_space<vmem>>, vector<16xi32>,
        %swap3A_900 = arith.constant 64 : index
        %swap3A_901 = tpu.vector_load %arg15[%swap3A_900] {strides = array<i32>} : memref<80xi32, #tpu.memory_space<vmem>>, vector<16xi32>,
        tpu.vector_store %arg15[%swap3A_900], %get3A_899 {strides = array<i32>} : memref<80xi32, #tpu.memory_space<vmem>>, vector<16xi32>,
        %dma_start3A_902 = arith.constant 0 : i32
        %dma_start3A_903 = tpu.memref_slice %arg4[%mul3A_871, %dma_start3A_902] : memref<10000x128xf32, #tpu.memory_space<hbm>> -> memref<80x128xf32, #tpu.memory_space<hbm>>
        %dma_start3A_904 = arith.constant 0 : i32
        %dma_start3A_905 = tpu.memref_slice %arg4[%mul3A_871, %dma_start3A_904] : memref<10000x128xf32, #tpu.memory_space<hbm>> -> memref<80x128xf32, #tpu.memory_space<hbm>>
        tpu.enqueue_dma source(%dma_start3A_905 : memref<80x128xf32, #tpu.memory_space<hbm>>) target(%arg31 : memref<80x128xf32, #tpu.memory_space<vmem>>) target_semaphore(%arg35 : memref<!tpu.dma_semaphore, #tpu.memory_space<semaphore_mem>>)
        %dma_wait3A_906 = arith.constant 0 : i32
        %dma_wait3A_907 = arith.constant 0 : i32
        %dma_wait3A_908 = tpu.memref_slice %arg4[%dma_wait3A_906, %dma_wait3A_907] : memref<10000x128xf32, #tpu.memory_space<hbm>> -> memref<80x128xf32, #tpu.memory_space<hbm>>
        %dma_wait3A_909 = arith.constant 0 : i32
        %dma_wait3A_910 = arith.constant 0 : i32
        %dma_wait3A_911 = tpu.memref_slice %arg4[%dma_wait3A_909, %dma_wait3A_910] : memref<10000x128xf32, #tpu.memory_space<hbm>> -> memref<80x128xf32, #tpu.memory_space<hbm>>
        tpu.wait_dma2 semaphore(%arg37 : memref<!tpu.dma_semaphore, #tpu.memory_space<semaphore_mem>>) src(%dma_wait3A_911 : memref<80x128xf32, #tpu.memory_space<hbm>>) dst(%arg33 : memref<80x128xf32, #tpu.memory_space<vmem>>)
        %get3A_912 = arith.constant 0 : index
        %get3A_913 = tpu.vector_load %arg21[%get3A_912] {strides = array<i32>} : memref<80xf32, #tpu.memory_space<vmem>>, vector<16xf32>,
        %get3A_914 = arith.constant 0 : index
        %get3A_915 = tpu.vector_load %arg25[%get3A_914] {strides = array<i32>} : memref<80xf32, #tpu.memory_space<vmem>>, vector<16xf32>,
        %add3A_916 = arith.addf %get3A_913, %get3A_915 : vector<16xf32>
        %gt3A_917 = arith.constant 0.000000e+00 : f32
        %gt3A_918 = vector.broadcast %gt3A_917 : f32 to vector<16xf32>
        %gt3A_919 = arith.cmpf ogt, %add3A_916, %gt3A_918 : vector<16xf32>
        %mul3A_920 = arith.constant 2.000000e-01 : f32
        %mul3A_921 = vector.broadcast %mul3A_920 : f32 to vector<16xf32>
        %mul3A_922 = arith.mulf %add3A_916, %mul3A_921 : vector<16xf32>
        %select_n3A_923 = arith.select %gt3A_919, %add3A_916, %mul3A_922 : vector<16xi1>, vector<16xf32>
        %sub3A_924 = arith.subf %select_n3A_923, %get3A_31 : vector<16xf32>
        %exp3A_925 = math.exp %sub3A_924 : vector<16xf32>
        %swap3A_926 = arith.constant 0 : index
        %swap3A_927 = tpu.vector_load %arg29[%swap3A_926] {strides = array<i32>} : memref<80xf32, #tpu.memory_space<vmem>>, vector<16xf32>,
        tpu.vector_store %arg29[%swap3A_926], %exp3A_925 {strides = array<i32>} : memref<80xf32, #tpu.memory_space<vmem>>, vector<16xf32>,
        %get3A_928 = arith.constant 16 : index
        %get3A_929 = tpu.vector_load %arg21[%get3A_928] {strides = array<i32>} : memref<80xf32, #tpu.memory_space<vmem>>, vector<16xf32>,
        %get3A_930 = arith.constant 16 : index
        %get3A_931 = tpu.vector_load %arg25[%get3A_930] {strides = array<i32>} : memref<80xf32, #tpu.memory_space<vmem>>, vector<16xf32>,
        %add3A_932 = arith.addf %get3A_929, %get3A_931 : vector<16xf32>
        %gt3A_933 = arith.constant 0.000000e+00 : f32
        %gt3A_934 = vector.broadcast %gt3A_933 : f32 to vector<16xf32>
        %gt3A_935 = arith.cmpf ogt, %add3A_932, %gt3A_934 : vector<16xf32>
        %mul3A_936 = arith.constant 2.000000e-01 : f32
        %mul3A_937 = vector.broadcast %mul3A_936 : f32 to vector<16xf32>
        %mul3A_938 = arith.mulf %add3A_932, %mul3A_937 : vector<16xf32>
        %select_n3A_939 = arith.select %gt3A_935, %add3A_932, %mul3A_938 : vector<16xi1>, vector<16xf32>
        %sub3A_940 = arith.subf %select_n3A_939, %get3A_31 : vector<16xf32>
        %exp3A_941 = math.exp %sub3A_940 : vector<16xf32>
        %swap3A_942 = arith.constant 16 : index
        %swap3A_943 = tpu.vector_load %arg29[%swap3A_942] {strides = array<i32>} : memref<80xf32, #tpu.memory_space<vmem>>, vector<16xf32>,
        tpu.vector_store %arg29[%swap3A_942], %exp3A_941 {strides = array<i32>} : memref<80xf32, #tpu.memory_space<vmem>>, vector<16xf32>,
        %get3A_944 = arith.constant 32 : index
        %get3A_945 = tpu.vector_load %arg21[%get3A_944] {strides = array<i32>} : memref<80xf32, #tpu.memory_space<vmem>>, vector<16xf32>,
        %get3A_946 = arith.constant 32 : index
        %get3A_947 = tpu.vector_load %arg25[%get3A_946] {strides = array<i32>} : memref<80xf32, #tpu.memory_space<vmem>>, vector<16xf32>,
        %add3A_948 = arith.addf %get3A_945, %get3A_947 : vector<16xf32>
        %gt3A_949 = arith.constant 0.000000e+00 : f32
        %gt3A_950 = vector.broadcast %gt3A_949 : f32 to vector<16xf32>
        %gt3A_951 = arith.cmpf ogt, %add3A_948, %gt3A_950 : vector<16xf32>
        %mul3A_952 = arith.constant 2.000000e-01 : f32
        %mul3A_953 = vector.broadcast %mul3A_952 : f32 to vector<16xf32>
        %mul3A_954 = arith.mulf %add3A_948, %mul3A_953 : vector<16xf32>
        %select_n3A_955 = arith.select %gt3A_951, %add3A_948, %mul3A_954 : vector<16xi1>, vector<16xf32>
        %sub3A_956 = arith.subf %select_n3A_955, %get3A_31 : vector<16xf32>
        %exp3A_957 = math.exp %sub3A_956 : vector<16xf32>
        %swap3A_958 = arith.constant 32 : index
        %swap3A_959 = tpu.vector_load %arg29[%swap3A_958] {strides = array<i32>} : memref<80xf32, #tpu.memory_space<vmem>>, vector<16xf32>,
        tpu.vector_store %arg29[%swap3A_958], %exp3A_957 {strides = array<i32>} : memref<80xf32, #tpu.memory_space<vmem>>, vector<16xf32>,
        %get3A_960 = arith.constant 48 : index
        %get3A_961 = tpu.vector_load %arg21[%get3A_960] {strides = array<i32>} : memref<80xf32, #tpu.memory_space<vmem>>, vector<16xf32>,
        %get3A_962 = arith.constant 48 : index
        %get3A_963 = tpu.vector_load %arg25[%get3A_962] {strides = array<i32>} : memref<80xf32, #tpu.memory_space<vmem>>, vector<16xf32>,
        %add3A_964 = arith.addf %get3A_961, %get3A_963 : vector<16xf32>
        %gt3A_965 = arith.constant 0.000000e+00 : f32
        %gt3A_966 = vector.broadcast %gt3A_965 : f32 to vector<16xf32>
        %gt3A_967 = arith.cmpf ogt, %add3A_964, %gt3A_966 : vector<16xf32>
        %mul3A_968 = arith.constant 2.000000e-01 : f32
        %mul3A_969 = vector.broadcast %mul3A_968 : f32 to vector<16xf32>
        %mul3A_970 = arith.mulf %add3A_964, %mul3A_969 : vector<16xf32>
        %select_n3A_971 = arith.select %gt3A_967, %add3A_964, %mul3A_970 : vector<16xi1>, vector<16xf32>
        %sub3A_972 = arith.subf %select_n3A_971, %get3A_31 : vector<16xf32>
        %exp3A_973 = math.exp %sub3A_972 : vector<16xf32>
        %swap3A_974 = arith.constant 48 : index
        %swap3A_975 = tpu.vector_load %arg29[%swap3A_974] {strides = array<i32>} : memref<80xf32, #tpu.memory_space<vmem>>, vector<16xf32>,
        tpu.vector_store %arg29[%swap3A_974], %exp3A_973 {strides = array<i32>} : memref<80xf32, #tpu.memory_space<vmem>>, vector<16xf32>,
        %get3A_976 = arith.constant 64 : index
        %get3A_977 = tpu.vector_load %arg21[%get3A_976] {strides = array<i32>} : memref<80xf32, #tpu.memory_space<vmem>>, vector<16xf32>,
        %get3A_978 = arith.constant 64 : index
        %get3A_979 = tpu.vector_load %arg25[%get3A_978] {strides = array<i32>} : memref<80xf32, #tpu.memory_space<vmem>>, vector<16xf32>,
        %add3A_980 = arith.addf %get3A_977, %get3A_979 : vector<16xf32>
        %gt3A_981 = arith.constant 0.000000e+00 : f32
        %gt3A_982 = vector.broadcast %gt3A_981 : f32 to vector<16xf32>
        %gt3A_983 = arith.cmpf ogt, %add3A_980, %gt3A_982 : vector<16xf32>
        %mul3A_984 = arith.constant 2.000000e-01 : f32
        %mul3A_985 = vector.broadcast %mul3A_984 : f32 to vector<16xf32>
        %mul3A_986 = arith.mulf %add3A_980, %mul3A_985 : vector<16xf32>
        %select_n3A_987 = arith.select %gt3A_983, %add3A_980, %mul3A_986 : vector<16xi1>, vector<16xf32>
        %sub3A_988 = arith.subf %select_n3A_987, %get3A_31 : vector<16xf32>
        %exp3A_989 = math.exp %sub3A_988 : vector<16xf32>
        %swap3A_990 = arith.constant 64 : index
        %swap3A_991 = tpu.vector_load %arg29[%swap3A_990] {strides = array<i32>} : memref<80xf32, #tpu.memory_space<vmem>>, vector<16xf32>,
        tpu.vector_store %arg29[%swap3A_990], %exp3A_989 {strides = array<i32>} : memref<80xf32, #tpu.memory_space<vmem>>, vector<16xf32>,
        %scan3A_992 = arith.constant 0 : i32
        %scan3A_993 = arith.constant 0 : i32
        %scan3A_994 = arith.addi %scan3A_992, %scan3A_993 : i32
        %scan3A_995 = arith.constant 0 : i32
        %dma_start3A_996 = arith.constant 0 : i32
        %dma_start3A_997 = arith.constant 0 : i32
        %dma_start3A_998 = tpu.memref_slice %arg42[%dma_start3A_996, %dma_start3A_997] : memref<10240x128xf32, #tpu.memory_space<vmem_shared>> -> memref<80x128xf32, #tpu.memory_space<vmem_shared>>
        %dma_start3A_999 = arith.constant 0 : i32
        %dma_start3A_1000 = arith.constant 0 : i32
        %dma_start3A_1001 = tpu.memref_slice %arg42[%dma_start3A_999, %dma_start3A_1000] : memref<10240x128xf32, #tpu.memory_space<vmem_shared>> -> memref<80x128xf32, #tpu.memory_space<vmem_shared>>
        tpu.enqueue_dma source(%arg33 : memref<80x128xf32, #tpu.memory_space<vmem>>) target(%dma_start3A_1001 : memref<80x128xf32, #tpu.memory_space<vmem_shared>>) target_semaphore(%arg41 : memref<!tpu.dma_semaphore, #tpu.memory_space<semaphore_mem>>)
        %dma_start3A_1002 = arith.constant 0 : i32
        %dma_start3A_1003 = tpu.memref_slice %arg43[%dma_start3A_1002] : memref<10240xf32, #tpu.memory_space<vmem_shared>> -> memref<10240xf32, #tpu.memory_space<vmem_shared>>
        tpu.enqueue_indirect_dma source(%arg29 : memref<80xf32, #tpu.memory_space<vmem>>) target(%dma_start3A_1003 : memref<10240xf32, #tpu.memory_space<vmem_shared>>) offsets(%arg17 : memref<80xi32, #tpu.memory_space<vmem>>) semaphore(%arg41 : memref<!tpu.dma_semaphore, #tpu.memory_space<semaphore_mem>>) {add = true}
        %mul3A_1004 = arith.constant 4 : i32
        %mul3A_1005 = arith.muli %mul3A_1004, %add3A_709 : i32
        %add3A_1006 = arith.constant 2 : i32
        %add3A_1007 = arith.addi %mul3A_1005, %add3A_1006 : i32
        %add3A_1008 = arith.constant 2 : i32
        %add3A_1009 = arith.addi %add3A_1007, %add3A_1008 : i32
        %dma_wait3A_1010 = arith.constant 0 : i32
        %dma_wait3A_1011 = arith.constant 0 : i32
        %dma_wait3A_1012 = tpu.memref_slice %arg42[%dma_wait3A_1010, %dma_wait3A_1011] : memref<10240x128xf32, #tpu.memory_space<vmem_shared>> -> memref<10240x128xf32, #tpu.memory_space<vmem_shared>>
        tpu.wait_indirect_dma semaphore(%arg40 : memref<!tpu.dma_semaphore, #tpu.memory_space<semaphore_mem>>) src(%arg32 : memref<80x128xf32, #tpu.memory_space<vmem>>) dst(%dma_wait3A_1012 : memref<10240x128xf32, #tpu.memory_space<vmem_shared>>)
        %dma_wait3A_1013 = arith.constant 0 : i32
        %dma_wait3A_1014 = tpu.memref_slice %arg43[%dma_wait3A_1013] : memref<10240xf32, #tpu.memory_space<vmem_shared>> -> memref<10240xf32, #tpu.memory_space<vmem_shared>>
        tpu.wait_indirect_dma semaphore(%arg40 : memref<!tpu.dma_semaphore, #tpu.memory_space<semaphore_mem>>) src(%arg28 : memref<80xf32, #tpu.memory_space<vmem>>) dst(%dma_wait3A_1014 : memref<10240xf32, #tpu.memory_space<vmem_shared>>)
        %add3A_1015 = arith.constant 2 : i32
        %add3A_1016 = arith.addi %add3A_1009, %add3A_1015 : i32
        %mul3A_1017 = arith.constant 80 : i32
        %mul3A_1018 = arith.muli %add3A_1016, %mul3A_1017 : i32
        %add3A_1019 = arith.constant 0 : i32
        %add3A_1020 = arith.addi %mul3A_1018, %add3A_1019 : i32
        %get3A_1021 = arith.index_cast %add3A_1020 : i32 to index
        %get3A_1022 = tpu.vector_load %arg11[%get3A_1021] {strides = array<i32>} : memref<2000xi32, #tpu.memory_space<vmem>>, vector<16xi32>,
        %swap3A_1023 = arith.constant 0 : index
        %swap3A_1024 = tpu.vector_load %arg16[%swap3A_1023] {strides = array<i32>} : memref<80xi32, #tpu.memory_space<vmem>>, vector<16xi32>,
        tpu.vector_store %arg16[%swap3A_1023], %get3A_1022 {strides = array<i32>} : memref<80xi32, #tpu.memory_space<vmem>>, vector<16xi32>,
        %add3A_1025 = arith.constant 16 : i32
        %add3A_1026 = arith.addi %mul3A_1018, %add3A_1025 : i32
        %get3A_1027 = arith.index_cast %add3A_1026 : i32 to index
        %get3A_1028 = tpu.vector_load %arg11[%get3A_1027] {strides = array<i32>} : memref<2000xi32, #tpu.memory_space<vmem>>, vector<16xi32>,
        %swap3A_1029 = arith.constant 16 : index
        %swap3A_1030 = tpu.vector_load %arg16[%swap3A_1029] {strides = array<i32>} : memref<80xi32, #tpu.memory_space<vmem>>, vector<16xi32>,
        tpu.vector_store %arg16[%swap3A_1029], %get3A_1028 {strides = array<i32>} : memref<80xi32, #tpu.memory_space<vmem>>, vector<16xi32>,
        %add3A_1031 = arith.constant 32 : i32
        %add3A_1032 = arith.addi %mul3A_1018, %add3A_1031 : i32
        %get3A_1033 = arith.index_cast %add3A_1032 : i32 to index
        %get3A_1034 = tpu.vector_load %arg11[%get3A_1033] {strides = array<i32>} : memref<2000xi32, #tpu.memory_space<vmem>>, vector<16xi32>,
        %swap3A_1035 = arith.constant 32 : index
        %swap3A_1036 = tpu.vector_load %arg16[%swap3A_1035] {strides = array<i32>} : memref<80xi32, #tpu.memory_space<vmem>>, vector<16xi32>,
        tpu.vector_store %arg16[%swap3A_1035], %get3A_1034 {strides = array<i32>} : memref<80xi32, #tpu.memory_space<vmem>>, vector<16xi32>,
        %add3A_1037 = arith.constant 48 : i32
        %add3A_1038 = arith.addi %mul3A_1018, %add3A_1037 : i32
        %get3A_1039 = arith.index_cast %add3A_1038 : i32 to index
        %get3A_1040 = tpu.vector_load %arg11[%get3A_1039] {strides = array<i32>} : memref<2000xi32, #tpu.memory_space<vmem>>, vector<16xi32>,
        %swap3A_1041 = arith.constant 48 : index
        %swap3A_1042 = tpu.vector_load %arg16[%swap3A_1041] {strides = array<i32>} : memref<80xi32, #tpu.memory_space<vmem>>, vector<16xi32>,
        tpu.vector_store %arg16[%swap3A_1041], %get3A_1040 {strides = array<i32>} : memref<80xi32, #tpu.memory_space<vmem>>, vector<16xi32>,
        %add3A_1043 = arith.constant 64 : i32
        %add3A_1044 = arith.addi %mul3A_1018, %add3A_1043 : i32
        %get3A_1045 = arith.index_cast %add3A_1044 : i32 to index
        %get3A_1046 = tpu.vector_load %arg11[%get3A_1045] {strides = array<i32>} : memref<2000xi32, #tpu.memory_space<vmem>>, vector<16xi32>,
        %swap3A_1047 = arith.constant 64 : index
        %swap3A_1048 = tpu.vector_load %arg16[%swap3A_1047] {strides = array<i32>} : memref<80xi32, #tpu.memory_space<vmem>>, vector<16xi32>,
        tpu.vector_store %arg16[%swap3A_1047], %get3A_1046 {strides = array<i32>} : memref<80xi32, #tpu.memory_space<vmem>>, vector<16xi32>,
        %dma_start3A_1049 = arith.constant 0 : i32
        %dma_start3A_1050 = tpu.memref_slice %arg4[%mul3A_1018, %dma_start3A_1049] : memref<10000x128xf32, #tpu.memory_space<hbm>> -> memref<80x128xf32, #tpu.memory_space<hbm>>
        %dma_start3A_1051 = arith.constant 0 : i32
        %dma_start3A_1052 = tpu.memref_slice %arg4[%mul3A_1018, %dma_start3A_1051] : memref<10000x128xf32, #tpu.memory_space<hbm>> -> memref<80x128xf32, #tpu.memory_space<hbm>>
        tpu.enqueue_dma source(%dma_start3A_1052 : memref<80x128xf32, #tpu.memory_space<hbm>>) target(%arg32 : memref<80x128xf32, #tpu.memory_space<vmem>>) target_semaphore(%arg36 : memref<!tpu.dma_semaphore, #tpu.memory_space<semaphore_mem>>)
        %dma_wait3A_1053 = arith.constant 0 : i32
        %dma_wait3A_1054 = arith.constant 0 : i32
        %dma_wait3A_1055 = tpu.memref_slice %arg4[%dma_wait3A_1053, %dma_wait3A_1054] : memref<10000x128xf32, #tpu.memory_space<hbm>> -> memref<80x128xf32, #tpu.memory_space<hbm>>
        %dma_wait3A_1056 = arith.constant 0 : i32
        %dma_wait3A_1057 = arith.constant 0 : i32
        %dma_wait3A_1058 = tpu.memref_slice %arg4[%dma_wait3A_1056, %dma_wait3A_1057] : memref<10000x128xf32, #tpu.memory_space<hbm>> -> memref<80x128xf32, #tpu.memory_space<hbm>>
        tpu.wait_dma2 semaphore(%arg34 : memref<!tpu.dma_semaphore, #tpu.memory_space<semaphore_mem>>) src(%dma_wait3A_1058 : memref<80x128xf32, #tpu.memory_space<hbm>>) dst(%arg30 : memref<80x128xf32, #tpu.memory_space<vmem>>)
        %get3A_1059 = arith.constant 0 : index
        %get3A_1060 = tpu.vector_load %arg18[%get3A_1059] {strides = array<i32>} : memref<80xf32, #tpu.memory_space<vmem>>, vector<16xf32>,
        %get3A_1061 = arith.constant 0 : index
        %get3A_1062 = tpu.vector_load %arg22[%get3A_1061] {strides = array<i32>} : memref<80xf32, #tpu.memory_space<vmem>>, vector<16xf32>,
        %add3A_1063 = arith.addf %get3A_1060, %get3A_1062 : vector<16xf32>
        %gt3A_1064 = arith.constant 0.000000e+00 : f32
        %gt3A_1065 = vector.broadcast %gt3A_1064 : f32 to vector<16xf32>
        %gt3A_1066 = arith.cmpf ogt, %add3A_1063, %gt3A_1065 : vector<16xf32>
        %mul3A_1067 = arith.constant 2.000000e-01 : f32
        %mul3A_1068 = vector.broadcast %mul3A_1067 : f32 to vector<16xf32>
        %mul3A_1069 = arith.mulf %add3A_1063, %mul3A_1068 : vector<16xf32>
        %select_n3A_1070 = arith.select %gt3A_1066, %add3A_1063, %mul3A_1069 : vector<16xi1>, vector<16xf32>
        %sub3A_1071 = arith.subf %select_n3A_1070, %get3A_31 : vector<16xf32>
        %exp3A_1072 = math.exp %sub3A_1071 : vector<16xf32>
        %swap3A_1073 = arith.constant 0 : index
        %swap3A_1074 = tpu.vector_load %arg26[%swap3A_1073] {strides = array<i32>} : memref<80xf32, #tpu.memory_space<vmem>>, vector<16xf32>,
        tpu.vector_store %arg26[%swap3A_1073], %exp3A_1072 {strides = array<i32>} : memref<80xf32, #tpu.memory_space<vmem>>, vector<16xf32>,
        %get3A_1075 = arith.constant 16 : index
        %get3A_1076 = tpu.vector_load %arg18[%get3A_1075] {strides = array<i32>} : memref<80xf32, #tpu.memory_space<vmem>>, vector<16xf32>,
        %get3A_1077 = arith.constant 16 : index
        %get3A_1078 = tpu.vector_load %arg22[%get3A_1077] {strides = array<i32>} : memref<80xf32, #tpu.memory_space<vmem>>, vector<16xf32>,
        %add3A_1079 = arith.addf %get3A_1076, %get3A_1078 : vector<16xf32>
        %gt3A_1080 = arith.constant 0.000000e+00 : f32
        %gt3A_1081 = vector.broadcast %gt3A_1080 : f32 to vector<16xf32>
        %gt3A_1082 = arith.cmpf ogt, %add3A_1079, %gt3A_1081 : vector<16xf32>
        %mul3A_1083 = arith.constant 2.000000e-01 : f32
        %mul3A_1084 = vector.broadcast %mul3A_1083 : f32 to vector<16xf32>
        %mul3A_1085 = arith.mulf %add3A_1079, %mul3A_1084 : vector<16xf32>
        %select_n3A_1086 = arith.select %gt3A_1082, %add3A_1079, %mul3A_1085 : vector<16xi1>, vector<16xf32>
        %sub3A_1087 = arith.subf %select_n3A_1086, %get3A_31 : vector<16xf32>
        %exp3A_1088 = math.exp %sub3A_1087 : vector<16xf32>
        %swap3A_1089 = arith.constant 16 : index
        %swap3A_1090 = tpu.vector_load %arg26[%swap3A_1089] {strides = array<i32>} : memref<80xf32, #tpu.memory_space<vmem>>, vector<16xf32>,
        tpu.vector_store %arg26[%swap3A_1089], %exp3A_1088 {strides = array<i32>} : memref<80xf32, #tpu.memory_space<vmem>>, vector<16xf32>,
        %get3A_1091 = arith.constant 32 : index
        %get3A_1092 = tpu.vector_load %arg18[%get3A_1091] {strides = array<i32>} : memref<80xf32, #tpu.memory_space<vmem>>, vector<16xf32>,
        %get3A_1093 = arith.constant 32 : index
        %get3A_1094 = tpu.vector_load %arg22[%get3A_1093] {strides = array<i32>} : memref<80xf32, #tpu.memory_space<vmem>>, vector<16xf32>,
        %add3A_1095 = arith.addf %get3A_1092, %get3A_1094 : vector<16xf32>
        %gt3A_1096 = arith.constant 0.000000e+00 : f32
        %gt3A_1097 = vector.broadcast %gt3A_1096 : f32 to vector<16xf32>
        %gt3A_1098 = arith.cmpf ogt, %add3A_1095, %gt3A_1097 : vector<16xf32>
        %mul3A_1099 = arith.constant 2.000000e-01 : f32
        %mul3A_1100 = vector.broadcast %mul3A_1099 : f32 to vector<16xf32>
        %mul3A_1101 = arith.mulf %add3A_1095, %mul3A_1100 : vector<16xf32>
        %select_n3A_1102 = arith.select %gt3A_1098, %add3A_1095, %mul3A_1101 : vector<16xi1>, vector<16xf32>
        %sub3A_1103 = arith.subf %select_n3A_1102, %get3A_31 : vector<16xf32>
        %exp3A_1104 = math.exp %sub3A_1103 : vector<16xf32>
        %swap3A_1105 = arith.constant 32 : index
        %swap3A_1106 = tpu.vector_load %arg26[%swap3A_1105] {strides = array<i32>} : memref<80xf32, #tpu.memory_space<vmem>>, vector<16xf32>,
        tpu.vector_store %arg26[%swap3A_1105], %exp3A_1104 {strides = array<i32>} : memref<80xf32, #tpu.memory_space<vmem>>, vector<16xf32>,
        %get3A_1107 = arith.constant 48 : index
        %get3A_1108 = tpu.vector_load %arg18[%get3A_1107] {strides = array<i32>} : memref<80xf32, #tpu.memory_space<vmem>>, vector<16xf32>,
        %get3A_1109 = arith.constant 48 : index
        %get3A_1110 = tpu.vector_load %arg22[%get3A_1109] {strides = array<i32>} : memref<80xf32, #tpu.memory_space<vmem>>, vector<16xf32>,
        %add3A_1111 = arith.addf %get3A_1108, %get3A_1110 : vector<16xf32>
        %gt3A_1112 = arith.constant 0.000000e+00 : f32
        %gt3A_1113 = vector.broadcast %gt3A_1112 : f32 to vector<16xf32>
        %gt3A_1114 = arith.cmpf ogt, %add3A_1111, %gt3A_1113 : vector<16xf32>
        %mul3A_1115 = arith.constant 2.000000e-01 : f32
        %mul3A_1116 = vector.broadcast %mul3A_1115 : f32 to vector<16xf32>
        %mul3A_1117 = arith.mulf %add3A_1111, %mul3A_1116 : vector<16xf32>
        %select_n3A_1118 = arith.select %gt3A_1114, %add3A_1111, %mul3A_1117 : vector<16xi1>, vector<16xf32>
        %sub3A_1119 = arith.subf %select_n3A_1118, %get3A_31 : vector<16xf32>
        %exp3A_1120 = math.exp %sub3A_1119 : vector<16xf32>
        %swap3A_1121 = arith.constant 48 : index
        %swap3A_1122 = tpu.vector_load %arg26[%swap3A_1121] {strides = array<i32>} : memref<80xf32, #tpu.memory_space<vmem>>, vector<16xf32>,
        tpu.vector_store %arg26[%swap3A_1121], %exp3A_1120 {strides = array<i32>} : memref<80xf32, #tpu.memory_space<vmem>>, vector<16xf32>,
        %get3A_1123 = arith.constant 64 : index
        %get3A_1124 = tpu.vector_load %arg18[%get3A_1123] {strides = array<i32>} : memref<80xf32, #tpu.memory_space<vmem>>, vector<16xf32>,
        %get3A_1125 = arith.constant 64 : index
        %get3A_1126 = tpu.vector_load %arg22[%get3A_1125] {strides = array<i32>} : memref<80xf32, #tpu.memory_space<vmem>>, vector<16xf32>,
        %add3A_1127 = arith.addf %get3A_1124, %get3A_1126 : vector<16xf32>
        %gt3A_1128 = arith.constant 0.000000e+00 : f32
        %gt3A_1129 = vector.broadcast %gt3A_1128 : f32 to vector<16xf32>
        %gt3A_1130 = arith.cmpf ogt, %add3A_1127, %gt3A_1129 : vector<16xf32>
        %mul3A_1131 = arith.constant 2.000000e-01 : f32
        %mul3A_1132 = vector.broadcast %mul3A_1131 : f32 to vector<16xf32>
        %mul3A_1133 = arith.mulf %add3A_1127, %mul3A_1132 : vector<16xf32>
        %select_n3A_1134 = arith.select %gt3A_1130, %add3A_1127, %mul3A_1133 : vector<16xi1>, vector<16xf32>
        %sub3A_1135 = arith.subf %select_n3A_1134, %get3A_31 : vector<16xf32>
        %exp3A_1136 = math.exp %sub3A_1135 : vector<16xf32>
        %swap3A_1137 = arith.constant 64 : index
        %swap3A_1138 = tpu.vector_load %arg26[%swap3A_1137] {strides = array<i32>} : memref<80xf32, #tpu.memory_space<vmem>>, vector<16xf32>,
        tpu.vector_store %arg26[%swap3A_1137], %exp3A_1136 {strides = array<i32>} : memref<80xf32, #tpu.memory_space<vmem>>, vector<16xf32>,
        %scan3A_1139 = arith.constant 0 : i32
        %scan3A_1140 = arith.constant 0 : i32
        %scan3A_1141 = arith.addi %scan3A_1139, %scan3A_1140 : i32
        %scan3A_1142 = arith.constant 0 : i32
        %dma_start3A_1143 = arith.constant 0 : i32
        %dma_start3A_1144 = arith.constant 0 : i32
        %dma_start3A_1145 = tpu.memref_slice %arg42[%dma_start3A_1143, %dma_start3A_1144] : memref<10240x128xf32, #tpu.memory_space<vmem_shared>> -> memref<80x128xf32, #tpu.memory_space<vmem_shared>>
        %dma_start3A_1146 = arith.constant 0 : i32
        %dma_start3A_1147 = arith.constant 0 : i32
        %dma_start3A_1148 = tpu.memref_slice %arg42[%dma_start3A_1146, %dma_start3A_1147] : memref<10240x128xf32, #tpu.memory_space<vmem_shared>> -> memref<80x128xf32, #tpu.memory_space<vmem_shared>>
        tpu.enqueue_dma source(%arg30 : memref<80x128xf32, #tpu.memory_space<vmem>>) target(%dma_start3A_1148 : memref<80x128xf32, #tpu.memory_space<vmem_shared>>) target_semaphore(%arg38 : memref<!tpu.dma_semaphore, #tpu.memory_space<semaphore_mem>>)
        %dma_start3A_1149 = arith.constant 0 : i32
        %dma_start3A_1150 = tpu.memref_slice %arg43[%dma_start3A_1149] : memref<10240xf32, #tpu.memory_space<vmem_shared>> -> memref<10240xf32, #tpu.memory_space<vmem_shared>>
        tpu.enqueue_indirect_dma source(%arg26 : memref<80xf32, #tpu.memory_space<vmem>>) target(%dma_start3A_1150 : memref<10240xf32, #tpu.memory_space<vmem_shared>>) offsets(%arg14 : memref<80xi32, #tpu.memory_space<vmem>>) semaphore(%arg38 : memref<!tpu.dma_semaphore, #tpu.memory_space<semaphore_mem>>) {add = true}
        %mul3A_1151 = arith.constant 4 : i32
        %mul3A_1152 = arith.muli %mul3A_1151, %add3A_709 : i32
        %add3A_1153 = arith.constant 2 : i32
        %add3A_1154 = arith.addi %mul3A_1152, %add3A_1153 : i32
        %add3A_1155 = arith.constant 3 : i32
        %add3A_1156 = arith.addi %add3A_1154, %add3A_1155 : i32
        %dma_wait3A_1157 = arith.constant 0 : i32
        %dma_wait3A_1158 = arith.constant 0 : i32
        %dma_wait3A_1159 = tpu.memref_slice %arg42[%dma_wait3A_1157, %dma_wait3A_1158] : memref<10240x128xf32, #tpu.memory_space<vmem_shared>> -> memref<10240x128xf32, #tpu.memory_space<vmem_shared>>
        tpu.wait_indirect_dma semaphore(%arg41 : memref<!tpu.dma_semaphore, #tpu.memory_space<semaphore_mem>>) src(%arg33 : memref<80x128xf32, #tpu.memory_space<vmem>>) dst(%dma_wait3A_1159 : memref<10240x128xf32, #tpu.memory_space<vmem_shared>>)
        %dma_wait3A_1160 = arith.constant 0 : i32
        %dma_wait3A_1161 = tpu.memref_slice %arg43[%dma_wait3A_1160] : memref<10240xf32, #tpu.memory_space<vmem_shared>> -> memref<10240xf32, #tpu.memory_space<vmem_shared>>
        tpu.wait_indirect_dma semaphore(%arg41 : memref<!tpu.dma_semaphore, #tpu.memory_space<semaphore_mem>>) src(%arg29 : memref<80xf32, #tpu.memory_space<vmem>>) dst(%dma_wait3A_1161 : memref<10240xf32, #tpu.memory_space<vmem_shared>>)
        %add3A_1162 = arith.constant 2 : i32
        %add3A_1163 = arith.addi %add3A_1156, %add3A_1162 : i32
        %mul3A_1164 = arith.constant 80 : i32
        %mul3A_1165 = arith.muli %add3A_1163, %mul3A_1164 : i32
        %add3A_1166 = arith.constant 0 : i32
        %add3A_1167 = arith.addi %mul3A_1165, %add3A_1166 : i32
        %get3A_1168 = arith.index_cast %add3A_1167 : i32 to index
        %get3A_1169 = tpu.vector_load %arg11[%get3A_1168] {strides = array<i32>} : memref<2000xi32, #tpu.memory_space<vmem>>, vector<16xi32>,
        %swap3A_1170 = arith.constant 0 : index
        %swap3A_1171 = tpu.vector_load %arg17[%swap3A_1170] {strides = array<i32>} : memref<80xi32, #tpu.memory_space<vmem>>, vector<16xi32>,
        tpu.vector_store %arg17[%swap3A_1170], %get3A_1169 {strides = array<i32>} : memref<80xi32, #tpu.memory_space<vmem>>, vector<16xi32>,
        %add3A_1172 = arith.constant 16 : i32
        %add3A_1173 = arith.addi %mul3A_1165, %add3A_1172 : i32
        %get3A_1174 = arith.index_cast %add3A_1173 : i32 to index
        %get3A_1175 = tpu.vector_load %arg11[%get3A_1174] {strides = array<i32>} : memref<2000xi32, #tpu.memory_space<vmem>>, vector<16xi32>,
        %swap3A_1176 = arith.constant 16 : index
        %swap3A_1177 = tpu.vector_load %arg17[%swap3A_1176] {strides = array<i32>} : memref<80xi32, #tpu.memory_space<vmem>>, vector<16xi32>,
        tpu.vector_store %arg17[%swap3A_1176], %get3A_1175 {strides = array<i32>} : memref<80xi32, #tpu.memory_space<vmem>>, vector<16xi32>,
        %add3A_1178 = arith.constant 32 : i32
        %add3A_1179 = arith.addi %mul3A_1165, %add3A_1178 : i32
        %get3A_1180 = arith.index_cast %add3A_1179 : i32 to index
        %get3A_1181 = tpu.vector_load %arg11[%get3A_1180] {strides = array<i32>} : memref<2000xi32, #tpu.memory_space<vmem>>, vector<16xi32>,
        %swap3A_1182 = arith.constant 32 : index
        %swap3A_1183 = tpu.vector_load %arg17[%swap3A_1182] {strides = array<i32>} : memref<80xi32, #tpu.memory_space<vmem>>, vector<16xi32>,
        tpu.vector_store %arg17[%swap3A_1182], %get3A_1181 {strides = array<i32>} : memref<80xi32, #tpu.memory_space<vmem>>, vector<16xi32>,
        %add3A_1184 = arith.constant 48 : i32
        %add3A_1185 = arith.addi %mul3A_1165, %add3A_1184 : i32
        %get3A_1186 = arith.index_cast %add3A_1185 : i32 to index
        %get3A_1187 = tpu.vector_load %arg11[%get3A_1186] {strides = array<i32>} : memref<2000xi32, #tpu.memory_space<vmem>>, vector<16xi32>,
        %swap3A_1188 = arith.constant 48 : index
        %swap3A_1189 = tpu.vector_load %arg17[%swap3A_1188] {strides = array<i32>} : memref<80xi32, #tpu.memory_space<vmem>>, vector<16xi32>,
        tpu.vector_store %arg17[%swap3A_1188], %get3A_1187 {strides = array<i32>} : memref<80xi32, #tpu.memory_space<vmem>>, vector<16xi32>,
        %add3A_1190 = arith.constant 64 : i32
        %add3A_1191 = arith.addi %mul3A_1165, %add3A_1190 : i32
        %get3A_1192 = arith.index_cast %add3A_1191 : i32 to index
        %get3A_1193 = tpu.vector_load %arg11[%get3A_1192] {strides = array<i32>} : memref<2000xi32, #tpu.memory_space<vmem>>, vector<16xi32>,
        %swap3A_1194 = arith.constant 64 : index
        %swap3A_1195 = tpu.vector_load %arg17[%swap3A_1194] {strides = array<i32>} : memref<80xi32, #tpu.memory_space<vmem>>, vector<16xi32>,
        tpu.vector_store %arg17[%swap3A_1194], %get3A_1193 {strides = array<i32>} : memref<80xi32, #tpu.memory_space<vmem>>, vector<16xi32>,
        %dma_start3A_1196 = arith.constant 0 : i32
        %dma_start3A_1197 = tpu.memref_slice %arg4[%mul3A_1165, %dma_start3A_1196] : memref<10000x128xf32, #tpu.memory_space<hbm>> -> memref<80x128xf32, #tpu.memory_space<hbm>>
        %dma_start3A_1198 = arith.constant 0 : i32
        %dma_start3A_1199 = tpu.memref_slice %arg4[%mul3A_1165, %dma_start3A_1198] : memref<10000x128xf32, #tpu.memory_space<hbm>> -> memref<80x128xf32, #tpu.memory_space<hbm>>
        tpu.enqueue_dma source(%dma_start3A_1199 : memref<80x128xf32, #tpu.memory_space<hbm>>) target(%arg33 : memref<80x128xf32, #tpu.memory_space<vmem>>) target_semaphore(%arg37 : memref<!tpu.dma_semaphore, #tpu.memory_space<semaphore_mem>>)
        %dma_wait3A_1200 = arith.constant 0 : i32
        %dma_wait3A_1201 = arith.constant 0 : i32
        %dma_wait3A_1202 = tpu.memref_slice %arg4[%dma_wait3A_1200, %dma_wait3A_1201] : memref<10000x128xf32, #tpu.memory_space<hbm>> -> memref<80x128xf32, #tpu.memory_space<hbm>>
        %dma_wait3A_1203 = arith.constant 0 : i32
        %dma_wait3A_1204 = arith.constant 0 : i32
        %dma_wait3A_1205 = tpu.memref_slice %arg4[%dma_wait3A_1203, %dma_wait3A_1204] : memref<10000x128xf32, #tpu.memory_space<hbm>> -> memref<80x128xf32, #tpu.memory_space<hbm>>
        tpu.wait_dma2 semaphore(%arg35 : memref<!tpu.dma_semaphore, #tpu.memory_space<semaphore_mem>>) src(%dma_wait3A_1205 : memref<80x128xf32, #tpu.memory_space<hbm>>) dst(%arg31 : memref<80x128xf32, #tpu.memory_space<vmem>>)
        %get3A_1206 = arith.constant 0 : index
        %get3A_1207 = tpu.vector_load %arg19[%get3A_1206] {strides = array<i32>} : memref<80xf32, #tpu.memory_space<vmem>>, vector<16xf32>,
        %get3A_1208 = arith.constant 0 : index
        %get3A_1209 = tpu.vector_load %arg23[%get3A_1208] {strides = array<i32>} : memref<80xf32, #tpu.memory_space<vmem>>, vector<16xf32>,
        %add3A_1210 = arith.addf %get3A_1207, %get3A_1209 : vector<16xf32>
        %gt3A_1211 = arith.constant 0.000000e+00 : f32
        %gt3A_1212 = vector.broadcast %gt3A_1211 : f32 to vector<16xf32>
        %gt3A_1213 = arith.cmpf ogt, %add3A_1210, %gt3A_1212 : vector<16xf32>
        %mul3A_1214 = arith.constant 2.000000e-01 : f32
        %mul3A_1215 = vector.broadcast %mul3A_1214 : f32 to vector<16xf32>
        %mul3A_1216 = arith.mulf %add3A_1210, %mul3A_1215 : vector<16xf32>
        %select_n3A_1217 = arith.select %gt3A_1213, %add3A_1210, %mul3A_1216 : vector<16xi1>, vector<16xf32>
        %sub3A_1218 = arith.subf %select_n3A_1217, %get3A_31 : vector<16xf32>
        %exp3A_1219 = math.exp %sub3A_1218 : vector<16xf32>
        %swap3A_1220 = arith.constant 0 : index
        %swap3A_1221 = tpu.vector_load %arg27[%swap3A_1220] {strides = array<i32>} : memref<80xf32, #tpu.memory_space<vmem>>, vector<16xf32>,
        tpu.vector_store %arg27[%swap3A_1220], %exp3A_1219 {strides = array<i32>} : memref<80xf32, #tpu.memory_space<vmem>>, vector<16xf32>,
        %get3A_1222 = arith.constant 16 : index
        %get3A_1223 = tpu.vector_load %arg19[%get3A_1222] {strides = array<i32>} : memref<80xf32, #tpu.memory_space<vmem>>, vector<16xf32>,
        %get3A_1224 = arith.constant 16 : index
        %get3A_1225 = tpu.vector_load %arg23[%get3A_1224] {strides = array<i32>} : memref<80xf32, #tpu.memory_space<vmem>>, vector<16xf32>,
        %add3A_1226 = arith.addf %get3A_1223, %get3A_1225 : vector<16xf32>
        %gt3A_1227 = arith.constant 0.000000e+00 : f32
        %gt3A_1228 = vector.broadcast %gt3A_1227 : f32 to vector<16xf32>
        %gt3A_1229 = arith.cmpf ogt, %add3A_1226, %gt3A_1228 : vector<16xf32>
        %mul3A_1230 = arith.constant 2.000000e-01 : f32
        %mul3A_1231 = vector.broadcast %mul3A_1230 : f32 to vector<16xf32>
        %mul3A_1232 = arith.mulf %add3A_1226, %mul3A_1231 : vector<16xf32>
        %select_n3A_1233 = arith.select %gt3A_1229, %add3A_1226, %mul3A_1232 : vector<16xi1>, vector<16xf32>
        %sub3A_1234 = arith.subf %select_n3A_1233, %get3A_31 : vector<16xf32>
        %exp3A_1235 = math.exp %sub3A_1234 : vector<16xf32>
        %swap3A_1236 = arith.constant 16 : index
        %swap3A_1237 = tpu.vector_load %arg27[%swap3A_1236] {strides = array<i32>} : memref<80xf32, #tpu.memory_space<vmem>>, vector<16xf32>,
        tpu.vector_store %arg27[%swap3A_1236], %exp3A_1235 {strides = array<i32>} : memref<80xf32, #tpu.memory_space<vmem>>, vector<16xf32>,
        %get3A_1238 = arith.constant 32 : index
        %get3A_1239 = tpu.vector_load %arg19[%get3A_1238] {strides = array<i32>} : memref<80xf32, #tpu.memory_space<vmem>>, vector<16xf32>,
        %get3A_1240 = arith.constant 32 : index
        %get3A_1241 = tpu.vector_load %arg23[%get3A_1240] {strides = array<i32>} : memref<80xf32, #tpu.memory_space<vmem>>, vector<16xf32>,
        %add3A_1242 = arith.addf %get3A_1239, %get3A_1241 : vector<16xf32>
        %gt3A_1243 = arith.constant 0.000000e+00 : f32
        %gt3A_1244 = vector.broadcast %gt3A_1243 : f32 to vector<16xf32>
        %gt3A_1245 = arith.cmpf ogt, %add3A_1242, %gt3A_1244 : vector<16xf32>
        %mul3A_1246 = arith.constant 2.000000e-01 : f32
        %mul3A_1247 = vector.broadcast %mul3A_1246 : f32 to vector<16xf32>
        %mul3A_1248 = arith.mulf %add3A_1242, %mul3A_1247 : vector<16xf32>
        %select_n3A_1249 = arith.select %gt3A_1245, %add3A_1242, %mul3A_1248 : vector<16xi1>, vector<16xf32>
        %sub3A_1250 = arith.subf %select_n3A_1249, %get3A_31 : vector<16xf32>
        %exp3A_1251 = math.exp %sub3A_1250 : vector<16xf32>
        %swap3A_1252 = arith.constant 32 : index
        %swap3A_1253 = tpu.vector_load %arg27[%swap3A_1252] {strides = array<i32>} : memref<80xf32, #tpu.memory_space<vmem>>, vector<16xf32>,
        tpu.vector_store %arg27[%swap3A_1252], %exp3A_1251 {strides = array<i32>} : memref<80xf32, #tpu.memory_space<vmem>>, vector<16xf32>,
        %get3A_1254 = arith.constant 48 : index
        %get3A_1255 = tpu.vector_load %arg19[%get3A_1254] {strides = array<i32>} : memref<80xf32, #tpu.memory_space<vmem>>, vector<16xf32>,
        %get3A_1256 = arith.constant 48 : index
        %get3A_1257 = tpu.vector_load %arg23[%get3A_1256] {strides = array<i32>} : memref<80xf32, #tpu.memory_space<vmem>>, vector<16xf32>,
        %add3A_1258 = arith.addf %get3A_1255, %get3A_1257 : vector<16xf32>
        %gt3A_1259 = arith.constant 0.000000e+00 : f32
        %gt3A_1260 = vector.broadcast %gt3A_1259 : f32 to vector<16xf32>
        %gt3A_1261 = arith.cmpf ogt, %add3A_1258, %gt3A_1260 : vector<16xf32>
        %mul3A_1262 = arith.constant 2.000000e-01 : f32
        %mul3A_1263 = vector.broadcast %mul3A_1262 : f32 to vector<16xf32>
        %mul3A_1264 = arith.mulf %add3A_1258, %mul3A_1263 : vector<16xf32>
        %select_n3A_1265 = arith.select %gt3A_1261, %add3A_1258, %mul3A_1264 : vector<16xi1>, vector<16xf32>
        %sub3A_1266 = arith.subf %select_n3A_1265, %get3A_31 : vector<16xf32>
        %exp3A_1267 = math.exp %sub3A_1266 : vector<16xf32>
        %swap3A_1268 = arith.constant 48 : index
        %swap3A_1269 = tpu.vector_load %arg27[%swap3A_1268] {strides = array<i32>} : memref<80xf32, #tpu.memory_space<vmem>>, vector<16xf32>,
        tpu.vector_store %arg27[%swap3A_1268], %exp3A_1267 {strides = array<i32>} : memref<80xf32, #tpu.memory_space<vmem>>, vector<16xf32>,
        %get3A_1270 = arith.constant 64 : index
        %get3A_1271 = tpu.vector_load %arg19[%get3A_1270] {strides = array<i32>} : memref<80xf32, #tpu.memory_space<vmem>>, vector<16xf32>,
        %get3A_1272 = arith.constant 64 : index
        %get3A_1273 = tpu.vector_load %arg23[%get3A_1272] {strides = array<i32>} : memref<80xf32, #tpu.memory_space<vmem>>, vector<16xf32>,
        %add3A_1274 = arith.addf %get3A_1271, %get3A_1273 : vector<16xf32>
        %gt3A_1275 = arith.constant 0.000000e+00 : f32
        %gt3A_1276 = vector.broadcast %gt3A_1275 : f32 to vector<16xf32>
        %gt3A_1277 = arith.cmpf ogt, %add3A_1274, %gt3A_1276 : vector<16xf32>
        %mul3A_1278 = arith.constant 2.000000e-01 : f32
        %mul3A_1279 = vector.broadcast %mul3A_1278 : f32 to vector<16xf32>
        %mul3A_1280 = arith.mulf %add3A_1274, %mul3A_1279 : vector<16xf32>
        %select_n3A_1281 = arith.select %gt3A_1277, %add3A_1274, %mul3A_1280 : vector<16xi1>, vector<16xf32>
        %sub3A_1282 = arith.subf %select_n3A_1281, %get3A_31 : vector<16xf32>
        %exp3A_1283 = math.exp %sub3A_1282 : vector<16xf32>
        %swap3A_1284 = arith.constant 64 : index
        %swap3A_1285 = tpu.vector_load %arg27[%swap3A_1284] {strides = array<i32>} : memref<80xf32, #tpu.memory_space<vmem>>, vector<16xf32>,
        tpu.vector_store %arg27[%swap3A_1284], %exp3A_1283 {strides = array<i32>} : memref<80xf32, #tpu.memory_space<vmem>>, vector<16xf32>,
        %scan3A_1286 = arith.constant 0 : i32
        %scan3A_1287 = arith.constant 0 : i32
        %scan3A_1288 = arith.addi %scan3A_1286, %scan3A_1287 : i32
        %scan3A_1289 = arith.constant 0 : i32
        %dma_start3A_1290 = arith.constant 0 : i32
        %dma_start3A_1291 = arith.constant 0 : i32
        %dma_start3A_1292 = tpu.memref_slice %arg42[%dma_start3A_1290, %dma_start3A_1291] : memref<10240x128xf32, #tpu.memory_space<vmem_shared>> -> memref<80x128xf32, #tpu.memory_space<vmem_shared>>
        %dma_start3A_1293 = arith.constant 0 : i32
        %dma_start3A_1294 = arith.constant 0 : i32
        %dma_start3A_1295 = tpu.memref_slice %arg42[%dma_start3A_1293, %dma_start3A_1294] : memref<10240x128xf32, #tpu.memory_space<vmem_shared>> -> memref<80x128xf32, #tpu.memory_space<vmem_shared>>
        tpu.enqueue_dma source(%arg31 : memref<80x128xf32, #tpu.memory_space<vmem>>) target(%dma_start3A_1295 : memref<80x128xf32, #tpu.memory_space<vmem_shared>>) target_semaphore(%arg39 : memref<!tpu.dma_semaphore, #tpu.memory_space<semaphore_mem>>)
        %dma_start3A_1296 = arith.constant 0 : i32
        %dma_start3A_1297 = tpu.memref_slice %arg43[%dma_start3A_1296] : memref<10240xf32, #tpu.memory_space<vmem_shared>> -> memref<10240xf32, #tpu.memory_space<vmem_shared>>
        tpu.enqueue_indirect_dma source(%arg27 : memref<80xf32, #tpu.memory_space<vmem>>) target(%dma_start3A_1297 : memref<10240xf32, #tpu.memory_space<vmem_shared>>) offsets(%arg15 : memref<80xi32, #tpu.memory_space<vmem>>) semaphore(%arg39 : memref<!tpu.dma_semaphore, #tpu.memory_space<semaphore_mem>>) {add = true}
      }
      %scan3A_359 = arith.constant 5 : i32
      %dma_wait3A_360 = arith.constant 0 : i32
      %dma_wait3A_361 = arith.constant 0 : i32
      %dma_wait3A_362 = tpu.memref_slice %arg42[%dma_wait3A_360, %dma_wait3A_361] : memref<10240x128xf32, #tpu.memory_space<vmem_shared>> -> memref<10240x128xf32, #tpu.memory_space<vmem_shared>>
      tpu.wait_indirect_dma semaphore(%arg38 : memref<!tpu.dma_semaphore, #tpu.memory_space<semaphore_mem>>) src(%arg30 : memref<80x128xf32, #tpu.memory_space<vmem>>) dst(%dma_wait3A_362 : memref<10240x128xf32, #tpu.memory_space<vmem_shared>>)
      %dma_wait3A_363 = arith.constant 0 : i32
      %dma_wait3A_364 = tpu.memref_slice %arg43[%dma_wait3A_363] : memref<10240xf32, #tpu.memory_space<vmem_shared>> -> memref<10240xf32, #tpu.memory_space<vmem_shared>>
      tpu.wait_indirect_dma semaphore(%arg38 : memref<!tpu.dma_semaphore, #tpu.memory_space<semaphore_mem>>) src(%arg26 : memref<80xf32, #tpu.memory_space<vmem>>) dst(%dma_wait3A_364 : memref<10240xf32, #tpu.memory_space<vmem_shared>>)
      %get3A_365 = arith.constant 1920 : index
      %get3A_366 = tpu.vector_load %arg11[%get3A_365] {strides = array<i32>} : memref<2000xi32, #tpu.memory_space<vmem>>, vector<16xi32>,
      %swap3A_367 = arith.constant 0 : index
      %swap3A_368 = tpu.vector_load %arg14[%swap3A_367] {strides = array<i32>} : memref<80xi32, #tpu.memory_space<vmem>>, vector<16xi32>,
      tpu.vector_store %arg14[%swap3A_367], %get3A_366 {strides = array<i32>} : memref<80xi32, #tpu.memory_space<vmem>>, vector<16xi32>,
      %get3A_369 = arith.constant 1936 : index
      %get3A_370 = tpu.vector_load %arg11[%get3A_369] {strides = array<i32>} : memref<2000xi32, #tpu.memory_space<vmem>>, vector<16xi32>,
      %swap3A_371 = arith.constant 16 : index
      %swap3A_372 = tpu.vector_load %arg14[%swap3A_371] {strides = array<i32>} : memref<80xi32, #tpu.memory_space<vmem>>, vector<16xi32>,
      tpu.vector_store %arg14[%swap3A_371], %get3A_370 {strides = array<i32>} : memref<80xi32, #tpu.memory_space<vmem>>, vector<16xi32>,
      %get3A_373 = arith.constant 1952 : index
      %get3A_374 = tpu.vector_load %arg11[%get3A_373] {strides = array<i32>} : memref<2000xi32, #tpu.memory_space<vmem>>, vector<16xi32>,
      %swap3A_375 = arith.constant 32 : index
      %swap3A_376 = tpu.vector_load %arg14[%swap3A_375] {strides = array<i32>} : memref<80xi32, #tpu.memory_space<vmem>>, vector<16xi32>,
      tpu.vector_store %arg14[%swap3A_375], %get3A_374 {strides = array<i32>} : memref<80xi32, #tpu.memory_space<vmem>>, vector<16xi32>,
      %get3A_377 = arith.constant 1968 : index
      %get3A_378 = tpu.vector_load %arg11[%get3A_377] {strides = array<i32>} : memref<2000xi32, #tpu.memory_space<vmem>>, vector<16xi32>,
      %swap3A_379 = arith.constant 48 : index
      %swap3A_380 = tpu.vector_load %arg14[%swap3A_379] {strides = array<i32>} : memref<80xi32, #tpu.memory_space<vmem>>, vector<16xi32>,
      tpu.vector_store %arg14[%swap3A_379], %get3A_378 {strides = array<i32>} : memref<80xi32, #tpu.memory_space<vmem>>, vector<16xi32>,
      %get3A_381 = arith.constant 1984 : index
      %get3A_382 = tpu.vector_load %arg11[%get3A_381] {strides = array<i32>} : memref<2000xi32, #tpu.memory_space<vmem>>, vector<16xi32>,
      %swap3A_383 = arith.constant 64 : index
      %swap3A_384 = tpu.vector_load %arg14[%swap3A_383] {strides = array<i32>} : memref<80xi32, #tpu.memory_space<vmem>>, vector<16xi32>,
      tpu.vector_store %arg14[%swap3A_383], %get3A_382 {strides = array<i32>} : memref<80xi32, #tpu.memory_space<vmem>>, vector<16xi32>,
      %dma_start3A_385 = arith.constant 1920 : i32
      %dma_start3A_386 = arith.constant 0 : i32
      %dma_start3A_387 = tpu.memref_slice %arg4[%dma_start3A_385, %dma_start3A_386] : memref<10000x128xf32, #tpu.memory_space<hbm>> -> memref<80x128xf32, #tpu.memory_space<hbm>>
      %dma_start3A_388 = arith.constant 1920 : i32
      %dma_start3A_389 = arith.constant 0 : i32
      %dma_start3A_390 = tpu.memref_slice %arg4[%dma_start3A_388, %dma_start3A_389] : memref<10000x128xf32, #tpu.memory_space<hbm>> -> memref<80x128xf32, #tpu.memory_space<hbm>>
      tpu.enqueue_dma source(%dma_start3A_390 : memref<80x128xf32, #tpu.memory_space<hbm>>) target(%arg30 : memref<80x128xf32, #tpu.memory_space<vmem>>) target_semaphore(%arg34 : memref<!tpu.dma_semaphore, #tpu.memory_space<semaphore_mem>>)
      %dma_wait3A_391 = arith.constant 0 : i32
      %dma_wait3A_392 = arith.constant 0 : i32
      %dma_wait3A_393 = tpu.memref_slice %arg4[%dma_wait3A_391, %dma_wait3A_392] : memref<10000x128xf32, #tpu.memory_space<hbm>> -> memref<80x128xf32, #tpu.memory_space<hbm>>
      %dma_wait3A_394 = arith.constant 0 : i32
      %dma_wait3A_395 = arith.constant 0 : i32
      %dma_wait3A_396 = tpu.memref_slice %arg4[%dma_wait3A_394, %dma_wait3A_395] : memref<10000x128xf32, #tpu.memory_space<hbm>> -> memref<80x128xf32, #tpu.memory_space<hbm>>
      tpu.wait_dma2 semaphore(%arg36 : memref<!tpu.dma_semaphore, #tpu.memory_space<semaphore_mem>>) src(%dma_wait3A_396 : memref<80x128xf32, #tpu.memory_space<hbm>>) dst(%arg32 : memref<80x128xf32, #tpu.memory_space<vmem>>)
      %get3A_397 = arith.constant 0 : index
      %get3A_398 = tpu.vector_load %arg20[%get3A_397] {strides = array<i32>} : memref<80xf32, #tpu.memory_space<vmem>>, vector<16xf32>,
      %get3A_399 = arith.constant 0 : index
      %get3A_400 = tpu.vector_load %arg24[%get3A_399] {strides = array<i32>} : memref<80xf32, #tpu.memory_space<vmem>>, vector<16xf32>,
      %add3A_401 = arith.addf %get3A_398, %get3A_400 : vector<16xf32>
      %gt3A_402 = arith.constant 0.000000e+00 : f32
      %gt3A_403 = vector.broadcast %gt3A_402 : f32 to vector<16xf32>
      %gt3A_404 = arith.cmpf ogt, %add3A_401, %gt3A_403 : vector<16xf32>
      %mul3A_405 = arith.constant 2.000000e-01 : f32
      %mul3A_406 = vector.broadcast %mul3A_405 : f32 to vector<16xf32>
      %mul3A_407 = arith.mulf %add3A_401, %mul3A_406 : vector<16xf32>
      %select_n3A_408 = arith.select %gt3A_404, %add3A_401, %mul3A_407 : vector<16xi1>, vector<16xf32>
      %sub3A_409 = arith.subf %select_n3A_408, %get3A_31 : vector<16xf32>
      %exp3A_410 = math.exp %sub3A_409 : vector<16xf32>
      %swap3A_411 = arith.constant 0 : index
      %swap3A_412 = tpu.vector_load %arg28[%swap3A_411] {strides = array<i32>} : memref<80xf32, #tpu.memory_space<vmem>>, vector<16xf32>,
      tpu.vector_store %arg28[%swap3A_411], %exp3A_410 {strides = array<i32>} : memref<80xf32, #tpu.memory_space<vmem>>, vector<16xf32>,
      %get3A_413 = arith.constant 16 : index
      %get3A_414 = tpu.vector_load %arg20[%get3A_413] {strides = array<i32>} : memref<80xf32, #tpu.memory_space<vmem>>, vector<16xf32>,
      %get3A_415 = arith.constant 16 : index
      %get3A_416 = tpu.vector_load %arg24[%get3A_415] {strides = array<i32>} : memref<80xf32, #tpu.memory_space<vmem>>, vector<16xf32>,
      %add3A_417 = arith.addf %get3A_414, %get3A_416 : vector<16xf32>
      %gt3A_418 = arith.constant 0.000000e+00 : f32
      %gt3A_419 = vector.broadcast %gt3A_418 : f32 to vector<16xf32>
      %gt3A_420 = arith.cmpf ogt, %add3A_417, %gt3A_419 : vector<16xf32>
      %mul3A_421 = arith.constant 2.000000e-01 : f32
      %mul3A_422 = vector.broadcast %mul3A_421 : f32 to vector<16xf32>
      %mul3A_423 = arith.mulf %add3A_417, %mul3A_422 : vector<16xf32>
      %select_n3A_424 = arith.select %gt3A_420, %add3A_417, %mul3A_423 : vector<16xi1>, vector<16xf32>
      %sub3A_425 = arith.subf %select_n3A_424, %get3A_31 : vector<16xf32>
      %exp3A_426 = math.exp %sub3A_425 : vector<16xf32>
      %swap3A_427 = arith.constant 16 : index
      %swap3A_428 = tpu.vector_load %arg28[%swap3A_427] {strides = array<i32>} : memref<80xf32, #tpu.memory_space<vmem>>, vector<16xf32>,
      tpu.vector_store %arg28[%swap3A_427], %exp3A_426 {strides = array<i32>} : memref<80xf32, #tpu.memory_space<vmem>>, vector<16xf32>,
      %get3A_429 = arith.constant 32 : index
      %get3A_430 = tpu.vector_load %arg20[%get3A_429] {strides = array<i32>} : memref<80xf32, #tpu.memory_space<vmem>>, vector<16xf32>,
      %get3A_431 = arith.constant 32 : index
      %get3A_432 = tpu.vector_load %arg24[%get3A_431] {strides = array<i32>} : memref<80xf32, #tpu.memory_space<vmem>>, vector<16xf32>,
      %add3A_433 = arith.addf %get3A_430, %get3A_432 : vector<16xf32>
      %gt3A_434 = arith.constant 0.000000e+00 : f32
      %gt3A_435 = vector.broadcast %gt3A_434 : f32 to vector<16xf32>
      %gt3A_436 = arith.cmpf ogt, %add3A_433, %gt3A_435 : vector<16xf32>
      %mul3A_437 = arith.constant 2.000000e-01 : f32
      %mul3A_438 = vector.broadcast %mul3A_437 : f32 to vector<16xf32>
      %mul3A_439 = arith.mulf %add3A_433, %mul3A_438 : vector<16xf32>
      %select_n3A_440 = arith.select %gt3A_436, %add3A_433, %mul3A_439 : vector<16xi1>, vector<16xf32>
      %sub3A_441 = arith.subf %select_n3A_440, %get3A_31 : vector<16xf32>
      %exp3A_442 = math.exp %sub3A_441 : vector<16xf32>
      %swap3A_443 = arith.constant 32 : index
      %swap3A_444 = tpu.vector_load %arg28[%swap3A_443] {strides = array<i32>} : memref<80xf32, #tpu.memory_space<vmem>>, vector<16xf32>,
      tpu.vector_store %arg28[%swap3A_443], %exp3A_442 {strides = array<i32>} : memref<80xf32, #tpu.memory_space<vmem>>, vector<16xf32>,
      %get3A_445 = arith.constant 48 : index
      %get3A_446 = tpu.vector_load %arg20[%get3A_445] {strides = array<i32>} : memref<80xf32, #tpu.memory_space<vmem>>, vector<16xf32>,
      %get3A_447 = arith.constant 48 : index
      %get3A_448 = tpu.vector_load %arg24[%get3A_447] {strides = array<i32>} : memref<80xf32, #tpu.memory_space<vmem>>, vector<16xf32>,
      %add3A_449 = arith.addf %get3A_446, %get3A_448 : vector<16xf32>
      %gt3A_450 = arith.constant 0.000000e+00 : f32
      %gt3A_451 = vector.broadcast %gt3A_450 : f32 to vector<16xf32>
      %gt3A_452 = arith.cmpf ogt, %add3A_449, %gt3A_451 : vector<16xf32>
      %mul3A_453 = arith.constant 2.000000e-01 : f32
      %mul3A_454 = vector.broadcast %mul3A_453 : f32 to vector<16xf32>
      %mul3A_455 = arith.mulf %add3A_449, %mul3A_454 : vector<16xf32>
      %select_n3A_456 = arith.select %gt3A_452, %add3A_449, %mul3A_455 : vector<16xi1>, vector<16xf32>
      %sub3A_457 = arith.subf %select_n3A_456, %get3A_31 : vector<16xf32>
      %exp3A_458 = math.exp %sub3A_457 : vector<16xf32>
      %swap3A_459 = arith.constant 48 : index
      %swap3A_460 = tpu.vector_load %arg28[%swap3A_459] {strides = array<i32>} : memref<80xf32, #tpu.memory_space<vmem>>, vector<16xf32>,
      tpu.vector_store %arg28[%swap3A_459], %exp3A_458 {strides = array<i32>} : memref<80xf32, #tpu.memory_space<vmem>>, vector<16xf32>,
      %get3A_461 = arith.constant 64 : index
      %get3A_462 = tpu.vector_load %arg20[%get3A_461] {strides = array<i32>} : memref<80xf32, #tpu.memory_space<vmem>>, vector<16xf32>,
      %get3A_463 = arith.constant 64 : index
      %get3A_464 = tpu.vector_load %arg24[%get3A_463] {strides = array<i32>} : memref<80xf32, #tpu.memory_space<vmem>>, vector<16xf32>,
      %add3A_465 = arith.addf %get3A_462, %get3A_464 : vector<16xf32>
      %gt3A_466 = arith.constant 0.000000e+00 : f32
      %gt3A_467 = vector.broadcast %gt3A_466 : f32 to vector<16xf32>
      %gt3A_468 = arith.cmpf ogt, %add3A_465, %gt3A_467 : vector<16xf32>
      %mul3A_469 = arith.constant 2.000000e-01 : f32
      %mul3A_470 = vector.broadcast %mul3A_469 : f32 to vector<16xf32>
      %mul3A_471 = arith.mulf %add3A_465, %mul3A_470 : vector<16xf32>
      %select_n3A_472 = arith.select %gt3A_468, %add3A_465, %mul3A_471 : vector<16xi1>, vector<16xf32>
      %sub3A_473 = arith.subf %select_n3A_472, %get3A_31 : vector<16xf32>
      %exp3A_474 = math.exp %sub3A_473 : vector<16xf32>
      %swap3A_475 = arith.constant 64 : index
      %swap3A_476 = tpu.vector_load %arg28[%swap3A_475] {strides = array<i32>} : memref<80xf32, #tpu.memory_space<vmem>>, vector<16xf32>,
      tpu.vector_store %arg28[%swap3A_475], %exp3A_474 {strides = array<i32>} : memref<80xf32, #tpu.memory_space<vmem>>, vector<16xf32>,
      %scan3A_477 = arith.constant 0 : i32
      %scan3A_478 = arith.constant 0 : i32
      %scan3A_479 = arith.addi %scan3A_477, %scan3A_478 : i32
      %scan3A_480 = arith.constant 0 : i32
      %dma_start3A_481 = arith.constant 0 : i32
      %dma_start3A_482 = arith.constant 0 : i32
      %dma_start3A_483 = tpu.memref_slice %arg42[%dma_start3A_481, %dma_start3A_482] : memref<10240x128xf32, #tpu.memory_space<vmem_shared>> -> memref<80x128xf32, #tpu.memory_space<vmem_shared>>
      %dma_start3A_484 = arith.constant 0 : i32
      %dma_start3A_485 = arith.constant 0 : i32
      %dma_start3A_486 = tpu.memref_slice %arg42[%dma_start3A_484, %dma_start3A_485] : memref<10240x128xf32, #tpu.memory_space<vmem_shared>> -> memref<80x128xf32, #tpu.memory_space<vmem_shared>>
      tpu.enqueue_dma source(%arg32 : memref<80x128xf32, #tpu.memory_space<vmem>>) target(%dma_start3A_486 : memref<80x128xf32, #tpu.memory_space<vmem_shared>>) target_semaphore(%arg40 : memref<!tpu.dma_semaphore, #tpu.memory_space<semaphore_mem>>)
      %dma_start3A_487 = arith.constant 0 : i32
      %dma_start3A_488 = tpu.memref_slice %arg43[%dma_start3A_487] : memref<10240xf32, #tpu.memory_space<vmem_shared>> -> memref<10240xf32, #tpu.memory_space<vmem_shared>>
      tpu.enqueue_indirect_dma source(%arg28 : memref<80xf32, #tpu.memory_space<vmem>>) target(%dma_start3A_488 : memref<10240xf32, #tpu.memory_space<vmem_shared>>) offsets(%arg16 : memref<80xi32, #tpu.memory_space<vmem>>) semaphore(%arg40 : memref<!tpu.dma_semaphore, #tpu.memory_space<semaphore_mem>>) {add = true}
      %dma_wait3A_489 = arith.constant 0 : i32
      %dma_wait3A_490 = arith.constant 0 : i32
      %dma_wait3A_491 = tpu.memref_slice %arg4[%dma_wait3A_489, %dma_wait3A_490] : memref<10000x128xf32, #tpu.memory_space<hbm>> -> memref<80x128xf32, #tpu.memory_space<hbm>>
      %dma_wait3A_492 = arith.constant 0 : i32
      %dma_wait3A_493 = arith.constant 0 : i32
      %dma_wait3A_494 = tpu.memref_slice %arg4[%dma_wait3A_492, %dma_wait3A_493] : memref<10000x128xf32, #tpu.memory_space<hbm>> -> memref<80x128xf32, #tpu.memory_space<hbm>>
      tpu.wait_dma2 semaphore(%arg37 : memref<!tpu.dma_semaphore, #tpu.memory_space<semaphore_mem>>) src(%dma_wait3A_494 : memref<80x128xf32, #tpu.memory_space<hbm>>) dst(%arg33 : memref<80x128xf32, #tpu.memory_space<vmem>>)
      %get3A_495 = arith.constant 0 : index
      %get3A_496 = tpu.vector_load %arg21[%get3A_495] {strides = array<i32>} : memref<80xf32, #tpu.memory_space<vmem>>, vector<16xf32>,
      %get3A_497 = arith.constant 0 : index
      %get3A_498 = tpu.vector_load %arg25[%get3A_497] {strides = array<i32>} : memref<80xf32, #tpu.memory_space<vmem>>, vector<16xf32>,
      %add3A_499 = arith.addf %get3A_496, %get3A_498 : vector<16xf32>
      %gt3A_500 = arith.constant 0.000000e+00 : f32
      %gt3A_501 = vector.broadcast %gt3A_500 : f32 to vector<16xf32>
      %gt3A_502 = arith.cmpf ogt, %add3A_499, %gt3A_501 : vector<16xf32>
      %mul3A_503 = arith.constant 2.000000e-01 : f32
      %mul3A_504 = vector.broadcast %mul3A_503 : f32 to vector<16xf32>
      %mul3A_505 = arith.mulf %add3A_499, %mul3A_504 : vector<16xf32>
      %select_n3A_506 = arith.select %gt3A_502, %add3A_499, %mul3A_505 : vector<16xi1>, vector<16xf32>
      %sub3A_507 = arith.subf %select_n3A_506, %get3A_31 : vector<16xf32>
      %exp3A_508 = math.exp %sub3A_507 : vector<16xf32>
      %swap3A_509 = arith.constant 0 : index
      %swap3A_510 = tpu.vector_load %arg29[%swap3A_509] {strides = array<i32>} : memref<80xf32, #tpu.memory_space<vmem>>, vector<16xf32>,
      tpu.vector_store %arg29[%swap3A_509], %exp3A_508 {strides = array<i32>} : memref<80xf32, #tpu.memory_space<vmem>>, vector<16xf32>,
      %get3A_511 = arith.constant 16 : index
      %get3A_512 = tpu.vector_load %arg21[%get3A_511] {strides = array<i32>} : memref<80xf32, #tpu.memory_space<vmem>>, vector<16xf32>,
      %get3A_513 = arith.constant 16 : index
      %get3A_514 = tpu.vector_load %arg25[%get3A_513] {strides = array<i32>} : memref<80xf32, #tpu.memory_space<vmem>>, vector<16xf32>,
      %add3A_515 = arith.addf %get3A_512, %get3A_514 : vector<16xf32>
      %gt3A_516 = arith.constant 0.000000e+00 : f32
      %gt3A_517 = vector.broadcast %gt3A_516 : f32 to vector<16xf32>
      %gt3A_518 = arith.cmpf ogt, %add3A_515, %gt3A_517 : vector<16xf32>
      %mul3A_519 = arith.constant 2.000000e-01 : f32
      %mul3A_520 = vector.broadcast %mul3A_519 : f32 to vector<16xf32>
      %mul3A_521 = arith.mulf %add3A_515, %mul3A_520 : vector<16xf32>
      %select_n3A_522 = arith.select %gt3A_518, %add3A_515, %mul3A_521 : vector<16xi1>, vector<16xf32>
      %sub3A_523 = arith.subf %select_n3A_522, %get3A_31 : vector<16xf32>
      %exp3A_524 = math.exp %sub3A_523 : vector<16xf32>
      %swap3A_525 = arith.constant 16 : index
      %swap3A_526 = tpu.vector_load %arg29[%swap3A_525] {strides = array<i32>} : memref<80xf32, #tpu.memory_space<vmem>>, vector<16xf32>,
      tpu.vector_store %arg29[%swap3A_525], %exp3A_524 {strides = array<i32>} : memref<80xf32, #tpu.memory_space<vmem>>, vector<16xf32>,
      %get3A_527 = arith.constant 32 : index
      %get3A_528 = tpu.vector_load %arg21[%get3A_527] {strides = array<i32>} : memref<80xf32, #tpu.memory_space<vmem>>, vector<16xf32>,
      %get3A_529 = arith.constant 32 : index
      %get3A_530 = tpu.vector_load %arg25[%get3A_529] {strides = array<i32>} : memref<80xf32, #tpu.memory_space<vmem>>, vector<16xf32>,
      %add3A_531 = arith.addf %get3A_528, %get3A_530 : vector<16xf32>
      %gt3A_532 = arith.constant 0.000000e+00 : f32
      %gt3A_533 = vector.broadcast %gt3A_532 : f32 to vector<16xf32>
      %gt3A_534 = arith.cmpf ogt, %add3A_531, %gt3A_533 : vector<16xf32>
      %mul3A_535 = arith.constant 2.000000e-01 : f32
      %mul3A_536 = vector.broadcast %mul3A_535 : f32 to vector<16xf32>
      %mul3A_537 = arith.mulf %add3A_531, %mul3A_536 : vector<16xf32>
      %select_n3A_538 = arith.select %gt3A_534, %add3A_531, %mul3A_537 : vector<16xi1>, vector<16xf32>
      %sub3A_539 = arith.subf %select_n3A_538, %get3A_31 : vector<16xf32>
      %exp3A_540 = math.exp %sub3A_539 : vector<16xf32>
      %swap3A_541 = arith.constant 32 : index
      %swap3A_542 = tpu.vector_load %arg29[%swap3A_541] {strides = array<i32>} : memref<80xf32, #tpu.memory_space<vmem>>, vector<16xf32>,
      tpu.vector_store %arg29[%swap3A_541], %exp3A_540 {strides = array<i32>} : memref<80xf32, #tpu.memory_space<vmem>>, vector<16xf32>,
      %get3A_543 = arith.constant 48 : index
      %get3A_544 = tpu.vector_load %arg21[%get3A_543] {strides = array<i32>} : memref<80xf32, #tpu.memory_space<vmem>>, vector<16xf32>,
      %get3A_545 = arith.constant 48 : index
      %get3A_546 = tpu.vector_load %arg25[%get3A_545] {strides = array<i32>} : memref<80xf32, #tpu.memory_space<vmem>>, vector<16xf32>,
      %add3A_547 = arith.addf %get3A_544, %get3A_546 : vector<16xf32>
      %gt3A_548 = arith.constant 0.000000e+00 : f32
      %gt3A_549 = vector.broadcast %gt3A_548 : f32 to vector<16xf32>
      %gt3A_550 = arith.cmpf ogt, %add3A_547, %gt3A_549 : vector<16xf32>
      %mul3A_551 = arith.constant 2.000000e-01 : f32
      %mul3A_552 = vector.broadcast %mul3A_551 : f32 to vector<16xf32>
      %mul3A_553 = arith.mulf %add3A_547, %mul3A_552 : vector<16xf32>
      %select_n3A_554 = arith.select %gt3A_550, %add3A_547, %mul3A_553 : vector<16xi1>, vector<16xf32>
      %sub3A_555 = arith.subf %select_n3A_554, %get3A_31 : vector<16xf32>
      %exp3A_556 = math.exp %sub3A_555 : vector<16xf32>
      %swap3A_557 = arith.constant 48 : index
      %swap3A_558 = tpu.vector_load %arg29[%swap3A_557] {strides = array<i32>} : memref<80xf32, #tpu.memory_space<vmem>>, vector<16xf32>,
      tpu.vector_store %arg29[%swap3A_557], %exp3A_556 {strides = array<i32>} : memref<80xf32, #tpu.memory_space<vmem>>, vector<16xf32>,
      %get3A_559 = arith.constant 64 : index
      %get3A_560 = tpu.vector_load %arg21[%get3A_559] {strides = array<i32>} : memref<80xf32, #tpu.memory_space<vmem>>, vector<16xf32>,
      %get3A_561 = arith.constant 64 : index
      %get3A_562 = tpu.vector_load %arg25[%get3A_561] {strides = array<i32>} : memref<80xf32, #tpu.memory_space<vmem>>, vector<16xf32>,
      %add3A_563 = arith.addf %get3A_560, %get3A_562 : vector<16xf32>
      %gt3A_564 = arith.constant 0.000000e+00 : f32
      %gt3A_565 = vector.broadcast %gt3A_564 : f32 to vector<16xf32>
      %gt3A_566 = arith.cmpf ogt, %add3A_563, %gt3A_565 : vector<16xf32>
      %mul3A_567 = arith.constant 2.000000e-01 : f32
      %mul3A_568 = vector.broadcast %mul3A_567 : f32 to vector<16xf32>
      %mul3A_569 = arith.mulf %add3A_563, %mul3A_568 : vector<16xf32>
      %select_n3A_570 = arith.select %gt3A_566, %add3A_563, %mul3A_569 : vector<16xi1>, vector<16xf32>
      %sub3A_571 = arith.subf %select_n3A_570, %get3A_31 : vector<16xf32>
      %exp3A_572 = math.exp %sub3A_571 : vector<16xf32>
      %swap3A_573 = arith.constant 64 : index
      %swap3A_574 = tpu.vector_load %arg29[%swap3A_573] {strides = array<i32>} : memref<80xf32, #tpu.memory_space<vmem>>, vector<16xf32>,
      tpu.vector_store %arg29[%swap3A_573], %exp3A_572 {strides = array<i32>} : memref<80xf32, #tpu.memory_space<vmem>>, vector<16xf32>,
      %scan3A_575 = arith.constant 0 : i32
      %scan3A_576 = arith.constant 0 : i32
      %scan3A_577 = arith.addi %scan3A_575, %scan3A_576 : i32
      %scan3A_578 = arith.constant 0 : i32
      %dma_start3A_579 = arith.constant 0 : i32
      %dma_start3A_580 = arith.constant 0 : i32
      %dma_start3A_581 = tpu.memref_slice %arg42[%dma_start3A_579, %dma_start3A_580] : memref<10240x128xf32, #tpu.memory_space<vmem_shared>> -> memref<80x128xf32, #tpu.memory_space<vmem_shared>>
      %dma_start3A_582 = arith.constant 0 : i32
      %dma_start3A_583 = arith.constant 0 : i32
      %dma_start3A_584 = tpu.memref_slice %arg42[%dma_start3A_582, %dma_start3A_583] : memref<10240x128xf32, #tpu.memory_space<vmem_shared>> -> memref<80x128xf32, #tpu.memory_space<vmem_shared>>
      tpu.enqueue_dma source(%arg33 : memref<80x128xf32, #tpu.memory_space<vmem>>) target(%dma_start3A_584 : memref<80x128xf32, #tpu.memory_space<vmem_shared>>) target_semaphore(%arg41 : memref<!tpu.dma_semaphore, #tpu.memory_space<semaphore_mem>>)
      %dma_start3A_585 = arith.constant 0 : i32
      %dma_start3A_586 = tpu.memref_slice %arg43[%dma_start3A_585] : memref<10240xf32, #tpu.memory_space<vmem_shared>> -> memref<10240xf32, #tpu.memory_space<vmem_shared>>
      tpu.enqueue_indirect_dma source(%arg29 : memref<80xf32, #tpu.memory_space<vmem>>) target(%dma_start3A_586 : memref<10240xf32, #tpu.memory_space<vmem_shared>>) offsets(%arg17 : memref<80xi32, #tpu.memory_space<vmem>>) semaphore(%arg41 : memref<!tpu.dma_semaphore, #tpu.memory_space<semaphore_mem>>) {add = true}
      %dma_wait3A_587 = arith.constant 0 : i32
      %dma_wait3A_588 = arith.constant 0 : i32
      %dma_wait3A_589 = tpu.memref_slice %arg4[%dma_wait3A_587, %dma_wait3A_588] : memref<10000x128xf32, #tpu.memory_space<hbm>> -> memref<80x128xf32, #tpu.memory_space<hbm>>
      %dma_wait3A_590 = arith.constant 0 : i32
      %dma_wait3A_591 = arith.constant 0 : i32
      %dma_wait3A_592 = tpu.memref_slice %arg4[%dma_wait3A_590, %dma_wait3A_591] : memref<10000x128xf32, #tpu.memory_space<hbm>> -> memref<80x128xf32, #tpu.memory_space<hbm>>
      tpu.wait_dma2 semaphore(%arg34 : memref<!tpu.dma_semaphore, #tpu.memory_space<semaphore_mem>>) src(%dma_wait3A_592 : memref<80x128xf32, #tpu.memory_space<hbm>>) dst(%arg30 : memref<80x128xf32, #tpu.memory_space<vmem>>)
      %get3A_593 = arith.constant 0 : index
      %get3A_594 = tpu.vector_load %arg18[%get3A_593] {strides = array<i32>} : memref<80xf32, #tpu.memory_space<vmem>>, vector<16xf32>,
      %get3A_595 = arith.constant 0 : index
      %get3A_596 = tpu.vector_load %arg22[%get3A_595] {strides = array<i32>} : memref<80xf32, #tpu.memory_space<vmem>>, vector<16xf32>,
      %add3A_597 = arith.addf %get3A_594, %get3A_596 : vector<16xf32>
      %gt3A_598 = arith.constant 0.000000e+00 : f32
      %gt3A_599 = vector.broadcast %gt3A_598 : f32 to vector<16xf32>
      %gt3A_600 = arith.cmpf ogt, %add3A_597, %gt3A_599 : vector<16xf32>
      %mul3A_601 = arith.constant 2.000000e-01 : f32
      %mul3A_602 = vector.broadcast %mul3A_601 : f32 to vector<16xf32>
      %mul3A_603 = arith.mulf %add3A_597, %mul3A_602 : vector<16xf32>
      %select_n3A_604 = arith.select %gt3A_600, %add3A_597, %mul3A_603 : vector<16xi1>, vector<16xf32>
      %sub3A_605 = arith.subf %select_n3A_604, %get3A_31 : vector<16xf32>
      %exp3A_606 = math.exp %sub3A_605 : vector<16xf32>
      %swap3A_607 = arith.constant 0 : index
      %swap3A_608 = tpu.vector_load %arg26[%swap3A_607] {strides = array<i32>} : memref<80xf32, #tpu.memory_space<vmem>>, vector<16xf32>,
      tpu.vector_store %arg26[%swap3A_607], %exp3A_606 {strides = array<i32>} : memref<80xf32, #tpu.memory_space<vmem>>, vector<16xf32>,
      %get3A_609 = arith.constant 16 : index
      %get3A_610 = tpu.vector_load %arg18[%get3A_609] {strides = array<i32>} : memref<80xf32, #tpu.memory_space<vmem>>, vector<16xf32>,
      %get3A_611 = arith.constant 16 : index
      %get3A_612 = tpu.vector_load %arg22[%get3A_611] {strides = array<i32>} : memref<80xf32, #tpu.memory_space<vmem>>, vector<16xf32>,
      %add3A_613 = arith.addf %get3A_610, %get3A_612 : vector<16xf32>
      %gt3A_614 = arith.constant 0.000000e+00 : f32
      %gt3A_615 = vector.broadcast %gt3A_614 : f32 to vector<16xf32>
      %gt3A_616 = arith.cmpf ogt, %add3A_613, %gt3A_615 : vector<16xf32>
      %mul3A_617 = arith.constant 2.000000e-01 : f32
      %mul3A_618 = vector.broadcast %mul3A_617 : f32 to vector<16xf32>
      %mul3A_619 = arith.mulf %add3A_613, %mul3A_618 : vector<16xf32>
      %select_n3A_620 = arith.select %gt3A_616, %add3A_613, %mul3A_619 : vector<16xi1>, vector<16xf32>
      %sub3A_621 = arith.subf %select_n3A_620, %get3A_31 : vector<16xf32>
      %exp3A_622 = math.exp %sub3A_621 : vector<16xf32>
      %swap3A_623 = arith.constant 16 : index
      %swap3A_624 = tpu.vector_load %arg26[%swap3A_623] {strides = array<i32>} : memref<80xf32, #tpu.memory_space<vmem>>, vector<16xf32>,
      tpu.vector_store %arg26[%swap3A_623], %exp3A_622 {strides = array<i32>} : memref<80xf32, #tpu.memory_space<vmem>>, vector<16xf32>,
      %get3A_625 = arith.constant 32 : index
      %get3A_626 = tpu.vector_load %arg18[%get3A_625] {strides = array<i32>} : memref<80xf32, #tpu.memory_space<vmem>>, vector<16xf32>,
      %get3A_627 = arith.constant 32 : index
      %get3A_628 = tpu.vector_load %arg22[%get3A_627] {strides = array<i32>} : memref<80xf32, #tpu.memory_space<vmem>>, vector<16xf32>,
      %add3A_629 = arith.addf %get3A_626, %get3A_628 : vector<16xf32>
      %gt3A_630 = arith.constant 0.000000e+00 : f32
      %gt3A_631 = vector.broadcast %gt3A_630 : f32 to vector<16xf32>
      %gt3A_632 = arith.cmpf ogt, %add3A_629, %gt3A_631 : vector<16xf32>
      %mul3A_633 = arith.constant 2.000000e-01 : f32
      %mul3A_634 = vector.broadcast %mul3A_633 : f32 to vector<16xf32>
      %mul3A_635 = arith.mulf %add3A_629, %mul3A_634 : vector<16xf32>
      %select_n3A_636 = arith.select %gt3A_632, %add3A_629, %mul3A_635 : vector<16xi1>, vector<16xf32>
      %sub3A_637 = arith.subf %select_n3A_636, %get3A_31 : vector<16xf32>
      %exp3A_638 = math.exp %sub3A_637 : vector<16xf32>
      %swap3A_639 = arith.constant 32 : index
      %swap3A_640 = tpu.vector_load %arg26[%swap3A_639] {strides = array<i32>} : memref<80xf32, #tpu.memory_space<vmem>>, vector<16xf32>,
      tpu.vector_store %arg26[%swap3A_639], %exp3A_638 {strides = array<i32>} : memref<80xf32, #tpu.memory_space<vmem>>, vector<16xf32>,
      %get3A_641 = arith.constant 48 : index
      %get3A_642 = tpu.vector_load %arg18[%get3A_641] {strides = array<i32>} : memref<80xf32, #tpu.memory_space<vmem>>, vector<16xf32>,
      %get3A_643 = arith.constant 48 : index
      %get3A_644 = tpu.vector_load %arg22[%get3A_643] {strides = array<i32>} : memref<80xf32, #tpu.memory_space<vmem>>, vector<16xf32>,
      %add3A_645 = arith.addf %get3A_642, %get3A_644 : vector<16xf32>
      %gt3A_646 = arith.constant 0.000000e+00 : f32
      %gt3A_647 = vector.broadcast %gt3A_646 : f32 to vector<16xf32>
      %gt3A_648 = arith.cmpf ogt, %add3A_645, %gt3A_647 : vector<16xf32>
      %mul3A_649 = arith.constant 2.000000e-01 : f32
      %mul3A_650 = vector.broadcast %mul3A_649 : f32 to vector<16xf32>
      %mul3A_651 = arith.mulf %add3A_645, %mul3A_650 : vector<16xf32>
      %select_n3A_652 = arith.select %gt3A_648, %add3A_645, %mul3A_651 : vector<16xi1>, vector<16xf32>
      %sub3A_653 = arith.subf %select_n3A_652, %get3A_31 : vector<16xf32>
      %exp3A_654 = math.exp %sub3A_653 : vector<16xf32>
      %swap3A_655 = arith.constant 48 : index
      %swap3A_656 = tpu.vector_load %arg26[%swap3A_655] {strides = array<i32>} : memref<80xf32, #tpu.memory_space<vmem>>, vector<16xf32>,
      tpu.vector_store %arg26[%swap3A_655], %exp3A_654 {strides = array<i32>} : memref<80xf32, #tpu.memory_space<vmem>>, vector<16xf32>,
      %get3A_657 = arith.constant 64 : index
      %get3A_658 = tpu.vector_load %arg18[%get3A_657] {strides = array<i32>} : memref<80xf32, #tpu.memory_space<vmem>>, vector<16xf32>,
      %get3A_659 = arith.constant 64 : index
      %get3A_660 = tpu.vector_load %arg22[%get3A_659] {strides = array<i32>} : memref<80xf32, #tpu.memory_space<vmem>>, vector<16xf32>,
      %add3A_661 = arith.addf %get3A_658, %get3A_660 : vector<16xf32>
      %gt3A_662 = arith.constant 0.000000e+00 : f32
      %gt3A_663 = vector.broadcast %gt3A_662 : f32 to vector<16xf32>
      %gt3A_664 = arith.cmpf ogt, %add3A_661, %gt3A_663 : vector<16xf32>
      %mul3A_665 = arith.constant 2.000000e-01 : f32
      %mul3A_666 = vector.broadcast %mul3A_665 : f32 to vector<16xf32>
      %mul3A_667 = arith.mulf %add3A_661, %mul3A_666 : vector<16xf32>
      %select_n3A_668 = arith.select %gt3A_664, %add3A_661, %mul3A_667 : vector<16xi1>, vector<16xf32>
      %sub3A_669 = arith.subf %select_n3A_668, %get3A_31 : vector<16xf32>
      %exp3A_670 = math.exp %sub3A_669 : vector<16xf32>
      %swap3A_671 = arith.constant 64 : index
      %swap3A_672 = tpu.vector_load %arg26[%swap3A_671] {strides = array<i32>} : memref<80xf32, #tpu.memory_space<vmem>>, vector<16xf32>,
      tpu.vector_store %arg26[%swap3A_671], %exp3A_670 {strides = array<i32>} : memref<80xf32, #tpu.memory_space<vmem>>, vector<16xf32>,
      %scan3A_673 = arith.constant 0 : i32
      %scan3A_674 = arith.constant 0 : i32
      %scan3A_675 = arith.addi %scan3A_673, %scan3A_674 : i32
      %scan3A_676 = arith.constant 0 : i32
      %dma_start3A_677 = arith.constant 0 : i32
      %dma_start3A_678 = arith.constant 0 : i32
      %dma_start3A_679 = tpu.memref_slice %arg42[%dma_start3A_677, %dma_start3A_678] : memref<10240x128xf32, #tpu.memory_space<vmem_shared>> -> memref<80x128xf32, #tpu.memory_space<vmem_shared>>
      %dma_start3A_680 = arith.constant 0 : i32
      %dma_start3A_681 = arith.constant 0 : i32
      %dma_start3A_682 = tpu.memref_slice %arg42[%dma_start3A_680, %dma_start3A_681] : memref<10240x128xf32, #tpu.memory_space<vmem_shared>> -> memref<80x128xf32, #tpu.memory_space<vmem_shared>>
      tpu.enqueue_dma source(%arg30 : memref<80x128xf32, #tpu.memory_space<vmem>>) target(%dma_start3A_682 : memref<80x128xf32, #tpu.memory_space<vmem_shared>>) target_semaphore(%arg38 : memref<!tpu.dma_semaphore, #tpu.memory_space<semaphore_mem>>)
      %dma_start3A_683 = arith.constant 0 : i32
      %dma_start3A_684 = tpu.memref_slice %arg43[%dma_start3A_683] : memref<10240xf32, #tpu.memory_space<vmem_shared>> -> memref<10240xf32, #tpu.memory_space<vmem_shared>>
      tpu.enqueue_indirect_dma source(%arg26 : memref<80xf32, #tpu.memory_space<vmem>>) target(%dma_start3A_684 : memref<10240xf32, #tpu.memory_space<vmem_shared>>) offsets(%arg14 : memref<80xi32, #tpu.memory_space<vmem>>) semaphore(%arg38 : memref<!tpu.dma_semaphore, #tpu.memory_space<semaphore_mem>>) {add = true}
      %dma_wait3A_685 = arith.constant 0 : i32
      %dma_wait3A_686 = arith.constant 0 : i32
      %dma_wait3A_687 = tpu.memref_slice %arg42[%dma_wait3A_685, %dma_wait3A_686] : memref<10240x128xf32, #tpu.memory_space<vmem_shared>> -> memref<10240x128xf32, #tpu.memory_space<vmem_shared>>
      tpu.wait_indirect_dma semaphore(%arg39 : memref<!tpu.dma_semaphore, #tpu.memory_space<semaphore_mem>>) src(%arg31 : memref<80x128xf32, #tpu.memory_space<vmem>>) dst(%dma_wait3A_687 : memref<10240x128xf32, #tpu.memory_space<vmem_shared>>)
      %dma_wait3A_688 = arith.constant 0 : i32
      %dma_wait3A_689 = tpu.memref_slice %arg43[%dma_wait3A_688] : memref<10240xf32, #tpu.memory_space<vmem_shared>> -> memref<10240xf32, #tpu.memory_space<vmem_shared>>
      tpu.wait_indirect_dma semaphore(%arg39 : memref<!tpu.dma_semaphore, #tpu.memory_space<semaphore_mem>>) src(%arg27 : memref<80xf32, #tpu.memory_space<vmem>>) dst(%dma_wait3A_689 : memref<10240xf32, #tpu.memory_space<vmem_shared>>)
      %dma_wait3A_690 = arith.constant 0 : i32
      %dma_wait3A_691 = arith.constant 0 : i32
      %dma_wait3A_692 = tpu.memref_slice %arg42[%dma_wait3A_690, %dma_wait3A_691] : memref<10240x128xf32, #tpu.memory_space<vmem_shared>> -> memref<10240x128xf32, #tpu.memory_space<vmem_shared>>
      tpu.wait_indirect_dma semaphore(%arg40 : memref<!tpu.dma_semaphore, #tpu.memory_space<semaphore_mem>>) src(%arg32 : memref<80x128xf32, #tpu.memory_space<vmem>>) dst(%dma_wait3A_692 : memref<10240x128xf32, #tpu.memory_space<vmem_shared>>)
      %dma_wait3A_693 = arith.constant 0 : i32
      %dma_wait3A_694 = tpu.memref_slice %arg43[%dma_wait3A_693] : memref<10240xf32, #tpu.memory_space<vmem_shared>> -> memref<10240xf32, #tpu.memory_space<vmem_shared>>
      tpu.wait_indirect_dma semaphore(%arg40 : memref<!tpu.dma_semaphore, #tpu.memory_space<semaphore_mem>>) src(%arg28 : memref<80xf32, #tpu.memory_space<vmem>>) dst(%dma_wait3A_694 : memref<10240xf32, #tpu.memory_space<vmem_shared>>)
      %dma_wait3A_695 = arith.constant 0 : i32
      %dma_wait3A_696 = arith.constant 0 : i32
      %dma_wait3A_697 = tpu.memref_slice %arg42[%dma_wait3A_695, %dma_wait3A_696] : memref<10240x128xf32, #tpu.memory_space<vmem_shared>> -> memref<10240x128xf32, #tpu.memory_space<vmem_shared>>
      tpu.wait_indirect_dma semaphore(%arg41 : memref<!tpu.dma_semaphore, #tpu.memory_space<semaphore_mem>>) src(%arg33 : memref<80x128xf32, #tpu.memory_space<vmem>>) dst(%dma_wait3A_697 : memref<10240x128xf32, #tpu.memory_space<vmem_shared>>)
      %dma_wait3A_698 = arith.constant 0 : i32
      %dma_wait3A_699 = tpu.memref_slice %arg43[%dma_wait3A_698] : memref<10240xf32, #tpu.memory_space<vmem_shared>> -> memref<10240xf32, #tpu.memory_space<vmem_shared>>
      tpu.wait_indirect_dma semaphore(%arg41 : memref<!tpu.dma_semaphore, #tpu.memory_space<semaphore_mem>>) src(%arg29 : memref<80xf32, #tpu.memory_space<vmem>>) dst(%dma_wait3A_699 : memref<10240xf32, #tpu.memory_space<vmem_shared>>)
      %dma_wait3A_700 = arith.constant 0 : i32
      %dma_wait3A_701 = arith.constant 0 : i32
      %dma_wait3A_702 = tpu.memref_slice %arg42[%dma_wait3A_700, %dma_wait3A_701] : memref<10240x128xf32, #tpu.memory_space<vmem_shared>> -> memref<10240x128xf32, #tpu.memory_space<vmem_shared>>
      tpu.wait_indirect_dma semaphore(%arg38 : memref<!tpu.dma_semaphore, #tpu.memory_space<semaphore_mem>>) src(%arg30 : memref<80x128xf32, #tpu.memory_space<vmem>>) dst(%dma_wait3A_702 : memref<10240x128xf32, #tpu.memory_space<vmem_shared>>)
      %dma_wait3A_703 = arith.constant 0 : i32
      %dma_wait3A_704 = tpu.memref_slice %arg43[%dma_wait3A_703] : memref<10240xf32, #tpu.memory_space<vmem_shared>> -> memref<10240xf32, #tpu.memory_space<vmem_shared>>
      tpu.wait_indirect_dma semaphore(%arg38 : memref<!tpu.dma_semaphore, #tpu.memory_space<semaphore_mem>>) src(%arg26 : memref<80xf32, #tpu.memory_space<vmem>>) dst(%dma_wait3A_704 : memref<10240xf32, #tpu.memory_space<vmem_shared>>)
    }
    %scan3A_36 = arith.constant 5 : i32
    %barrier3A_37 = arith.constant 0 : index
    tpu.barrier barrier_id(%barrier3A_37)
    %add3A_38 = arith.constant 0 : i32
    %add3A_39 = arith.addi %mul3A_14, %add3A_38 : i32
    "tpu.region"() ({
      %run_scoped3A = tpu.sem_alloc : memref<!tpu.dma_semaphore, #tpu.memory_space<semaphore_mem>>
      %dma_start3A = arith.constant 0 : i32
      %dma_start3A_54 = tpu.memref_slice %arg8[%arg0, %add3A_39, %dma_start3A] : memref<2x10240x128xf32, #tpu.memory_space<hbm>> -> memref<1x80x128xf32, #tpu.memory_space<hbm>>
      %dma_start3A_55 = tpu.memref_squeeze %dma_start3A_54 : memref<1x80x128xf32, #tpu.memory_space<hbm>> -> memref<80x128xf32, #tpu.memory_space<hbm>>
      %dma_start3A_56 = arith.constant 0 : i32
      %dma_start3A_57 = tpu.memref_slice %arg42[%add3A_39, %dma_start3A_56] : memref<10240x128xf32, #tpu.memory_space<vmem_shared>> -> memref<80x128xf32, #tpu.memory_space<vmem_shared>>
      tpu.enqueue_dma source(%dma_start3A_57 : memref<80x128xf32, #tpu.memory_space<vmem_shared>>) target(%dma_start3A_55 : memref<80x128xf32, #tpu.memory_space<hbm>>) target_semaphore(%run_scoped3A : memref<!tpu.dma_semaphore, #tpu.memory_space<semaphore_mem>>)
      %dma_wait3A = arith.constant 0 : i32
      %dma_wait3A_58 = tpu.memref_slice %arg8[%arg0, %add3A_39, %dma_wait3A] : memref<2x10240x128xf32, #tpu.memory_space<hbm>> -> memref<1x80x128xf32, #tpu.memory_space<hbm>>
      %dma_wait3A_59 = tpu.memref_squeeze %dma_wait3A_58 : memref<1x80x128xf32, #tpu.memory_space<hbm>> -> memref<80x128xf32, #tpu.memory_space<hbm>>
      %dma_wait3A_60 = arith.constant 0 : i32
      %dma_wait3A_61 = tpu.memref_slice %arg42[%add3A_39, %dma_wait3A_60] : memref<10240x128xf32, #tpu.memory_space<vmem_shared>> -> memref<80x128xf32, #tpu.memory_space<vmem_shared>>
      tpu.wait_dma2 semaphore(%run_scoped3A : memref<!tpu.dma_semaphore, #tpu.memory_space<semaphore_mem>>) src(%dma_wait3A_61 : memref<80x128xf32, #tpu.memory_space<vmem_shared>>) dst(%dma_wait3A_59 : memref<80x128xf32, #tpu.memory_space<hbm>>)
      tpu.yield
    }) : () -> ()
    %add3A_40 = arith.constant 80 : i32
    %add3A_41 = arith.addi %mul3A_14, %add3A_40 : i32
    "tpu.region"() ({
      %run_scoped3A = tpu.sem_alloc : memref<!tpu.dma_semaphore, #tpu.memory_space<semaphore_mem>>
      %dma_start3A = arith.constant 0 : i32
      %dma_start3A_54 = tpu.memref_slice %arg8[%arg0, %add3A_41, %dma_start3A] : memref<2x10240x128xf32, #tpu.memory_space<hbm>> -> memref<1x80x128xf32, #tpu.memory_space<hbm>>
      %dma_start3A_55 = tpu.memref_squeeze %dma_start3A_54 : memref<1x80x128xf32, #tpu.memory_space<hbm>> -> memref<80x128xf32, #tpu.memory_space<hbm>>
      %dma_start3A_56 = arith.constant 0 : i32
      %dma_start3A_57 = tpu.memref_slice %arg42[%add3A_41, %dma_start3A_56] : memref<10240x128xf32, #tpu.memory_space<vmem_shared>> -> memref<80x128xf32, #tpu.memory_space<vmem_shared>>
      tpu.enqueue_dma source(%dma_start3A_57 : memref<80x128xf32, #tpu.memory_space<vmem_shared>>) target(%dma_start3A_55 : memref<80x128xf32, #tpu.memory_space<hbm>>) target_semaphore(%run_scoped3A : memref<!tpu.dma_semaphore, #tpu.memory_space<semaphore_mem>>)
      %dma_wait3A = arith.constant 0 : i32
      %dma_wait3A_58 = tpu.memref_slice %arg8[%arg0, %add3A_41, %dma_wait3A] : memref<2x10240x128xf32, #tpu.memory_space<hbm>> -> memref<1x80x128xf32, #tpu.memory_space<hbm>>
      %dma_wait3A_59 = tpu.memref_squeeze %dma_wait3A_58 : memref<1x80x128xf32, #tpu.memory_space<hbm>> -> memref<80x128xf32, #tpu.memory_space<hbm>>
      %dma_wait3A_60 = arith.constant 0 : i32
      %dma_wait3A_61 = tpu.memref_slice %arg42[%add3A_41, %dma_wait3A_60] : memref<10240x128xf32, #tpu.memory_space<vmem_shared>> -> memref<80x128xf32, #tpu.memory_space<vmem_shared>>
      tpu.wait_dma2 semaphore(%run_scoped3A : memref<!tpu.dma_semaphore, #tpu.memory_space<semaphore_mem>>) src(%dma_wait3A_61 : memref<80x128xf32, #tpu.memory_space<vmem_shared>>) dst(%dma_wait3A_59 : memref<80x128xf32, #tpu.memory_space<hbm>>)
      tpu.yield
    }) : () -> ()
    %add3A_42 = arith.constant 160 : i32
    %add3A_43 = arith.addi %mul3A_14, %add3A_42 : i32
    "tpu.region"() ({
      %run_scoped3A = tpu.sem_alloc : memref<!tpu.dma_semaphore, #tpu.memory_space<semaphore_mem>>
      %dma_start3A = arith.constant 0 : i32
      %dma_start3A_54 = tpu.memref_slice %arg8[%arg0, %add3A_43, %dma_start3A] : memref<2x10240x128xf32, #tpu.memory_space<hbm>> -> memref<1x80x128xf32, #tpu.memory_space<hbm>>
      %dma_start3A_55 = tpu.memref_squeeze %dma_start3A_54 : memref<1x80x128xf32, #tpu.memory_space<hbm>> -> memref<80x128xf32, #tpu.memory_space<hbm>>
      %dma_start3A_56 = arith.constant 0 : i32
      %dma_start3A_57 = tpu.memref_slice %arg42[%add3A_43, %dma_start3A_56] : memref<10240x128xf32, #tpu.memory_space<vmem_shared>> -> memref<80x128xf32, #tpu.memory_space<vmem_shared>>
      tpu.enqueue_dma source(%dma_start3A_57 : memref<80x128xf32, #tpu.memory_space<vmem_shared>>) target(%dma_start3A_55 : memref<80x128xf32, #tpu.memory_space<hbm>>) target_semaphore(%run_scoped3A : memref<!tpu.dma_semaphore, #tpu.memory_space<semaphore_mem>>)
      %dma_wait3A = arith.constant 0 : i32
      %dma_wait3A_58 = tpu.memref_slice %arg8[%arg0, %add3A_43, %dma_wait3A] : memref<2x10240x128xf32, #tpu.memory_space<hbm>> -> memref<1x80x128xf32, #tpu.memory_space<hbm>>
      %dma_wait3A_59 = tpu.memref_squeeze %dma_wait3A_58 : memref<1x80x128xf32, #tpu.memory_space<hbm>> -> memref<80x128xf32, #tpu.memory_space<hbm>>
      %dma_wait3A_60 = arith.constant 0 : i32
      %dma_wait3A_61 = tpu.memref_slice %arg42[%add3A_43, %dma_wait3A_60] : memref<10240x128xf32, #tpu.memory_space<vmem_shared>> -> memref<80x128xf32, #tpu.memory_space<vmem_shared>>
      tpu.wait_dma2 semaphore(%run_scoped3A : memref<!tpu.dma_semaphore, #tpu.memory_space<semaphore_mem>>) src(%dma_wait3A_61 : memref<80x128xf32, #tpu.memory_space<vmem_shared>>) dst(%dma_wait3A_59 : memref<80x128xf32, #tpu.memory_space<hbm>>)
      tpu.yield
    }) : () -> ()
    %add3A_44 = arith.constant 240 : i32
    %add3A_45 = arith.addi %mul3A_14, %add3A_44 : i32
    "tpu.region"() ({
      %run_scoped3A = tpu.sem_alloc : memref<!tpu.dma_semaphore, #tpu.memory_space<semaphore_mem>>
      %dma_start3A = arith.constant 0 : i32
      %dma_start3A_54 = tpu.memref_slice %arg8[%arg0, %add3A_45, %dma_start3A] : memref<2x10240x128xf32, #tpu.memory_space<hbm>> -> memref<1x80x128xf32, #tpu.memory_space<hbm>>
      %dma_start3A_55 = tpu.memref_squeeze %dma_start3A_54 : memref<1x80x128xf32, #tpu.memory_space<hbm>> -> memref<80x128xf32, #tpu.memory_space<hbm>>
      %dma_start3A_56 = arith.constant 0 : i32
      %dma_start3A_57 = tpu.memref_slice %arg42[%add3A_45, %dma_start3A_56] : memref<10240x128xf32, #tpu.memory_space<vmem_shared>> -> memref<80x128xf32, #tpu.memory_space<vmem_shared>>
      tpu.enqueue_dma source(%dma_start3A_57 : memref<80x128xf32, #tpu.memory_space<vmem_shared>>) target(%dma_start3A_55 : memref<80x128xf32, #tpu.memory_space<hbm>>) target_semaphore(%run_scoped3A : memref<!tpu.dma_semaphore, #tpu.memory_space<semaphore_mem>>)
      %dma_wait3A = arith.constant 0 : i32
      %dma_wait3A_58 = tpu.memref_slice %arg8[%arg0, %add3A_45, %dma_wait3A] : memref<2x10240x128xf32, #tpu.memory_space<hbm>> -> memref<1x80x128xf32, #tpu.memory_space<hbm>>
      %dma_wait3A_59 = tpu.memref_squeeze %dma_wait3A_58 : memref<1x80x128xf32, #tpu.memory_space<hbm>> -> memref<80x128xf32, #tpu.memory_space<hbm>>
      %dma_wait3A_60 = arith.constant 0 : i32
      %dma_wait3A_61 = tpu.memref_slice %arg42[%add3A_45, %dma_wait3A_60] : memref<10240x128xf32, #tpu.memory_space<vmem_shared>> -> memref<80x128xf32, #tpu.memory_space<vmem_shared>>
      tpu.wait_dma2 semaphore(%run_scoped3A : memref<!tpu.dma_semaphore, #tpu.memory_space<semaphore_mem>>) src(%dma_wait3A_61 : memref<80x128xf32, #tpu.memory_space<vmem_shared>>) dst(%dma_wait3A_59 : memref<80x128xf32, #tpu.memory_space<hbm>>)
      tpu.yield
    }) : () -> ()
    %add3A_46 = arith.constant 320 : i32
    %add3A_47 = arith.addi %mul3A_14, %add3A_46 : i32
    "tpu.region"() ({
      %run_scoped3A = tpu.sem_alloc : memref<!tpu.dma_semaphore, #tpu.memory_space<semaphore_mem>>
      %dma_start3A = arith.constant 0 : i32
      %dma_start3A_54 = tpu.memref_slice %arg8[%arg0, %add3A_47, %dma_start3A] : memref<2x10240x128xf32, #tpu.memory_space<hbm>> -> memref<1x80x128xf32, #tpu.memory_space<hbm>>
      %dma_start3A_55 = tpu.memref_squeeze %dma_start3A_54 : memref<1x80x128xf32, #tpu.memory_space<hbm>> -> memref<80x128xf32, #tpu.memory_space<hbm>>
      %dma_start3A_56 = arith.constant 0 : i32
      %dma_start3A_57 = tpu.memref_slice %arg42[%add3A_47, %dma_start3A_56] : memref<10240x128xf32, #tpu.memory_space<vmem_shared>> -> memref<80x128xf32, #tpu.memory_space<vmem_shared>>
      tpu.enqueue_dma source(%dma_start3A_57 : memref<80x128xf32, #tpu.memory_space<vmem_shared>>) target(%dma_start3A_55 : memref<80x128xf32, #tpu.memory_space<hbm>>) target_semaphore(%run_scoped3A : memref<!tpu.dma_semaphore, #tpu.memory_space<semaphore_mem>>)
      %dma_wait3A = arith.constant 0 : i32
      %dma_wait3A_58 = tpu.memref_slice %arg8[%arg0, %add3A_47, %dma_wait3A] : memref<2x10240x128xf32, #tpu.memory_space<hbm>> -> memref<1x80x128xf32, #tpu.memory_space<hbm>>
      %dma_wait3A_59 = tpu.memref_squeeze %dma_wait3A_58 : memref<1x80x128xf32, #tpu.memory_space<hbm>> -> memref<80x128xf32, #tpu.memory_space<hbm>>
      %dma_wait3A_60 = arith.constant 0 : i32
      %dma_wait3A_61 = tpu.memref_slice %arg42[%add3A_47, %dma_wait3A_60] : memref<10240x128xf32, #tpu.memory_space<vmem_shared>> -> memref<80x128xf32, #tpu.memory_space<vmem_shared>>
      tpu.wait_dma2 semaphore(%run_scoped3A : memref<!tpu.dma_semaphore, #tpu.memory_space<semaphore_mem>>) src(%dma_wait3A_61 : memref<80x128xf32, #tpu.memory_space<vmem_shared>>) dst(%dma_wait3A_59 : memref<80x128xf32, #tpu.memory_space<hbm>>)
      tpu.yield
    }) : () -> ()
    %add3A_48 = arith.constant 400 : i32
    %add3A_49 = arith.addi %mul3A_14, %add3A_48 : i32
    "tpu.region"() ({
      %run_scoped3A = tpu.sem_alloc : memref<!tpu.dma_semaphore, #tpu.memory_space<semaphore_mem>>
      %dma_start3A = arith.constant 0 : i32
      %dma_start3A_54 = tpu.memref_slice %arg8[%arg0, %add3A_49, %dma_start3A] : memref<2x10240x128xf32, #tpu.memory_space<hbm>> -> memref<1x80x128xf32, #tpu.memory_space<hbm>>
      %dma_start3A_55 = tpu.memref_squeeze %dma_start3A_54 : memref<1x80x128xf32, #tpu.memory_space<hbm>> -> memref<80x128xf32, #tpu.memory_space<hbm>>
      %dma_start3A_56 = arith.constant 0 : i32
      %dma_start3A_57 = tpu.memref_slice %arg42[%add3A_49, %dma_start3A_56] : memref<10240x128xf32, #tpu.memory_space<vmem_shared>> -> memref<80x128xf32, #tpu.memory_space<vmem_shared>>
      tpu.enqueue_dma source(%dma_start3A_57 : memref<80x128xf32, #tpu.memory_space<vmem_shared>>) target(%dma_start3A_55 : memref<80x128xf32, #tpu.memory_space<hbm>>) target_semaphore(%run_scoped3A : memref<!tpu.dma_semaphore, #tpu.memory_space<semaphore_mem>>)
      %dma_wait3A = arith.constant 0 : i32
      %dma_wait3A_58 = tpu.memref_slice %arg8[%arg0, %add3A_49, %dma_wait3A] : memref<2x10240x128xf32, #tpu.memory_space<hbm>> -> memref<1x80x128xf32, #tpu.memory_space<hbm>>
      %dma_wait3A_59 = tpu.memref_squeeze %dma_wait3A_58 : memref<1x80x128xf32, #tpu.memory_space<hbm>> -> memref<80x128xf32, #tpu.memory_space<hbm>>
      %dma_wait3A_60 = arith.constant 0 : i32
      %dma_wait3A_61 = tpu.memref_slice %arg42[%add3A_49, %dma_wait3A_60] : memref<10240x128xf32, #tpu.memory_space<vmem_shared>> -> memref<80x128xf32, #tpu.memory_space<vmem_shared>>
      tpu.wait_dma2 semaphore(%run_scoped3A : memref<!tpu.dma_semaphore, #tpu.memory_space<semaphore_mem>>) src(%dma_wait3A_61 : memref<80x128xf32, #tpu.memory_space<vmem_shared>>) dst(%dma_wait3A_59 : memref<80x128xf32, #tpu.memory_space<hbm>>)
      tpu.yield
    }) : () -> ()
    %add3A_50 = arith.constant 480 : i32
    %add3A_51 = arith.addi %mul3A_14, %add3A_50 : i32
    "tpu.region"() ({
      %run_scoped3A = tpu.sem_alloc : memref<!tpu.dma_semaphore, #tpu.memory_space<semaphore_mem>>
      %dma_start3A = arith.constant 0 : i32
      %dma_start3A_54 = tpu.memref_slice %arg8[%arg0, %add3A_51, %dma_start3A] : memref<2x10240x128xf32, #tpu.memory_space<hbm>> -> memref<1x80x128xf32, #tpu.memory_space<hbm>>
      %dma_start3A_55 = tpu.memref_squeeze %dma_start3A_54 : memref<1x80x128xf32, #tpu.memory_space<hbm>> -> memref<80x128xf32, #tpu.memory_space<hbm>>
      %dma_start3A_56 = arith.constant 0 : i32
      %dma_start3A_57 = tpu.memref_slice %arg42[%add3A_51, %dma_start3A_56] : memref<10240x128xf32, #tpu.memory_space<vmem_shared>> -> memref<80x128xf32, #tpu.memory_space<vmem_shared>>
      tpu.enqueue_dma source(%dma_start3A_57 : memref<80x128xf32, #tpu.memory_space<vmem_shared>>) target(%dma_start3A_55 : memref<80x128xf32, #tpu.memory_space<hbm>>) target_semaphore(%run_scoped3A : memref<!tpu.dma_semaphore, #tpu.memory_space<semaphore_mem>>)
      %dma_wait3A = arith.constant 0 : i32
      %dma_wait3A_58 = tpu.memref_slice %arg8[%arg0, %add3A_51, %dma_wait3A] : memref<2x10240x128xf32, #tpu.memory_space<hbm>> -> memref<1x80x128xf32, #tpu.memory_space<hbm>>
      %dma_wait3A_59 = tpu.memref_squeeze %dma_wait3A_58 : memref<1x80x128xf32, #tpu.memory_space<hbm>> -> memref<80x128xf32, #tpu.memory_space<hbm>>
      %dma_wait3A_60 = arith.constant 0 : i32
      %dma_wait3A_61 = tpu.memref_slice %arg42[%add3A_51, %dma_wait3A_60] : memref<10240x128xf32, #tpu.memory_space<vmem_shared>> -> memref<80x128xf32, #tpu.memory_space<vmem_shared>>
      tpu.wait_dma2 semaphore(%run_scoped3A : memref<!tpu.dma_semaphore, #tpu.memory_space<semaphore_mem>>) src(%dma_wait3A_61 : memref<80x128xf32, #tpu.memory_space<vmem_shared>>) dst(%dma_wait3A_59 : memref<80x128xf32, #tpu.memory_space<hbm>>)
      tpu.yield
    }) : () -> ()
    %add3A_52 = arith.constant 560 : i32
    %add3A_53 = arith.addi %mul3A_14, %add3A_52 : i32
    "tpu.region"() ({
      %run_scoped3A = tpu.sem_alloc : memref<!tpu.dma_semaphore, #tpu.memory_space<semaphore_mem>>
      %dma_start3A = arith.constant 0 : i32
      %dma_start3A_54 = tpu.memref_slice %arg8[%arg0, %add3A_53, %dma_start3A] : memref<2x10240x128xf32, #tpu.memory_space<hbm>> -> memref<1x80x128xf32, #tpu.memory_space<hbm>>
      %dma_start3A_55 = tpu.memref_squeeze %dma_start3A_54 : memref<1x80x128xf32, #tpu.memory_space<hbm>> -> memref<80x128xf32, #tpu.memory_space<hbm>>
      %dma_start3A_56 = arith.constant 0 : i32
      %dma_start3A_57 = tpu.memref_slice %arg42[%add3A_53, %dma_start3A_56] : memref<10240x128xf32, #tpu.memory_space<vmem_shared>> -> memref<80x128xf32, #tpu.memory_space<vmem_shared>>
      tpu.enqueue_dma source(%dma_start3A_57 : memref<80x128xf32, #tpu.memory_space<vmem_shared>>) target(%dma_start3A_55 : memref<80x128xf32, #tpu.memory_space<hbm>>) target_semaphore(%run_scoped3A : memref<!tpu.dma_semaphore, #tpu.memory_space<semaphore_mem>>)
      %dma_wait3A = arith.constant 0 : i32
      %dma_wait3A_58 = tpu.memref_slice %arg8[%arg0, %add3A_53, %dma_wait3A] : memref<2x10240x128xf32, #tpu.memory_space<hbm>> -> memref<1x80x128xf32, #tpu.memory_space<hbm>>
      %dma_wait3A_59 = tpu.memref_squeeze %dma_wait3A_58 : memref<1x80x128xf32, #tpu.memory_space<hbm>> -> memref<80x128xf32, #tpu.memory_space<hbm>>
      %dma_wait3A_60 = arith.constant 0 : i32
      %dma_wait3A_61 = tpu.memref_slice %arg42[%add3A_53, %dma_wait3A_60] : memref<10240x128xf32, #tpu.memory_space<vmem_shared>> -> memref<80x128xf32, #tpu.memory_space<vmem_shared>>
      tpu.wait_dma2 semaphore(%run_scoped3A : memref<!tpu.dma_semaphore, #tpu.memory_space<semaphore_mem>>) src(%dma_wait3A_61 : memref<80x128xf32, #tpu.memory_space<vmem_shared>>) dst(%dma_wait3A_59 : memref<80x128xf32, #tpu.memory_space<hbm>>)
      tpu.yield
    }) : () -> ()
    "tpu.region"() ({
      %run_scoped3A = tpu.sem_alloc : memref<!tpu.dma_semaphore, #tpu.memory_space<semaphore_mem>>
      %dma_start3A = tpu.memref_slice %arg9[%arg0, %mul3A_14] : memref<2x10240xf32, #tpu.memory_space<hbm>> -> memref<1x640xf32, #tpu.memory_space<hbm>>
      %dma_start3A_54 = tpu.memref_squeeze %dma_start3A : memref<1x640xf32, #tpu.memory_space<hbm>> -> memref<640xf32, #tpu.memory_space<hbm>>
      %dma_start3A_55 = tpu.memref_slice %arg43[%mul3A_14] : memref<10240xf32, #tpu.memory_space<vmem_shared>> -> memref<640xf32, #tpu.memory_space<vmem_shared>>
      tpu.enqueue_dma source(%dma_start3A_55 : memref<640xf32, #tpu.memory_space<vmem_shared>>) target(%dma_start3A_54 : memref<640xf32, #tpu.memory_space<hbm>>) target_semaphore(%run_scoped3A : memref<!tpu.dma_semaphore, #tpu.memory_space<semaphore_mem>>)
      %dma_wait3A = tpu.memref_slice %arg9[%arg0, %mul3A_14] : memref<2x10240xf32, #tpu.memory_space<hbm>> -> memref<1x640xf32, #tpu.memory_space<hbm>>
      %dma_wait3A_56 = tpu.memref_squeeze %dma_wait3A : memref<1x640xf32, #tpu.memory_space<hbm>> -> memref<640xf32, #tpu.memory_space<hbm>>
      %dma_wait3A_57 = tpu.memref_slice %arg43[%mul3A_14] : memref<10240xf32, #tpu.memory_space<vmem_shared>> -> memref<640xf32, #tpu.memory_space<vmem_shared>>
      tpu.wait_dma2 semaphore(%run_scoped3A : memref<!tpu.dma_semaphore, #tpu.memory_space<semaphore_mem>>) src(%dma_wait3A_57 : memref<640xf32, #tpu.memory_space<vmem_shared>>) dst(%dma_wait3A_56 : memref<640xf32, #tpu.memory_space<hbm>>)
      tpu.yield
    }) : () -> ()
    return
  }
}

module attributes {stable_mosaic.version = 14 : i64} {
  func.func @_pre_body(%arg0: i32, %arg1: memref<1000x128xf32, #tpu.memory_space<vmem>>, %arg2: memref<128x128xf32, #tpu.memory_space<vmem>>, %arg3: memref<128x128xf32, #tpu.memory_space<vmem>>, %arg4: memref<128x128xf32, #tpu.memory_space<vmem>>, %arg5: memref<128x1xf32, #tpu.memory_space<vmem>>, %arg6: memref<128x1xf32, #tpu.memory_space<vmem>>, %arg7: memref<1x128xf32, #tpu.memory_space<vmem>>, %arg8: memref<1000x128xf32, #tpu.memory_space<vmem>>, %arg9: memref<1000x128xf32, #tpu.memory_space<vmem>>, %arg10: memref<1000x1xf32, #tpu.memory_space<vmem>>, %arg11: memref<1000x1xf32, #tpu.memory_space<vmem>>, %arg12: memref<1x128xf32, #tpu.memory_space<vmem>>, %arg13: memref<2xf32, #tpu.memory_space<smem>>) attributes {dimension_semantics = [#tpu.dimension_semantics<arbitrary>], iteration_bounds = array<i64: 10>, scalar_prefetch = 0 : i64, scratch_operands = 1 : i64, tpu.core_type = #tpu.core_type<tc>, window_params = [{transform_indices = @transform_0, window_bounds = array<i64: 1000, 128>}, {pipeline_mode = #tpu.pipeline_mode<synchronous>, transform_indices = @transform_1, window_bounds = array<i64: 128, 128>}, {pipeline_mode = #tpu.pipeline_mode<synchronous>, transform_indices = @transform_2, window_bounds = array<i64: 128, 128>}, {pipeline_mode = #tpu.pipeline_mode<synchronous>, transform_indices = @transform_3, window_bounds = array<i64: 128, 128>}, {pipeline_mode = #tpu.pipeline_mode<synchronous>, transform_indices = @transform_4, window_bounds = array<i64: 128, 1>}, {pipeline_mode = #tpu.pipeline_mode<synchronous>, transform_indices = @transform_5, window_bounds = array<i64: 128, 1>}, {pipeline_mode = #tpu.pipeline_mode<synchronous>, transform_indices = @transform_6, window_bounds = array<i64: 1, 128>}, {transform_indices = @transform_7, window_bounds = array<i64: 1000, 128>}, {transform_indices = @transform_8, window_bounds = array<i64: 1000, 128>}, {transform_indices = @transform_9, window_bounds = array<i64: 1000, 1>}, {transform_indices = @transform_10, window_bounds = array<i64: 1000, 1>}, {pipeline_mode = #tpu.pipeline_mode<synchronous>, transform_indices = @transform_11, window_bounds = array<i64: 1, 128>}]} {
    %get3A = arith.constant 0 : index
    %get3A_0 = arith.constant 0 : index
    %get3A_1 = vector.load %arg1[%get3A, %get3A_0] : memref<1000x128xf32, #tpu.memory_space<vmem>>, vector<1000x128xf32>
    %get3A_2 = arith.constant 0 : index
    %get3A_3 = arith.constant 0 : index
    %get3A_4 = vector.load %arg2[%get3A_2, %get3A_3] : memref<128x128xf32, #tpu.memory_space<vmem>>, vector<128x128xf32>
    %get3A_5 = arith.constant 0 : index
    %get3A_6 = arith.constant 0 : index
    %get3A_7 = vector.load %arg3[%get3A_5, %get3A_6] : memref<128x128xf32, #tpu.memory_space<vmem>>, vector<128x128xf32>
    %get3A_8 = arith.constant 0 : index
    %get3A_9 = arith.constant 0 : index
    %get3A_10 = vector.load %arg4[%get3A_8, %get3A_9] : memref<128x128xf32, #tpu.memory_space<vmem>>, vector<128x128xf32>
    %get3A_11 = arith.constant 0 : index
    %get3A_12 = arith.constant 0 : index
    %get3A_13 = vector.load %arg5[%get3A_11, %get3A_12] : memref<128x1xf32, #tpu.memory_space<vmem>>, vector<128x1xf32>
    %get3A_14 = arith.constant 0 : index
    %get3A_15 = arith.constant 0 : index
    %get3A_16 = vector.load %arg6[%get3A_14, %get3A_15] : memref<128x1xf32, #tpu.memory_space<vmem>>, vector<128x1xf32>
    %get3A_17 = arith.constant 0 : index
    %get3A_18 = arith.constant 0 : index
    %get3A_19 = vector.load %arg7[%get3A_17, %get3A_18] : memref<1x128xf32, #tpu.memory_space<vmem>>, vector<1x128xf32>
    %dot_general3A = arith.constant dense<0.000000e+00> : vector<1000x128xf32>
    %dot_general3A_20 = tpu.matmul %get3A_1, %get3A_4, %dot_general3A {dimension_numbers = #tpu.dot_dimension_numbers<[1], [0], [0], [1], [0, 0, 1, 1], [], []>, transpose_lhs_hint = false} : vector<1000x128xf32>, vector<128x128xf32>, vector<1000x128xf32> -> vector<1000x128xf32>
    %swap3A = arith.constant 0 : index
    %swap3A_21 = arith.constant 0 : index
    %swap3A_22 = vector.load %arg8[%swap3A, %swap3A_21] : memref<1000x128xf32, #tpu.memory_space<vmem>>, vector<1000x128xf32>
    tpu.vector_store %arg8[%swap3A, %swap3A_21], %dot_general3A_20 {strides = array<i32>} : memref<1000x128xf32, #tpu.memory_space<vmem>>, vector<1000x128xf32>,
    %dot_general3A_23 = arith.constant dense<0.000000e+00> : vector<1000x128xf32>
    %dot_general3A_24 = tpu.matmul %get3A_1, %get3A_10, %dot_general3A_23 {dimension_numbers = #tpu.dot_dimension_numbers<[1], [0], [0], [1], [0, 0, 1, 1], [], []>, transpose_lhs_hint = false} : vector<1000x128xf32>, vector<128x128xf32>, vector<1000x128xf32> -> vector<1000x128xf32>
    %add3A = vector.broadcast %get3A_19 : vector<1x128xf32> to vector<1000x128xf32>
    %add3A_25 = arith.addf %dot_general3A_24, %add3A : vector<1000x128xf32>
    %swap3A_26 = arith.constant 0 : index
    %swap3A_27 = arith.constant 0 : index
    %swap3A_28 = vector.load %arg9[%swap3A_26, %swap3A_27] : memref<1000x128xf32, #tpu.memory_space<vmem>>, vector<1000x128xf32>
    tpu.vector_store %arg9[%swap3A_26, %swap3A_27], %add3A_25 {strides = array<i32>} : memref<1000x128xf32, #tpu.memory_space<vmem>>, vector<1000x128xf32>,
    %dot_general3A_29 = arith.constant dense<0.000000e+00> : vector<1000x1xf32>
    %dot_general3A_30 = tpu.matmul %dot_general3A_20, %get3A_13, %dot_general3A_29 {dimension_numbers = #tpu.dot_dimension_numbers<[1], [0], [0], [1], [0, 0, 1, 1], [], []>, transpose_lhs_hint = false} : vector<1000x128xf32>, vector<128x1xf32>, vector<1000x1xf32> -> vector<1000x1xf32>
    %swap3A_31 = arith.constant 0 : index
    %swap3A_32 = arith.constant 0 : index
    %swap3A_33 = vector.load %arg10[%swap3A_31, %swap3A_32] : memref<1000x1xf32, #tpu.memory_space<vmem>>, vector<1000x1xf32>
    tpu.vector_store %arg10[%swap3A_31, %swap3A_32], %dot_general3A_30 {strides = array<i32>} : memref<1000x1xf32, #tpu.memory_space<vmem>>, vector<1000x1xf32>,
    %dot_general3A_34 = arith.constant dense<0.000000e+00> : vector<128x1xf32>
    %dot_general3A_35 = tpu.matmul %get3A_7, %get3A_16, %dot_general3A_34 {dimension_numbers = #tpu.dot_dimension_numbers<[1], [0], [0], [1], [0, 0, 1, 1], [], []>, transpose_lhs_hint = false} : vector<128x128xf32>, vector<128x1xf32>, vector<128x1xf32> -> vector<128x1xf32>
    %dot_general3A_36 = arith.constant dense<0.000000e+00> : vector<1000x1xf32>
    %dot_general3A_37 = tpu.matmul %get3A_1, %dot_general3A_35, %dot_general3A_36 {dimension_numbers = #tpu.dot_dimension_numbers<[1], [0], [0], [1], [0, 0, 1, 1], [], []>, transpose_lhs_hint = false} : vector<1000x128xf32>, vector<128x1xf32>, vector<1000x1xf32> -> vector<1000x1xf32>
    %swap3A_38 = arith.constant 0 : index
    %swap3A_39 = arith.constant 0 : index
    %swap3A_40 = vector.load %arg11[%swap3A_38, %swap3A_39] : memref<1000x1xf32, #tpu.memory_space<vmem>>, vector<1000x1xf32>
    tpu.vector_store %arg11[%swap3A_38, %swap3A_39], %dot_general3A_37 {strides = array<i32>} : memref<1000x1xf32, #tpu.memory_space<vmem>>, vector<1000x1xf32>,
    %reduce_max3A = vector.shape_cast %dot_general3A_30 : vector<1000x1xf32> to vector<1x1000x1xf32>
    %reduce_max3A_41 = arith.constant dense<0xFF800000> : vector<1xf32>
    %reduce_max3A_42 = vector.multi_reduction <maximumf>, %reduce_max3A, %reduce_max3A_41 [1, 2] : vector<1x1000x1xf32> to vector<1xf32>
    %reduce_max3A_43 = vector.shape_cast %reduce_max3A_42 : vector<1xf32> to vector<1x1x1xf32>
    %reduce_max3A_44 = vector.extract %reduce_max3A_43[0, 0, 0] : f32 from vector<1x1x1xf32>
    %reduce_max3A_45 = vector.shape_cast %dot_general3A_37 : vector<1000x1xf32> to vector<1x1000x1xf32>
    %reduce_max3A_46 = arith.constant dense<0xFF800000> : vector<1xf32>
    %reduce_max3A_47 = vector.multi_reduction <maximumf>, %reduce_max3A_45, %reduce_max3A_46 [1, 2] : vector<1x1000x1xf32> to vector<1xf32>
    %reduce_max3A_48 = vector.shape_cast %reduce_max3A_47 : vector<1xf32> to vector<1x1x1xf32>
    %reduce_max3A_49 = vector.extract %reduce_max3A_48[0, 0, 0] : f32 from vector<1x1x1xf32>
    %eq3A = arith.constant 0 : i32
    %eq3A_50 = arith.cmpi eq, %arg0, %eq3A : i32
    %convert_element_type3A = arith.extui %eq3A_50 : i1 to i32
    %cond3A = arith.constant 0 : i32
    %cond3A_51 = arith.cmpi ne, %convert_element_type3A, %cond3A : i32
    scf.if %cond3A_51 {
      %swap3A_61 = arith.constant 0 : index
      %swap3A_62 = memref.load %arg13[%swap3A_61] : memref<2xf32, #tpu.memory_space<smem>>
      memref.store %reduce_max3A_44, %arg13[%swap3A_61] : memref<2xf32, #tpu.memory_space<smem>>
      %swap3A_63 = arith.constant 1 : index
      %swap3A_64 = memref.load %arg13[%swap3A_63] : memref<2xf32, #tpu.memory_space<smem>>
      memref.store %reduce_max3A_49, %arg13[%swap3A_63] : memref<2xf32, #tpu.memory_space<smem>>
    } else {
    }
    %ne3A = arith.constant 0 : i32
    %ne3A_52 = arith.cmpi ne, %arg0, %ne3A : i32
    %convert_element_type3A_53 = arith.extui %ne3A_52 : i1 to i32
    %cond3A_54 = arith.constant 0 : i32
    %cond3A_55 = arith.cmpi ne, %convert_element_type3A_53, %cond3A_54 : i32
    scf.if %cond3A_55 {
      %get3A_61 = arith.constant 0 : index
      %get3A_62 = memref.load %arg13[%get3A_61] : memref<2xf32, #tpu.memory_space<smem>>
      %max3A = arith.maximumf %get3A_62, %reduce_max3A_44 : f32
      %swap3A_63 = arith.constant 0 : index
      %swap3A_64 = memref.load %arg13[%swap3A_63] : memref<2xf32, #tpu.memory_space<smem>>
      memref.store %max3A, %arg13[%swap3A_63] : memref<2xf32, #tpu.memory_space<smem>>
      %get3A_65 = arith.constant 1 : index
      %get3A_66 = memref.load %arg13[%get3A_65] : memref<2xf32, #tpu.memory_space<smem>>
      %max3A_67 = arith.maximumf %get3A_66, %reduce_max3A_49 : f32
      %swap3A_68 = arith.constant 1 : index
      %swap3A_69 = memref.load %arg13[%swap3A_68] : memref<2xf32, #tpu.memory_space<smem>>
      memref.store %max3A_67, %arg13[%swap3A_68] : memref<2xf32, #tpu.memory_space<smem>>
    } else {
    }
    %eq3A_56 = arith.constant 9 : i32
    %eq3A_57 = arith.cmpi eq, %arg0, %eq3A_56 : i32
    %convert_element_type3A_58 = arith.extui %eq3A_57 : i1 to i32
    %cond3A_59 = arith.constant 0 : i32
    %cond3A_60 = arith.cmpi ne, %convert_element_type3A_58, %cond3A_59 : i32
    scf.if %cond3A_60 {
      %get3A_61 = arith.constant 0 : index
      %get3A_62 = memref.load %arg13[%get3A_61] : memref<2xf32, #tpu.memory_space<smem>>
      %get3A_63 = arith.constant 1 : index
      %get3A_64 = memref.load %arg13[%get3A_63] : memref<2xf32, #tpu.memory_space<smem>>
      %add3A_65 = arith.addf %get3A_62, %get3A_64 : f32
      %gt3A = arith.constant 0.000000e+00 : f32
      %gt3A_66 = arith.cmpf ogt, %add3A_65, %gt3A : f32
      %mul3A = arith.constant 2.000000e-01 : f32
      %mul3A_67 = arith.mulf %mul3A, %add3A_65 : f32
      %select_n3A = arith.select %gt3A_66, %add3A_65, %mul3A_67 : f32
      %broadcast_in_dim3A = vector.broadcast %select_n3A : f32 to vector<1x128xf32>
      %swap3A_68 = arith.constant 0 : index
      %swap3A_69 = arith.constant 0 : index
      %swap3A_70 = vector.load %arg12[%swap3A_68, %swap3A_69] : memref<1x128xf32, #tpu.memory_space<vmem>>, vector<1x128xf32>
      tpu.vector_store %arg12[%swap3A_68, %swap3A_69], %broadcast_in_dim3A {strides = array<i32>} : memref<1x128xf32, #tpu.memory_space<vmem>>, vector<1x128xf32>,
    } else {
    }
    return
  }
  func.func @transform_0(%arg0: i32) -> (i32, i32) {
    %c0_i32 = arith.constant 0 : i32
    %c0_i32_0 = arith.constant 0 : i32
    return %arg0, %c0_i32 : i32, i32
  }
  func.func @transform_1(%arg0: i32) -> (i32, i32) {
    %c0_i32 = arith.constant 0 : i32
    %c0_i32_0 = arith.constant 0 : i32
    %c0_i32_1 = arith.constant 0 : i32
    return %c0_i32, %c0_i32_0 : i32, i32
  }
  func.func @transform_2(%arg0: i32) -> (i32, i32) {
    %c0_i32 = arith.constant 0 : i32
    %c0_i32_0 = arith.constant 0 : i32
    %c0_i32_1 = arith.constant 0 : i32
    return %c0_i32, %c0_i32_0 : i32, i32
  }
  func.func @transform_3(%arg0: i32) -> (i32, i32) {
    %c0_i32 = arith.constant 0 : i32
    %c0_i32_0 = arith.constant 0 : i32
    %c0_i32_1 = arith.constant 0 : i32
    return %c0_i32, %c0_i32_0 : i32, i32
  }
  func.func @transform_4(%arg0: i32) -> (i32, i32) {
    %c0_i32 = arith.constant 0 : i32
    %c0_i32_0 = arith.constant 0 : i32
    %c0_i32_1 = arith.constant 0 : i32
    return %c0_i32, %c0_i32_0 : i32, i32
  }
  func.func @transform_5(%arg0: i32) -> (i32, i32) {
    %c0_i32 = arith.constant 0 : i32
    %c0_i32_0 = arith.constant 0 : i32
    %c0_i32_1 = arith.constant 0 : i32
    return %c0_i32, %c0_i32_0 : i32, i32
  }
  func.func @transform_6(%arg0: i32) -> (i32, i32) {
    %c0_i32 = arith.constant 0 : i32
    %c0_i32_0 = arith.constant 0 : i32
    %c0_i32_1 = arith.constant 0 : i32
    return %c0_i32, %c0_i32_0 : i32, i32
  }
  func.func @transform_7(%arg0: i32) -> (i32, i32) {
    %c0_i32 = arith.constant 0 : i32
    %c0_i32_0 = arith.constant 0 : i32
    return %arg0, %c0_i32 : i32, i32
  }
  func.func @transform_8(%arg0: i32) -> (i32, i32) {
    %c0_i32 = arith.constant 0 : i32
    %c0_i32_0 = arith.constant 0 : i32
    return %arg0, %c0_i32 : i32, i32
  }
  func.func @transform_9(%arg0: i32) -> (i32, i32) {
    %c0_i32 = arith.constant 0 : i32
    %c0_i32_0 = arith.constant 0 : i32
    return %arg0, %c0_i32 : i32, i32
  }
  func.func @transform_10(%arg0: i32) -> (i32, i32) {
    %c0_i32 = arith.constant 0 : i32
    %c0_i32_0 = arith.constant 0 : i32
    return %arg0, %c0_i32 : i32, i32
  }
  func.func @transform_11(%arg0: i32) -> (i32, i32) {
    %c0_i32 = arith.constant 0 : i32
    %c0_i32_0 = arith.constant 0 : i32
    %c0_i32_1 = arith.constant 0 : i32
    return %c0_i32, %c0_i32_0 : i32, i32
  }
}

module attributes {stable_mosaic.version = 14 : i64} {
  func.func @_comb_body(%arg0: i32, %arg1: memref<2x1000x128xf32, #tpu.memory_space<vmem>>, %arg2: memref<1000x2xf32, #tpu.memory_space<vmem>>, %arg3: memref<1000x128xf32, #tpu.memory_space<vmem>>, %arg4: memref<1x128xf32, #tpu.memory_space<vmem>>, %arg5: memref<128x128xf32, #tpu.memory_space<vmem>>, %arg6: memref<128x128xf32, #tpu.memory_space<vmem>>, %arg7: memref<128x128xf32, #tpu.memory_space<vmem>>, %arg8: memref<128x1xf32, #tpu.memory_space<vmem>>, %arg9: memref<128x1xf32, #tpu.memory_space<vmem>>, %arg10: memref<1x128xf32, #tpu.memory_space<vmem>>, %arg11: memref<1000x128xf32, #tpu.memory_space<vmem>>, %arg12: memref<1000x128xf32, #tpu.memory_space<vmem>>, %arg13: memref<1000x1xf32, #tpu.memory_space<vmem>>, %arg14: memref<1000x1xf32, #tpu.memory_space<vmem>>, %arg15: memref<1x128xf32, #tpu.memory_space<vmem>>, %arg16: memref<2xf32, #tpu.memory_space<smem>>) attributes {dimension_semantics = [#tpu.dimension_semantics<arbitrary>], iteration_bounds = array<i64: 10>, scalar_prefetch = 0 : i64, scratch_operands = 1 : i64, tpu.core_type = #tpu.core_type<tc>, window_params = [{transform_indices = @transform_0, window_bounds = array<i64: 2, 1000, 128>}, {transform_indices = @transform_1, window_bounds = array<i64: 1000, 2>}, {transform_indices = @transform_2, window_bounds = array<i64: 1000, 128>}, {pipeline_mode = #tpu.pipeline_mode<synchronous>, transform_indices = @transform_3, window_bounds = array<i64: 1, 128>}, {pipeline_mode = #tpu.pipeline_mode<synchronous>, transform_indices = @transform_4, window_bounds = array<i64: 128, 128>}, {pipeline_mode = #tpu.pipeline_mode<synchronous>, transform_indices = @transform_5, window_bounds = array<i64: 128, 128>}, {pipeline_mode = #tpu.pipeline_mode<synchronous>, transform_indices = @transform_6, window_bounds = array<i64: 128, 128>}, {pipeline_mode = #tpu.pipeline_mode<synchronous>, transform_indices = @transform_7, window_bounds = array<i64: 128, 1>}, {pipeline_mode = #tpu.pipeline_mode<synchronous>, transform_indices = @transform_8, window_bounds = array<i64: 128, 1>}, {pipeline_mode = #tpu.pipeline_mode<synchronous>, transform_indices = @transform_9, window_bounds = array<i64: 1, 128>}, {transform_indices = @transform_10, window_bounds = array<i64: 1000, 128>}, {transform_indices = @transform_11, window_bounds = array<i64: 1000, 128>}, {transform_indices = @transform_12, window_bounds = array<i64: 1000, 1>}, {transform_indices = @transform_13, window_bounds = array<i64: 1000, 1>}, {pipeline_mode = #tpu.pipeline_mode<synchronous>, transform_indices = @transform_14, window_bounds = array<i64: 1, 128>}]} {
    %get3A = arith.constant 0 : index
    %get3A_0 = arith.constant 0 : index
    %get3A_1 = arith.constant 0 : index
    %get3A_2 = vector.load %arg1[%get3A, %get3A_0, %get3A_1] : memref<2x1000x128xf32, #tpu.memory_space<vmem>>, vector<1x1000x128xf32>
    %get3A_3 = vector.shape_cast %get3A_2 : vector<1x1000x128xf32> to vector<1000x128xf32>
    %get3A_4 = arith.constant 1 : index
    %get3A_5 = arith.constant 0 : index
    %get3A_6 = arith.constant 0 : index
    %get3A_7 = vector.load %arg1[%get3A_4, %get3A_5, %get3A_6] : memref<2x1000x128xf32, #tpu.memory_space<vmem>>, vector<1x1000x128xf32>
    %get3A_8 = vector.shape_cast %get3A_7 : vector<1x1000x128xf32> to vector<1000x128xf32>
    %add3A = arith.addf %get3A_3, %get3A_8 : vector<1000x128xf32>
    %get3A_9 = arith.constant 0 : index
    %get3A_10 = arith.constant 0 : index
    %get3A_11 = vector.load %arg2[%get3A_9, %get3A_10] : memref<1000x2xf32, #tpu.memory_space<vmem>>, vector<1000x2xf32>
    %reduce_sum3A = arith.constant dense<0.000000e+00> : vector<1000xf32>
    %reduce_sum3A_12 = vector.multi_reduction <add>, %get3A_11, %reduce_sum3A [1] : vector<1000x2xf32> to vector<1000xf32>
    %broadcast_in_dim3A = vector.shape_cast %reduce_sum3A_12 : vector<1000xf32> to vector<1000x1xf32>
    %add3A_13 = arith.constant 1.000000e-16 : f32
    %add3A_14 = vector.broadcast %add3A_13 : f32 to vector<1000x1xf32>
    %add3A_15 = arith.addf %broadcast_in_dim3A, %add3A_14 : vector<1000x1xf32>
    %div3A = vector.broadcast %add3A_15 : vector<1000x1xf32> to vector<1000x128xf32>
    %div3A_16 = arith.divf %add3A, %div3A : vector<1000x128xf32>
    %get3A_17 = arith.constant 0 : index
    %get3A_18 = arith.constant 0 : index
    %get3A_19 = vector.load %arg4[%get3A_17, %get3A_18] : memref<1x128xf32, #tpu.memory_space<vmem>>, vector<1x128xf32>
    %add3A_20 = vector.broadcast %get3A_19 : vector<1x128xf32> to vector<1000x128xf32>
    %add3A_21 = arith.addf %div3A_16, %add3A_20 : vector<1000x128xf32>
    %get3A_22 = arith.constant 0 : index
    %get3A_23 = arith.constant 0 : index
    %get3A_24 = vector.load %arg3[%get3A_22, %get3A_23] : memref<1000x128xf32, #tpu.memory_space<vmem>>, vector<1000x128xf32>
    %add3A_25 = arith.addf %add3A_21, %get3A_24 : vector<1000x128xf32>
    %max3A = arith.constant 0.000000e+00 : f32
    %max3A_26 = vector.broadcast %max3A : f32 to vector<1000x128xf32>
    %max3A_27 = arith.maximumf %add3A_25, %max3A_26 : vector<1000x128xf32>
    %get3A_28 = arith.constant 0 : index
    %get3A_29 = arith.constant 0 : index
    %get3A_30 = vector.load %arg5[%get3A_28, %get3A_29] : memref<128x128xf32, #tpu.memory_space<vmem>>, vector<128x128xf32>
    %get3A_31 = arith.constant 0 : index
    %get3A_32 = arith.constant 0 : index
    %get3A_33 = vector.load %arg6[%get3A_31, %get3A_32] : memref<128x128xf32, #tpu.memory_space<vmem>>, vector<128x128xf32>
    %get3A_34 = arith.constant 0 : index
    %get3A_35 = arith.constant 0 : index
    %get3A_36 = vector.load %arg7[%get3A_34, %get3A_35] : memref<128x128xf32, #tpu.memory_space<vmem>>, vector<128x128xf32>
    %get3A_37 = arith.constant 0 : index
    %get3A_38 = arith.constant 0 : index
    %get3A_39 = vector.load %arg8[%get3A_37, %get3A_38] : memref<128x1xf32, #tpu.memory_space<vmem>>, vector<128x1xf32>
    %get3A_40 = arith.constant 0 : index
    %get3A_41 = arith.constant 0 : index
    %get3A_42 = vector.load %arg9[%get3A_40, %get3A_41] : memref<128x1xf32, #tpu.memory_space<vmem>>, vector<128x1xf32>
    %get3A_43 = arith.constant 0 : index
    %get3A_44 = arith.constant 0 : index
    %get3A_45 = vector.load %arg10[%get3A_43, %get3A_44] : memref<1x128xf32, #tpu.memory_space<vmem>>, vector<1x128xf32>
    %dot_general3A = arith.constant dense<0.000000e+00> : vector<1000x128xf32>
    %dot_general3A_46 = tpu.matmul %max3A_27, %get3A_30, %dot_general3A {dimension_numbers = #tpu.dot_dimension_numbers<[1], [0], [0], [1], [0, 0, 1, 1], [], []>, transpose_lhs_hint = false} : vector<1000x128xf32>, vector<128x128xf32>, vector<1000x128xf32> -> vector<1000x128xf32>
    %swap3A = arith.constant 0 : index
    %swap3A_47 = arith.constant 0 : index
    %swap3A_48 = vector.load %arg11[%swap3A, %swap3A_47] : memref<1000x128xf32, #tpu.memory_space<vmem>>, vector<1000x128xf32>
    tpu.vector_store %arg11[%swap3A, %swap3A_47], %dot_general3A_46 {strides = array<i32>} : memref<1000x128xf32, #tpu.memory_space<vmem>>, vector<1000x128xf32>,
    %dot_general3A_49 = arith.constant dense<0.000000e+00> : vector<1000x128xf32>
    %dot_general3A_50 = tpu.matmul %max3A_27, %get3A_36, %dot_general3A_49 {dimension_numbers = #tpu.dot_dimension_numbers<[1], [0], [0], [1], [0, 0, 1, 1], [], []>, transpose_lhs_hint = false} : vector<1000x128xf32>, vector<128x128xf32>, vector<1000x128xf32> -> vector<1000x128xf32>
    %add3A_51 = vector.broadcast %get3A_45 : vector<1x128xf32> to vector<1000x128xf32>
    %add3A_52 = arith.addf %dot_general3A_50, %add3A_51 : vector<1000x128xf32>
    %swap3A_53 = arith.constant 0 : index
    %swap3A_54 = arith.constant 0 : index
    %swap3A_55 = vector.load %arg12[%swap3A_53, %swap3A_54] : memref<1000x128xf32, #tpu.memory_space<vmem>>, vector<1000x128xf32>
    tpu.vector_store %arg12[%swap3A_53, %swap3A_54], %add3A_52 {strides = array<i32>} : memref<1000x128xf32, #tpu.memory_space<vmem>>, vector<1000x128xf32>,
    %dot_general3A_56 = arith.constant dense<0.000000e+00> : vector<1000x1xf32>
    %dot_general3A_57 = tpu.matmul %dot_general3A_46, %get3A_39, %dot_general3A_56 {dimension_numbers = #tpu.dot_dimension_numbers<[1], [0], [0], [1], [0, 0, 1, 1], [], []>, transpose_lhs_hint = false} : vector<1000x128xf32>, vector<128x1xf32>, vector<1000x1xf32> -> vector<1000x1xf32>
    %swap3A_58 = arith.constant 0 : index
    %swap3A_59 = arith.constant 0 : index
    %swap3A_60 = vector.load %arg13[%swap3A_58, %swap3A_59] : memref<1000x1xf32, #tpu.memory_space<vmem>>, vector<1000x1xf32>
    tpu.vector_store %arg13[%swap3A_58, %swap3A_59], %dot_general3A_57 {strides = array<i32>} : memref<1000x1xf32, #tpu.memory_space<vmem>>, vector<1000x1xf32>,
    %dot_general3A_61 = arith.constant dense<0.000000e+00> : vector<128x1xf32>
    %dot_general3A_62 = tpu.matmul %get3A_33, %get3A_42, %dot_general3A_61 {dimension_numbers = #tpu.dot_dimension_numbers<[1], [0], [0], [1], [0, 0, 1, 1], [], []>, transpose_lhs_hint = false} : vector<128x128xf32>, vector<128x1xf32>, vector<128x1xf32> -> vector<128x1xf32>
    %dot_general3A_63 = arith.constant dense<0.000000e+00> : vector<1000x1xf32>
    %dot_general3A_64 = tpu.matmul %max3A_27, %dot_general3A_62, %dot_general3A_63 {dimension_numbers = #tpu.dot_dimension_numbers<[1], [0], [0], [1], [0, 0, 1, 1], [], []>, transpose_lhs_hint = false} : vector<1000x128xf32>, vector<128x1xf32>, vector<1000x1xf32> -> vector<1000x1xf32>
    %swap3A_65 = arith.constant 0 : index
    %swap3A_66 = arith.constant 0 : index
    %swap3A_67 = vector.load %arg14[%swap3A_65, %swap3A_66] : memref<1000x1xf32, #tpu.memory_space<vmem>>, vector<1000x1xf32>
    tpu.vector_store %arg14[%swap3A_65, %swap3A_66], %dot_general3A_64 {strides = array<i32>} : memref<1000x1xf32, #tpu.memory_space<vmem>>, vector<1000x1xf32>,
    %reduce_max3A = vector.shape_cast %dot_general3A_57 : vector<1000x1xf32> to vector<1x1000x1xf32>
    %reduce_max3A_68 = arith.constant dense<0xFF800000> : vector<1xf32>
    %reduce_max3A_69 = vector.multi_reduction <maximumf>, %reduce_max3A, %reduce_max3A_68 [1, 2] : vector<1x1000x1xf32> to vector<1xf32>
    %reduce_max3A_70 = vector.shape_cast %reduce_max3A_69 : vector<1xf32> to vector<1x1x1xf32>
    %reduce_max3A_71 = vector.extract %reduce_max3A_70[0, 0, 0] : f32 from vector<1x1x1xf32>
    %reduce_max3A_72 = vector.shape_cast %dot_general3A_64 : vector<1000x1xf32> to vector<1x1000x1xf32>
    %reduce_max3A_73 = arith.constant dense<0xFF800000> : vector<1xf32>
    %reduce_max3A_74 = vector.multi_reduction <maximumf>, %reduce_max3A_72, %reduce_max3A_73 [1, 2] : vector<1x1000x1xf32> to vector<1xf32>
    %reduce_max3A_75 = vector.shape_cast %reduce_max3A_74 : vector<1xf32> to vector<1x1x1xf32>
    %reduce_max3A_76 = vector.extract %reduce_max3A_75[0, 0, 0] : f32 from vector<1x1x1xf32>
    %eq3A = arith.constant 0 : i32
    %eq3A_77 = arith.cmpi eq, %arg0, %eq3A : i32
    %convert_element_type3A = arith.extui %eq3A_77 : i1 to i32
    %cond3A = arith.constant 0 : i32
    %cond3A_78 = arith.cmpi ne, %convert_element_type3A, %cond3A : i32
    scf.if %cond3A_78 {
      %swap3A_88 = arith.constant 0 : index
      %swap3A_89 = memref.load %arg16[%swap3A_88] : memref<2xf32, #tpu.memory_space<smem>>
      memref.store %reduce_max3A_71, %arg16[%swap3A_88] : memref<2xf32, #tpu.memory_space<smem>>
      %swap3A_90 = arith.constant 1 : index
      %swap3A_91 = memref.load %arg16[%swap3A_90] : memref<2xf32, #tpu.memory_space<smem>>
      memref.store %reduce_max3A_76, %arg16[%swap3A_90] : memref<2xf32, #tpu.memory_space<smem>>
    } else {
    }
    %ne3A = arith.constant 0 : i32
    %ne3A_79 = arith.cmpi ne, %arg0, %ne3A : i32
    %convert_element_type3A_80 = arith.extui %ne3A_79 : i1 to i32
    %cond3A_81 = arith.constant 0 : i32
    %cond3A_82 = arith.cmpi ne, %convert_element_type3A_80, %cond3A_81 : i32
    scf.if %cond3A_82 {
      %get3A_88 = arith.constant 0 : index
      %get3A_89 = memref.load %arg16[%get3A_88] : memref<2xf32, #tpu.memory_space<smem>>
      %max3A_90 = arith.maximumf %get3A_89, %reduce_max3A_71 : f32
      %swap3A_91 = arith.constant 0 : index
      %swap3A_92 = memref.load %arg16[%swap3A_91] : memref<2xf32, #tpu.memory_space<smem>>
      memref.store %max3A_90, %arg16[%swap3A_91] : memref<2xf32, #tpu.memory_space<smem>>
      %get3A_93 = arith.constant 1 : index
      %get3A_94 = memref.load %arg16[%get3A_93] : memref<2xf32, #tpu.memory_space<smem>>
      %max3A_95 = arith.maximumf %get3A_94, %reduce_max3A_76 : f32
      %swap3A_96 = arith.constant 1 : index
      %swap3A_97 = memref.load %arg16[%swap3A_96] : memref<2xf32, #tpu.memory_space<smem>>
      memref.store %max3A_95, %arg16[%swap3A_96] : memref<2xf32, #tpu.memory_space<smem>>
    } else {
    }
    %eq3A_83 = arith.constant 9 : i32
    %eq3A_84 = arith.cmpi eq, %arg0, %eq3A_83 : i32
    %convert_element_type3A_85 = arith.extui %eq3A_84 : i1 to i32
    %cond3A_86 = arith.constant 0 : i32
    %cond3A_87 = arith.cmpi ne, %convert_element_type3A_85, %cond3A_86 : i32
    scf.if %cond3A_87 {
      %get3A_88 = arith.constant 0 : index
      %get3A_89 = memref.load %arg16[%get3A_88] : memref<2xf32, #tpu.memory_space<smem>>
      %get3A_90 = arith.constant 1 : index
      %get3A_91 = memref.load %arg16[%get3A_90] : memref<2xf32, #tpu.memory_space<smem>>
      %add3A_92 = arith.addf %get3A_89, %get3A_91 : f32
      %gt3A = arith.constant 0.000000e+00 : f32
      %gt3A_93 = arith.cmpf ogt, %add3A_92, %gt3A : f32
      %mul3A = arith.constant 2.000000e-01 : f32
      %mul3A_94 = arith.mulf %mul3A, %add3A_92 : f32
      %select_n3A = arith.select %gt3A_93, %add3A_92, %mul3A_94 : f32
      %broadcast_in_dim3A_95 = vector.broadcast %select_n3A : f32 to vector<1x128xf32>
      %swap3A_96 = arith.constant 0 : index
      %swap3A_97 = arith.constant 0 : index
      %swap3A_98 = vector.load %arg15[%swap3A_96, %swap3A_97] : memref<1x128xf32, #tpu.memory_space<vmem>>, vector<1x128xf32>
      tpu.vector_store %arg15[%swap3A_96, %swap3A_97], %broadcast_in_dim3A_95 {strides = array<i32>} : memref<1x128xf32, #tpu.memory_space<vmem>>, vector<1x128xf32>,
    } else {
    }
    return
  }
  func.func @transform_0(%arg0: i32) -> (i32, i32, i32) {
    %c0_i32 = arith.constant 0 : i32
    %c0_i32_0 = arith.constant 0 : i32
    %c0_i32_1 = arith.constant 0 : i32
    return %c0_i32, %arg0, %c0_i32_0 : i32, i32, i32
  }
  func.func @transform_1(%arg0: i32) -> (i32, i32) {
    %c0_i32 = arith.constant 0 : i32
    %c0_i32_0 = arith.constant 0 : i32
    return %arg0, %c0_i32 : i32, i32
  }
  func.func @transform_2(%arg0: i32) -> (i32, i32) {
    %c0_i32 = arith.constant 0 : i32
    %c0_i32_0 = arith.constant 0 : i32
    return %arg0, %c0_i32 : i32, i32
  }
  func.func @transform_3(%arg0: i32) -> (i32, i32) {
    %c0_i32 = arith.constant 0 : i32
    %c0_i32_0 = arith.constant 0 : i32
    %c0_i32_1 = arith.constant 0 : i32
    return %c0_i32, %c0_i32_0 : i32, i32
  }
  func.func @transform_4(%arg0: i32) -> (i32, i32) {
    %c0_i32 = arith.constant 0 : i32
    %c0_i32_0 = arith.constant 0 : i32
    %c0_i32_1 = arith.constant 0 : i32
    return %c0_i32, %c0_i32_0 : i32, i32
  }
  func.func @transform_5(%arg0: i32) -> (i32, i32) {
    %c0_i32 = arith.constant 0 : i32
    %c0_i32_0 = arith.constant 0 : i32
    %c0_i32_1 = arith.constant 0 : i32
    return %c0_i32, %c0_i32_0 : i32, i32
  }
  func.func @transform_6(%arg0: i32) -> (i32, i32) {
    %c0_i32 = arith.constant 0 : i32
    %c0_i32_0 = arith.constant 0 : i32
    %c0_i32_1 = arith.constant 0 : i32
    return %c0_i32, %c0_i32_0 : i32, i32
  }
  func.func @transform_7(%arg0: i32) -> (i32, i32) {
    %c0_i32 = arith.constant 0 : i32
    %c0_i32_0 = arith.constant 0 : i32
    %c0_i32_1 = arith.constant 0 : i32
    return %c0_i32, %c0_i32_0 : i32, i32
  }
  func.func @transform_8(%arg0: i32) -> (i32, i32) {
    %c0_i32 = arith.constant 0 : i32
    %c0_i32_0 = arith.constant 0 : i32
    %c0_i32_1 = arith.constant 0 : i32
    return %c0_i32, %c0_i32_0 : i32, i32
  }
  func.func @transform_9(%arg0: i32) -> (i32, i32) {
    %c0_i32 = arith.constant 0 : i32
    %c0_i32_0 = arith.constant 0 : i32
    %c0_i32_1 = arith.constant 0 : i32
    return %c0_i32, %c0_i32_0 : i32, i32
  }
  func.func @transform_10(%arg0: i32) -> (i32, i32) {
    %c0_i32 = arith.constant 0 : i32
    %c0_i32_0 = arith.constant 0 : i32
    return %arg0, %c0_i32 : i32, i32
  }
  func.func @transform_11(%arg0: i32) -> (i32, i32) {
    %c0_i32 = arith.constant 0 : i32
    %c0_i32_0 = arith.constant 0 : i32
    return %arg0, %c0_i32 : i32, i32
  }
  func.func @transform_12(%arg0: i32) -> (i32, i32) {
    %c0_i32 = arith.constant 0 : i32
    %c0_i32_0 = arith.constant 0 : i32
    return %arg0, %c0_i32 : i32, i32
  }
  func.func @transform_13(%arg0: i32) -> (i32, i32) {
    %c0_i32 = arith.constant 0 : i32
    %c0_i32_0 = arith.constant 0 : i32
    return %arg0, %c0_i32 : i32, i32
  }
  func.func @transform_14(%arg0: i32) -> (i32, i32) {
    %c0_i32 = arith.constant 0 : i32
    %c0_i32_0 = arith.constant 0 : i32
    %c0_i32_1 = arith.constant 0 : i32
    return %c0_i32, %c0_i32_0 : i32, i32
  }
}

module attributes {stable_mosaic.version = 14 : i64} {
  func.func @_final_body(%arg0: i32, %arg1: memref<2x1000x128xf32, #tpu.memory_space<vmem>>, %arg2: memref<1000x2xf32, #tpu.memory_space<vmem>>, %arg3: memref<1000x128xf32, #tpu.memory_space<vmem>>, %arg4: memref<1x128xf32, #tpu.memory_space<vmem>>, %arg5: memref<1000x128xf32, #tpu.memory_space<vmem>>) attributes {dimension_semantics = [#tpu.dimension_semantics<arbitrary>], iteration_bounds = array<i64: 10>, scalar_prefetch = 0 : i64, scratch_operands = 0 : i64, tpu.core_type = #tpu.core_type<tc>, window_params = [{transform_indices = @transform_0, window_bounds = array<i64: 2, 1000, 128>}, {transform_indices = @transform_1, window_bounds = array<i64: 1000, 2>}, {transform_indices = @transform_2, window_bounds = array<i64: 1000, 128>}, {pipeline_mode = #tpu.pipeline_mode<synchronous>, transform_indices = @transform_3, window_bounds = array<i64: 1, 128>}, {transform_indices = @transform_4, window_bounds = array<i64: 1000, 128>}]} {
    %get3A = arith.constant 0 : index
    %get3A_0 = arith.constant 0 : index
    %get3A_1 = arith.constant 0 : index
    %get3A_2 = vector.load %arg1[%get3A, %get3A_0, %get3A_1] : memref<2x1000x128xf32, #tpu.memory_space<vmem>>, vector<1x1000x128xf32>
    %get3A_3 = vector.shape_cast %get3A_2 : vector<1x1000x128xf32> to vector<1000x128xf32>
    %get3A_4 = arith.constant 1 : index
    %get3A_5 = arith.constant 0 : index
    %get3A_6 = arith.constant 0 : index
    %get3A_7 = vector.load %arg1[%get3A_4, %get3A_5, %get3A_6] : memref<2x1000x128xf32, #tpu.memory_space<vmem>>, vector<1x1000x128xf32>
    %get3A_8 = vector.shape_cast %get3A_7 : vector<1x1000x128xf32> to vector<1000x128xf32>
    %add3A = arith.addf %get3A_3, %get3A_8 : vector<1000x128xf32>
    %get3A_9 = arith.constant 0 : index
    %get3A_10 = arith.constant 0 : index
    %get3A_11 = vector.load %arg2[%get3A_9, %get3A_10] : memref<1000x2xf32, #tpu.memory_space<vmem>>, vector<1000x2xf32>
    %reduce_sum3A = arith.constant dense<0.000000e+00> : vector<1000xf32>
    %reduce_sum3A_12 = vector.multi_reduction <add>, %get3A_11, %reduce_sum3A [1] : vector<1000x2xf32> to vector<1000xf32>
    %broadcast_in_dim3A = vector.shape_cast %reduce_sum3A_12 : vector<1000xf32> to vector<1000x1xf32>
    %add3A_13 = arith.constant 1.000000e-16 : f32
    %add3A_14 = vector.broadcast %add3A_13 : f32 to vector<1000x1xf32>
    %add3A_15 = arith.addf %broadcast_in_dim3A, %add3A_14 : vector<1000x1xf32>
    %div3A = vector.broadcast %add3A_15 : vector<1000x1xf32> to vector<1000x128xf32>
    %div3A_16 = arith.divf %add3A, %div3A : vector<1000x128xf32>
    %get3A_17 = arith.constant 0 : index
    %get3A_18 = arith.constant 0 : index
    %get3A_19 = vector.load %arg4[%get3A_17, %get3A_18] : memref<1x128xf32, #tpu.memory_space<vmem>>, vector<1x128xf32>
    %add3A_20 = vector.broadcast %get3A_19 : vector<1x128xf32> to vector<1000x128xf32>
    %add3A_21 = arith.addf %div3A_16, %add3A_20 : vector<1000x128xf32>
    %get3A_22 = arith.constant 0 : index
    %get3A_23 = arith.constant 0 : index
    %get3A_24 = vector.load %arg3[%get3A_22, %get3A_23] : memref<1000x128xf32, #tpu.memory_space<vmem>>, vector<1000x128xf32>
    %add3A_25 = arith.addf %add3A_21, %get3A_24 : vector<1000x128xf32>
    %swap3A = arith.constant 0 : index
    %swap3A_26 = arith.constant 0 : index
    %swap3A_27 = vector.load %arg5[%swap3A, %swap3A_26] : memref<1000x128xf32, #tpu.memory_space<vmem>>, vector<1000x128xf32>
    tpu.vector_store %arg5[%swap3A, %swap3A_26], %add3A_25 {strides = array<i32>} : memref<1000x128xf32, #tpu.memory_space<vmem>>, vector<1000x128xf32>,
    return
  }
  func.func @transform_0(%arg0: i32) -> (i32, i32, i32) {
    %c0_i32 = arith.constant 0 : i32
    %c0_i32_0 = arith.constant 0 : i32
    %c0_i32_1 = arith.constant 0 : i32
    return %c0_i32, %arg0, %c0_i32_0 : i32, i32, i32
  }
  func.func @transform_1(%arg0: i32) -> (i32, i32) {
    %c0_i32 = arith.constant 0 : i32
    %c0_i32_0 = arith.constant 0 : i32
    return %arg0, %c0_i32 : i32, i32
  }
  func.func @transform_2(%arg0: i32) -> (i32, i32) {
    %c0_i32 = arith.constant 0 : i32
    %c0_i32_0 = arith.constant 0 : i32
    return %arg0, %c0_i32 : i32, i32
  }
  func.func @transform_3(%arg0: i32) -> (i32, i32) {
    %c0_i32 = arith.constant 0 : i32
    %c0_i32_0 = arith.constant 0 : i32
    %c0_i32_1 = arith.constant 0 : i32
    return %c0_i32, %c0_i32_0 : i32, i32
  }
  func.func @transform_4(%arg0: i32) -> (i32, i32) {
    %c0_i32 = arith.constant 0 : i32
    %c0_i32_0 = arith.constant 0 : i32
    return %arg0, %c0_i32 : i32, i32
  }
}

</mosaic_0001>

<sc_bundles>
// kernel: kernel.10.cloned.1.call-start
scs
__scs_entry_jumppad:
0x0: {  	(pc) =	sbr.rel $0x88, $3  }
0x1: {  	(tag) =	ssettag $0x0;
	lr =	simm.s32 $0x1  }
0x2: {  	[smem:$0x3F91] =	sst lr;
	_ =	strace $0xD0000000  }
0x3: {  	_ = 	snop  }
0x4: {  	_ = 	snop  }
0x5: {  	_ = 	snop  }
0x6: {  	_ = 	snop  }
0x7: {  	_ = 	snop  }
__scs_overlays_trampoline_lowered:
0x8: {  	[smem:$0x3FA0] =	sst s0  }
0x9: {  	[smem:$0x3FA1] =	sst s1  }
0xa: {  	[smem:$0x3FA2] =	sst s2  }
0xb: {  	[smem:$0x3FA3] =	sst s3  }
0xc: {  	[smem:$0x3FA4] =	sst s4  }
0xd: {  	[smem:$0x3FA5] =	sst s5  }
0xe: {  	[smem:$0x3FA6] =	sst s6  }
0xf: {  	[smem:$0x3FA7] =	sst s7  }
0x10: {  	[smem:$0x3FA8] =	sst s8  }
0x11: {  	[smem:$0x3FA9] =	sst s9;
	s0 =	simm.s32 @!p0 $0x0  }
0x12: {  	s1 =	sld [smem:$0x3F8F];
	s0 =	simm.s32 @p0 $0x1  }
0x13: {  	[smem:$0x3FAA] =	sst s0;
	s0 =	simm.s32 @!p1 $0x0  }
0x14: {  	s2 =	sld [smem:$0x3F8E];
	s0 =	simm.s32 @p1 $0x1  }
0x15: {  	[smem:$0x3FAB] =	sst s0;
	s0 =	simm.s32 @!p2 $0x0  }
0x16: {  	s3 =	sld [smem:$0x3FDB];
	s0 =	simm.s32 @p2 $0x1  }
0x17: {  	s4 =	simm.s32 $0x1BF5;
	[smem:$0x3FAD] =	sst s0  }
0x18: {  	s0 =	sld [smem:$0x3F90];
	_ =	swait.ge [sflag:s4], $0x0  }
0x19: {  	s7 =	sld [smem:$0x3F91]  }
0x1a: {  	s8 =	sadd.s32 $0xFFFFE003, lr  }
0x1b: {  	s9 =	sadd.s32 $0xFFFFFEF7, lr;
	s5 =	simm.s32 $0xFFFFFFFF;
	p2 =	slt.u32 s8, $0xFFFFF086  }
0x1c: {  	p1 =	slt.u32 s9, $0xF7A;
	s5 =	simm.s32 @!p2 $0x0  }
0x1d: {  	s5 =	simm.s32 @p1 $0x1;
	p0 =	seq.s32 s7, s2  }
0x1e: {  	s7 =	smul.u32 @!p0 $0xF7A, s2;
	p2 =	seq.s32 @!p0 s5, $0x0  }
0x1f: {  	s9 =	smul.u32 $0xF7A, s1;
	s8 =	simm.s32 @!p0 $0x1BF5;
	p2 =	por !p2, p0  }
0x20: {  	[sflag:s8] =	ssyncset.s32 @!p0 $0xFFFFF086;
	s6 =	sadd.s32 @!p0 s3, s7;
	s7 =	simm.s32 @!p0 $0x108  }
0x21: {  	s3 =	sadd.s32 s3, s9;
	s6 =	sadd.s32 @!p0 $0x88, s6;
	s7 =	simm.s32 @p2 $0x1082  }
0x22: {  	[simem:s7], [sflag:s8] =	dma.local @!p0 [hbm:s6], $0xF7A  }
0x23: {  	s9 =	sor.u32 $0xD0000000, s2;
	s6 =	simm.s32 $0x108;
	_ =	swait.ge @!p0 [sflag:s8], $0x0  }
0x24: {  	s3 =	sadd.s32 $0x88, s3;
	s6 =	simm.s32 @!p1 $0x1082;
	[sflag:s4] =	ssyncset.s32 $0xFFFFF086  }
0x25: {  	[simem:s6], [sflag:s4] =	dma.local [hbm:s3], $0xF7A  }
0x26: {  	[smem:$0x3F91] =	sst s1;
	(tag) =	ssettag s2;
	_ =	strace s9  }
0x27: {  	s1 =	sld [smem:$0x3FA1]  }
0x28: {  	s2 =	sld [smem:$0x3FA2]  }
0x29: {  	s4 =	sld [smem:$0x3FA4]  }
0x2a: {  	p0 =	seq.s32 s5, $0x0;
	s5 =	sld [smem:$0x3FA5]  }
0x2b: {  	s6 =	sld [smem:$0x3FA6]  }
0x2c: {  	s7 =	sld [smem:$0x3FA7]  }
0x2d: {  	s3 =	simm.s32 $0x108;
	s8 =	sld [smem:$0x3FA8]  }
0x2e: {  	s3 =	simm.s32 @!p0 $0x1082;
	s9 =	sld [smem:$0x3FA9]  }
0x2f: {  	lr =	sadd.s32 s0, s3;
	s0 =	sld [smem:$0x3FA0]  }
0x30: {  	s3 =	sld [smem:$0x3FA3]  }
0x31: {  	[smem:$0x3FAC] =	sst s10  }
0x32: {  	s10 =	sld [smem:$0x3FAA];
	_ =	sdelay $0x3  }
0x33: {  	p0 =	seq.s32 s10, $0x1;
	s10 =	sld [smem:$0x3FAC];
	_ =	sdelay $0x3  }
0x34: {  	[smem:$0x3FAC] =	sst s10  }
0x35: {  	s10 =	sld [smem:$0x3FAB];
	_ =	sdelay $0x3  }
0x36: {  	p1 =	seq.s32 s10, $0x1;
	s10 =	sld [smem:$0x3FAC];
	_ =	sdelay $0x3  }
0x37: {  	[smem:$0x3FAC] =	sst s10  }
0x38: {  	s10 =	sld [smem:$0x3FAD]  }
0x39: {  	_ = 	snop;
	(pc) =	sbr.ind lr, $3  }
0x3a: {  	_ = 	snop  }
0x3b: {  	_ = 	snop  }
0x3c: {  	p2 =	seq.s32 s10, $0x1;
	s10 =	sld [smem:$0x3FAC]  }
0x3d: {  	_ =	shalt  }
0x3e: {  	_ =	shalt  }
0x3f: {  	_ =	shalt  }
0x40: {  	_ =	shalt  }
0x41: {  	_ =	shalt  }
0x42: {  	_ =	shalt  }
0x43: {  	_ =	shalt  }
0x44: {  	_ =	shalt  }
0x45: {  	_ =	shalt  }
0x46: {  	_ =	shalt  }
0x47: {  	_ =	shalt  }
0x48: {  	_ =	shalt  }
0x49: {  	_ =	shalt  }
0x4a: {  	_ =	shalt  }
0x4b: {  	_ =	shalt  }
0x4c: {  	_ =	shalt  }
0x4d: {  	_ =	shalt  }
0x4e: {  	_ =	shalt  }
0x4f: {  	_ =	shalt  }
0x50: {  	_ =	shalt  }
0x51: {  	_ =	shalt  }
0x52: {  	_ =	shalt  }
0x53: {  	_ =	shalt  }
0x54: {  	_ =	shalt  }
0x55: {  	_ =	shalt  }
0x56: {  	_ =	shalt  }
0x57: {  	_ =	shalt  }
0x58: {  	_ =	shalt  }
0x59: {  	_ =	shalt  }
0x5a: {  	_ =	shalt  }
0x5b: {  	_ =	shalt  }
0x5c: {  	_ =	shalt  }
0x5d: {  	_ =	shalt  }
0x5e: {  	_ =	shalt  }
0x5f: {  	_ =	shalt  }
0x60: {  	_ =	shalt  }
0x61: {  	_ =	shalt  }
0x62: {  	_ =	shalt  }
0x63: {  	_ =	shalt  }
0x64: {  	_ =	shalt  }
0x65: {  	_ =	shalt  }
0x66: {  	_ =	shalt  }
0x67: {  	_ =	shalt  }
0x68: {  	_ =	shalt  }
0x69: {  	_ =	shalt  }
0x6a: {  	_ =	shalt  }
0x6b: {  	_ =	shalt  }
0x6c: {  	_ =	shalt  }
0x6d: {  	_ =	shalt  }
0x6e: {  	_ =	shalt  }
0x6f: {  	_ =	shalt  }
0x70: {  	_ =	shalt  }
0x71: {  	_ =	shalt  }
0x72: {  	_ =	shalt  }
0x73: {  	_ =	shalt  }
0x74: {  	_ =	shalt  }
0x75: {  	_ =	shalt  }
0x76: {  	_ =	shalt  }
0x77: {  	_ =	shalt  }
0x78: {  	_ =	shalt  }
0x79: {  	_ =	shalt  }
0x7a: {  	_ =	shalt  }
0x7b: {  	_ =	shalt  }
0x7c: {  	_ =	shalt  }
0x7d: {  	_ =	shalt  }
0x7e: {  	_ =	shalt  }
0x7f: {  	_ =	shalt  }
0x80: {  	_ =	shalt  }
0x81: {  	_ =	shalt  }
0x82: {  	_ =	shalt  }
0x83: {  	_ =	shalt  }
0x84: {  	_ =	shalt  }
0x85: {  	_ =	shalt  }
0x86: {  	_ =	shalt  }
0x87: {  	_ =	shalt  }
.Lfunc_end0:
.L_simem_size_0:
called_computation.1_lowered:
.L_overlay_start_0:
0x88: {  	s2 =	sld [smem:$0x3FD9]  }
0x89: {  	s3 =	sld [smem:$0x3FFE];
	_ =	sdelay $0x1  }
0x8a: {  	s1 =	srdreg.scid  }
0x8b: {  	s0 =	sand.u32 $0x1, s1  }
0x8c: {  	s17 =	sshll.u32 s0, $0xA;
	s2 =	sadd.s32 s3, s2  }
0x8d: {  	s2 =	sadd.s32 s2, s17  }
0x8e: {  	[smem:$0x3FB8] =	sst s2  }
0x8f: {  	_ = 	snop  }
0x90: {  	s2 =	sld [smem:$0x3FD0];
	(tm) =	ssettm $0x1  }
0x91: {  	s18 =	sld [smem:$0x3FFB];
	_ =	sdelay $0x3  }
0x92: {  	_ =	strace s18  }
0x93: {  	s3 =	sld [smem:$0x3FFC];
	_ =	sdelay $0x3  }
0x94: {  	_ =	strace s3  }
0x95: {  	s3 =	sld [smem:$0x3FFD];
	_ =	sdelay $0x3  }
0x96: {  	_ =	strace s3  }
0x97: {  	_ =	strace $0x8FFFFFFF  }
0x98: {  	s19 =	sld [smem:$0x3FDB];
	_ =	sdelay $0x1  }
0x99: {  	s4 =	simm.s32 $_scs_section_size  }
0x9a: {  	s5 =	simm.s32 $_size__tile_overlayer_lowered;
	s6 =	simm.s32 $_tile_overlayer_lowered  }
0x9b: {  	s22 =	simm.s32 $0x1BFF;
	s21 =	sshll.u32 s6, $0x1;
	s3 =	sadd.s32 s4, s19  }
0x9c: {  	s7 =	simm.s32 $0x0;
	s20 =	sshll.u32 s5, $0x1;
	s5 =	sadd.s32 s21, s3  }
0x9d: {  	[timem:s7], [sflag:s22] =	dma.local [hbm:s5], s20  }
0x9e: {  	_ =	swait.ge [sflag:s22], s20  }
0x9f: {  	s4 =	ssub.s32 $0x0, s20;
	[sflag:s22] =	ssyncset.done $0x0  }
0xa0: {  	[sflag:s22] =	ssyncadd.s32 s4;
	_ =	sdelay $0x1  }
0xa1: {  	s23 =	simm.s32 $0x1B8B  }
0xa2: {  	_ =	swait.ge [sflag:s23], $0x1  }
0xa3: {  	[sflag:s23] =	ssyncset.done $0x0  }
0xa4: {  	s25 =	simm.s32 $0x1B8E;
	s24 =	sld [smem:$0x3FFE];
	[sflag:s23] =	ssyncadd.s32 $0xFFFFFFFF  }
0xa5: {  	s26 =	simm.s32 $execute0_lowered;
	[smem:$0x3FD2] =	sst s25  }
0xa6: {  	s5 =	sshll.u32 s26, $0x1;
	_ =	strace $0x80000049;
	[dreg:$0x1] =	wrdreg $0xFFFFFFFF  }
0xa7: {  	s28 =	simm.s32 $_size_execute0_lowered;
	s3 =	sadd.s32 s3, s5;
	[dreg:$0x0] =	wrdreg $0x0  }
0xa8: {  	s5 =	sshll.u32 s28, $0x1;
	[dreg:$0x2] =	wrdreg s3  }
0xa9: {  	[dreg:$0x3] =	wrdreg s5  }
0xaa: {  	[dreg:$0x4] =	wrdreg $0xC0  }
0xab: {  	_ =	task [dreg:s7], $0x5FFFF  }
0xac: {  	[dreg:$0x1] =	wrdreg $0xFFFFFFFF  }
0xad: {  	[dreg:$0x0] =	wrdreg $0x60  }
0xae: {  	[dreg:$0x2] =	wrdreg s24  }
0xaf: {  	[dreg:$0x3] =	wrdreg s2  }
0xb0: {  	[dreg:$0x4] =	wrdreg $0xBB000  }
0xb1: {  	[dreg:$0x5] =	wrdreg $0x1FB000  }
0xb2: {  	[dreg:$0x6] =	wrdreg $0x9  }
0xb3: {  	_ =	task.clear_ibuf [dreg:s7], $0x7FFFF;
	_ =	strace $0x90000049  }
0xb4: {  	s29 =	simm.s32 $0x9;
	_ =	strace $0x8000004B  }
0xb5: {  	_ =	swait.ge [sflag:s29], $0x1  }
0xb6: {  	[sflag:s29] =	ssyncadd.s32 $0xFFFFFFFF  }
0xb7: {  	_ =	strace $0x9000004B  }
0xb8: {  	_ =	sfence  }
0xb9: {  	s30 =	sld [smem:$0x0];
	_ =	sdelay $0x2  }
0xba: {  	s31 =	sshll.u32 s1, $0xD;
	s1 =	sshrl.u32 s1, $0x2  }
0xbb: {  	s3 =	sand.u32 $0x4000, s31;
	s1 =	sadd.s32 s1, s30  }
0xbc: {  	s0 =	sor.u32 s3, s0;
	s1 =	sshll.u32 s1, $0x11  }
0xbd: {  	s0 =	sor.u32 s1, s0  }
0xbe: {  	s0 =	sadd.s32 $0x8F2B, s0  }
0xbf: {  	[sflag:s0] =	ssyncadd.remote.s32 $0x1  }
0xc0: {  	_ =	sfence.sel $0xFFFF  }
0xc1: {  	[dreg:$0x0] =	wrdreg $0xFFFFFFFF;
	(pc) =	sbr.abs _section_cstart, $3  }
0xc2: {  	[dreg:$0x1] =	wrdreg $0xFFFFFFFF  }
0xc3: {  	_ =	task.clear_ibuf [dreg:s7], $0x2FFFF;
	_ =	strace $0x9FFFFFFF  }
0xc4: {  	(tm) =	ssettm $0x7FFFFFFF  }
0xc5: {  	_ =	shalt  }
tec
execute0_lowered:
.L_overlay_start_1:
0x0: {  	(tag) =	ssettag $0x1  }
0x1: {  	s0 =	rddreg [dreg:$0x0]  }
0x2: {  	s2 =	rddreg [dreg:$0x1]  }
0x3: {  	s3 =	rddreg [dreg:$0x2]  }
0x4: {  	s4 =	rddreg [dreg:$0x3];
	s20 =	stileid.u32  }
0x5: {  	s1 =	srdreg.scid;
	s5 =	smul.u32 $0x500, s20  }
0x6: {  	s1 =	sand.u32 $0x1, s1;
	s6 =	smul.u32 $0x280, s20;
	s7 =	sadd.s32 $0x16C00, s0  }
0x7: {  	s14 =	smul.u32 $0x14000, s20;
	s8 =	sshll.u32 s1, $0x7;
	s9 =	ssub.s32 $0x2, s1  }
0x8: {  	s11 =	smul.u32 $0x140000, s1;
	s1 =	sshll.u32 s1, $0x4;
	s26 =	sshrl.u32 s9, $0x1  }
0x9: {  	s5 =	sor.u32 s8, s5;
	s10 =	sshll.u32 s6, $0x7;
	s8 =	ssub.s32 s9, s26  }
0xa: {  	s9 =	sor.u32 $0x2800, s10;
	s12 =	sadd.s32 $0x5000, s10;
	s13 =	sadd.s32 $0x7800, s10  }
0xb: {  	s15 =	sadd.s32 $0xA000, s10;
	s16 =	sadd.s32 $0xC800, s10;
	s17 =	sadd.s32 $0xF000, s10  }
0xc: {  	s10 =	sadd.s32 $0x11800, s10;
	s14 =	sadd.s32 s14, s11;
	s18 =	sadd.s32 s11, s9  }
0xd: {  	s14 =	sshrl.u32 s14, $0x3;
	s19 =	sadd.s32 s11, s12;
	s21 =	sadd.s32 s11, s16  }
0xe: {  	s24 =	sadd.s32 s11, s17;
	s18 =	sshrl.u32 s18, $0x3;
	s14 =	sadd.s32 s7, s14  }
0xf: {  	s31 =	sshrl.u32 s19, $0x3;
	[dreg:$0x5] =	wrdreg s14;
	s30 =	sadd.s32 s7, s18  }
0x10: {  	s19 =	sadd.s32 s11, s15;
	s14 =	sadd.s32 s7, s31;
	[dreg:$0x6] =	wrdreg s30  }
0x11: {  	s18 =	sadd.s32 s11, s13;
	s11 =	sadd.s32 s11, s10;
	[dreg:$0x7] =	wrdreg s14  }
0x12: {  	s14 =	sshrl.u32 s18, $0x3;
	s25 =	sshrl.u32 s11, $0x3;
	s11 =	simm.s32 $0x0  }
0x13: {  	s23 =	sshrl.u32 s21, $0x3;
	s14 =	sadd.s32 s7, s14;
	[smem:$0x7FF] =	sst s11  }
0x14: {  	s18 =	sshrl.u32 s19, $0x3;
	[dreg:$0x8] =	wrdreg s14;
	s14 =	sadd.s32 s7, s23  }
0x15: {  	s22 =	sadd.s32 s7, s18;
	[dreg:$0xa] =	wrdreg s14;
	s14 =	sshrl.u32 s24, $0x3  }
0x16: {  	s1 =	sor.u32 s20, s1;
	[dreg:$0x9] =	wrdreg s22;
	s14 =	sadd.s32 s7, s14  }
0x17: {  	s5 =	sshrl.u32 s5, $0x3;
	s7 =	sadd.s32 s7, s25;
	[dreg:$0xb] =	wrdreg s14  }
0x18: {  	s1 =	smul.u32 $0x2710, s1;
	s30 =	sadd.s32 $0xB600, s0;
	[dreg:$0xc] =	wrdreg s7  }
0x19: {  	s31 =	sadd.s32 $0x1800, s0;
	_ =	strace $0x8000004A;
	[dreg:$0xd] =	wrdreg s30  }
0x1a: {  	s5 =	sadd.s32 s5, s0;
	s0 =	sadd.s32 $0x15400, s0;
	[dreg:$0xe] =	wrdreg s31  }
0x1b: {  	s28 =	simm.s32 $0x9300;
	s29 =	simm.s32 $0x2;
	[dreg:$0xf] =	wrdreg s0  }
0x1c: {  	s26 =	smul.u32 $0x50000, s20;
	s9 =	sadd.s32 s9, s3;
	[dreg:$0x10] =	wrdreg s1  }
0x1d: {  	s20 =	sadd.s32 s16, s3;
	s14 =	sadd.s32 s12, s3;
	[dreg:$0x12] =	wrdreg s9  }
0x1e: {  	s17 =	sadd.s32 s17, s3;
	s18 =	sadd.s32 s13, s3;
	[dreg:$0x13] =	wrdreg s14  }
0x1f: {  	s16 =	simm.s32 $0x1900;
	s19 =	sadd.s32 s15, s3;
	[dreg:$0x14] =	wrdreg s18  }
0x20: {  	s21 =	sadd.s32 s10, s3;
	s10 =	simm.s32 $0x1;
	[dreg:$0x15] =	wrdreg s19  }
0x21: {  	s15 =	simm.s32 $0x8;
	s13 =	simm.s32 $0x1300;
	[dreg:$0x16] =	wrdreg s20  }
0x22: {  	s22 =	sadd.s32 s6, s4;
	s23 =	sadd.s32 $0x16200, s5;
	[dreg:$0x18] =	wrdreg s21  }
0x23: {  	s5 =	simm.s32 $0x9;
	s6 =	simm.s32 $0x1B00;
	[dreg:$0x19] =	wrdreg s22  }
0x24: {  	s24 =	smax.u32 s8, $0x1;
	s8 =	simm.s32 $0x4300;
	[dreg:$0x1a] =	wrdreg s23  }
0x25: {  	s25 =	sadd.s32 $0x500, s2;
	s7 =	sshrl.u32 s26, $0x2;
	[dreg:$0x1b] =	wrdreg s24  }
0x26: {  	s26 =	sadd.s32 $0xA00, s2;
	s12 =	simm.s32 $0x50;
	[dreg:$0x1c] =	wrdreg s25  }
0x27: {  	s7 =	sadd.s32 s7, s3;
	[dreg:$0x1d] =	wrdreg s26;
	s30 =	sadd.s32 $0xF00, s2  }
0x28: {  	s31 =	sadd.s32 $0x7800, s2;
	s9 =	simm.s32 $0x6B00;
	s18 =	simm.s32 $0x1380  }
0x29: {  	s19 =	simm.s32 $0x1980;
	s20 =	simm.s32 $0x5;
	s21 =	simm.s32 $0x3  }
0x2a: {  	s22 =	simm.s32 $0x1400;
	s23 =	simm.s32 $0x1A00;
	[dreg:$0x17] =	wrdreg s17  }
0x2b: {  	s24 =	simm.s32 $0x6;
	s25 =	simm.s32 $0x4;
	[dreg:$0x11] =	wrdreg s7  }
0x2c: {  	s26 =	simm.s32 $0x1480;
	s14 =	simm.s32 $0x7;
	[dreg:$0x1e] =	wrdreg s30  }
0x2d: {  	v0 =	vimm.f32 $0.0e+00;
	s1 =	simm.s32 $0x0;
	[dreg:$0x1f] =	wrdreg s31;
	s7 =	simm.s32 $0x1A80  }
.LBB2_1:
0x2e: {  	[smem:$0x7FD] =	sst s1  }
0x2f: {  	s0 =	rddreg [dreg:$0xf];
	s31 =	simm.s32 $0x1000  }
0x30: {  	[tilespmem:s31], [sflag:$0x9] =	stream.linear.gather [hbm4b:s0+s11], $0x10, $0x38;
	[tilespmem:$0x1FD80] =	vst v63  }
0x31: {  	_ =	swait.ge [sflag:s5], $0x10  }
0x32: {  	[sflag:s5] =	ssyncset.done $0x0  }
0x33: {  	s1 =	simm.s32 $0x200;
	s0 =	simm.s32 $0x0;
	[sflag:s5] =	ssyncadd.s32 $0xFFFFFFF0  }
.LBB2_2:
0x34: {  	p0 =	sne.s32 s1, $0x9E00;
	[tilespmem:s0+$0x1B70] =	vst v0  }
0x35: {  	[tilespmem:s0+$0x1B00] =	vst v0  }
0x36: {  	[tilespmem:s0+$0x1B10] =	vst v0  }
.Ltmp0:
0x37: {  	[tilespmem:s0+$0x1B20] =	vst v0;
	(pc) =	sbr.rel @p0 .LBB2_2-.Ltmp0, $4  }
0x38: {  	[tilespmem:s0+$0x1B30] =	vst v0  }
0x39: {  	[tilespmem:s0+$0x1B40] =	vst v0  }
0x3a: {  	[tilespmem:s0+$0x1B50] =	vst v0  }
0x3b: {  	[tilespmem:s0+$0x1B60] =	vst v0;
	s0 =	sshra.s32 s1, $0x2;
	s1 =	sadd.s32 $0x200, s1  }
0x3c: {  	[tilespmem:s0+$0x1B70] =	vst v0  }
0x3d: {  	[tilespmem:s0+$0x1B00] =	vst v0  }
0x3e: {  	[tilespmem:s0+$0x1B10] =	vst v0  }
0x3f: {  	[tilespmem:s0+$0x1B20] =	vst v0  }
0x40: {  	[tilespmem:s0+$0x1B30] =	vst v0  }
0x41: {  	[tilespmem:s0+$0x1B40] =	vst v0  }
0x42: {  	[tilespmem:s0+$0x1B50] =	vst v0  }
0x43: {  	[tilespmem:s0+$0x1B60] =	vst v0  }
0x44: {  	[tilespmem:$0x1080] =	vst v0  }
0x45: {  	[tilespmem:$0x1090] =	vst v0  }
0x46: {  	[tilespmem:$0x10A0] =	vst v0  }
0x47: {  	[tilespmem:$0x10B0] =	vst v0  }
0x48: {  	[tilespmem:$0x10C0] =	vst v0  }
0x49: {  	[tilespmem:$0x10D0] =	vst v0  }
0x4a: {  	[tilespmem:$0x10E0] =	vst v0  }
0x4b: {  	[tilespmem:$0x10F0] =	vst v0  }
0x4c: {  	[tilespmem:$0x1100] =	vst v0  }
0x4d: {  	[tilespmem:$0x1110] =	vst v0  }
0x4e: {  	[tilespmem:$0x1120] =	vst v0  }
0x4f: {  	[tilespmem:$0x1130] =	vst v0  }
0x50: {  	[tilespmem:$0x1140] =	vst v0  }
0x51: {  	[tilespmem:$0x1150] =	vst v0  }
0x52: {  	[tilespmem:$0x1160] =	vst v0  }
0x53: {  	[tilespmem:$0x1170] =	vst v0  }
0x54: {  	[tilespmem:$0x1180] =	vst v0  }
0x55: {  	[tilespmem:$0x1190] =	vst v0  }
0x56: {  	[tilespmem:$0x11A0] =	vst v0  }
0x57: {  	[tilespmem:$0x11B0] =	vst v0  }
0x58: {  	[tilespmem:$0x11C0] =	vst v0  }
0x59: {  	[tilespmem:$0x11D0] =	vst v0  }
0x5a: {  	[tilespmem:$0x11E0] =	vst v0  }
0x5b: {  	[tilespmem:$0x11F0] =	vst v0  }
0x5c: {  	[tilespmem:$0x1200] =	vst v0  }
0x5d: {  	[tilespmem:$0x1210] =	vst v0  }
0x5e: {  	[tilespmem:$0x1220] =	vst v0  }
0x5f: {  	[tilespmem:$0x1230] =	vst v0  }
0x60: {  	[tilespmem:$0x1240] =	vst v0  }
0x61: {  	[tilespmem:$0x1250] =	vst v0  }
0x62: {  	[tilespmem:$0x1260] =	vst v0  }
0x63: {  	[tilespmem:$0x1270] =	vst v0  }
0x64: {  	[tilespmem:$0x1280] =	vst v0  }
0x65: {  	[tilespmem:$0x1290] =	vst v0  }
0x66: {  	[tilespmem:$0x12A0] =	vst v0  }
0x67: {  	[tilespmem:$0x12B0] =	vst v0  }
0x68: {  	[tilespmem:$0x12C0] =	vst v0  }
0x69: {  	[tilespmem:$0x12D0] =	vst v0  }
0x6a: {  	[tilespmem:$0x12E0] =	vst v0  }
0x6b: {  	s30 =	rddreg [dreg:$0x11];
	[tilespmem:$0x12F0] =	vst v0  }
0x6c: {  	[spmem:s30] =	stream.linear.scatter [tilespmem:s6], [sflag:$0x9], $0x2800, $0x38;
	[tilespmem:$0x1FD80] =	vst v63  }
0x6d: {  	_ =	swait.ge [sflag:s5], $0x2800  }
0x6e: {  	[sflag:s5] =	ssyncset.done $0x0  }
0x6f: {  	s31 =	rddreg [dreg:$0x12];
	[sflag:s5] =	ssyncadd.s32 $0xFFFFD800  }
0x70: {  	[spmem:s31] =	stream.linear.scatter [tilespmem:s6], [sflag:$0x9], $0x2800, $0x38;
	[tilespmem:$0x1FD80] =	vst v63  }
0x71: {  	_ =	swait.ge [sflag:s5], $0x2800  }
0x72: {  	[sflag:s5] =	ssyncset.done $0x0  }
0x73: {  	s1 =	rddreg [dreg:$0x13];
	[sflag:s5] =	ssyncadd.s32 $0xFFFFD800  }
0x74: {  	[spmem:s1] =	stream.linear.scatter [tilespmem:s6], [sflag:$0x9], $0x2800, $0x38;
	[tilespmem:$0x1FD80] =	vst v63  }
0x75: {  	_ =	swait.ge [sflag:s5], $0x2800  }
0x76: {  	[sflag:s5] =	ssyncset.done $0x0  }
0x77: {  	s30 =	rddreg [dreg:$0x14];
	[sflag:s5] =	ssyncadd.s32 $0xFFFFD800  }
0x78: {  	[spmem:s30] =	stream.linear.scatter [tilespmem:s6], [sflag:$0x9], $0x2800, $0x38;
	[tilespmem:$0x1FD80] =	vst v63  }
0x79: {  	_ =	swait.ge [sflag:s5], $0x2800  }
0x7a: {  	[sflag:s5] =	ssyncset.done $0x0  }
0x7b: {  	s31 =	rddreg [dreg:$0x15];
	[sflag:s5] =	ssyncadd.s32 $0xFFFFD800  }
0x7c: {  	[spmem:s31] =	stream.linear.scatter [tilespmem:s6], [sflag:$0x9], $0x2800, $0x38;
	[tilespmem:$0x1FD80] =	vst v63  }
0x7d: {  	_ =	swait.ge [sflag:s5], $0x2800  }
0x7e: {  	[sflag:s5] =	ssyncset.done $0x0  }
0x7f: {  	s1 =	rddreg [dreg:$0x16];
	[sflag:s5] =	ssyncadd.s32 $0xFFFFD800  }
0x80: {  	[spmem:s1] =	stream.linear.scatter [tilespmem:s6], [sflag:$0x9], $0x2800, $0x38;
	[tilespmem:$0x1FD80] =	vst v63  }
0x81: {  	_ =	swait.ge [sflag:s5], $0x2800  }
0x82: {  	[sflag:s5] =	ssyncset.done $0x0  }
0x83: {  	[sflag:s5] =	ssyncadd.s32 $0xFFFFD800  }
0x84: {  	[spmem:s17] =	stream.linear.scatter [tilespmem:s6], [sflag:$0x9], $0x2800, $0x38;
	[tilespmem:$0x1FD80] =	vst v63  }
0x85: {  	_ =	swait.ge [sflag:s5], $0x2800  }
0x86: {  	[sflag:s5] =	ssyncset.done $0x0  }
0x87: {  	s30 =	rddreg [dreg:$0x18];
	[sflag:s5] =	ssyncadd.s32 $0xFFFFD800  }
0x88: {  	[spmem:s30] =	stream.linear.scatter [tilespmem:s6], [sflag:$0x9], $0x2800, $0x38;
	[tilespmem:$0x1FD80] =	vst v63  }
0x89: {  	_ =	swait.ge [sflag:s5], $0x2800  }
0x8a: {  	[sflag:s5] =	ssyncset.done $0x0  }
0x8b: {  	s1 =	simm.s32 $0x1080;
	s31 =	rddreg [dreg:$0x19];
	[sflag:s5] =	ssyncadd.s32 $0xFFFFD800  }
0x8c: {  	[spmem:s31] =	stream.linear.scatter [tilespmem:s1], [sflag:$0x9], $0x280, $0x38;
	[tilespmem:$0x1FD80] =	vst v63  }
0x8d: {  	_ =	swait.ge [sflag:s5], $0x280  }
0x8e: {  	[sflag:s5] =	ssyncset.done $0x0  }
0x8f: {  	[sflag:s5] =	ssyncadd.s32 $0xFFFFFD80  }
0x90: {  	[bflag:$0x0] =	sbarrier.arrive $0xFFFF  }
0x91: {  	s0 =	simm.s32 $0x0;
	v1 =	vld [tilespmem:$0x1000]  }
.LBB2_4:
0x92: {  	s5 =	smul.u32 $0x7D0, s0  }
0x93: {  	s1 =	rddreg [dreg:$0x10]  }
0x94: {  	[smem:$0x7FC] =	sst s0;
	s0 =	sadd.s32 s1, s5  }
0x95: {  	s17 =	rddreg [dreg:$0xd];
	s0 =	sshrl.u32 s0, $0x3  }
0x96: {  	s5 =	simm.s32 $0x9;
	s1 =	sadd.s32 s17, s0;
	s17 =	simm.s32 $0x0  }
0x97: {  	[tilespmem:s17], [sflag:$0x9] =	stream.linear.gather [hbm4b:s1+s17], $0x7D0, $0x38;
	[tilespmem:$0x1FD80] =	vst v63  }
0x98: {  	_ =	swait.ge [sflag:s5], $0x7D0  }
0x99: {  	[sflag:s5] =	ssyncset.done $0x0;
	s30 =	rddreg [dreg:$0xe]  }
0x9a: {  	[sflag:s5] =	ssyncadd.s32 $0xFFFFF830;
	s0 =	sadd.s32 s30, s0;
	s30 =	simm.s32 $0x800  }
0x9b: {  	[tilespmem:s30], [sflag:$0x9] =	stream.linear.gather [hbm4b:s0+s17], $0x7D0, $0x38;
	[tilespmem:$0x1FD80] =	vst v63  }
0x9c: {  	_ =	swait.ge [sflag:s5], $0x7D0  }
0x9d: {  	[sflag:s5] =	ssyncset.done $0x0  }
0x9e: {  	[sflag:s5] =	ssyncadd.s32 $0xFFFFF830  }
0x9f: {  	v2 =	vld [tilespmem:$0x800]  }
0xa0: {  	v3 =	vld [tilespmem:$0x810]  }
0xa1: {  	v4 =	vld [tilespmem:$0x820]  }
0xa2: {  	v5 =	vld [tilespmem:$0x830]  }
0xa3: {  	v6 =	vld [tilespmem:$0x840]  }
0xa4: {  	[tilespmem:$0x1300] =	vst v2  }
0xa5: {  	[tilespmem:$0x1310] =	vst v3  }
0xa6: {  	[tilespmem:$0x1320] =	vst v4  }
0xa7: {  	[tilespmem:$0x1330] =	vst v5  }
0xa8: {  	[tilespmem:$0x1340] =	vst v6  }
0xa9: {  	[tilespmem:s6], [sflag:$0x1] =	stream.linear.gather [hbm4b:s2+s17], $0x2800, $0x38;
	[tilespmem:$0x1FD80] =	vst v63  }
0xaa: {  	v2 =	vld [tilespmem:$0x850]  }
0xab: {  	v3 =	vld [tilespmem:$0x860]  }
0xac: {  	v34 =	vld [tilespmem:$0x870]  }
0xad: {  	v35 =	vld [tilespmem:$0x880]  }
0xae: {  	v36 =	vld [tilespmem:$0x890]  }
0xaf: {  	[tilespmem:$0x1380] =	vst v2  }
0xb0: {  	[tilespmem:$0x1390] =	vst v3  }
0xb1: {  	[tilespmem:$0x13A0] =	vst v34  }
0xb2: {  	[tilespmem:$0x13B0] =	vst v35  }
0xb3: {  	s1 =	rddreg [dreg:$0x1c];
	[tilespmem:$0x13C0] =	vst v36  }
0xb4: {  	[tilespmem:s8], [sflag:$0x2] =	stream.linear.gather [hbm4b:s1+s17], $0x2800, $0x38;
	[tilespmem:$0x1FD80] =	vst v63  }
0xb5: {  	v2 =	vld [tilespmem:$0x8A0]  }
0xb6: {  	v3 =	vld [tilespmem:$0x8B0]  }
0xb7: {  	v37 =	vld [tilespmem:$0x8C0]  }
0xb8: {  	v38 =	vld [tilespmem:$0x8D0]  }
0xb9: {  	v39 =	vld [tilespmem:$0x8E0]  }
0xba: {  	[tilespmem:$0x1400] =	vst v2  }
0xbb: {  	[tilespmem:$0x1410] =	vst v3  }
0xbc: {  	[tilespmem:$0x1420] =	vst v37  }
0xbd: {  	[tilespmem:$0x1430] =	vst v38  }
0xbe: {  	s5 =	rddreg [dreg:$0x1d];
	[tilespmem:$0x1440] =	vst v39  }
0xbf: {  	[tilespmem:s9], [sflag:$0x3] =	stream.linear.gather [hbm4b:s5+s17], $0x2800, $0x38;
	[tilespmem:$0x1FD80] =	vst v63  }
0xc0: {  	_ =	swait.ge [sflag:s10], $0x2800  }
0xc1: {  	[sflag:s10] =	ssyncset.done $0x0  }
0xc2: {  	[sflag:s10] =	ssyncadd.s32 $0xFFFFD800  }
0xc3: {  	v2 =	vld [tilespmem:$0x1500]  }
0xc4: {  	v3 =	vld [tilespmem:$0x1700]  }
0xc5: {  	v40 =	vld [tilespmem:$0x1510]  }
0xc6: {  	v41 =	vld [tilespmem:$0x1710]  }
0xc7: {  	v42 =	vld [tilespmem:$0x1520]  }
0xc8: {  	v7 =	vld [tilespmem:$0x1720]  }
0xc9: {  	v10 =	vld [tilespmem:$0x1540]  }
0xca: {  	v11 =	vld [tilespmem:$0x1740]  }
0xcb: {  	v8 =	vld [tilespmem:$0x1730]  }
0xcc: {  	v2 =	vadd.f32 v3, v2;
	v3 =	vld [tilespmem:$0x1530];
	_ =	sdelay $0x1  }
0xcd: {  	v4 =	vadd.f32 v41, v40  }
0xce: {  	v6 =	vadd.f32 v7, v42;
	v44 =	vadd.f32 v11, v10;
	v9 =	vmul.f32 $2.000000030e-01, v2  }
0xcf: {  	vm0 =	vgt.f32 v2, $0.0e+00;
	v5 =	vmul.f32 $2.000000030e-01, v4;
	vm8 =	vgt.f32 v4, $0.0e+00  }
0xd0: {  	v43 =	vmul.f32 $2.000000030e-01, v6;
	vm9 =	vgt.f32 v6, $0.0e+00;
	v3 =	vadd.f32 v8, v3  }
0xd1: {  	v45 =	vmul.f32 $2.000000030e-01, v44;
	vm11 =	vgt.f32 v44, $0.0e+00;
	v2 =	vsel vm0, v2, v9  }
0xd2: {  	v4 =	vsel vm8, v4, v5;
	v2 =	vsub.f32 v2, v1;
	v8 =	vmul.f32 $2.000000030e-01, v3  }
0xd3: {  	v5 =	vsel vm9, v6, v43;
	v4 =	vsub.f32 v4, v1;
	vm10 =	vgt.f32 v3, $0.0e+00  }
0xd4: {  	v5 =	vsub.f32 v5, v1;
	v2 =	vmul.f32 $1.442695020e+00, v2;
	v3 =	vsel vm10, v3, v8  }
0xd5: {  	v6 =	vsel vm11, v44, v45;
	v4 =	vmul.f32 $1.442695020e+00, v4;
	v3 =	vsub.f32 v3, v1  }
0xd6: {  	v46 =	vsub.f32 v6, v1;
	(erf) = vpow2.f32 v2;
	v2 =	vmul.f32 $1.442695020e+00, v5  }
0xd7: {  	(erf) = vpow2.f32 v4;
	v3 =	vmul.f32 $1.442695020e+00, v3  }
0xd8: {  	(erf) = vpow2.f32 v2;
	v2 =	vmul.f32 $1.442695020e+00, v46  }
0xd9: {  	(erf) = vpow2.f32 v3  }
0xda: {  	(erf) = vpow2.f32 v2;
	_ =	sdelay $0x4  }
0xdb: {  	v2 =	vpop (erf)  }
0xdc: {  	[tilespmem:$0x1900] =	vst v2;
	v2 =	vpop (erf)  }
0xdd: {  	[tilespmem:$0x1910] =	vst v2;
	v2 =	vpop (erf)  }
0xde: {  	[tilespmem:$0x1920] =	vst v2;
	v2 =	vpop (erf)  }
0xdf: {  	[tilespmem:$0x1930] =	vst v2;
	v2 =	vpop (erf)  }
0xe0: {  	[tilespmem:$0x1940] =	vst v2  }
0xe1: {  	[spmem:s3] =	stream.linear.scatter [tilespmem:s6], [sflag:$0x5], $0x2800, $0x38;
	[tilespmem:$0x1FD80] =	vst v63  }
0xe2: {  	_ = 	snop  }
0xe3: {  	[spmem:s4] =	stream.indirect.scatter.add.f32 [tilespmem:s16], [sflag:$0x5], $0x1, s13, s12, $0xb8;
	[tilespmem:$0x1FD80] =	vst v63  }
0xe4: {  	v2 =	vld [tilespmem:$0x8F0]  }
0xe5: {  	v3 =	vld [tilespmem:$0x900]  }
0xe6: {  	v47 =	vld [tilespmem:$0x910]  }
0xe7: {  	v48 =	vld [tilespmem:$0x920]  }
0xe8: {  	v49 =	vld [tilespmem:$0x930]  }
0xe9: {  	[tilespmem:$0x1480] =	vst v2  }
0xea: {  	[tilespmem:$0x1490] =	vst v3  }
0xeb: {  	[tilespmem:$0x14A0] =	vst v47  }
0xec: {  	[tilespmem:$0x14B0] =	vst v48  }
0xed: {  	s30 =	rddreg [dreg:$0x1e];
	[tilespmem:$0x14C0] =	vst v49  }
0xee: {  	[tilespmem:s28], [sflag:$0x4] =	stream.linear.gather [hbm4b:s30+s17], $0x2800, $0x38;
	[tilespmem:$0x1FD80] =	vst v63  }
0xef: {  	_ =	swait.ge [sflag:s29], $0x2800  }
0xf0: {  	[sflag:s29] =	ssyncset.done $0x0  }
0xf1: {  	[sflag:s29] =	ssyncadd.s32 $0xFFFFD800  }
0xf2: {  	v2 =	vld [tilespmem:$0x1580]  }
0xf3: {  	v3 =	vld [tilespmem:$0x1780]  }
0xf4: {  	v50 =	vld [tilespmem:$0x1590]  }
0xf5: {  	v51 =	vld [tilespmem:$0x1790]  }
0xf6: {  	v52 =	vld [tilespmem:$0x15A0]  }
0xf7: {  	v53 =	vld [tilespmem:$0x17A0]  }
0xf8: {  	v54 =	vld [tilespmem:$0x15B0]  }
0xf9: {  	v55 =	vld [tilespmem:$0x17B0]  }
0xfa: {  	v56 =	vld [tilespmem:$0x15C0]  }
0xfb: {  	v57 =	vld [tilespmem:$0x17C0];
	_ =	sdelay $0x2  }
0xfc: {  	v2 =	vadd.f32 v3, v2  }
0xfd: {  	v3 =	vadd.f32 v51, v50;
	v6 =	vadd.f32 v53, v52  }
0xfe: {  	v8 =	vadd.f32 v55, v54;
	v4 =	vadd.f32 v57, v56  }
0xff: {  	v58 =	vmul.f32 $2.000000030e-01, v2;
	v59 =	vmul.f32 $2.000000030e-01, v3;
	vm12 =	vgt.f32 v2, $0.0e+00  }
0x100: {  	vm1 =	vgt.f32 v3, $0.0e+00;
	v60 =	vmul.f32 $2.000000030e-01, v6;
	vm13 =	vgt.f32 v6, $0.0e+00  }
0x101: {  	v61 =	vmul.f32 $2.000000030e-01, v8;
	vm14 =	vgt.f32 v8, $0.0e+00;
	v2 =	vsel vm12, v2, v58  }
0x102: {  	v63 =	vmul.f32 $2.000000030e-01, v4;
	v3 =	vsel vm1, v3, v59;
	v2 =	vsub.f32 v2, v1  }
0x103: {  	vm15 =	vgt.f32 v4, $0.0e+00;
	v5 =	vsel vm13, v6, v60;
	v3 =	vsub.f32 v3, v1  }
0x104: {  	v62 =	vsel vm14, v8, v61;
	v5 =	vsub.f32 v5, v1;
	v2 =	vmul.f32 $1.442695020e+00, v2  }
0x105: {  	v4 =	vsel vm15, v4, v63;
	v6 =	vsub.f32 v62, v1;
	v3 =	vmul.f32 $1.442695020e+00, v3  }
0x106: {  	v4 =	vsub.f32 v4, v1;
	(erf) = vpow2.f32 v2;
	v2 =	vmul.f32 $1.442695020e+00, v5  }
0x107: {  	(erf) = vpow2.f32 v3;
	v3 =	vmul.f32 $1.442695020e+00, v6  }
0x108: {  	(erf) = vpow2.f32 v2;
	v2 =	vmul.f32 $1.442695020e+00, v4  }
0x109: {  	(erf) = vpow2.f32 v3  }
0x10a: {  	(erf) = vpow2.f32 v2;
	_ =	sdelay $0x4  }
0x10b: {  	v2 =	vpop (erf)  }
0x10c: {  	v3 =	vpop (erf);
	[tilespmem:$0x1980] =	vst v2  }
0x10d: {  	v2 =	vpop (erf);
	[tilespmem:$0x1990] =	vst v3  }
0x10e: {  	v3 =	vpop (erf);
	[tilespmem:$0x19A0] =	vst v2  }
0x10f: {  	[tilespmem:$0x19B0] =	vst v3;
	v2 =	vpop (erf)  }
0x110: {  	[tilespmem:$0x19C0] =	vst v2  }
0x111: {  	[spmem:s3] =	stream.linear.scatter [tilespmem:s8], [sflag:$0x6], $0x2800, $0x38;
	[tilespmem:$0x1FD80] =	vst v63  }
0x112: {  	s31 =	simm.s32 $0xA70;
	s0 =	simm.s32 $0x0;
	s1 =	simm.s32 $0x0  }
0x113: {  	[spmem:s4] =	stream.indirect.scatter.add.f32 [tilespmem:s19], [sflag:$0x6], $0x1, s18, s12, $0xb8;
	[tilespmem:$0x1FD80] =	vst v63  }
.LBB2_5:
0x114: {  	_ =	swait.ge [sflag:s20], $0x2800  }
0x115: {  	[sflag:s20] =	ssyncset.done $0x0  }
0x116: {  	[sflag:s20] =	ssyncadd.s32 $0xFFFFD800  }
0x117: {  	_ =	swait.ge [sflag:s20], $0x50  }
0x118: {  	[sflag:s20] =	ssyncset.done $0x0  }
0x119: {  	[sflag:s20] =	ssyncadd.s32 $0xFFFFFFB0  }
0x11a: {  	v2 =	vld [tilespmem:s31+$0xFFFFFED0];
	_ =	sdelay $0x4  }
0x11b: {  	[tilespmem:$0x1300] =	vst v2  }
0x11c: {  	v2 =	vld [tilespmem:s31+$0xFFFFFEE0];
	_ =	sdelay $0x4  }
0x11d: {  	[tilespmem:$0x1310] =	vst v2  }
0x11e: {  	v2 =	vld [tilespmem:s31+$0xFFFFFEF0];
	_ =	sdelay $0x4  }
0x11f: {  	[tilespmem:$0x1320] =	vst v2  }
0x120: {  	v2 =	vld [tilespmem:s31+$0xFFFFFF00];
	_ =	sdelay $0x4  }
0x121: {  	s5 =	sand.u32 $0xFC0, s1;
	[tilespmem:$0x1330] =	vst v2  }
0x122: {  	v2 =	vld [tilespmem:s5+$0x980];
	_ =	sdelay $0x3  }
0x123: {  	s17 =	sadd.s32 s0, s2  }
0x124: {  	s30 =	sadd.s32 $0x1400, s17;
	[tilespmem:$0x1340] =	vst v2  }
0x125: {  	[tilespmem:s6], [sflag:$0x1] =	stream.linear.gather [hbm4b:s30+s11], $0x2800, $0x38;
	[tilespmem:$0x1FD80] =	vst v63  }
0x126: {  	_ =	swait.ge [sflag:s21], $0x2800  }
0x127: {  	[sflag:s21] =	ssyncset.done $0x0  }
0x128: {  	[sflag:s21] =	ssyncadd.s32 $0xFFFFD800  }
0x129: {  	v2 =	vld [tilespmem:$0x1600]  }
0x12a: {  	v3 =	vld [tilespmem:$0x1800]  }
0x12b: {  	v4 =	vld [tilespmem:$0x1610]  }
0x12c: {  	v5 =	vld [tilespmem:$0x1810]  }
0x12d: {  	v6 =	vld [tilespmem:$0x1620]  }
0x12e: {  	v7 =	vld [tilespmem:$0x1820]  }
0x12f: {  	v10 =	vld [tilespmem:$0x1640]  }
0x130: {  	v11 =	vld [tilespmem:$0x1840]  }
0x131: {  	v8 =	vld [tilespmem:$0x1830]  }
0x132: {  	v2 =	vadd.f32 v3, v2;
	v3 =	vld [tilespmem:$0x1630];
	_ =	sdelay $0x1  }
0x133: {  	v4 =	vadd.f32 v5, v4  }
0x134: {  	v6 =	vadd.f32 v7, v6;
	v23 =	vadd.f32 v11, v10;
	v9 =	vmul.f32 $2.000000030e-01, v2  }
0x135: {  	vm0 =	vgt.f32 v2, $0.0e+00;
	v5 =	vmul.f32 $2.000000030e-01, v4;
	vm10 =	vgt.f32 v4, $0.0e+00  }
0x136: {  	v22 =	vmul.f32 $2.000000030e-01, v6;
	vm11 =	vgt.f32 v6, $0.0e+00;
	v3 =	vadd.f32 v8, v3  }
0x137: {  	v24 =	vmul.f32 $2.000000030e-01, v23;
	vm13 =	vgt.f32 v23, $0.0e+00;
	v2 =	vsel vm0, v2, v9  }
0x138: {  	v4 =	vsel vm10, v4, v5;
	v2 =	vsub.f32 v2, v1;
	v8 =	vmul.f32 $2.000000030e-01, v3  }
0x139: {  	v5 =	vsel vm11, v6, v22;
	v4 =	vsub.f32 v4, v1;
	vm12 =	vgt.f32 v3, $0.0e+00  }
0x13a: {  	v5 =	vsub.f32 v5, v1;
	v2 =	vmul.f32 $1.442695020e+00, v2;
	v3 =	vsel vm12, v3, v8  }
0x13b: {  	v6 =	vsel vm13, v23, v24;
	v4 =	vmul.f32 $1.442695020e+00, v4;
	v3 =	vsub.f32 v3, v1  }
0x13c: {  	v25 =	vsub.f32 v6, v1;
	(erf) = vpow2.f32 v2;
	v2 =	vmul.f32 $1.442695020e+00, v5  }
0x13d: {  	(erf) = vpow2.f32 v4;
	v3 =	vmul.f32 $1.442695020e+00, v3  }
0x13e: {  	(erf) = vpow2.f32 v2;
	v2 =	vmul.f32 $1.442695020e+00, v25  }
0x13f: {  	(erf) = vpow2.f32 v3  }
0x140: {  	(erf) = vpow2.f32 v2;
	_ =	sdelay $0x4  }
0x141: {  	v2 =	vpop (erf)  }
0x142: {  	[tilespmem:$0x1A00] =	vst v2;
	v2 =	vpop (erf)  }
0x143: {  	[tilespmem:$0x1A10] =	vst v2;
	v2 =	vpop (erf)  }
0x144: {  	[tilespmem:$0x1A20] =	vst v2;
	v2 =	vpop (erf)  }
0x145: {  	[tilespmem:$0x1A30] =	vst v2;
	v2 =	vpop (erf)  }
0x146: {  	[tilespmem:$0x1A40] =	vst v2  }
0x147: {  	[spmem:s3] =	stream.linear.scatter [tilespmem:s9], [sflag:$0x7], $0x2800, $0x38;
	[tilespmem:$0x1FD80] =	vst v63  }
0x148: {  	_ = 	snop  }
0x149: {  	[spmem:s4] =	stream.indirect.scatter.add.f32 [tilespmem:s23], [sflag:$0x7], $0x1, s22, s12, $0xb8;
	[tilespmem:$0x1FD80] =	vst v63  }
0x14a: {  	_ =	swait.ge [sflag:s24], $0x2800  }
0x14b: {  	[sflag:s24] =	ssyncset.done $0x0  }
0x14c: {  	[sflag:s24] =	ssyncadd.s32 $0xFFFFD800  }
0x14d: {  	_ =	swait.ge [sflag:s24], $0x50  }
0x14e: {  	[sflag:s24] =	ssyncset.done $0x0  }
0x14f: {  	[sflag:s24] =	ssyncadd.s32 $0xFFFFFFB0  }
0x150: {  	v2 =	vld [tilespmem:s31+$0xFFFFFF20];
	_ =	sdelay $0x4  }
0x151: {  	[tilespmem:$0x1380] =	vst v2  }
0x152: {  	v2 =	vld [tilespmem:s31+$0xFFFFFF30];
	_ =	sdelay $0x4  }
0x153: {  	[tilespmem:$0x1390] =	vst v2  }
0x154: {  	v2 =	vld [tilespmem:s31+$0xFFFFFF40];
	_ =	sdelay $0x4  }
0x155: {  	[tilespmem:$0x13A0] =	vst v2  }
0x156: {  	v2 =	vld [tilespmem:s31+$0xFFFFFF50];
	_ =	sdelay $0x4  }
0x157: {  	[tilespmem:$0x13B0] =	vst v2  }
0x158: {  	v2 =	vld [tilespmem:s31+$0xFFFFFF60];
	_ =	sdelay $0x4  }
0x159: {  	s30 =	sadd.s32 $0x1900, s17;
	[tilespmem:$0x13C0] =	vst v2  }
0x15a: {  	[tilespmem:s8], [sflag:$0x2] =	stream.linear.gather [hbm4b:s30+s11], $0x2800, $0x38;
	[tilespmem:$0x1FD80] =	vst v63  }
0x15b: {  	_ =	swait.ge [sflag:s25], $0x2800  }
0x15c: {  	[sflag:s25] =	ssyncset.done $0x0  }
0x15d: {  	[sflag:s25] =	ssyncadd.s32 $0xFFFFD800  }
0x15e: {  	v2 =	vld [tilespmem:$0x1680]  }
0x15f: {  	v3 =	vld [tilespmem:$0x1880]  }
0x160: {  	v26 =	vld [tilespmem:$0x1690]  }
0x161: {  	v27 =	vld [tilespmem:$0x1890]  }
0x162: {  	v28 =	vld [tilespmem:$0x16A0]  }
0x163: {  	v29 =	vld [tilespmem:$0x18A0]  }
0x164: {  	v32 =	vld [tilespmem:$0x16C0]  }
0x165: {  	v33 =	vld [tilespmem:$0x18C0]  }
0x166: {  	v30 =	vld [tilespmem:$0x18B0]  }
0x167: {  	v2 =	vadd.f32 v3, v2;
	v3 =	vld [tilespmem:$0x16B0];
	_ =	sdelay $0x1  }
0x168: {  	v4 =	vadd.f32 v27, v26  }
0x169: {  	v6 =	vadd.f32 v29, v28;
	v35 =	vadd.f32 v33, v32;
	v31 =	vmul.f32 $2.000000030e-01, v2  }
0x16a: {  	vm14 =	vgt.f32 v2, $0.0e+00;
	v5 =	vmul.f32 $2.000000030e-01, v4;
	vm15 =	vgt.f32 v4, $0.0e+00  }
0x16b: {  	v34 =	vmul.f32 $2.000000030e-01, v6;
	vm4 =	vgt.f32 v6, $0.0e+00;
	v3 =	vadd.f32 v30, v3  }
0x16c: {  	v36 =	vmul.f32 $2.000000030e-01, v35;
	vm6 =	vgt.f32 v35, $0.0e+00;
	v2 =	vsel vm14, v2, v31  }
0x16d: {  	v4 =	vsel vm15, v4, v5;
	v2 =	vsub.f32 v2, v1;
	v8 =	vmul.f32 $2.000000030e-01, v3  }
0x16e: {  	v5 =	vsel vm4, v6, v34;
	v4 =	vsub.f32 v4, v1;
	vm5 =	vgt.f32 v3, $0.0e+00  }
0x16f: {  	v5 =	vsub.f32 v5, v1;
	v2 =	vmul.f32 $1.442695020e+00, v2;
	v3 =	vsel vm5, v3, v8  }
0x170: {  	v6 =	vsel vm6, v35, v36;
	v4 =	vmul.f32 $1.442695020e+00, v4;
	v3 =	vsub.f32 v3, v1  }
0x171: {  	v37 =	vsub.f32 v6, v1;
	(erf) = vpow2.f32 v2;
	v2 =	vmul.f32 $1.442695020e+00, v5  }
0x172: {  	(erf) = vpow2.f32 v4;
	v3 =	vmul.f32 $1.442695020e+00, v3  }
0x173: {  	(erf) = vpow2.f32 v2;
	v2 =	vmul.f32 $1.442695020e+00, v37  }
0x174: {  	(erf) = vpow2.f32 v3  }
0x175: {  	(erf) = vpow2.f32 v2;
	_ =	sdelay $0x4  }
0x176: {  	v2 =	vpop (erf)  }
0x177: {  	[tilespmem:$0x1A80] =	vst v2;
	v2 =	vpop (erf)  }
0x178: {  	[tilespmem:$0x1A90] =	vst v2;
	v2 =	vpop (erf)  }
0x179: {  	[tilespmem:$0x1AA0] =	vst v2;
	v2 =	vpop (erf)  }
0x17a: {  	[tilespmem:$0x1AB0] =	vst v2;
	v2 =	vpop (erf)  }
0x17b: {  	[tilespmem:$0x1AC0] =	vst v2  }
0x17c: {  	[spmem:s3] =	stream.linear.scatter [tilespmem:s28], [sflag:$0x8], $0x2800, $0x38;
	[tilespmem:$0x1FD80] =	vst v63  }
0x17d: {  	_ = 	snop  }
0x17e: {  	[spmem:s4] =	stream.indirect.scatter.add.f32 [tilespmem:s7], [sflag:$0x8], $0x1, s26, s12, $0xb8;
	[tilespmem:$0x1FD80] =	vst v63  }
0x17f: {  	_ =	swait.ge [sflag:s14], $0x2800  }
0x180: {  	[sflag:s14] =	ssyncset.done $0x0  }
0x181: {  	[sflag:s14] =	ssyncadd.s32 $0xFFFFD800  }
0x182: {  	_ =	swait.ge [sflag:s14], $0x50  }
0x183: {  	[sflag:s14] =	ssyncset.done $0x0  }
0x184: {  	[sflag:s14] =	ssyncadd.s32 $0xFFFFFFB0  }
0x185: {  	v2 =	vld [tilespmem:s31+$0xFFFFFF70];
	_ =	sdelay $0x4  }
0x186: {  	[tilespmem:$0x1400] =	vst v2  }
0x187: {  	v2 =	vld [tilespmem:s31+$0xFFFFFF80];
	_ =	sdelay $0x4  }
0x188: {  	[tilespmem:$0x1410] =	vst v2  }
0x189: {  	v2 =	vld [tilespmem:s5+$0xA00];
	_ =	sdelay $0x4  }
0x18a: {  	[tilespmem:$0x1420] =	vst v2  }
0x18b: {  	v2 =	vld [tilespmem:s31+$0xFFFFFFA0];
	_ =	sdelay $0x4  }
0x18c: {  	[tilespmem:$0x1430] =	vst v2  }
0x18d: {  	v2 =	vld [tilespmem:s31+$0xFFFFFFB0];
	_ =	sdelay $0x4  }
0x18e: {  	s30 =	sadd.s32 $0x1E00, s17;
	[tilespmem:$0x1440] =	vst v2  }
0x18f: {  	[tilespmem:s9], [sflag:$0x3] =	stream.linear.gather [hbm4b:s30+s11], $0x2800, $0x38;
	[tilespmem:$0x1FD80] =	vst v63  }
0x190: {  	_ =	swait.ge [sflag:s10], $0x2800  }
0x191: {  	[sflag:s10] =	ssyncset.done $0x0  }
0x192: {  	[sflag:s10] =	ssyncadd.s32 $0xFFFFD800  }
0x193: {  	v2 =	vld [tilespmem:$0x1500]  }
0x194: {  	v3 =	vld [tilespmem:$0x1700]  }
0x195: {  	v38 =	vld [tilespmem:$0x1510]  }
0x196: {  	v39 =	vld [tilespmem:$0x1710]  }
0x197: {  	v40 =	vld [tilespmem:$0x1520]  }
0x198: {  	v41 =	vld [tilespmem:$0x1720]  }
0x199: {  	v44 =	vld [tilespmem:$0x1540]  }
0x19a: {  	v45 =	vld [tilespmem:$0x1740]  }
0x19b: {  	v42 =	vld [tilespmem:$0x1730]  }
0x19c: {  	v2 =	vadd.f32 v3, v2;
	v3 =	vld [tilespmem:$0x1530];
	_ =	sdelay $0x1  }
0x19d: {  	v4 =	vadd.f32 v39, v38  }
0x19e: {  	v6 =	vadd.f32 v41, v40;
	v47 =	vadd.f32 v45, v44;
	v43 =	vmul.f32 $2.000000030e-01, v2  }
0x19f: {  	vm7 =	vgt.f32 v2, $0.0e+00;
	v5 =	vmul.f32 $2.000000030e-01, v4;
	vm8 =	vgt.f32 v4, $0.0e+00  }
0x1a0: {  	v46 =	vmul.f32 $2.000000030e-01, v6;
	vm9 =	vgt.f32 v6, $0.0e+00;
	v3 =	vadd.f32 v42, v3  }
0x1a1: {  	v48 =	vmul.f32 $2.000000030e-01, v47;
	vm11 =	vgt.f32 v47, $0.0e+00;
	v2 =	vsel vm7, v2, v43  }
0x1a2: {  	v4 =	vsel vm8, v4, v5;
	v2 =	vsub.f32 v2, v1;
	v8 =	vmul.f32 $2.000000030e-01, v3  }
0x1a3: {  	v5 =	vsel vm9, v6, v46;
	v4 =	vsub.f32 v4, v1;
	vm10 =	vgt.f32 v3, $0.0e+00  }
0x1a4: {  	v5 =	vsub.f32 v5, v1;
	v2 =	vmul.f32 $1.442695020e+00, v2;
	v3 =	vsel vm10, v3, v8  }
0x1a5: {  	v6 =	vsel vm11, v47, v48;
	v4 =	vmul.f32 $1.442695020e+00, v4;
	v3 =	vsub.f32 v3, v1  }
0x1a6: {  	v49 =	vsub.f32 v6, v1;
	(erf) = vpow2.f32 v2;
	v2 =	vmul.f32 $1.442695020e+00, v5  }
0x1a7: {  	(erf) = vpow2.f32 v4;
	v3 =	vmul.f32 $1.442695020e+00, v3  }
0x1a8: {  	(erf) = vpow2.f32 v2;
	v2 =	vmul.f32 $1.442695020e+00, v49  }
0x1a9: {  	(erf) = vpow2.f32 v3  }
0x1aa: {  	(erf) = vpow2.f32 v2;
	_ =	sdelay $0x4  }
0x1ab: {  	v2 =	vpop (erf)  }
0x1ac: {  	[tilespmem:$0x1900] =	vst v2;
	v2 =	vpop (erf)  }
0x1ad: {  	[tilespmem:$0x1910] =	vst v2;
	v2 =	vpop (erf)  }
0x1ae: {  	[tilespmem:$0x1920] =	vst v2;
	v2 =	vpop (erf)  }
0x1af: {  	[tilespmem:$0x1930] =	vst v2;
	v2 =	vpop (erf)  }
0x1b0: {  	[tilespmem:$0x1940] =	vst v2  }
0x1b1: {  	[spmem:s3] =	stream.linear.scatter [tilespmem:s6], [sflag:$0x5], $0x2800, $0x38;
	[tilespmem:$0x1FD80] =	vst v63  }
0x1b2: {  	_ = 	snop  }
0x1b3: {  	[spmem:s4] =	stream.indirect.scatter.add.f32 [tilespmem:s16], [sflag:$0x5], $0x1, s13, s12, $0xb8;
	[tilespmem:$0x1FD80] =	vst v63  }
0x1b4: {  	_ =	swait.ge [sflag:s15], $0x2800  }
0x1b5: {  	[sflag:s15] =	ssyncset.done $0x0  }
0x1b6: {  	[sflag:s15] =	ssyncadd.s32 $0xFFFFD800  }
0x1b7: {  	_ =	swait.ge [sflag:s15], $0x50  }
0x1b8: {  	[sflag:s15] =	ssyncset.done $0x0  }
0x1b9: {  	[sflag:s15] =	ssyncadd.s32 $0xFFFFFFB0  }
0x1ba: {  	v2 =	vld [tilespmem:s31+$0xFFFFFFC0];
	_ =	sdelay $0x4  }
0x1bb: {  	[tilespmem:$0x1480] =	vst v2  }
0x1bc: {  	v2 =	vld [tilespmem:s31+$0xFFFFFFD0];
	_ =	sdelay $0x4  }
0x1bd: {  	[tilespmem:$0x1490] =	vst v2  }
0x1be: {  	v2 =	vld [tilespmem:s31+$0xFFFFFFE0];
	_ =	sdelay $0x4  }
0x1bf: {  	[tilespmem:$0x14A0] =	vst v2  }
0x1c0: {  	v2 =	vld [tilespmem:s31+$0xFFFFFFF0];
	_ =	sdelay $0x4  }
0x1c1: {  	[tilespmem:$0x14B0] =	vst v2  }
0x1c2: {  	v2 =	vld [tilespmem:s31+$0x0];
	_ =	sdelay $0x4  }
0x1c3: {  	s30 =	sadd.s32 $0x2300, s17;
	[tilespmem:$0x14C0] =	vst v2  }
0x1c4: {  	[tilespmem:s28], [sflag:$0x4] =	stream.linear.gather [hbm4b:s30+s11], $0x2800, $0x38;
	[tilespmem:$0x1FD80] =	vst v63  }
0x1c5: {  	_ =	swait.ge [sflag:s29], $0x2800  }
0x1c6: {  	[sflag:s29] =	ssyncset.done $0x0  }
0x1c7: {  	[sflag:s29] =	ssyncadd.s32 $0xFFFFD800  }
0x1c8: {  	v2 =	vld [tilespmem:$0x1580]  }
0x1c9: {  	v3 =	vld [tilespmem:$0x1780]  }
0x1ca: {  	v50 =	vld [tilespmem:$0x1590]  }
0x1cb: {  	v51 =	vld [tilespmem:$0x1790]  }
0x1cc: {  	v52 =	vld [tilespmem:$0x15A0]  }
0x1cd: {  	v53 =	vld [tilespmem:$0x17A0]  }
0x1ce: {  	v54 =	vld [tilespmem:$0x15B0]  }
0x1cf: {  	v55 =	vld [tilespmem:$0x17B0]  }
0x1d0: {  	v56 =	vld [tilespmem:$0x15C0]  }
0x1d1: {  	v57 =	vld [tilespmem:$0x17C0];
	_ =	sdelay $0x2  }
0x1d2: {  	v2 =	vadd.f32 v3, v2  }
0x1d3: {  	v3 =	vadd.f32 v51, v50;
	v6 =	vadd.f32 v53, v52  }
0x1d4: {  	v8 =	vadd.f32 v55, v54;
	v4 =	vadd.f32 v57, v56  }
0x1d5: {  	v58 =	vmul.f32 $2.000000030e-01, v2;
	v59 =	vmul.f32 $2.000000030e-01, v3;
	vm12 =	vgt.f32 v2, $0.0e+00  }
0x1d6: {  	vm1 =	vgt.f32 v3, $0.0e+00;
	v60 =	vmul.f32 $2.000000030e-01, v6;
	vm13 =	vgt.f32 v6, $0.0e+00  }
0x1d7: {  	v61 =	vmul.f32 $2.000000030e-01, v8;
	vm14 =	vgt.f32 v8, $0.0e+00;
	v2 =	vsel vm12, v2, v58  }
0x1d8: {  	v63 =	vmul.f32 $2.000000030e-01, v4;
	v3 =	vsel vm1, v3, v59;
	v2 =	vsub.f32 v2, v1  }
0x1d9: {  	vm15 =	vgt.f32 v4, $0.0e+00;
	v5 =	vsel vm13, v6, v60;
	v3 =	vsub.f32 v3, v1  }
0x1da: {  	v62 =	vsel vm14, v8, v61;
	v5 =	vsub.f32 v5, v1;
	v2 =	vmul.f32 $1.442695020e+00, v2  }
0x1db: {  	v4 =	vsel vm15, v4, v63;
	v6 =	vsub.f32 v62, v1;
	v3 =	vmul.f32 $1.442695020e+00, v3  }
0x1dc: {  	v4 =	vsub.f32 v4, v1;
	(erf) = vpow2.f32 v2;
	v2 =	vmul.f32 $1.442695020e+00, v5  }
0x1dd: {  	(erf) = vpow2.f32 v3;
	v3 =	vmul.f32 $1.442695020e+00, v6  }
0x1de: {  	(erf) = vpow2.f32 v2;
	v2 =	vmul.f32 $1.442695020e+00, v4  }
0x1df: {  	(erf) = vpow2.f32 v3  }
0x1e0: {  	(erf) = vpow2.f32 v2;
	_ =	sdelay $0x4  }
0x1e1: {  	v2 =	vpop (erf)  }
0x1e2: {  	v3 =	vpop (erf);
	[tilespmem:$0x1980] =	vst v2  }
0x1e3: {  	v2 =	vpop (erf);
	[tilespmem:$0x1990] =	vst v3  }
0x1e4: {  	p0 =	sne.s32 s0, $0x5000;
	v3 =	vpop (erf);
	[tilespmem:$0x19A0] =	vst v2  }
.Ltmp1:
0x1e5: {  	[tilespmem:$0x19B0] =	vst v3;
	v2 =	vpop (erf);
	(pc) =	sbr.rel @p0 .LBB2_5-.Ltmp1, $4  }
0x1e6: {  	[tilespmem:$0x19C0] =	vst v2  }
0x1e7: {  	[spmem:s3] =	stream.linear.scatter [tilespmem:s8], [sflag:$0x6], $0x2800, $0x38;
	[tilespmem:$0x1FD80] =	vst v63  }
0x1e8: {  	s1 =	sadd.s32 $0x140, s1;
	s0 =	sadd.s32 $0x1400, s0;
	s31 =	sadd.s32 $0x140, s31  }
0x1e9: {  	[spmem:s4] =	stream.indirect.scatter.add.f32 [tilespmem:s19], [sflag:$0x6], $0x1, s18, s12, $0xb8;
	[tilespmem:$0x1FD80] =	vst v63  }
0x1ea: {  	_ =	swait.ge [sflag:s20], $0x2800  }
0x1eb: {  	[sflag:s20] =	ssyncset.done $0x0  }
0x1ec: {  	[sflag:s20] =	ssyncadd.s32 $0xFFFFD800  }
0x1ed: {  	_ =	swait.ge [sflag:s20], $0x50  }
0x1ee: {  	[sflag:s20] =	ssyncset.done $0x0  }
0x1ef: {  	[sflag:s20] =	ssyncadd.s32 $0xFFFFFFB0  }
0x1f0: {  	v2 =	vld [tilespmem:$0xF80]  }
0x1f1: {  	v3 =	vld [tilespmem:$0xF90]  }
0x1f2: {  	v4 =	vld [tilespmem:$0xFA0]  }
0x1f3: {  	v5 =	vld [tilespmem:$0xFB0]  }
0x1f4: {  	v6 =	vld [tilespmem:$0xFC0]  }
0x1f5: {  	[tilespmem:$0x1300] =	vst v2  }
0x1f6: {  	[tilespmem:$0x1310] =	vst v3  }
0x1f7: {  	[tilespmem:$0x1320] =	vst v4  }
0x1f8: {  	[tilespmem:$0x1330] =	vst v5  }
0x1f9: {  	s0 =	rddreg [dreg:$0x1f];
	[tilespmem:$0x1340] =	vst v6  }
0x1fa: {  	[tilespmem:s6], [sflag:$0x1] =	stream.linear.gather [hbm4b:s0+s11], $0x2800, $0x38;
	[tilespmem:$0x1FD80] =	vst v63  }
0x1fb: {  	_ =	swait.ge [sflag:s21], $0x2800  }
0x1fc: {  	[sflag:s21] =	ssyncset.done $0x0  }
0x1fd: {  	[sflag:s21] =	ssyncadd.s32 $0xFFFFD800  }
0x1fe: {  	v2 =	vld [tilespmem:$0x1600]  }
0x1ff: {  	v3 =	vld [tilespmem:$0x1800]  }
0x200: {  	v31 =	vld [tilespmem:$0x1610]  }
0x201: {  	v32 =	vld [tilespmem:$0x1810]  }
0x202: {  	v33 =	vld [tilespmem:$0x1620]  }
0x203: {  	v7 =	vld [tilespmem:$0x1820]  }
0x204: {  	v10 =	vld [tilespmem:$0x1640]  }
0x205: {  	v11 =	vld [tilespmem:$0x1840]  }
0x206: {  	v8 =	vld [tilespmem:$0x1830]  }
0x207: {  	v2 =	vadd.f32 v3, v2;
	v3 =	vld [tilespmem:$0x1630];
	_ =	sdelay $0x1  }
0x208: {  	v4 =	vadd.f32 v32, v31  }
0x209: {  	v6 =	vadd.f32 v7, v33;
	v35 =	vadd.f32 v11, v10;
	v9 =	vmul.f32 $2.000000030e-01, v2  }
0x20a: {  	vm0 =	vgt.f32 v2, $0.0e+00;
	v5 =	vmul.f32 $2.000000030e-01, v4;
	vm15 =	vgt.f32 v4, $0.0e+00  }
0x20b: {  	v34 =	vmul.f32 $2.000000030e-01, v6;
	vm4 =	vgt.f32 v6, $0.0e+00;
	v3 =	vadd.f32 v8, v3  }
0x20c: {  	v36 =	vmul.f32 $2.000000030e-01, v35;
	vm6 =	vgt.f32 v35, $0.0e+00;
	v2 =	vsel vm0, v2, v9  }
0x20d: {  	v4 =	vsel vm15, v4, v5;
	v2 =	vsub.f32 v2, v1;
	v8 =	vmul.f32 $2.000000030e-01, v3  }
0x20e: {  	v5 =	vsel vm4, v6, v34;
	v4 =	vsub.f32 v4, v1;
	vm5 =	vgt.f32 v3, $0.0e+00  }
0x20f: {  	v5 =	vsub.f32 v5, v1;
	v2 =	vmul.f32 $1.442695020e+00, v2;
	v3 =	vsel vm5, v3, v8  }
0x210: {  	v6 =	vsel vm6, v35, v36;
	v4 =	vmul.f32 $1.442695020e+00, v4;
	v3 =	vsub.f32 v3, v1  }
0x211: {  	v37 =	vsub.f32 v6, v1;
	(erf) = vpow2.f32 v2;
	v2 =	vmul.f32 $1.442695020e+00, v5  }
0x212: {  	(erf) = vpow2.f32 v4;
	v3 =	vmul.f32 $1.442695020e+00, v3  }
0x213: {  	(erf) = vpow2.f32 v2;
	v2 =	vmul.f32 $1.442695020e+00, v37  }
0x214: {  	(erf) = vpow2.f32 v3  }
0x215: {  	(erf) = vpow2.f32 v2;
	_ =	sdelay $0x4  }
0x216: {  	v2 =	vpop (erf)  }
0x217: {  	[tilespmem:$0x1A00] =	vst v2;
	v2 =	vpop (erf)  }
0x218: {  	[tilespmem:$0x1A10] =	vst v2;
	v2 =	vpop (erf)  }
0x219: {  	[tilespmem:$0x1A20] =	vst v2;
	v2 =	vpop (erf)  }
0x21a: {  	[tilespmem:$0x1A30] =	vst v2;
	v2 =	vpop (erf)  }
0x21b: {  	[tilespmem:$0x1A40] =	vst v2  }
0x21c: {  	[spmem:s3] =	stream.linear.scatter [tilespmem:s9], [sflag:$0x7], $0x2800, $0x38;
	[tilespmem:$0x1FD80] =	vst v63  }
0x21d: {  	_ = 	snop  }
0x21e: {  	[spmem:s4] =	stream.indirect.scatter.add.f32 [tilespmem:s23], [sflag:$0x7], $0x1, s22, s12, $0xb8;
	[tilespmem:$0x1FD80] =	vst v63  }
0x21f: {  	_ =	swait.ge [sflag:s25], $0x2800  }
0x220: {  	[sflag:s25] =	ssyncset.done $0x0  }
0x221: {  	[sflag:s25] =	ssyncadd.s32 $0xFFFFD800  }
0x222: {  	v2 =	vld [tilespmem:$0x1680]  }
0x223: {  	v3 =	vld [tilespmem:$0x1880]  }
0x224: {  	v38 =	vld [tilespmem:$0x1690]  }
0x225: {  	v39 =	vld [tilespmem:$0x1890]  }
0x226: {  	v40 =	vld [tilespmem:$0x16A0]  }
0x227: {  	v41 =	vld [tilespmem:$0x18A0]  }
0x228: {  	v44 =	vld [tilespmem:$0x16C0]  }
0x229: {  	v45 =	vld [tilespmem:$0x18C0]  }
0x22a: {  	v42 =	vld [tilespmem:$0x18B0]  }
0x22b: {  	v2 =	vadd.f32 v3, v2;
	v3 =	vld [tilespmem:$0x16B0];
	_ =	sdelay $0x1  }
0x22c: {  	v4 =	vadd.f32 v39, v38  }
0x22d: {  	v6 =	vadd.f32 v41, v40;
	v47 =	vadd.f32 v45, v44;
	v43 =	vmul.f32 $2.000000030e-01, v2  }
0x22e: {  	vm7 =	vgt.f32 v2, $0.0e+00;
	v5 =	vmul.f32 $2.000000030e-01, v4;
	vm8 =	vgt.f32 v4, $0.0e+00  }
0x22f: {  	v46 =	vmul.f32 $2.000000030e-01, v6;
	vm9 =	vgt.f32 v6, $0.0e+00;
	v3 =	vadd.f32 v42, v3  }
0x230: {  	v48 =	vmul.f32 $2.000000030e-01, v47;
	vm11 =	vgt.f32 v47, $0.0e+00;
	v2 =	vsel vm7, v2, v43  }
0x231: {  	v4 =	vsel vm8, v4, v5;
	v2 =	vsub.f32 v2, v1;
	v8 =	vmul.f32 $2.000000030e-01, v3  }
0x232: {  	v5 =	vsel vm9, v6, v46;
	v4 =	vsub.f32 v4, v1;
	vm10 =	vgt.f32 v3, $0.0e+00  }
0x233: {  	v5 =	vsub.f32 v5, v1;
	v2 =	vmul.f32 $1.442695020e+00, v2;
	v3 =	vsel vm10, v3, v8  }
0x234: {  	v6 =	vsel vm11, v47, v48;
	v4 =	vmul.f32 $1.442695020e+00, v4;
	v3 =	vsub.f32 v3, v1  }
0x235: {  	v49 =	vsub.f32 v6, v1;
	(erf) = vpow2.f32 v2;
	v2 =	vmul.f32 $1.442695020e+00, v5  }
0x236: {  	(erf) = vpow2.f32 v4;
	v3 =	vmul.f32 $1.442695020e+00, v3  }
0x237: {  	(erf) = vpow2.f32 v2;
	v2 =	vmul.f32 $1.442695020e+00, v49  }
0x238: {  	(erf) = vpow2.f32 v3  }
0x239: {  	(erf) = vpow2.f32 v2;
	_ =	sdelay $0x4  }
0x23a: {  	v2 =	vpop (erf)  }
0x23b: {  	[tilespmem:$0x1A80] =	vst v2;
	v2 =	vpop (erf)  }
0x23c: {  	[tilespmem:$0x1A90] =	vst v2;
	v2 =	vpop (erf)  }
0x23d: {  	[tilespmem:$0x1AA0] =	vst v2;
	v2 =	vpop (erf)  }
0x23e: {  	[tilespmem:$0x1AB0] =	vst v2;
	v2 =	vpop (erf)  }
0x23f: {  	[tilespmem:$0x1AC0] =	vst v2  }
0x240: {  	[spmem:s3] =	stream.linear.scatter [tilespmem:s28], [sflag:$0x8], $0x2800, $0x38;
	[tilespmem:$0x1FD80] =	vst v63  }
0x241: {  	_ = 	snop  }
0x242: {  	[spmem:s4] =	stream.indirect.scatter.add.f32 [tilespmem:s7], [sflag:$0x8], $0x1, s26, s12, $0xb8;
	[tilespmem:$0x1FD80] =	vst v63  }
0x243: {  	_ =	swait.ge [sflag:s10], $0x2800  }
0x244: {  	[sflag:s10] =	ssyncset.done $0x0  }
0x245: {  	[sflag:s10] =	ssyncadd.s32 $0xFFFFD800  }
0x246: {  	v2 =	vld [tilespmem:$0x1500]  }
0x247: {  	v3 =	vld [tilespmem:$0x1700]  }
0x248: {  	v50 =	vld [tilespmem:$0x1510]  }
0x249: {  	v51 =	vld [tilespmem:$0x1710]  }
0x24a: {  	v52 =	vld [tilespmem:$0x1520]  }
0x24b: {  	v53 =	vld [tilespmem:$0x1720]  }
0x24c: {  	v54 =	vld [tilespmem:$0x1530]  }
0x24d: {  	v55 =	vld [tilespmem:$0x1730]  }
0x24e: {  	v56 =	vld [tilespmem:$0x1540]  }
0x24f: {  	v57 =	vld [tilespmem:$0x1740];
	_ =	sdelay $0x2  }
0x250: {  	v2 =	vadd.f32 v3, v2  }
0x251: {  	v3 =	vadd.f32 v51, v50;
	v6 =	vadd.f32 v53, v52  }
0x252: {  	v8 =	vadd.f32 v55, v54;
	v4 =	vadd.f32 v57, v56  }
0x253: {  	v58 =	vmul.f32 $2.000000030e-01, v2;
	v59 =	vmul.f32 $2.000000030e-01, v3;
	vm12 =	vgt.f32 v2, $0.0e+00  }
0x254: {  	vm1 =	vgt.f32 v3, $0.0e+00;
	v60 =	vmul.f32 $2.000000030e-01, v6;
	vm13 =	vgt.f32 v6, $0.0e+00  }
0x255: {  	v61 =	vmul.f32 $2.000000030e-01, v8;
	vm14 =	vgt.f32 v8, $0.0e+00;
	v2 =	vsel vm12, v2, v58  }
0x256: {  	v63 =	vmul.f32 $2.000000030e-01, v4;
	v3 =	vsel vm1, v3, v59;
	v2 =	vsub.f32 v2, v1  }
0x257: {  	vm15 =	vgt.f32 v4, $0.0e+00;
	v5 =	vsel vm13, v6, v60;
	v3 =	vsub.f32 v3, v1  }
0x258: {  	v62 =	vsel vm14, v8, v61;
	v5 =	vsub.f32 v5, v1;
	v2 =	vmul.f32 $1.442695020e+00, v2  }
0x259: {  	v4 =	vsel vm15, v4, v63;
	v6 =	vsub.f32 v62, v1;
	v3 =	vmul.f32 $1.442695020e+00, v3  }
0x25a: {  	v4 =	vsub.f32 v4, v1;
	(erf) = vpow2.f32 v2;
	v2 =	vmul.f32 $1.442695020e+00, v5  }
0x25b: {  	(erf) = vpow2.f32 v3;
	v3 =	vmul.f32 $1.442695020e+00, v6  }
0x25c: {  	(erf) = vpow2.f32 v2;
	v2 =	vmul.f32 $1.442695020e+00, v4  }
0x25d: {  	(erf) = vpow2.f32 v3  }
0x25e: {  	(erf) = vpow2.f32 v2;
	_ =	sdelay $0x4  }
0x25f: {  	v2 =	vpop (erf)  }
0x260: {  	v3 =	vpop (erf);
	[tilespmem:$0x1900] =	vst v2  }
0x261: {  	v2 =	vpop (erf);
	[tilespmem:$0x1910] =	vst v3  }
0x262: {  	v3 =	vpop (erf);
	[tilespmem:$0x1920] =	vst v2  }
0x263: {  	[tilespmem:$0x1930] =	vst v3;
	v2 =	vpop (erf)  }
0x264: {  	[tilespmem:$0x1940] =	vst v2  }
0x265: {  	[spmem:s3] =	stream.linear.scatter [tilespmem:s6], [sflag:$0x5], $0x2800, $0x38;
	[tilespmem:$0x1FD80] =	vst v63  }
0x266: {  	_ = 	snop  }
0x267: {  	[spmem:s4] =	stream.indirect.scatter.add.f32 [tilespmem:s16], [sflag:$0x5], $0x1, s13, s12, $0xb8;
	[tilespmem:$0x1FD80] =	vst v63  }
0x268: {  	_ =	swait.ge [sflag:s24], $0x2800  }
0x269: {  	[sflag:s24] =	ssyncset.done $0x0  }
0x26a: {  	[sflag:s24] =	ssyncadd.s32 $0xFFFFD800  }
0x26b: {  	_ =	swait.ge [sflag:s24], $0x50  }
0x26c: {  	[sflag:s24] =	ssyncset.done $0x0  }
0x26d: {  	[sflag:s24] =	ssyncadd.s32 $0xFFFFFFB0  }
0x26e: {  	_ =	swait.ge [sflag:s14], $0x2800  }
0x26f: {  	[sflag:s14] =	ssyncset.done $0x0  }
0x270: {  	[sflag:s14] =	ssyncadd.s32 $0xFFFFD800  }
0x271: {  	_ =	swait.ge [sflag:s14], $0x50  }
0x272: {  	[sflag:s14] =	ssyncset.done $0x0  }
0x273: {  	[sflag:s14] =	ssyncadd.s32 $0xFFFFFFB0  }
0x274: {  	_ =	swait.ge [sflag:s15], $0x2800  }
0x275: {  	[sflag:s15] =	ssyncset.done $0x0  }
0x276: {  	[sflag:s15] =	ssyncadd.s32 $0xFFFFD800  }
0x277: {  	_ =	swait.ge [sflag:s15], $0x50  }
0x278: {  	[sflag:s15] =	ssyncset.done $0x0  }
0x279: {  	[sflag:s15] =	ssyncadd.s32 $0xFFFFFFB0  }
0x27a: {  	_ =	swait.ge [sflag:s20], $0x2800  }
0x27b: {  	[sflag:s20] =	ssyncset.done $0x0  }
0x27c: {  	[sflag:s20] =	ssyncadd.s32 $0xFFFFD800  }
0x27d: {  	_ =	swait.ge [sflag:s20], $0x50  }
0x27e: {  	s31 =	sld [smem:$0x7FC];
	_ =	sdelay $0x2  }
0x27f: {  	s0 =	sadd.s32 $0x1, s31  }
0x280: {  	p0 =	sne.s32 s0, $0x5  }
.Ltmp2:
0x281: {  	_ = 	snop;
	(pc) =	sbr.rel @p0 .LBB2_4-.Ltmp2, $3  }
0x282: {  	_ =	sdelay $0x1  }
0x283: {  	[sflag:s20] =	ssyncset.done $0x0  }
0x284: {  	[sflag:s20] =	ssyncadd.s32 $0xFFFFFFB0  }
0x285: {  	s0 =	stileid.u32;
	[bflag:$0x0] =	sbarrier.arrive $0xFFFF  }
0x286: {  	s30 =	simm.s32 $0x9;
	s0 =	sshll.u32 s0, $0x6;
	s1 =	rddreg [dreg:$0x11]  }
0x287: {  	s5 =	rddreg [dreg:$0x5];
	s0 =	sor.u32 $0x1C09, s0;
	s1 =	sshrl.u32 s1, $0x3  }
0x288: {  	[hbm:s5], [sflag:s0] =	dma.local [spmem:s1], $0x500  }
0x289: {  	_ =	swait.ge [sflag:s30], $0x500  }
0x28a: {  	[sflag:s30] =	ssyncset.done $0x0;
	s17 =	rddreg [dreg:$0x12]  }
0x28b: {  	s31 =	rddreg [dreg:$0x6];
	[sflag:s30] =	ssyncadd.s32 $0xFFFFFB00;
	s1 =	sshrl.u32 s17, $0x3  }
0x28c: {  	[hbm:s31], [sflag:s0] =	dma.local [spmem:s1], $0x500  }
0x28d: {  	_ =	swait.ge [sflag:s30], $0x500  }
0x28e: {  	[sflag:s30] =	ssyncset.done $0x0;
	s17 =	rddreg [dreg:$0x13]  }
0x28f: {  	s31 =	rddreg [dreg:$0x7];
	[sflag:s30] =	ssyncadd.s32 $0xFFFFFB00;
	s1 =	sshrl.u32 s17, $0x3  }
0x290: {  	[hbm:s31], [sflag:s0] =	dma.local [spmem:s1], $0x500  }
0x291: {  	_ =	swait.ge [sflag:s30], $0x500  }
0x292: {  	[sflag:s30] =	ssyncset.done $0x0;
	s17 =	rddreg [dreg:$0x14]  }
0x293: {  	s31 =	rddreg [dreg:$0x8];
	[sflag:s30] =	ssyncadd.s32 $0xFFFFFB00;
	s1 =	sshrl.u32 s17, $0x3  }
0x294: {  	[hbm:s31], [sflag:s0] =	dma.local [spmem:s1], $0x500  }
0x295: {  	_ =	swait.ge [sflag:s30], $0x500  }
0x296: {  	[sflag:s30] =	ssyncset.done $0x0;
	s17 =	rddreg [dreg:$0x15]  }
0x297: {  	s31 =	rddreg [dreg:$0x9];
	[sflag:s30] =	ssyncadd.s32 $0xFFFFFB00;
	s1 =	sshrl.u32 s17, $0x3  }
0x298: {  	[hbm:s31], [sflag:s0] =	dma.local [spmem:s1], $0x500  }
0x299: {  	_ =	swait.ge [sflag:s30], $0x500  }
0x29a: {  	[sflag:s30] =	ssyncset.done $0x0;
	s17 =	rddreg [dreg:$0x16]  }
0x29b: {  	s31 =	rddreg [dreg:$0xa];
	[sflag:s30] =	ssyncadd.s32 $0xFFFFFB00;
	s1 =	sshrl.u32 s17, $0x3  }
0x29c: {  	[hbm:s31], [sflag:s0] =	dma.local [spmem:s1], $0x500  }
0x29d: {  	_ =	swait.ge [sflag:s30], $0x500  }
0x29e: {  	[sflag:s30] =	ssyncset.done $0x0;
	s17 =	rddreg [dreg:$0x17]  }
0x29f: {  	s31 =	rddreg [dreg:$0xb];
	[sflag:s30] =	ssyncadd.s32 $0xFFFFFB00;
	s5 =	sshrl.u32 s17, $0x3  }
0x2a0: {  	[hbm:s31], [sflag:s0] =	dma.local [spmem:s5], $0x500  }
0x2a1: {  	_ =	swait.ge [sflag:s30], $0x500  }
0x2a2: {  	[sflag:s30] =	ssyncset.done $0x0;
	s5 =	rddreg [dreg:$0x18]  }
0x2a3: {  	s31 =	rddreg [dreg:$0xc];
	[sflag:s30] =	ssyncadd.s32 $0xFFFFFB00;
	s1 =	sshrl.u32 s5, $0x3  }
0x2a4: {  	[hbm:s31], [sflag:s0] =	dma.local [spmem:s1], $0x500  }
0x2a5: {  	_ =	swait.ge [sflag:s30], $0x500  }
0x2a6: {  	[sflag:s30] =	ssyncset.done $0x0  }
0x2a7: {  	s31 =	simm.s32 $0x10;
	s5 =	rddreg [dreg:$0x19];
	[sflag:s30] =	ssyncadd.s32 $0xFFFFFB00  }
0x2a8: {  	s1 =	sshrl.u32 s5, $0x3;
	s5 =	rddreg [dreg:$0x1a];
	s30 =	simm.s32 $0x20  }
0x2a9: {  	[hbm:s5@s30], [sflag:s0] =	dma.strided [spmem:s1@s31], $0x50, s10, $0x10   }
0x2aa: {  	s5 =	simm.s32 $0x9  }
0x2ab: {  	_ =	swait.ge [sflag:s5], $0x50  }
0x2ac: {  	s30 =	sld [smem:$0x7FD];
	_ =	sdelay $0x2  }
0x2ad: {  	s31 =	rddreg [dreg:$0x1b];
	s1 =	sadd.s32 $0x1, s30  }
0x2ae: {  	p0 =	sne.s32 s1, s31  }
.Ltmp3:
0x2af: {  	_ = 	snop;
	(pc) =	sbr.rel @p0 .LBB2_1-.Ltmp3, $3  }
0x2b0: {  	_ =	sdelay $0x1  }
0x2b1: {  	[sflag:s5] =	ssyncset.done $0x0  }
0x2b2: {  	[sflag:s5] =	ssyncadd.s32 $0xFFFFFFB0  }
0x2b3: {  	_ =	sfence.sel $0x180000  }
0x2b4: {  	[bflag:$0x0] =	sbarrier.arrive $0xFFFF  }
0x2b5: {  	_ =	strace $0x9000004A  }
0x2b6: {  	s0 =	stileid.u32;
	[bflag:$0x2] =	sbarrier.arrive $0xFFFF  }
0x2b7: {  	p0 =	sne.s32 s0, $0x0;
	s0 =	rddreg [dreg:$0x4]  }
0x2b8: {  	s0 =	sadd.s32 @!p0 $0x100000, s0  }
0x2b9: {  	[sflag:s0] =	ssyncadd.tile.s32 @!p0 $0x1;
	_ =	shalt  }
.Lfunc_end2:
_tile_overlayer_lowered:
.L_overlay_start_2:
0x2ba: {  	(tag) =	ssettag $0x2  }
0x2bb: {  	s0 =	rddreg [dreg:$0x0];
	s2 =	stileid.u32  }
0x2bc: {  	s1 =	rddreg [dreg:$0x1];
	p0 =	sne.s32 s2, $0x0  }
0x2bd: {  	s3 =	rddreg [dreg:$0x2];
	[bflag:$0x3] =	sbarrier.arrive $0xFFFF;
	s2 =	simm.s32 @!p0 $0x1C09  }
0x2be: {  	[timem:s3], [sflag:s2] =	dma.local @!p0 [hbm:s0], s1  }
0x2bf: {  	s0 =	simm.s32 @!p0 $0x9  }
0x2c0: {  	_ =	swait.ge @!p0 [sflag:s0], s1  }
0x2c1: {  	s1 =	ssub.s32 @!p0 $0x0, s1;
	[sflag:s0] =	ssyncset.done @!p0 $0x0  }
0x2c2: {  	[sflag:s0] =	ssyncadd.s32 @!p0 s1  }
0x2c3: {  	[bflag:$0x3] =	sbarrier.arrive $0xFFFF  }
0x2c4: {  	_ =	shalt  }

// kernel: kernel.7.cloned.1.call-start
scs
__scs_entry_jumppad:
0x0: {  	(pc) =	sbr.rel $0x88, $3  }
0x1: {  	(tag) =	ssettag $0x0;
	lr =	simm.s32 $0x1  }
0x2: {  	[smem:$0x3F91] =	sst lr;
	_ =	strace $0xD0000000  }
0x3: {  	_ = 	snop  }
0x4: {  	_ = 	snop  }
0x5: {  	_ = 	snop  }
0x6: {  	_ = 	snop  }
0x7: {  	_ = 	snop  }
__scs_overlays_trampoline_lowered:
0x8: {  	[smem:$0x3FA0] =	sst s0  }
0x9: {  	[smem:$0x3FA1] =	sst s1  }
0xa: {  	[smem:$0x3FA2] =	sst s2  }
0xb: {  	[smem:$0x3FA3] =	sst s3  }
0xc: {  	[smem:$0x3FA4] =	sst s4  }
0xd: {  	[smem:$0x3FA5] =	sst s5  }
0xe: {  	[smem:$0x3FA6] =	sst s6  }
0xf: {  	[smem:$0x3FA7] =	sst s7  }
0x10: {  	[smem:$0x3FA8] =	sst s8  }
0x11: {  	[smem:$0x3FA9] =	sst s9;
	s0 =	simm.s32 @!p0 $0x0  }
0x12: {  	s1 =	sld [smem:$0x3F8F];
	s0 =	simm.s32 @p0 $0x1  }
0x13: {  	[smem:$0x3FAA] =	sst s0;
	s0 =	simm.s32 @!p1 $0x0  }
0x14: {  	s2 =	sld [smem:$0x3F8E];
	s0 =	simm.s32 @p1 $0x1  }
0x15: {  	[smem:$0x3FAB] =	sst s0;
	s0 =	simm.s32 @!p2 $0x0  }
0x16: {  	s3 =	sld [smem:$0x3FDB];
	s0 =	simm.s32 @p2 $0x1  }
0x17: {  	s4 =	simm.s32 $0x1BF5;
	[smem:$0x3FAD] =	sst s0  }
0x18: {  	s0 =	sld [smem:$0x3F90];
	_ =	swait.ge [sflag:s4], $0x0  }
0x19: {  	s7 =	sld [smem:$0x3F91]  }
0x1a: {  	s8 =	sadd.s32 $0xFFFFE003, lr  }
0x1b: {  	s9 =	sadd.s32 $0xFFFFFEF7, lr;
	s5 =	simm.s32 $0xFFFFFFFF;
	p2 =	slt.u32 s8, $0xFFFFF086  }
0x1c: {  	p1 =	slt.u32 s9, $0xF7A;
	s5 =	simm.s32 @!p2 $0x0  }
0x1d: {  	s5 =	simm.s32 @p1 $0x1;
	p0 =	seq.s32 s7, s2  }
0x1e: {  	s7 =	smul.u32 @!p0 $0xF7A, s2;
	p2 =	seq.s32 @!p0 s5, $0x0  }
0x1f: {  	s9 =	smul.u32 $0xF7A, s1;
	s8 =	simm.s32 @!p0 $0x1BF5;
	p2 =	por !p2, p0  }
0x20: {  	[sflag:s8] =	ssyncset.s32 @!p0 $0xFFFFF086;
	s6 =	sadd.s32 @!p0 s3, s7;
	s7 =	simm.s32 @!p0 $0x108  }
0x21: {  	s3 =	sadd.s32 s3, s9;
	s6 =	sadd.s32 @!p0 $0x88, s6;
	s7 =	simm.s32 @p2 $0x1082  }
0x22: {  	[simem:s7], [sflag:s8] =	dma.local @!p0 [hbm:s6], $0xF7A  }
0x23: {  	s9 =	sor.u32 $0xD0000000, s2;
	s6 =	simm.s32 $0x108;
	_ =	swait.ge @!p0 [sflag:s8], $0x0  }
0x24: {  	s3 =	sadd.s32 $0x88, s3;
	s6 =	simm.s32 @!p1 $0x1082;
	[sflag:s4] =	ssyncset.s32 $0xFFFFF086  }
0x25: {  	[simem:s6], [sflag:s4] =	dma.local [hbm:s3], $0xF7A  }
0x26: {  	[smem:$0x3F91] =	sst s1;
	(tag) =	ssettag s2;
	_ =	strace s9  }
0x27: {  	s1 =	sld [smem:$0x3FA1]  }
0x28: {  	s2 =	sld [smem:$0x3FA2]  }
0x29: {  	s4 =	sld [smem:$0x3FA4]  }
0x2a: {  	p0 =	seq.s32 s5, $0x0;
	s5 =	sld [smem:$0x3FA5]  }
0x2b: {  	s6 =	sld [smem:$0x3FA6]  }
0x2c: {  	s7 =	sld [smem:$0x3FA7]  }
0x2d: {  	s3 =	simm.s32 $0x108;
	s8 =	sld [smem:$0x3FA8]  }
0x2e: {  	s3 =	simm.s32 @!p0 $0x1082;
	s9 =	sld [smem:$0x3FA9]  }
0x2f: {  	lr =	sadd.s32 s0, s3;
	s0 =	sld [smem:$0x3FA0]  }
0x30: {  	s3 =	sld [smem:$0x3FA3]  }
0x31: {  	[smem:$0x3FAC] =	sst s10  }
0x32: {  	s10 =	sld [smem:$0x3FAA];
	_ =	sdelay $0x3  }
0x33: {  	p0 =	seq.s32 s10, $0x1;
	s10 =	sld [smem:$0x3FAC];
	_ =	sdelay $0x3  }
0x34: {  	[smem:$0x3FAC] =	sst s10  }
0x35: {  	s10 =	sld [smem:$0x3FAB];
	_ =	sdelay $0x3  }
0x36: {  	p1 =	seq.s32 s10, $0x1;
	s10 =	sld [smem:$0x3FAC];
	_ =	sdelay $0x3  }
0x37: {  	[smem:$0x3FAC] =	sst s10  }
0x38: {  	s10 =	sld [smem:$0x3FAD]  }
0x39: {  	_ = 	snop;
	(pc) =	sbr.ind lr, $3  }
0x3a: {  	_ = 	snop  }
0x3b: {  	_ = 	snop  }
0x3c: {  	p2 =	seq.s32 s10, $0x1;
	s10 =	sld [smem:$0x3FAC]  }
0x3d: {  	_ =	shalt  }
0x3e: {  	_ =	shalt  }
0x3f: {  	_ =	shalt  }
0x40: {  	_ =	shalt  }
0x41: {  	_ =	shalt  }
0x42: {  	_ =	shalt  }
0x43: {  	_ =	shalt  }
0x44: {  	_ =	shalt  }
0x45: {  	_ =	shalt  }
0x46: {  	_ =	shalt  }
0x47: {  	_ =	shalt  }
0x48: {  	_ =	shalt  }
0x49: {  	_ =	shalt  }
0x4a: {  	_ =	shalt  }
0x4b: {  	_ =	shalt  }
0x4c: {  	_ =	shalt  }
0x4d: {  	_ =	shalt  }
0x4e: {  	_ =	shalt  }
0x4f: {  	_ =	shalt  }
0x50: {  	_ =	shalt  }
0x51: {  	_ =	shalt  }
0x52: {  	_ =	shalt  }
0x53: {  	_ =	shalt  }
0x54: {  	_ =	shalt  }
0x55: {  	_ =	shalt  }
0x56: {  	_ =	shalt  }
0x57: {  	_ =	shalt  }
0x58: {  	_ =	shalt  }
0x59: {  	_ =	shalt  }
0x5a: {  	_ =	shalt  }
0x5b: {  	_ =	shalt  }
0x5c: {  	_ =	shalt  }
0x5d: {  	_ =	shalt  }
0x5e: {  	_ =	shalt  }
0x5f: {  	_ =	shalt  }
0x60: {  	_ =	shalt  }
0x61: {  	_ =	shalt  }
0x62: {  	_ =	shalt  }
0x63: {  	_ =	shalt  }
0x64: {  	_ =	shalt  }
0x65: {  	_ =	shalt  }
0x66: {  	_ =	shalt  }
0x67: {  	_ =	shalt  }
0x68: {  	_ =	shalt  }
0x69: {  	_ =	shalt  }
0x6a: {  	_ =	shalt  }
0x6b: {  	_ =	shalt  }
0x6c: {  	_ =	shalt  }
0x6d: {  	_ =	shalt  }
0x6e: {  	_ =	shalt  }
0x6f: {  	_ =	shalt  }
0x70: {  	_ =	shalt  }
0x71: {  	_ =	shalt  }
0x72: {  	_ =	shalt  }
0x73: {  	_ =	shalt  }
0x74: {  	_ =	shalt  }
0x75: {  	_ =	shalt  }
0x76: {  	_ =	shalt  }
0x77: {  	_ =	shalt  }
0x78: {  	_ =	shalt  }
0x79: {  	_ =	shalt  }
0x7a: {  	_ =	shalt  }
0x7b: {  	_ =	shalt  }
0x7c: {  	_ =	shalt  }
0x7d: {  	_ =	shalt  }
0x7e: {  	_ =	shalt  }
0x7f: {  	_ =	shalt  }
0x80: {  	_ =	shalt  }
0x81: {  	_ =	shalt  }
0x82: {  	_ =	shalt  }
0x83: {  	_ =	shalt  }
0x84: {  	_ =	shalt  }
0x85: {  	_ =	shalt  }
0x86: {  	_ =	shalt  }
0x87: {  	_ =	shalt  }
.Lfunc_end0:
.L_simem_size_0:
called_computation_lowered:
.L_overlay_start_0:
0x88: {  	s2 =	sld [smem:$0x3FD9]  }
0x89: {  	s3 =	sld [smem:$0x3FFE];
	_ =	sdelay $0x1  }
0x8a: {  	s1 =	srdreg.scid  }
0x8b: {  	s0 =	sand.u32 $0x1, s1  }
0x8c: {  	s17 =	sshll.u32 s0, $0xA;
	s2 =	sadd.s32 s3, s2  }
0x8d: {  	s2 =	sadd.s32 s2, s17  }
0x8e: {  	[smem:$0x3FB8] =	sst s2  }
0x8f: {  	_ = 	snop  }
0x90: {  	s2 =	sld [smem:$0x3FD0];
	(tm) =	ssettm $0x1  }
0x91: {  	s18 =	sld [smem:$0x3FFB];
	_ =	sdelay $0x3  }
0x92: {  	_ =	strace s18  }
0x93: {  	s3 =	sld [smem:$0x3FFC];
	_ =	sdelay $0x3  }
0x94: {  	_ =	strace s3  }
0x95: {  	s3 =	sld [smem:$0x3FFD];
	_ =	sdelay $0x3  }
0x96: {  	_ =	strace s3  }
0x97: {  	_ =	strace $0x8FFFFFFF  }
0x98: {  	s19 =	sld [smem:$0x3FDB];
	_ =	sdelay $0x1  }
0x99: {  	s4 =	simm.s32 $_scs_section_size  }
0x9a: {  	s5 =	simm.s32 $_size__tile_overlayer_lowered;
	s6 =	simm.s32 $_tile_overlayer_lowered  }
0x9b: {  	s22 =	simm.s32 $0x1BFF;
	s21 =	sshll.u32 s6, $0x1;
	s3 =	sadd.s32 s4, s19  }
0x9c: {  	s7 =	simm.s32 $0x0;
	s20 =	sshll.u32 s5, $0x1;
	s5 =	sadd.s32 s21, s3  }
0x9d: {  	[timem:s7], [sflag:s22] =	dma.local [hbm:s5], s20  }
0x9e: {  	_ =	swait.ge [sflag:s22], s20  }
0x9f: {  	s4 =	ssub.s32 $0x0, s20;
	[sflag:s22] =	ssyncset.done $0x0  }
0xa0: {  	[sflag:s22] =	ssyncadd.s32 s4;
	_ =	sdelay $0x1  }
0xa1: {  	s23 =	simm.s32 $0x1B8B  }
0xa2: {  	_ =	swait.ge [sflag:s23], $0x1  }
0xa3: {  	[sflag:s23] =	ssyncset.done $0x0  }
0xa4: {  	s25 =	simm.s32 $0x1B8E;
	s24 =	sld [smem:$0x3FFE];
	[sflag:s23] =	ssyncadd.s32 $0xFFFFFFFF  }
0xa5: {  	s26 =	simm.s32 $execute0_lowered;
	[smem:$0x3FD2] =	sst s25  }
0xa6: {  	s5 =	sshll.u32 s26, $0x1;
	_ =	strace $0x80000046;
	[dreg:$0x1] =	wrdreg $0xFFFFFFFF  }
0xa7: {  	s28 =	simm.s32 $_size_execute0_lowered;
	s3 =	sadd.s32 s3, s5;
	[dreg:$0x0] =	wrdreg $0x0  }
0xa8: {  	s5 =	sshll.u32 s28, $0x1;
	[dreg:$0x2] =	wrdreg s3  }
0xa9: {  	[dreg:$0x3] =	wrdreg s5  }
0xaa: {  	[dreg:$0x4] =	wrdreg $0xC0  }
0xab: {  	_ =	task [dreg:s7], $0x5FFFF  }
0xac: {  	[dreg:$0x1] =	wrdreg $0xFFFFFFFF  }
0xad: {  	[dreg:$0x0] =	wrdreg $0x60  }
0xae: {  	[dreg:$0x2] =	wrdreg s24  }
0xaf: {  	[dreg:$0x3] =	wrdreg s2  }
0xb0: {  	[dreg:$0x4] =	wrdreg $0xBB000  }
0xb1: {  	[dreg:$0x5] =	wrdreg $0x1FB000  }
0xb2: {  	[dreg:$0x6] =	wrdreg $0x9  }
0xb3: {  	_ =	task.clear_ibuf [dreg:s7], $0x7FFFF;
	_ =	strace $0x90000046  }
0xb4: {  	s29 =	simm.s32 $0x9;
	_ =	strace $0x80000048  }
0xb5: {  	_ =	swait.ge [sflag:s29], $0x1  }
0xb6: {  	[sflag:s29] =	ssyncadd.s32 $0xFFFFFFFF  }
0xb7: {  	_ =	strace $0x90000048  }
0xb8: {  	_ =	sfence  }
0xb9: {  	s30 =	sld [smem:$0x0];
	_ =	sdelay $0x2  }
0xba: {  	s31 =	sshll.u32 s1, $0xD;
	s1 =	sshrl.u32 s1, $0x2  }
0xbb: {  	s3 =	sand.u32 $0x4000, s31;
	s1 =	sadd.s32 s1, s30  }
0xbc: {  	s0 =	sor.u32 s3, s0;
	s1 =	sshll.u32 s1, $0x11  }
0xbd: {  	s0 =	sor.u32 s1, s0  }
0xbe: {  	s0 =	sadd.s32 $0x8F2B, s0  }
0xbf: {  	[sflag:s0] =	ssyncadd.remote.s32 $0x1  }
0xc0: {  	_ =	sfence.sel $0xFFFF  }
0xc1: {  	[dreg:$0x0] =	wrdreg $0xFFFFFFFF;
	(pc) =	sbr.abs _section_cstart, $3  }
0xc2: {  	[dreg:$0x1] =	wrdreg $0xFFFFFFFF  }
0xc3: {  	_ =	task.clear_ibuf [dreg:s7], $0x2FFFF;
	_ =	strace $0x9FFFFFFF  }
0xc4: {  	(tm) =	ssettm $0x7FFFFFFF  }
0xc5: {  	_ =	shalt  }
tec
execute0_lowered:
.L_overlay_start_1:
0x0: {  	(tag) =	ssettag $0x1  }
0x1: {  	s0 =	rddreg [dreg:$0x0]  }
0x2: {  	s2 =	rddreg [dreg:$0x1]  }
0x3: {  	s3 =	rddreg [dreg:$0x2]  }
0x4: {  	s4 =	rddreg [dreg:$0x3];
	s20 =	stileid.u32  }
0x5: {  	s1 =	srdreg.scid;
	s5 =	smul.u32 $0x500, s20  }
0x6: {  	s1 =	sand.u32 $0x1, s1;
	s6 =	smul.u32 $0x280, s20;
	s7 =	sadd.s32 $0x3DE00, s0  }
0x7: {  	s14 =	smul.u32 $0x14000, s20;
	s8 =	sshll.u32 s1, $0x7;
	s9 =	ssub.s32 $0x2, s1  }
0x8: {  	s11 =	smul.u32 $0x140000, s1;
	s1 =	sshll.u32 s1, $0x4;
	s26 =	sshrl.u32 s9, $0x1  }
0x9: {  	s5 =	sor.u32 s8, s5;
	s10 =	sshll.u32 s6, $0x7;
	s8 =	ssub.s32 s9, s26  }
0xa: {  	s9 =	sor.u32 $0x2800, s10;
	s12 =	sadd.s32 $0x5000, s10;
	s13 =	sadd.s32 $0x7800, s10  }
0xb: {  	s15 =	sadd.s32 $0xA000, s10;
	s16 =	sadd.s32 $0xC800, s10;
	s17 =	sadd.s32 $0xF000, s10  }
0xc: {  	s10 =	sadd.s32 $0x11800, s10;
	s14 =	sadd.s32 s14, s11;
	s18 =	sadd.s32 s11, s9  }
0xd: {  	s14 =	sshrl.u32 s14, $0x3;
	s19 =	sadd.s32 s11, s12;
	s21 =	sadd.s32 s11, s16  }
0xe: {  	s24 =	sadd.s32 s11, s17;
	s18 =	sshrl.u32 s18, $0x3;
	s14 =	sadd.s32 s7, s14  }
0xf: {  	s31 =	sshrl.u32 s19, $0x3;
	[dreg:$0x5] =	wrdreg s14;
	s30 =	sadd.s32 s7, s18  }
0x10: {  	s19 =	sadd.s32 s11, s15;
	s14 =	sadd.s32 s7, s31;
	[dreg:$0x6] =	wrdreg s30  }
0x11: {  	s18 =	sadd.s32 s11, s13;
	s11 =	sadd.s32 s11, s10;
	[dreg:$0x7] =	wrdreg s14  }
0x12: {  	s14 =	sshrl.u32 s18, $0x3;
	s25 =	sshrl.u32 s11, $0x3;
	s11 =	simm.s32 $0x0  }
0x13: {  	s23 =	sshrl.u32 s21, $0x3;
	s14 =	sadd.s32 s7, s14;
	[smem:$0x7FF] =	sst s11  }
0x14: {  	s18 =	sshrl.u32 s19, $0x3;
	[dreg:$0x8] =	wrdreg s14;
	s14 =	sadd.s32 s7, s23  }
0x15: {  	s22 =	sadd.s32 s7, s18;
	[dreg:$0xa] =	wrdreg s14;
	s14 =	sshrl.u32 s24, $0x3  }
0x16: {  	s1 =	sor.u32 s20, s1;
	[dreg:$0x9] =	wrdreg s22;
	s14 =	sadd.s32 s7, s14  }
0x17: {  	s5 =	sshrl.u32 s5, $0x3;
	s7 =	sadd.s32 s7, s25;
	[dreg:$0xb] =	wrdreg s14  }
0x18: {  	s1 =	smul.u32 $0x2710, s1;
	s30 =	sadd.s32 $0xB600, s0;
	[dreg:$0xc] =	wrdreg s7  }
0x19: {  	s31 =	sadd.s32 $0x1800, s0;
	_ =	strace $0x80000047;
	[dreg:$0xd] =	wrdreg s30  }
0x1a: {  	s5 =	sadd.s32 s5, s0;
	s0 =	sadd.s32 $0x3C600, s0;
	[dreg:$0xe] =	wrdreg s31  }
0x1b: {  	s28 =	simm.s32 $0x9300;
	s29 =	simm.s32 $0x2;
	[dreg:$0xf] =	wrdreg s0  }
0x1c: {  	s26 =	smul.u32 $0x50000, s20;
	s9 =	sadd.s32 s9, s3;
	[dreg:$0x10] =	wrdreg s1  }
0x1d: {  	s20 =	sadd.s32 s16, s3;
	s14 =	sadd.s32 s12, s3;
	[dreg:$0x12] =	wrdreg s9  }
0x1e: {  	s17 =	sadd.s32 s17, s3;
	s18 =	sadd.s32 s13, s3;
	[dreg:$0x13] =	wrdreg s14  }
0x1f: {  	s16 =	simm.s32 $0x1900;
	s19 =	sadd.s32 s15, s3;
	[dreg:$0x14] =	wrdreg s18  }
0x20: {  	s21 =	sadd.s32 s10, s3;
	s10 =	simm.s32 $0x1;
	[dreg:$0x15] =	wrdreg s19  }
0x21: {  	s15 =	simm.s32 $0x8;
	s13 =	simm.s32 $0x1300;
	[dreg:$0x16] =	wrdreg s20  }
0x22: {  	s22 =	sadd.s32 s6, s4;
	s23 =	sadd.s32 $0x3D400, s5;
	[dreg:$0x18] =	wrdreg s21  }
0x23: {  	s5 =	simm.s32 $0x9;
	s6 =	simm.s32 $0x1B00;
	[dreg:$0x19] =	wrdreg s22  }
0x24: {  	s24 =	smax.u32 s8, $0x1;
	s8 =	simm.s32 $0x4300;
	[dreg:$0x1a] =	wrdreg s23  }
0x25: {  	s25 =	sadd.s32 $0x500, s2;
	s7 =	sshrl.u32 s26, $0x2;
	[dreg:$0x1b] =	wrdreg s24  }
0x26: {  	s26 =	sadd.s32 $0xA00, s2;
	s12 =	simm.s32 $0x50;
	[dreg:$0x1c] =	wrdreg s25  }
0x27: {  	s7 =	sadd.s32 s7, s3;
	[dreg:$0x1d] =	wrdreg s26;
	s30 =	sadd.s32 $0xF00, s2  }
0x28: {  	s31 =	sadd.s32 $0x7800, s2;
	s9 =	simm.s32 $0x6B00;
	s18 =	simm.s32 $0x1380  }
0x29: {  	s19 =	simm.s32 $0x1980;
	s20 =	simm.s32 $0x5;
	s21 =	simm.s32 $0x3  }
0x2a: {  	s22 =	simm.s32 $0x1400;
	s23 =	simm.s32 $0x1A00;
	[dreg:$0x17] =	wrdreg s17  }
0x2b: {  	s24 =	simm.s32 $0x6;
	s25 =	simm.s32 $0x4;
	[dreg:$0x11] =	wrdreg s7  }
0x2c: {  	s26 =	simm.s32 $0x1480;
	s14 =	simm.s32 $0x7;
	[dreg:$0x1e] =	wrdreg s30  }
0x2d: {  	v0 =	vimm.f32 $0.0e+00;
	s1 =	simm.s32 $0x0;
	[dreg:$0x1f] =	wrdreg s31;
	s7 =	simm.s32 $0x1A80  }
.LBB2_1:
0x2e: {  	[smem:$0x7FD] =	sst s1  }
0x2f: {  	s0 =	rddreg [dreg:$0xf];
	s31 =	simm.s32 $0x1000  }
0x30: {  	[tilespmem:s31], [sflag:$0x9] =	stream.linear.gather [hbm4b:s0+s11], $0x10, $0x38;
	[tilespmem:$0x1FD80] =	vst v63  }
0x31: {  	_ =	swait.ge [sflag:s5], $0x10  }
0x32: {  	[sflag:s5] =	ssyncset.done $0x0  }
0x33: {  	s1 =	simm.s32 $0x200;
	s0 =	simm.s32 $0x0;
	[sflag:s5] =	ssyncadd.s32 $0xFFFFFFF0  }
.LBB2_2:
0x34: {  	p0 =	sne.s32 s1, $0x9E00;
	[tilespmem:s0+$0x1B70] =	vst v0  }
0x35: {  	[tilespmem:s0+$0x1B00] =	vst v0  }
0x36: {  	[tilespmem:s0+$0x1B10] =	vst v0  }
.Ltmp0:
0x37: {  	[tilespmem:s0+$0x1B20] =	vst v0;
	(pc) =	sbr.rel @p0 .LBB2_2-.Ltmp0, $4  }
0x38: {  	[tilespmem:s0+$0x1B30] =	vst v0  }
0x39: {  	[tilespmem:s0+$0x1B40] =	vst v0  }
0x3a: {  	[tilespmem:s0+$0x1B50] =	vst v0  }
0x3b: {  	[tilespmem:s0+$0x1B60] =	vst v0;
	s0 =	sshra.s32 s1, $0x2;
	s1 =	sadd.s32 $0x200, s1  }
0x3c: {  	[tilespmem:s0+$0x1B70] =	vst v0  }
0x3d: {  	[tilespmem:s0+$0x1B00] =	vst v0  }
0x3e: {  	[tilespmem:s0+$0x1B10] =	vst v0  }
0x3f: {  	[tilespmem:s0+$0x1B20] =	vst v0  }
0x40: {  	[tilespmem:s0+$0x1B30] =	vst v0  }
0x41: {  	[tilespmem:s0+$0x1B40] =	vst v0  }
0x42: {  	[tilespmem:s0+$0x1B50] =	vst v0  }
0x43: {  	[tilespmem:s0+$0x1B60] =	vst v0  }
0x44: {  	[tilespmem:$0x1080] =	vst v0  }
0x45: {  	[tilespmem:$0x1090] =	vst v0  }
0x46: {  	[tilespmem:$0x10A0] =	vst v0  }
0x47: {  	[tilespmem:$0x10B0] =	vst v0  }
0x48: {  	[tilespmem:$0x10C0] =	vst v0  }
0x49: {  	[tilespmem:$0x10D0] =	vst v0  }
0x4a: {  	[tilespmem:$0x10E0] =	vst v0  }
0x4b: {  	[tilespmem:$0x10F0] =	vst v0  }
0x4c: {  	[tilespmem:$0x1100] =	vst v0  }
0x4d: {  	[tilespmem:$0x1110] =	vst v0  }
0x4e: {  	[tilespmem:$0x1120] =	vst v0  }
0x4f: {  	[tilespmem:$0x1130] =	vst v0  }
0x50: {  	[tilespmem:$0x1140] =	vst v0  }
0x51: {  	[tilespmem:$0x1150] =	vst v0  }
0x52: {  	[tilespmem:$0x1160] =	vst v0  }
0x53: {  	[tilespmem:$0x1170] =	vst v0  }
0x54: {  	[tilespmem:$0x1180] =	vst v0  }
0x55: {  	[tilespmem:$0x1190] =	vst v0  }
0x56: {  	[tilespmem:$0x11A0] =	vst v0  }
0x57: {  	[tilespmem:$0x11B0] =	vst v0  }
0x58: {  	[tilespmem:$0x11C0] =	vst v0  }
0x59: {  	[tilespmem:$0x11D0] =	vst v0  }
0x5a: {  	[tilespmem:$0x11E0] =	vst v0  }
0x5b: {  	[tilespmem:$0x11F0] =	vst v0  }
0x5c: {  	[tilespmem:$0x1200] =	vst v0  }
0x5d: {  	[tilespmem:$0x1210] =	vst v0  }
0x5e: {  	[tilespmem:$0x1220] =	vst v0  }
0x5f: {  	[tilespmem:$0x1230] =	vst v0  }
0x60: {  	[tilespmem:$0x1240] =	vst v0  }
0x61: {  	[tilespmem:$0x1250] =	vst v0  }
0x62: {  	[tilespmem:$0x1260] =	vst v0  }
0x63: {  	[tilespmem:$0x1270] =	vst v0  }
0x64: {  	[tilespmem:$0x1280] =	vst v0  }
0x65: {  	[tilespmem:$0x1290] =	vst v0  }
0x66: {  	[tilespmem:$0x12A0] =	vst v0  }
0x67: {  	[tilespmem:$0x12B0] =	vst v0  }
0x68: {  	[tilespmem:$0x12C0] =	vst v0  }
0x69: {  	[tilespmem:$0x12D0] =	vst v0  }
0x6a: {  	[tilespmem:$0x12E0] =	vst v0  }
0x6b: {  	s30 =	rddreg [dreg:$0x11];
	[tilespmem:$0x12F0] =	vst v0  }
0x6c: {  	[spmem:s30] =	stream.linear.scatter [tilespmem:s6], [sflag:$0x9], $0x2800, $0x38;
	[tilespmem:$0x1FD80] =	vst v63  }
0x6d: {  	_ =	swait.ge [sflag:s5], $0x2800  }
0x6e: {  	[sflag:s5] =	ssyncset.done $0x0  }
0x6f: {  	s31 =	rddreg [dreg:$0x12];
	[sflag:s5] =	ssyncadd.s32 $0xFFFFD800  }
0x70: {  	[spmem:s31] =	stream.linear.scatter [tilespmem:s6], [sflag:$0x9], $0x2800, $0x38;
	[tilespmem:$0x1FD80] =	vst v63  }
0x71: {  	_ =	swait.ge [sflag:s5], $0x2800  }
0x72: {  	[sflag:s5] =	ssyncset.done $0x0  }
0x73: {  	s1 =	rddreg [dreg:$0x13];
	[sflag:s5] =	ssyncadd.s32 $0xFFFFD800  }
0x74: {  	[spmem:s1] =	stream.linear.scatter [tilespmem:s6], [sflag:$0x9], $0x2800, $0x38;
	[tilespmem:$0x1FD80] =	vst v63  }
0x75: {  	_ =	swait.ge [sflag:s5], $0x2800  }
0x76: {  	[sflag:s5] =	ssyncset.done $0x0  }
0x77: {  	s30 =	rddreg [dreg:$0x14];
	[sflag:s5] =	ssyncadd.s32 $0xFFFFD800  }
0x78: {  	[spmem:s30] =	stream.linear.scatter [tilespmem:s6], [sflag:$0x9], $0x2800, $0x38;
	[tilespmem:$0x1FD80] =	vst v63  }
0x79: {  	_ =	swait.ge [sflag:s5], $0x2800  }
0x7a: {  	[sflag:s5] =	ssyncset.done $0x0  }
0x7b: {  	s31 =	rddreg [dreg:$0x15];
	[sflag:s5] =	ssyncadd.s32 $0xFFFFD800  }
0x7c: {  	[spmem:s31] =	stream.linear.scatter [tilespmem:s6], [sflag:$0x9], $0x2800, $0x38;
	[tilespmem:$0x1FD80] =	vst v63  }
0x7d: {  	_ =	swait.ge [sflag:s5], $0x2800  }
0x7e: {  	[sflag:s5] =	ssyncset.done $0x0  }
0x7f: {  	s1 =	rddreg [dreg:$0x16];
	[sflag:s5] =	ssyncadd.s32 $0xFFFFD800  }
0x80: {  	[spmem:s1] =	stream.linear.scatter [tilespmem:s6], [sflag:$0x9], $0x2800, $0x38;
	[tilespmem:$0x1FD80] =	vst v63  }
0x81: {  	_ =	swait.ge [sflag:s5], $0x2800  }
0x82: {  	[sflag:s5] =	ssyncset.done $0x0  }
0x83: {  	[sflag:s5] =	ssyncadd.s32 $0xFFFFD800  }
0x84: {  	[spmem:s17] =	stream.linear.scatter [tilespmem:s6], [sflag:$0x9], $0x2800, $0x38;
	[tilespmem:$0x1FD80] =	vst v63  }
0x85: {  	_ =	swait.ge [sflag:s5], $0x2800  }
0x86: {  	[sflag:s5] =	ssyncset.done $0x0  }
0x87: {  	s30 =	rddreg [dreg:$0x18];
	[sflag:s5] =	ssyncadd.s32 $0xFFFFD800  }
0x88: {  	[spmem:s30] =	stream.linear.scatter [tilespmem:s6], [sflag:$0x9], $0x2800, $0x38;
	[tilespmem:$0x1FD80] =	vst v63  }
0x89: {  	_ =	swait.ge [sflag:s5], $0x2800  }
0x8a: {  	[sflag:s5] =	ssyncset.done $0x0  }
0x8b: {  	s1 =	simm.s32 $0x1080;
	s31 =	rddreg [dreg:$0x19];
	[sflag:s5] =	ssyncadd.s32 $0xFFFFD800  }
0x8c: {  	[spmem:s31] =	stream.linear.scatter [tilespmem:s1], [sflag:$0x9], $0x280, $0x38;
	[tilespmem:$0x1FD80] =	vst v63  }
0x8d: {  	_ =	swait.ge [sflag:s5], $0x280  }
0x8e: {  	[sflag:s5] =	ssyncset.done $0x0  }
0x8f: {  	[sflag:s5] =	ssyncadd.s32 $0xFFFFFD80  }
0x90: {  	[bflag:$0x0] =	sbarrier.arrive $0xFFFF  }
0x91: {  	s0 =	simm.s32 $0x0;
	v1 =	vld [tilespmem:$0x1000]  }
.LBB2_4:
0x92: {  	s5 =	smul.u32 $0x7D0, s0  }
0x93: {  	s1 =	rddreg [dreg:$0x10]  }
0x94: {  	[smem:$0x7FC] =	sst s0;
	s0 =	sadd.s32 s1, s5  }
0x95: {  	s17 =	rddreg [dreg:$0xd];
	s0 =	sshrl.u32 s0, $0x3  }
0x96: {  	s5 =	simm.s32 $0x9;
	s1 =	sadd.s32 s17, s0;
	s17 =	simm.s32 $0x0  }
0x97: {  	[tilespmem:s17], [sflag:$0x9] =	stream.linear.gather [hbm4b:s1+s17], $0x7D0, $0x38;
	[tilespmem:$0x1FD80] =	vst v63  }
0x98: {  	_ =	swait.ge [sflag:s5], $0x7D0  }
0x99: {  	[sflag:s5] =	ssyncset.done $0x0;
	s30 =	rddreg [dreg:$0xe]  }
0x9a: {  	[sflag:s5] =	ssyncadd.s32 $0xFFFFF830;
	s0 =	sadd.s32 s30, s0;
	s30 =	simm.s32 $0x800  }
0x9b: {  	[tilespmem:s30], [sflag:$0x9] =	stream.linear.gather [hbm4b:s0+s17], $0x7D0, $0x38;
	[tilespmem:$0x1FD80] =	vst v63  }
0x9c: {  	_ =	swait.ge [sflag:s5], $0x7D0  }
0x9d: {  	[sflag:s5] =	ssyncset.done $0x0  }
0x9e: {  	[sflag:s5] =	ssyncadd.s32 $0xFFFFF830  }
0x9f: {  	v2 =	vld [tilespmem:$0x800]  }
0xa0: {  	v3 =	vld [tilespmem:$0x810]  }
0xa1: {  	v4 =	vld [tilespmem:$0x820]  }
0xa2: {  	v5 =	vld [tilespmem:$0x830]  }
0xa3: {  	v6 =	vld [tilespmem:$0x840]  }
0xa4: {  	[tilespmem:$0x1300] =	vst v2  }
0xa5: {  	[tilespmem:$0x1310] =	vst v3  }
0xa6: {  	[tilespmem:$0x1320] =	vst v4  }
0xa7: {  	[tilespmem:$0x1330] =	vst v5  }
0xa8: {  	[tilespmem:$0x1340] =	vst v6  }
0xa9: {  	[tilespmem:s6], [sflag:$0x1] =	stream.linear.gather [hbm4b:s2+s17], $0x2800, $0x38;
	[tilespmem:$0x1FD80] =	vst v63  }
0xaa: {  	v2 =	vld [tilespmem:$0x850]  }
0xab: {  	v3 =	vld [tilespmem:$0x860]  }
0xac: {  	v34 =	vld [tilespmem:$0x870]  }
0xad: {  	v35 =	vld [tilespmem:$0x880]  }
0xae: {  	v36 =	vld [tilespmem:$0x890]  }
0xaf: {  	[tilespmem:$0x1380] =	vst v2  }
0xb0: {  	[tilespmem:$0x1390] =	vst v3  }
0xb1: {  	[tilespmem:$0x13A0] =	vst v34  }
0xb2: {  	[tilespmem:$0x13B0] =	vst v35  }
0xb3: {  	s1 =	rddreg [dreg:$0x1c];
	[tilespmem:$0x13C0] =	vst v36  }
0xb4: {  	[tilespmem:s8], [sflag:$0x2] =	stream.linear.gather [hbm4b:s1+s17], $0x2800, $0x38;
	[tilespmem:$0x1FD80] =	vst v63  }
0xb5: {  	v2 =	vld [tilespmem:$0x8A0]  }
0xb6: {  	v3 =	vld [tilespmem:$0x8B0]  }
0xb7: {  	v37 =	vld [tilespmem:$0x8C0]  }
0xb8: {  	v38 =	vld [tilespmem:$0x8D0]  }
0xb9: {  	v39 =	vld [tilespmem:$0x8E0]  }
0xba: {  	[tilespmem:$0x1400] =	vst v2  }
0xbb: {  	[tilespmem:$0x1410] =	vst v3  }
0xbc: {  	[tilespmem:$0x1420] =	vst v37  }
0xbd: {  	[tilespmem:$0x1430] =	vst v38  }
0xbe: {  	s5 =	rddreg [dreg:$0x1d];
	[tilespmem:$0x1440] =	vst v39  }
0xbf: {  	[tilespmem:s9], [sflag:$0x3] =	stream.linear.gather [hbm4b:s5+s17], $0x2800, $0x38;
	[tilespmem:$0x1FD80] =	vst v63  }
0xc0: {  	_ =	swait.ge [sflag:s10], $0x2800  }
0xc1: {  	[sflag:s10] =	ssyncset.done $0x0  }
0xc2: {  	[sflag:s10] =	ssyncadd.s32 $0xFFFFD800  }
0xc3: {  	v2 =	vld [tilespmem:$0x1500]  }
0xc4: {  	v3 =	vld [tilespmem:$0x1700]  }
0xc5: {  	v40 =	vld [tilespmem:$0x1510]  }
0xc6: {  	v41 =	vld [tilespmem:$0x1710]  }
0xc7: {  	v42 =	vld [tilespmem:$0x1520]  }
0xc8: {  	v7 =	vld [tilespmem:$0x1720]  }
0xc9: {  	v10 =	vld [tilespmem:$0x1540]  }
0xca: {  	v11 =	vld [tilespmem:$0x1740]  }
0xcb: {  	v8 =	vld [tilespmem:$0x1730]  }
0xcc: {  	v2 =	vadd.f32 v3, v2;
	v3 =	vld [tilespmem:$0x1530];
	_ =	sdelay $0x1  }
0xcd: {  	v4 =	vadd.f32 v41, v40  }
0xce: {  	v6 =	vadd.f32 v7, v42;
	v44 =	vadd.f32 v11, v10;
	v9 =	vmul.f32 $2.000000030e-01, v2  }
0xcf: {  	vm0 =	vgt.f32 v2, $0.0e+00;
	v5 =	vmul.f32 $2.000000030e-01, v4;
	vm8 =	vgt.f32 v4, $0.0e+00  }
0xd0: {  	v43 =	vmul.f32 $2.000000030e-01, v6;
	vm9 =	vgt.f32 v6, $0.0e+00;
	v3 =	vadd.f32 v8, v3  }
0xd1: {  	v45 =	vmul.f32 $2.000000030e-01, v44;
	vm11 =	vgt.f32 v44, $0.0e+00;
	v2 =	vsel vm0, v2, v9  }
0xd2: {  	v4 =	vsel vm8, v4, v5;
	v2 =	vsub.f32 v2, v1;
	v8 =	vmul.f32 $2.000000030e-01, v3  }
0xd3: {  	v5 =	vsel vm9, v6, v43;
	v4 =	vsub.f32 v4, v1;
	vm10 =	vgt.f32 v3, $0.0e+00  }
0xd4: {  	v5 =	vsub.f32 v5, v1;
	v2 =	vmul.f32 $1.442695020e+00, v2;
	v3 =	vsel vm10, v3, v8  }
0xd5: {  	v6 =	vsel vm11, v44, v45;
	v4 =	vmul.f32 $1.442695020e+00, v4;
	v3 =	vsub.f32 v3, v1  }
0xd6: {  	v46 =	vsub.f32 v6, v1;
	(erf) = vpow2.f32 v2;
	v2 =	vmul.f32 $1.442695020e+00, v5  }
0xd7: {  	(erf) = vpow2.f32 v4;
	v3 =	vmul.f32 $1.442695020e+00, v3  }
0xd8: {  	(erf) = vpow2.f32 v2;
	v2 =	vmul.f32 $1.442695020e+00, v46  }
0xd9: {  	(erf) = vpow2.f32 v3  }
0xda: {  	(erf) = vpow2.f32 v2;
	_ =	sdelay $0x4  }
0xdb: {  	v2 =	vpop (erf)  }
0xdc: {  	[tilespmem:$0x1900] =	vst v2;
	v2 =	vpop (erf)  }
0xdd: {  	[tilespmem:$0x1910] =	vst v2;
	v2 =	vpop (erf)  }
0xde: {  	[tilespmem:$0x1920] =	vst v2;
	v2 =	vpop (erf)  }
0xdf: {  	[tilespmem:$0x1930] =	vst v2;
	v2 =	vpop (erf)  }
0xe0: {  	[tilespmem:$0x1940] =	vst v2  }
0xe1: {  	[spmem:s3] =	stream.linear.scatter [tilespmem:s6], [sflag:$0x5], $0x2800, $0x38;
	[tilespmem:$0x1FD80] =	vst v63  }
0xe2: {  	_ = 	snop  }
0xe3: {  	[spmem:s4] =	stream.indirect.scatter.add.f32 [tilespmem:s16], [sflag:$0x5], $0x1, s13, s12, $0xb8;
	[tilespmem:$0x1FD80] =	vst v63  }
0xe4: {  	v2 =	vld [tilespmem:$0x8F0]  }
0xe5: {  	v3 =	vld [tilespmem:$0x900]  }
0xe6: {  	v47 =	vld [tilespmem:$0x910]  }
0xe7: {  	v48 =	vld [tilespmem:$0x920]  }
0xe8: {  	v49 =	vld [tilespmem:$0x930]  }
0xe9: {  	[tilespmem:$0x1480] =	vst v2  }
0xea: {  	[tilespmem:$0x1490] =	vst v3  }
0xeb: {  	[tilespmem:$0x14A0] =	vst v47  }
0xec: {  	[tilespmem:$0x14B0] =	vst v48  }
0xed: {  	s30 =	rddreg [dreg:$0x1e];
	[tilespmem:$0x14C0] =	vst v49  }
0xee: {  	[tilespmem:s28], [sflag:$0x4] =	stream.linear.gather [hbm4b:s30+s17], $0x2800, $0x38;
	[tilespmem:$0x1FD80] =	vst v63  }
0xef: {  	_ =	swait.ge [sflag:s29], $0x2800  }
0xf0: {  	[sflag:s29] =	ssyncset.done $0x0  }
0xf1: {  	[sflag:s29] =	ssyncadd.s32 $0xFFFFD800  }
0xf2: {  	v2 =	vld [tilespmem:$0x1580]  }
0xf3: {  	v3 =	vld [tilespmem:$0x1780]  }
0xf4: {  	v50 =	vld [tilespmem:$0x1590]  }
0xf5: {  	v51 =	vld [tilespmem:$0x1790]  }
0xf6: {  	v52 =	vld [tilespmem:$0x15A0]  }
0xf7: {  	v53 =	vld [tilespmem:$0x17A0]  }
0xf8: {  	v54 =	vld [tilespmem:$0x15B0]  }
0xf9: {  	v55 =	vld [tilespmem:$0x17B0]  }
0xfa: {  	v56 =	vld [tilespmem:$0x15C0]  }
0xfb: {  	v57 =	vld [tilespmem:$0x17C0];
	_ =	sdelay $0x2  }
0xfc: {  	v2 =	vadd.f32 v3, v2  }
0xfd: {  	v3 =	vadd.f32 v51, v50;
	v6 =	vadd.f32 v53, v52  }
0xfe: {  	v8 =	vadd.f32 v55, v54;
	v4 =	vadd.f32 v57, v56  }
0xff: {  	v58 =	vmul.f32 $2.000000030e-01, v2;
	v59 =	vmul.f32 $2.000000030e-01, v3;
	vm12 =	vgt.f32 v2, $0.0e+00  }
0x100: {  	vm1 =	vgt.f32 v3, $0.0e+00;
	v60 =	vmul.f32 $2.000000030e-01, v6;
	vm13 =	vgt.f32 v6, $0.0e+00  }
0x101: {  	v61 =	vmul.f32 $2.000000030e-01, v8;
	vm14 =	vgt.f32 v8, $0.0e+00;
	v2 =	vsel vm12, v2, v58  }
0x102: {  	v63 =	vmul.f32 $2.000000030e-01, v4;
	v3 =	vsel vm1, v3, v59;
	v2 =	vsub.f32 v2, v1  }
0x103: {  	vm15 =	vgt.f32 v4, $0.0e+00;
	v5 =	vsel vm13, v6, v60;
	v3 =	vsub.f32 v3, v1  }
0x104: {  	v62 =	vsel vm14, v8, v61;
	v5 =	vsub.f32 v5, v1;
	v2 =	vmul.f32 $1.442695020e+00, v2  }
0x105: {  	v4 =	vsel vm15, v4, v63;
	v6 =	vsub.f32 v62, v1;
	v3 =	vmul.f32 $1.442695020e+00, v3  }
0x106: {  	v4 =	vsub.f32 v4, v1;
	(erf) = vpow2.f32 v2;
	v2 =	vmul.f32 $1.442695020e+00, v5  }
0x107: {  	(erf) = vpow2.f32 v3;
	v3 =	vmul.f32 $1.442695020e+00, v6  }
0x108: {  	(erf) = vpow2.f32 v2;
	v2 =	vmul.f32 $1.442695020e+00, v4  }
0x109: {  	(erf) = vpow2.f32 v3  }
0x10a: {  	(erf) = vpow2.f32 v2;
	_ =	sdelay $0x4  }
0x10b: {  	v2 =	vpop (erf)  }
0x10c: {  	v3 =	vpop (erf);
	[tilespmem:$0x1980] =	vst v2  }
0x10d: {  	v2 =	vpop (erf);
	[tilespmem:$0x1990] =	vst v3  }
0x10e: {  	v3 =	vpop (erf);
	[tilespmem:$0x19A0] =	vst v2  }
0x10f: {  	[tilespmem:$0x19B0] =	vst v3;
	v2 =	vpop (erf)  }
0x110: {  	[tilespmem:$0x19C0] =	vst v2  }
0x111: {  	[spmem:s3] =	stream.linear.scatter [tilespmem:s8], [sflag:$0x6], $0x2800, $0x38;
	[tilespmem:$0x1FD80] =	vst v63  }
0x112: {  	s31 =	simm.s32 $0xA70;
	s0 =	simm.s32 $0x0;
	s1 =	simm.s32 $0x0  }
0x113: {  	[spmem:s4] =	stream.indirect.scatter.add.f32 [tilespmem:s19], [sflag:$0x6], $0x1, s18, s12, $0xb8;
	[tilespmem:$0x1FD80] =	vst v63  }
.LBB2_5:
0x114: {  	_ =	swait.ge [sflag:s20], $0x2800  }
0x115: {  	[sflag:s20] =	ssyncset.done $0x0  }
0x116: {  	[sflag:s20] =	ssyncadd.s32 $0xFFFFD800  }
0x117: {  	_ =	swait.ge [sflag:s20], $0x50  }
0x118: {  	[sflag:s20] =	ssyncset.done $0x0  }
0x119: {  	[sflag:s20] =	ssyncadd.s32 $0xFFFFFFB0  }
0x11a: {  	v2 =	vld [tilespmem:s31+$0xFFFFFED0];
	_ =	sdelay $0x4  }
0x11b: {  	[tilespmem:$0x1300] =	vst v2  }
0x11c: {  	v2 =	vld [tilespmem:s31+$0xFFFFFEE0];
	_ =	sdelay $0x4  }
0x11d: {  	[tilespmem:$0x1310] =	vst v2  }
0x11e: {  	v2 =	vld [tilespmem:s31+$0xFFFFFEF0];
	_ =	sdelay $0x4  }
0x11f: {  	[tilespmem:$0x1320] =	vst v2  }
0x120: {  	v2 =	vld [tilespmem:s31+$0xFFFFFF00];
	_ =	sdelay $0x4  }
0x121: {  	s5 =	sand.u32 $0xFC0, s1;
	[tilespmem:$0x1330] =	vst v2  }
0x122: {  	v2 =	vld [tilespmem:s5+$0x980];
	_ =	sdelay $0x3  }
0x123: {  	s17 =	sadd.s32 s0, s2  }
0x124: {  	s30 =	sadd.s32 $0x1400, s17;
	[tilespmem:$0x1340] =	vst v2  }
0x125: {  	[tilespmem:s6], [sflag:$0x1] =	stream.linear.gather [hbm4b:s30+s11], $0x2800, $0x38;
	[tilespmem:$0x1FD80] =	vst v63  }
0x126: {  	_ =	swait.ge [sflag:s21], $0x2800  }
0x127: {  	[sflag:s21] =	ssyncset.done $0x0  }
0x128: {  	[sflag:s21] =	ssyncadd.s32 $0xFFFFD800  }
0x129: {  	v2 =	vld [tilespmem:$0x1600]  }
0x12a: {  	v3 =	vld [tilespmem:$0x1800]  }
0x12b: {  	v4 =	vld [tilespmem:$0x1610]  }
0x12c: {  	v5 =	vld [tilespmem:$0x1810]  }
0x12d: {  	v6 =	vld [tilespmem:$0x1620]  }
0x12e: {  	v7 =	vld [tilespmem:$0x1820]  }
0x12f: {  	v10 =	vld [tilespmem:$0x1640]  }
0x130: {  	v11 =	vld [tilespmem:$0x1840]  }
0x131: {  	v8 =	vld [tilespmem:$0x1830]  }
0x132: {  	v2 =	vadd.f32 v3, v2;
	v3 =	vld [tilespmem:$0x1630];
	_ =	sdelay $0x1  }
0x133: {  	v4 =	vadd.f32 v5, v4  }
0x134: {  	v6 =	vadd.f32 v7, v6;
	v23 =	vadd.f32 v11, v10;
	v9 =	vmul.f32 $2.000000030e-01, v2  }
0x135: {  	vm0 =	vgt.f32 v2, $0.0e+00;
	v5 =	vmul.f32 $2.000000030e-01, v4;
	vm10 =	vgt.f32 v4, $0.0e+00  }
0x136: {  	v22 =	vmul.f32 $2.000000030e-01, v6;
	vm11 =	vgt.f32 v6, $0.0e+00;
	v3 =	vadd.f32 v8, v3  }
0x137: {  	v24 =	vmul.f32 $2.000000030e-01, v23;
	vm13 =	vgt.f32 v23, $0.0e+00;
	v2 =	vsel vm0, v2, v9  }
0x138: {  	v4 =	vsel vm10, v4, v5;
	v2 =	vsub.f32 v2, v1;
	v8 =	vmul.f32 $2.000000030e-01, v3  }
0x139: {  	v5 =	vsel vm11, v6, v22;
	v4 =	vsub.f32 v4, v1;
	vm12 =	vgt.f32 v3, $0.0e+00  }
0x13a: {  	v5 =	vsub.f32 v5, v1;
	v2 =	vmul.f32 $1.442695020e+00, v2;
	v3 =	vsel vm12, v3, v8  }
0x13b: {  	v6 =	vsel vm13, v23, v24;
	v4 =	vmul.f32 $1.442695020e+00, v4;
	v3 =	vsub.f32 v3, v1  }
0x13c: {  	v25 =	vsub.f32 v6, v1;
	(erf) = vpow2.f32 v2;
	v2 =	vmul.f32 $1.442695020e+00, v5  }
0x13d: {  	(erf) = vpow2.f32 v4;
	v3 =	vmul.f32 $1.442695020e+00, v3  }
0x13e: {  	(erf) = vpow2.f32 v2;
	v2 =	vmul.f32 $1.442695020e+00, v25  }
0x13f: {  	(erf) = vpow2.f32 v3  }
0x140: {  	(erf) = vpow2.f32 v2;
	_ =	sdelay $0x4  }
0x141: {  	v2 =	vpop (erf)  }
0x142: {  	[tilespmem:$0x1A00] =	vst v2;
	v2 =	vpop (erf)  }
0x143: {  	[tilespmem:$0x1A10] =	vst v2;
	v2 =	vpop (erf)  }
0x144: {  	[tilespmem:$0x1A20] =	vst v2;
	v2 =	vpop (erf)  }
0x145: {  	[tilespmem:$0x1A30] =	vst v2;
	v2 =	vpop (erf)  }
0x146: {  	[tilespmem:$0x1A40] =	vst v2  }
0x147: {  	[spmem:s3] =	stream.linear.scatter [tilespmem:s9], [sflag:$0x7], $0x2800, $0x38;
	[tilespmem:$0x1FD80] =	vst v63  }
0x148: {  	_ = 	snop  }
0x149: {  	[spmem:s4] =	stream.indirect.scatter.add.f32 [tilespmem:s23], [sflag:$0x7], $0x1, s22, s12, $0xb8;
	[tilespmem:$0x1FD80] =	vst v63  }
0x14a: {  	_ =	swait.ge [sflag:s24], $0x2800  }
0x14b: {  	[sflag:s24] =	ssyncset.done $0x0  }
0x14c: {  	[sflag:s24] =	ssyncadd.s32 $0xFFFFD800  }
0x14d: {  	_ =	swait.ge [sflag:s24], $0x50  }
0x14e: {  	[sflag:s24] =	ssyncset.done $0x0  }
0x14f: {  	[sflag:s24] =	ssyncadd.s32 $0xFFFFFFB0  }
0x150: {  	v2 =	vld [tilespmem:s31+$0xFFFFFF20];
	_ =	sdelay $0x4  }
0x151: {  	[tilespmem:$0x1380] =	vst v2  }
0x152: {  	v2 =	vld [tilespmem:s31+$0xFFFFFF30];
	_ =	sdelay $0x4  }
0x153: {  	[tilespmem:$0x1390] =	vst v2  }
0x154: {  	v2 =	vld [tilespmem:s31+$0xFFFFFF40];
	_ =	sdelay $0x4  }
0x155: {  	[tilespmem:$0x13A0] =	vst v2  }
0x156: {  	v2 =	vld [tilespmem:s31+$0xFFFFFF50];
	_ =	sdelay $0x4  }
0x157: {  	[tilespmem:$0x13B0] =	vst v2  }
0x158: {  	v2 =	vld [tilespmem:s31+$0xFFFFFF60];
	_ =	sdelay $0x4  }
0x159: {  	s30 =	sadd.s32 $0x1900, s17;
	[tilespmem:$0x13C0] =	vst v2  }
0x15a: {  	[tilespmem:s8], [sflag:$0x2] =	stream.linear.gather [hbm4b:s30+s11], $0x2800, $0x38;
	[tilespmem:$0x1FD80] =	vst v63  }
0x15b: {  	_ =	swait.ge [sflag:s25], $0x2800  }
0x15c: {  	[sflag:s25] =	ssyncset.done $0x0  }
0x15d: {  	[sflag:s25] =	ssyncadd.s32 $0xFFFFD800  }
0x15e: {  	v2 =	vld [tilespmem:$0x1680]  }
0x15f: {  	v3 =	vld [tilespmem:$0x1880]  }
0x160: {  	v26 =	vld [tilespmem:$0x1690]  }
0x161: {  	v27 =	vld [tilespmem:$0x1890]  }
0x162: {  	v28 =	vld [tilespmem:$0x16A0]  }
0x163: {  	v29 =	vld [tilespmem:$0x18A0]  }
0x164: {  	v32 =	vld [tilespmem:$0x16C0]  }
0x165: {  	v33 =	vld [tilespmem:$0x18C0]  }
0x166: {  	v30 =	vld [tilespmem:$0x18B0]  }
0x167: {  	v2 =	vadd.f32 v3, v2;
	v3 =	vld [tilespmem:$0x16B0];
	_ =	sdelay $0x1  }
0x168: {  	v4 =	vadd.f32 v27, v26  }
0x169: {  	v6 =	vadd.f32 v29, v28;
	v35 =	vadd.f32 v33, v32;
	v31 =	vmul.f32 $2.000000030e-01, v2  }
0x16a: {  	vm14 =	vgt.f32 v2, $0.0e+00;
	v5 =	vmul.f32 $2.000000030e-01, v4;
	vm15 =	vgt.f32 v4, $0.0e+00  }
0x16b: {  	v34 =	vmul.f32 $2.000000030e-01, v6;
	vm4 =	vgt.f32 v6, $0.0e+00;
	v3 =	vadd.f32 v30, v3  }
0x16c: {  	v36 =	vmul.f32 $2.000000030e-01, v35;
	vm6 =	vgt.f32 v35, $0.0e+00;
	v2 =	vsel vm14, v2, v31  }
0x16d: {  	v4 =	vsel vm15, v4, v5;
	v2 =	vsub.f32 v2, v1;
	v8 =	vmul.f32 $2.000000030e-01, v3  }
0x16e: {  	v5 =	vsel vm4, v6, v34;
	v4 =	vsub.f32 v4, v1;
	vm5 =	vgt.f32 v3, $0.0e+00  }
0x16f: {  	v5 =	vsub.f32 v5, v1;
	v2 =	vmul.f32 $1.442695020e+00, v2;
	v3 =	vsel vm5, v3, v8  }
0x170: {  	v6 =	vsel vm6, v35, v36;
	v4 =	vmul.f32 $1.442695020e+00, v4;
	v3 =	vsub.f32 v3, v1  }
0x171: {  	v37 =	vsub.f32 v6, v1;
	(erf) = vpow2.f32 v2;
	v2 =	vmul.f32 $1.442695020e+00, v5  }
0x172: {  	(erf) = vpow2.f32 v4;
	v3 =	vmul.f32 $1.442695020e+00, v3  }
0x173: {  	(erf) = vpow2.f32 v2;
	v2 =	vmul.f32 $1.442695020e+00, v37  }
0x174: {  	(erf) = vpow2.f32 v3  }
0x175: {  	(erf) = vpow2.f32 v2;
	_ =	sdelay $0x4  }
0x176: {  	v2 =	vpop (erf)  }
0x177: {  	[tilespmem:$0x1A80] =	vst v2;
	v2 =	vpop (erf)  }
0x178: {  	[tilespmem:$0x1A90] =	vst v2;
	v2 =	vpop (erf)  }
0x179: {  	[tilespmem:$0x1AA0] =	vst v2;
	v2 =	vpop (erf)  }
0x17a: {  	[tilespmem:$0x1AB0] =	vst v2;
	v2 =	vpop (erf)  }
0x17b: {  	[tilespmem:$0x1AC0] =	vst v2  }
0x17c: {  	[spmem:s3] =	stream.linear.scatter [tilespmem:s28], [sflag:$0x8], $0x2800, $0x38;
	[tilespmem:$0x1FD80] =	vst v63  }
0x17d: {  	_ = 	snop  }
0x17e: {  	[spmem:s4] =	stream.indirect.scatter.add.f32 [tilespmem:s7], [sflag:$0x8], $0x1, s26, s12, $0xb8;
	[tilespmem:$0x1FD80] =	vst v63  }
0x17f: {  	_ =	swait.ge [sflag:s14], $0x2800  }
0x180: {  	[sflag:s14] =	ssyncset.done $0x0  }
0x181: {  	[sflag:s14] =	ssyncadd.s32 $0xFFFFD800  }
0x182: {  	_ =	swait.ge [sflag:s14], $0x50  }
0x183: {  	[sflag:s14] =	ssyncset.done $0x0  }
0x184: {  	[sflag:s14] =	ssyncadd.s32 $0xFFFFFFB0  }
0x185: {  	v2 =	vld [tilespmem:s31+$0xFFFFFF70];
	_ =	sdelay $0x4  }
0x186: {  	[tilespmem:$0x1400] =	vst v2  }
0x187: {  	v2 =	vld [tilespmem:s31+$0xFFFFFF80];
	_ =	sdelay $0x4  }
0x188: {  	[tilespmem:$0x1410] =	vst v2  }
0x189: {  	v2 =	vld [tilespmem:s5+$0xA00];
	_ =	sdelay $0x4  }
0x18a: {  	[tilespmem:$0x1420] =	vst v2  }
0x18b: {  	v2 =	vld [tilespmem:s31+$0xFFFFFFA0];
	_ =	sdelay $0x4  }
0x18c: {  	[tilespmem:$0x1430] =	vst v2  }
0x18d: {  	v2 =	vld [tilespmem:s31+$0xFFFFFFB0];
	_ =	sdelay $0x4  }
0x18e: {  	s30 =	sadd.s32 $0x1E00, s17;
	[tilespmem:$0x1440] =	vst v2  }
0x18f: {  	[tilespmem:s9], [sflag:$0x3] =	stream.linear.gather [hbm4b:s30+s11], $0x2800, $0x38;
	[tilespmem:$0x1FD80] =	vst v63  }
0x190: {  	_ =	swait.ge [sflag:s10], $0x2800  }
0x191: {  	[sflag:s10] =	ssyncset.done $0x0  }
0x192: {  	[sflag:s10] =	ssyncadd.s32 $0xFFFFD800  }
0x193: {  	v2 =	vld [tilespmem:$0x1500]  }
0x194: {  	v3 =	vld [tilespmem:$0x1700]  }
0x195: {  	v38 =	vld [tilespmem:$0x1510]  }
0x196: {  	v39 =	vld [tilespmem:$0x1710]  }
0x197: {  	v40 =	vld [tilespmem:$0x1520]  }
0x198: {  	v41 =	vld [tilespmem:$0x1720]  }
0x199: {  	v44 =	vld [tilespmem:$0x1540]  }
0x19a: {  	v45 =	vld [tilespmem:$0x1740]  }
0x19b: {  	v42 =	vld [tilespmem:$0x1730]  }
0x19c: {  	v2 =	vadd.f32 v3, v2;
	v3 =	vld [tilespmem:$0x1530];
	_ =	sdelay $0x1  }
0x19d: {  	v4 =	vadd.f32 v39, v38  }
0x19e: {  	v6 =	vadd.f32 v41, v40;
	v47 =	vadd.f32 v45, v44;
	v43 =	vmul.f32 $2.000000030e-01, v2  }
0x19f: {  	vm7 =	vgt.f32 v2, $0.0e+00;
	v5 =	vmul.f32 $2.000000030e-01, v4;
	vm8 =	vgt.f32 v4, $0.0e+00  }
0x1a0: {  	v46 =	vmul.f32 $2.000000030e-01, v6;
	vm9 =	vgt.f32 v6, $0.0e+00;
	v3 =	vadd.f32 v42, v3  }
0x1a1: {  	v48 =	vmul.f32 $2.000000030e-01, v47;
	vm11 =	vgt.f32 v47, $0.0e+00;
	v2 =	vsel vm7, v2, v43  }
0x1a2: {  	v4 =	vsel vm8, v4, v5;
	v2 =	vsub.f32 v2, v1;
	v8 =	vmul.f32 $2.000000030e-01, v3  }
0x1a3: {  	v5 =	vsel vm9, v6, v46;
	v4 =	vsub.f32 v4, v1;
	vm10 =	vgt.f32 v3, $0.0e+00  }
0x1a4: {  	v5 =	vsub.f32 v5, v1;
	v2 =	vmul.f32 $1.442695020e+00, v2;
	v3 =	vsel vm10, v3, v8  }
0x1a5: {  	v6 =	vsel vm11, v47, v48;
	v4 =	vmul.f32 $1.442695020e+00, v4;
	v3 =	vsub.f32 v3, v1  }
0x1a6: {  	v49 =	vsub.f32 v6, v1;
	(erf) = vpow2.f32 v2;
	v2 =	vmul.f32 $1.442695020e+00, v5  }
0x1a7: {  	(erf) = vpow2.f32 v4;
	v3 =	vmul.f32 $1.442695020e+00, v3  }
0x1a8: {  	(erf) = vpow2.f32 v2;
	v2 =	vmul.f32 $1.442695020e+00, v49  }
0x1a9: {  	(erf) = vpow2.f32 v3  }
0x1aa: {  	(erf) = vpow2.f32 v2;
	_ =	sdelay $0x4  }
0x1ab: {  	v2 =	vpop (erf)  }
0x1ac: {  	[tilespmem:$0x1900] =	vst v2;
	v2 =	vpop (erf)  }
0x1ad: {  	[tilespmem:$0x1910] =	vst v2;
	v2 =	vpop (erf)  }
0x1ae: {  	[tilespmem:$0x1920] =	vst v2;
	v2 =	vpop (erf)  }
0x1af: {  	[tilespmem:$0x1930] =	vst v2;
	v2 =	vpop (erf)  }
0x1b0: {  	[tilespmem:$0x1940] =	vst v2  }
0x1b1: {  	[spmem:s3] =	stream.linear.scatter [tilespmem:s6], [sflag:$0x5], $0x2800, $0x38;
	[tilespmem:$0x1FD80] =	vst v63  }
0x1b2: {  	_ = 	snop  }
0x1b3: {  	[spmem:s4] =	stream.indirect.scatter.add.f32 [tilespmem:s16], [sflag:$0x5], $0x1, s13, s12, $0xb8;
	[tilespmem:$0x1FD80] =	vst v63  }
0x1b4: {  	_ =	swait.ge [sflag:s15], $0x2800  }
0x1b5: {  	[sflag:s15] =	ssyncset.done $0x0  }
0x1b6: {  	[sflag:s15] =	ssyncadd.s32 $0xFFFFD800  }
0x1b7: {  	_ =	swait.ge [sflag:s15], $0x50  }
0x1b8: {  	[sflag:s15] =	ssyncset.done $0x0  }
0x1b9: {  	[sflag:s15] =	ssyncadd.s32 $0xFFFFFFB0  }
0x1ba: {  	v2 =	vld [tilespmem:s31+$0xFFFFFFC0];
	_ =	sdelay $0x4  }
0x1bb: {  	[tilespmem:$0x1480] =	vst v2  }
0x1bc: {  	v2 =	vld [tilespmem:s31+$0xFFFFFFD0];
	_ =	sdelay $0x4  }
0x1bd: {  	[tilespmem:$0x1490] =	vst v2  }
0x1be: {  	v2 =	vld [tilespmem:s31+$0xFFFFFFE0];
	_ =	sdelay $0x4  }
0x1bf: {  	[tilespmem:$0x14A0] =	vst v2  }
0x1c0: {  	v2 =	vld [tilespmem:s31+$0xFFFFFFF0];
	_ =	sdelay $0x4  }
0x1c1: {  	[tilespmem:$0x14B0] =	vst v2  }
0x1c2: {  	v2 =	vld [tilespmem:s31+$0x0];
	_ =	sdelay $0x4  }
0x1c3: {  	s30 =	sadd.s32 $0x2300, s17;
	[tilespmem:$0x14C0] =	vst v2  }
0x1c4: {  	[tilespmem:s28], [sflag:$0x4] =	stream.linear.gather [hbm4b:s30+s11], $0x2800, $0x38;
	[tilespmem:$0x1FD80] =	vst v63  }
0x1c5: {  	_ =	swait.ge [sflag:s29], $0x2800  }
0x1c6: {  	[sflag:s29] =	ssyncset.done $0x0  }
0x1c7: {  	[sflag:s29] =	ssyncadd.s32 $0xFFFFD800  }
0x1c8: {  	v2 =	vld [tilespmem:$0x1580]  }
0x1c9: {  	v3 =	vld [tilespmem:$0x1780]  }
0x1ca: {  	v50 =	vld [tilespmem:$0x1590]  }
0x1cb: {  	v51 =	vld [tilespmem:$0x1790]  }
0x1cc: {  	v52 =	vld [tilespmem:$0x15A0]  }
0x1cd: {  	v53 =	vld [tilespmem:$0x17A0]  }
0x1ce: {  	v54 =	vld [tilespmem:$0x15B0]  }
0x1cf: {  	v55 =	vld [tilespmem:$0x17B0]  }
0x1d0: {  	v56 =	vld [tilespmem:$0x15C0]  }
0x1d1: {  	v57 =	vld [tilespmem:$0x17C0];
	_ =	sdelay $0x2  }
0x1d2: {  	v2 =	vadd.f32 v3, v2  }
0x1d3: {  	v3 =	vadd.f32 v51, v50;
	v6 =	vadd.f32 v53, v52  }
0x1d4: {  	v8 =	vadd.f32 v55, v54;
	v4 =	vadd.f32 v57, v56  }
0x1d5: {  	v58 =	vmul.f32 $2.000000030e-01, v2;
	v59 =	vmul.f32 $2.000000030e-01, v3;
	vm12 =	vgt.f32 v2, $0.0e+00  }
0x1d6: {  	vm1 =	vgt.f32 v3, $0.0e+00;
	v60 =	vmul.f32 $2.000000030e-01, v6;
	vm13 =	vgt.f32 v6, $0.0e+00  }
0x1d7: {  	v61 =	vmul.f32 $2.000000030e-01, v8;
	vm14 =	vgt.f32 v8, $0.0e+00;
	v2 =	vsel vm12, v2, v58  }
0x1d8: {  	v63 =	vmul.f32 $2.000000030e-01, v4;
	v3 =	vsel vm1, v3, v59;
	v2 =	vsub.f32 v2, v1  }
0x1d9: {  	vm15 =	vgt.f32 v4, $0.0e+00;
	v5 =	vsel vm13, v6, v60;
	v3 =	vsub.f32 v3, v1  }
0x1da: {  	v62 =	vsel vm14, v8, v61;
	v5 =	vsub.f32 v5, v1;
	v2 =	vmul.f32 $1.442695020e+00, v2  }
0x1db: {  	v4 =	vsel vm15, v4, v63;
	v6 =	vsub.f32 v62, v1;
	v3 =	vmul.f32 $1.442695020e+00, v3  }
0x1dc: {  	v4 =	vsub.f32 v4, v1;
	(erf) = vpow2.f32 v2;
	v2 =	vmul.f32 $1.442695020e+00, v5  }
0x1dd: {  	(erf) = vpow2.f32 v3;
	v3 =	vmul.f32 $1.442695020e+00, v6  }
0x1de: {  	(erf) = vpow2.f32 v2;
	v2 =	vmul.f32 $1.442695020e+00, v4  }
0x1df: {  	(erf) = vpow2.f32 v3  }
0x1e0: {  	(erf) = vpow2.f32 v2;
	_ =	sdelay $0x4  }
0x1e1: {  	v2 =	vpop (erf)  }
0x1e2: {  	v3 =	vpop (erf);
	[tilespmem:$0x1980] =	vst v2  }
0x1e3: {  	v2 =	vpop (erf);
	[tilespmem:$0x1990] =	vst v3  }
0x1e4: {  	p0 =	sne.s32 s0, $0x5000;
	v3 =	vpop (erf);
	[tilespmem:$0x19A0] =	vst v2  }
.Ltmp1:
0x1e5: {  	[tilespmem:$0x19B0] =	vst v3;
	v2 =	vpop (erf);
	(pc) =	sbr.rel @p0 .LBB2_5-.Ltmp1, $4  }
0x1e6: {  	[tilespmem:$0x19C0] =	vst v2  }
0x1e7: {  	[spmem:s3] =	stream.linear.scatter [tilespmem:s8], [sflag:$0x6], $0x2800, $0x38;
	[tilespmem:$0x1FD80] =	vst v63  }
0x1e8: {  	s1 =	sadd.s32 $0x140, s1;
	s0 =	sadd.s32 $0x1400, s0;
	s31 =	sadd.s32 $0x140, s31  }
0x1e9: {  	[spmem:s4] =	stream.indirect.scatter.add.f32 [tilespmem:s19], [sflag:$0x6], $0x1, s18, s12, $0xb8;
	[tilespmem:$0x1FD80] =	vst v63  }
0x1ea: {  	_ =	swait.ge [sflag:s20], $0x2800  }
0x1eb: {  	[sflag:s20] =	ssyncset.done $0x0  }
0x1ec: {  	[sflag:s20] =	ssyncadd.s32 $0xFFFFD800  }
0x1ed: {  	_ =	swait.ge [sflag:s20], $0x50  }
0x1ee: {  	[sflag:s20] =	ssyncset.done $0x0  }
0x1ef: {  	[sflag:s20] =	ssyncadd.s32 $0xFFFFFFB0  }
0x1f0: {  	v2 =	vld [tilespmem:$0xF80]  }
0x1f1: {  	v3 =	vld [tilespmem:$0xF90]  }
0x1f2: {  	v4 =	vld [tilespmem:$0xFA0]  }
0x1f3: {  	v5 =	vld [tilespmem:$0xFB0]  }
0x1f4: {  	v6 =	vld [tilespmem:$0xFC0]  }
0x1f5: {  	[tilespmem:$0x1300] =	vst v2  }
0x1f6: {  	[tilespmem:$0x1310] =	vst v3  }
0x1f7: {  	[tilespmem:$0x1320] =	vst v4  }
0x1f8: {  	[tilespmem:$0x1330] =	vst v5  }
0x1f9: {  	s0 =	rddreg [dreg:$0x1f];
	[tilespmem:$0x1340] =	vst v6  }
0x1fa: {  	[tilespmem:s6], [sflag:$0x1] =	stream.linear.gather [hbm4b:s0+s11], $0x2800, $0x38;
	[tilespmem:$0x1FD80] =	vst v63  }
0x1fb: {  	_ =	swait.ge [sflag:s21], $0x2800  }
0x1fc: {  	[sflag:s21] =	ssyncset.done $0x0  }
0x1fd: {  	[sflag:s21] =	ssyncadd.s32 $0xFFFFD800  }
0x1fe: {  	v2 =	vld [tilespmem:$0x1600]  }
0x1ff: {  	v3 =	vld [tilespmem:$0x1800]  }
0x200: {  	v31 =	vld [tilespmem:$0x1610]  }
0x201: {  	v32 =	vld [tilespmem:$0x1810]  }
0x202: {  	v33 =	vld [tilespmem:$0x1620]  }
0x203: {  	v7 =	vld [tilespmem:$0x1820]  }
0x204: {  	v10 =	vld [tilespmem:$0x1640]  }
0x205: {  	v11 =	vld [tilespmem:$0x1840]  }
0x206: {  	v8 =	vld [tilespmem:$0x1830]  }
0x207: {  	v2 =	vadd.f32 v3, v2;
	v3 =	vld [tilespmem:$0x1630];
	_ =	sdelay $0x1  }
0x208: {  	v4 =	vadd.f32 v32, v31  }
0x209: {  	v6 =	vadd.f32 v7, v33;
	v35 =	vadd.f32 v11, v10;
	v9 =	vmul.f32 $2.000000030e-01, v2  }
0x20a: {  	vm0 =	vgt.f32 v2, $0.0e+00;
	v5 =	vmul.f32 $2.000000030e-01, v4;
	vm15 =	vgt.f32 v4, $0.0e+00  }
0x20b: {  	v34 =	vmul.f32 $2.000000030e-01, v6;
	vm4 =	vgt.f32 v6, $0.0e+00;
	v3 =	vadd.f32 v8, v3  }
0x20c: {  	v36 =	vmul.f32 $2.000000030e-01, v35;
	vm6 =	vgt.f32 v35, $0.0e+00;
	v2 =	vsel vm0, v2, v9  }
0x20d: {  	v4 =	vsel vm15, v4, v5;
	v2 =	vsub.f32 v2, v1;
	v8 =	vmul.f32 $2.000000030e-01, v3  }
0x20e: {  	v5 =	vsel vm4, v6, v34;
	v4 =	vsub.f32 v4, v1;
	vm5 =	vgt.f32 v3, $0.0e+00  }
0x20f: {  	v5 =	vsub.f32 v5, v1;
	v2 =	vmul.f32 $1.442695020e+00, v2;
	v3 =	vsel vm5, v3, v8  }
0x210: {  	v6 =	vsel vm6, v35, v36;
	v4 =	vmul.f32 $1.442695020e+00, v4;
	v3 =	vsub.f32 v3, v1  }
0x211: {  	v37 =	vsub.f32 v6, v1;
	(erf) = vpow2.f32 v2;
	v2 =	vmul.f32 $1.442695020e+00, v5  }
0x212: {  	(erf) = vpow2.f32 v4;
	v3 =	vmul.f32 $1.442695020e+00, v3  }
0x213: {  	(erf) = vpow2.f32 v2;
	v2 =	vmul.f32 $1.442695020e+00, v37  }
0x214: {  	(erf) = vpow2.f32 v3  }
0x215: {  	(erf) = vpow2.f32 v2;
	_ =	sdelay $0x4  }
0x216: {  	v2 =	vpop (erf)  }
0x217: {  	[tilespmem:$0x1A00] =	vst v2;
	v2 =	vpop (erf)  }
0x218: {  	[tilespmem:$0x1A10] =	vst v2;
	v2 =	vpop (erf)  }
0x219: {  	[tilespmem:$0x1A20] =	vst v2;
	v2 =	vpop (erf)  }
0x21a: {  	[tilespmem:$0x1A30] =	vst v2;
	v2 =	vpop (erf)  }
0x21b: {  	[tilespmem:$0x1A40] =	vst v2  }
0x21c: {  	[spmem:s3] =	stream.linear.scatter [tilespmem:s9], [sflag:$0x7], $0x2800, $0x38;
	[tilespmem:$0x1FD80] =	vst v63  }
0x21d: {  	_ = 	snop  }
0x21e: {  	[spmem:s4] =	stream.indirect.scatter.add.f32 [tilespmem:s23], [sflag:$0x7], $0x1, s22, s12, $0xb8;
	[tilespmem:$0x1FD80] =	vst v63  }
0x21f: {  	_ =	swait.ge [sflag:s25], $0x2800  }
0x220: {  	[sflag:s25] =	ssyncset.done $0x0  }
0x221: {  	[sflag:s25] =	ssyncadd.s32 $0xFFFFD800  }
0x222: {  	v2 =	vld [tilespmem:$0x1680]  }
0x223: {  	v3 =	vld [tilespmem:$0x1880]  }
0x224: {  	v38 =	vld [tilespmem:$0x1690]  }
0x225: {  	v39 =	vld [tilespmem:$0x1890]  }
0x226: {  	v40 =	vld [tilespmem:$0x16A0]  }
0x227: {  	v41 =	vld [tilespmem:$0x18A0]  }
0x228: {  	v44 =	vld [tilespmem:$0x16C0]  }
0x229: {  	v45 =	vld [tilespmem:$0x18C0]  }
0x22a: {  	v42 =	vld [tilespmem:$0x18B0]  }
0x22b: {  	v2 =	vadd.f32 v3, v2;
	v3 =	vld [tilespmem:$0x16B0];
	_ =	sdelay $0x1  }
0x22c: {  	v4 =	vadd.f32 v39, v38  }
0x22d: {  	v6 =	vadd.f32 v41, v40;
	v47 =	vadd.f32 v45, v44;
	v43 =	vmul.f32 $2.000000030e-01, v2  }
0x22e: {  	vm7 =	vgt.f32 v2, $0.0e+00;
	v5 =	vmul.f32 $2.000000030e-01, v4;
	vm8 =	vgt.f32 v4, $0.0e+00  }
0x22f: {  	v46 =	vmul.f32 $2.000000030e-01, v6;
	vm9 =	vgt.f32 v6, $0.0e+00;
	v3 =	vadd.f32 v42, v3  }
0x230: {  	v48 =	vmul.f32 $2.000000030e-01, v47;
	vm11 =	vgt.f32 v47, $0.0e+00;
	v2 =	vsel vm7, v2, v43  }
0x231: {  	v4 =	vsel vm8, v4, v5;
	v2 =	vsub.f32 v2, v1;
	v8 =	vmul.f32 $2.000000030e-01, v3  }
0x232: {  	v5 =	vsel vm9, v6, v46;
	v4 =	vsub.f32 v4, v1;
	vm10 =	vgt.f32 v3, $0.0e+00  }
0x233: {  	v5 =	vsub.f32 v5, v1;
	v2 =	vmul.f32 $1.442695020e+00, v2;
	v3 =	vsel vm10, v3, v8  }
0x234: {  	v6 =	vsel vm11, v47, v48;
	v4 =	vmul.f32 $1.442695020e+00, v4;
	v3 =	vsub.f32 v3, v1  }
0x235: {  	v49 =	vsub.f32 v6, v1;
	(erf) = vpow2.f32 v2;
	v2 =	vmul.f32 $1.442695020e+00, v5  }
0x236: {  	(erf) = vpow2.f32 v4;
	v3 =	vmul.f32 $1.442695020e+00, v3  }
0x237: {  	(erf) = vpow2.f32 v2;
	v2 =	vmul.f32 $1.442695020e+00, v49  }
0x238: {  	(erf) = vpow2.f32 v3  }
0x239: {  	(erf) = vpow2.f32 v2;
	_ =	sdelay $0x4  }
0x23a: {  	v2 =	vpop (erf)  }
0x23b: {  	[tilespmem:$0x1A80] =	vst v2;
	v2 =	vpop (erf)  }
0x23c: {  	[tilespmem:$0x1A90] =	vst v2;
	v2 =	vpop (erf)  }
0x23d: {  	[tilespmem:$0x1AA0] =	vst v2;
	v2 =	vpop (erf)  }
0x23e: {  	[tilespmem:$0x1AB0] =	vst v2;
	v2 =	vpop (erf)  }
0x23f: {  	[tilespmem:$0x1AC0] =	vst v2  }
0x240: {  	[spmem:s3] =	stream.linear.scatter [tilespmem:s28], [sflag:$0x8], $0x2800, $0x38;
	[tilespmem:$0x1FD80] =	vst v63  }
0x241: {  	_ = 	snop  }
0x242: {  	[spmem:s4] =	stream.indirect.scatter.add.f32 [tilespmem:s7], [sflag:$0x8], $0x1, s26, s12, $0xb8;
	[tilespmem:$0x1FD80] =	vst v63  }
0x243: {  	_ =	swait.ge [sflag:s10], $0x2800  }
0x244: {  	[sflag:s10] =	ssyncset.done $0x0  }
0x245: {  	[sflag:s10] =	ssyncadd.s32 $0xFFFFD800  }
0x246: {  	v2 =	vld [tilespmem:$0x1500]  }
0x247: {  	v3 =	vld [tilespmem:$0x1700]  }
0x248: {  	v50 =	vld [tilespmem:$0x1510]  }
0x249: {  	v51 =	vld [tilespmem:$0x1710]  }
0x24a: {  	v52 =	vld [tilespmem:$0x1520]  }
0x24b: {  	v53 =	vld [tilespmem:$0x1720]  }
0x24c: {  	v54 =	vld [tilespmem:$0x1530]  }
0x24d: {  	v55 =	vld [tilespmem:$0x1730]  }
0x24e: {  	v56 =	vld [tilespmem:$0x1540]  }
0x24f: {  	v57 =	vld [tilespmem:$0x1740];
	_ =	sdelay $0x2  }
0x250: {  	v2 =	vadd.f32 v3, v2  }
0x251: {  	v3 =	vadd.f32 v51, v50;
	v6 =	vadd.f32 v53, v52  }
0x252: {  	v8 =	vadd.f32 v55, v54;
	v4 =	vadd.f32 v57, v56  }
0x253: {  	v58 =	vmul.f32 $2.000000030e-01, v2;
	v59 =	vmul.f32 $2.000000030e-01, v3;
	vm12 =	vgt.f32 v2, $0.0e+00  }
0x254: {  	vm1 =	vgt.f32 v3, $0.0e+00;
	v60 =	vmul.f32 $2.000000030e-01, v6;
	vm13 =	vgt.f32 v6, $0.0e+00  }
0x255: {  	v61 =	vmul.f32 $2.000000030e-01, v8;
	vm14 =	vgt.f32 v8, $0.0e+00;
	v2 =	vsel vm12, v2, v58  }
0x256: {  	v63 =	vmul.f32 $2.000000030e-01, v4;
	v3 =	vsel vm1, v3, v59;
	v2 =	vsub.f32 v2, v1  }
0x257: {  	vm15 =	vgt.f32 v4, $0.0e+00;
	v5 =	vsel vm13, v6, v60;
	v3 =	vsub.f32 v3, v1  }
0x258: {  	v62 =	vsel vm14, v8, v61;
	v5 =	vsub.f32 v5, v1;
	v2 =	vmul.f32 $1.442695020e+00, v2  }
0x259: {  	v4 =	vsel vm15, v4, v63;
	v6 =	vsub.f32 v62, v1;
	v3 =	vmul.f32 $1.442695020e+00, v3  }
0x25a: {  	v4 =	vsub.f32 v4, v1;
	(erf) = vpow2.f32 v2;
	v2 =	vmul.f32 $1.442695020e+00, v5  }
0x25b: {  	(erf) = vpow2.f32 v3;
	v3 =	vmul.f32 $1.442695020e+00, v6  }
0x25c: {  	(erf) = vpow2.f32 v2;
	v2 =	vmul.f32 $1.442695020e+00, v4  }
0x25d: {  	(erf) = vpow2.f32 v3  }
0x25e: {  	(erf) = vpow2.f32 v2;
	_ =	sdelay $0x4  }
0x25f: {  	v2 =	vpop (erf)  }
0x260: {  	v3 =	vpop (erf);
	[tilespmem:$0x1900] =	vst v2  }
0x261: {  	v2 =	vpop (erf);
	[tilespmem:$0x1910] =	vst v3  }
0x262: {  	v3 =	vpop (erf);
	[tilespmem:$0x1920] =	vst v2  }
0x263: {  	[tilespmem:$0x1930] =	vst v3;
	v2 =	vpop (erf)  }
0x264: {  	[tilespmem:$0x1940] =	vst v2  }
0x265: {  	[spmem:s3] =	stream.linear.scatter [tilespmem:s6], [sflag:$0x5], $0x2800, $0x38;
	[tilespmem:$0x1FD80] =	vst v63  }
0x266: {  	_ = 	snop  }
0x267: {  	[spmem:s4] =	stream.indirect.scatter.add.f32 [tilespmem:s16], [sflag:$0x5], $0x1, s13, s12, $0xb8;
	[tilespmem:$0x1FD80] =	vst v63  }
0x268: {  	_ =	swait.ge [sflag:s24], $0x2800  }
0x269: {  	[sflag:s24] =	ssyncset.done $0x0  }
0x26a: {  	[sflag:s24] =	ssyncadd.s32 $0xFFFFD800  }
0x26b: {  	_ =	swait.ge [sflag:s24], $0x50  }
0x26c: {  	[sflag:s24] =	ssyncset.done $0x0  }
0x26d: {  	[sflag:s24] =	ssyncadd.s32 $0xFFFFFFB0  }
0x26e: {  	_ =	swait.ge [sflag:s14], $0x2800  }
0x26f: {  	[sflag:s14] =	ssyncset.done $0x0  }
0x270: {  	[sflag:s14] =	ssyncadd.s32 $0xFFFFD800  }
0x271: {  	_ =	swait.ge [sflag:s14], $0x50  }
0x272: {  	[sflag:s14] =	ssyncset.done $0x0  }
0x273: {  	[sflag:s14] =	ssyncadd.s32 $0xFFFFFFB0  }
0x274: {  	_ =	swait.ge [sflag:s15], $0x2800  }
0x275: {  	[sflag:s15] =	ssyncset.done $0x0  }
0x276: {  	[sflag:s15] =	ssyncadd.s32 $0xFFFFD800  }
0x277: {  	_ =	swait.ge [sflag:s15], $0x50  }
0x278: {  	[sflag:s15] =	ssyncset.done $0x0  }
0x279: {  	[sflag:s15] =	ssyncadd.s32 $0xFFFFFFB0  }
0x27a: {  	_ =	swait.ge [sflag:s20], $0x2800  }
0x27b: {  	[sflag:s20] =	ssyncset.done $0x0  }
0x27c: {  	[sflag:s20] =	ssyncadd.s32 $0xFFFFD800  }
0x27d: {  	_ =	swait.ge [sflag:s20], $0x50  }
0x27e: {  	s31 =	sld [smem:$0x7FC];
	_ =	sdelay $0x2  }
0x27f: {  	s0 =	sadd.s32 $0x1, s31  }
0x280: {  	p0 =	sne.s32 s0, $0x5  }
.Ltmp2:
0x281: {  	_ = 	snop;
	(pc) =	sbr.rel @p0 .LBB2_4-.Ltmp2, $3  }
0x282: {  	_ =	sdelay $0x1  }
0x283: {  	[sflag:s20] =	ssyncset.done $0x0  }
0x284: {  	[sflag:s20] =	ssyncadd.s32 $0xFFFFFFB0  }
0x285: {  	s0 =	stileid.u32;
	[bflag:$0x0] =	sbarrier.arrive $0xFFFF  }
0x286: {  	s30 =	simm.s32 $0x9;
	s0 =	sshll.u32 s0, $0x6;
	s1 =	rddreg [dreg:$0x11]  }
0x287: {  	s5 =	rddreg [dreg:$0x5];
	s0 =	sor.u32 $0x1C09, s0;
	s1 =	sshrl.u32 s1, $0x3  }
0x288: {  	[hbm:s5], [sflag:s0] =	dma.local [spmem:s1], $0x500  }
0x289: {  	_ =	swait.ge [sflag:s30], $0x500  }
0x28a: {  	[sflag:s30] =	ssyncset.done $0x0;
	s17 =	rddreg [dreg:$0x12]  }
0x28b: {  	s31 =	rddreg [dreg:$0x6];
	[sflag:s30] =	ssyncadd.s32 $0xFFFFFB00;
	s1 =	sshrl.u32 s17, $0x3  }
0x28c: {  	[hbm:s31], [sflag:s0] =	dma.local [spmem:s1], $0x500  }
0x28d: {  	_ =	swait.ge [sflag:s30], $0x500  }
0x28e: {  	[sflag:s30] =	ssyncset.done $0x0;
	s17 =	rddreg [dreg:$0x13]  }
0x28f: {  	s31 =	rddreg [dreg:$0x7];
	[sflag:s30] =	ssyncadd.s32 $0xFFFFFB00;
	s1 =	sshrl.u32 s17, $0x3  }
0x290: {  	[hbm:s31], [sflag:s0] =	dma.local [spmem:s1], $0x500  }
0x291: {  	_ =	swait.ge [sflag:s30], $0x500  }
0x292: {  	[sflag:s30] =	ssyncset.done $0x0;
	s17 =	rddreg [dreg:$0x14]  }
0x293: {  	s31 =	rddreg [dreg:$0x8];
	[sflag:s30] =	ssyncadd.s32 $0xFFFFFB00;
	s1 =	sshrl.u32 s17, $0x3  }
0x294: {  	[hbm:s31], [sflag:s0] =	dma.local [spmem:s1], $0x500  }
0x295: {  	_ =	swait.ge [sflag:s30], $0x500  }
0x296: {  	[sflag:s30] =	ssyncset.done $0x0;
	s17 =	rddreg [dreg:$0x15]  }
0x297: {  	s31 =	rddreg [dreg:$0x9];
	[sflag:s30] =	ssyncadd.s32 $0xFFFFFB00;
	s1 =	sshrl.u32 s17, $0x3  }
0x298: {  	[hbm:s31], [sflag:s0] =	dma.local [spmem:s1], $0x500  }
0x299: {  	_ =	swait.ge [sflag:s30], $0x500  }
0x29a: {  	[sflag:s30] =	ssyncset.done $0x0;
	s17 =	rddreg [dreg:$0x16]  }
0x29b: {  	s31 =	rddreg [dreg:$0xa];
	[sflag:s30] =	ssyncadd.s32 $0xFFFFFB00;
	s1 =	sshrl.u32 s17, $0x3  }
0x29c: {  	[hbm:s31], [sflag:s0] =	dma.local [spmem:s1], $0x500  }
0x29d: {  	_ =	swait.ge [sflag:s30], $0x500  }
0x29e: {  	[sflag:s30] =	ssyncset.done $0x0;
	s17 =	rddreg [dreg:$0x17]  }
0x29f: {  	s31 =	rddreg [dreg:$0xb];
	[sflag:s30] =	ssyncadd.s32 $0xFFFFFB00;
	s5 =	sshrl.u32 s17, $0x3  }
0x2a0: {  	[hbm:s31], [sflag:s0] =	dma.local [spmem:s5], $0x500  }
0x2a1: {  	_ =	swait.ge [sflag:s30], $0x500  }
0x2a2: {  	[sflag:s30] =	ssyncset.done $0x0;
	s5 =	rddreg [dreg:$0x18]  }
0x2a3: {  	s31 =	rddreg [dreg:$0xc];
	[sflag:s30] =	ssyncadd.s32 $0xFFFFFB00;
	s1 =	sshrl.u32 s5, $0x3  }
0x2a4: {  	[hbm:s31], [sflag:s0] =	dma.local [spmem:s1], $0x500  }
0x2a5: {  	_ =	swait.ge [sflag:s30], $0x500  }
0x2a6: {  	[sflag:s30] =	ssyncset.done $0x0  }
0x2a7: {  	s31 =	simm.s32 $0x10;
	s5 =	rddreg [dreg:$0x19];
	[sflag:s30] =	ssyncadd.s32 $0xFFFFFB00  }
0x2a8: {  	s1 =	sshrl.u32 s5, $0x3;
	s5 =	rddreg [dreg:$0x1a];
	s30 =	simm.s32 $0x20  }
0x2a9: {  	[hbm:s5@s30], [sflag:s0] =	dma.strided [spmem:s1@s31], $0x50, s10, $0x10   }
0x2aa: {  	s5 =	simm.s32 $0x9  }
0x2ab: {  	_ =	swait.ge [sflag:s5], $0x50  }
0x2ac: {  	s30 =	sld [smem:$0x7FD];
	_ =	sdelay $0x2  }
0x2ad: {  	s31 =	rddreg [dreg:$0x1b];
	s1 =	sadd.s32 $0x1, s30  }
0x2ae: {  	p0 =	sne.s32 s1, s31  }
.Ltmp3:
0x2af: {  	_ = 	snop;
	(pc) =	sbr.rel @p0 .LBB2_1-.Ltmp3, $3  }
0x2b0: {  	_ =	sdelay $0x1  }
0x2b1: {  	[sflag:s5] =	ssyncset.done $0x0  }
0x2b2: {  	[sflag:s5] =	ssyncadd.s32 $0xFFFFFFB0  }
0x2b3: {  	_ =	sfence.sel $0x180000  }
0x2b4: {  	[bflag:$0x0] =	sbarrier.arrive $0xFFFF  }
0x2b5: {  	_ =	strace $0x90000047  }
0x2b6: {  	s0 =	stileid.u32;
	[bflag:$0x2] =	sbarrier.arrive $0xFFFF  }
0x2b7: {  	p0 =	sne.s32 s0, $0x0;
	s0 =	rddreg [dreg:$0x4]  }
0x2b8: {  	s0 =	sadd.s32 @!p0 $0x100000, s0  }
0x2b9: {  	[sflag:s0] =	ssyncadd.tile.s32 @!p0 $0x1;
	_ =	shalt  }
.Lfunc_end2:
_tile_overlayer_lowered:
.L_overlay_start_2:
0x2ba: {  	(tag) =	ssettag $0x2  }
0x2bb: {  	s0 =	rddreg [dreg:$0x0];
	s2 =	stileid.u32  }
0x2bc: {  	s1 =	rddreg [dreg:$0x1];
	p0 =	sne.s32 s2, $0x0  }
0x2bd: {  	s3 =	rddreg [dreg:$0x2];
	[bflag:$0x3] =	sbarrier.arrive $0xFFFF;
	s2 =	simm.s32 @!p0 $0x1C09  }
0x2be: {  	[timem:s3], [sflag:s2] =	dma.local @!p0 [hbm:s0], s1  }
0x2bf: {  	s0 =	simm.s32 @!p0 $0x9  }
0x2c0: {  	_ =	swait.ge @!p0 [sflag:s0], s1  }
0x2c1: {  	s1 =	ssub.s32 @!p0 $0x0, s1;
	[sflag:s0] =	ssyncset.done @!p0 $0x0  }
0x2c2: {  	[sflag:s0] =	ssyncadd.s32 @!p0 s1  }
0x2c3: {  	[bflag:$0x3] =	sbarrier.arrive $0xFFFF  }
0x2c4: {  	_ =	shalt  }

</sc_bundles>
